<compile_context>
chip_gen: v7x
topology: tpu7x:2x2x1
jax: 0.10.2.dev20260603
libtpu: 0.0.44.dev20260713+nightly
codegen_flags: <defaults>
</compile_context>

<pallas_src>
import functools

import jax
import jax.numpy as jnp
from jax import lax
from jax.experimental import pallas as pl
from jax.experimental.pallas import tpu as pltpu
from jax.experimental.pallas import tpu_sc as plsc

N = 100000
E = 3200000
C = 16
H = 8

NC, NS = 2, 16
NW = NC * NS
CH = 2
EPC = CH * 128
TOTC = E // EPC
GMAX = 396
ACC_ROWS = N
RPT = ACC_ROWS // NS
NR = N // 8
ACC_NR = ACC_ROWS * C // 128


def _stage_a(x128, bsrc, bdst, pdup):
    BLK = 1024

    def body(x_ref, bs_ref, bd_ref, pd_ref, ts_ref, td_ref, sh_ref):
        xb = x_ref[...]
        ts = jnp.dot(xb, bs_ref[...], preferred_element_type=jnp.float32)
        td = jnp.dot(xb, bd_ref[...], preferred_element_type=jnp.float32)
        u = ts + td
        lr = jnp.where(u >= 0.0, u, 0.2 * u)
        e2 = jnp.exp(jnp.dot(lr, pd_ref[...],
                             preferred_element_type=jnp.float32))
        hi = jax.lax.broadcasted_iota(jnp.int32, (BLK, 128), 1) % 16 >= 8
        sel = jnp.where(hi, u, 1.0)
        ts_ref[...] = ts
        td_ref[...] = td
        sh_ref[...] = 0.5 * e2 * sel

    grid = ((NR + BLK - 1) // BLK,)
    mm = pl.BlockSpec((128, 128), lambda i: (0, 0))
    blk = pl.BlockSpec((BLK, 128), lambda i: (i, 0))
    return pl.pallas_call(
        body,
        grid=grid,
        in_specs=[blk, mm, mm, mm],
        out_specs=[blk, blk, blk],
        out_shape=[jax.ShapeDtypeStruct((NR, 128), jnp.float32)] * 3,
    )(x128, bsrc, bdst, pdup)


def _lane_gather(v, idx):
    dn = lax.GatherDimensionNumbers(
        offset_dims=(), collapsed_slice_dims=(0,), start_index_map=(0,))
    return lax.gather(v, idx[:, None], dn, (1,),
                      mode=lax.GatherScatterMode.PROMISE_IN_BOUNDS)


def _edge_phase(tsrc, tdst, selfh, edge3):
    mesh = plsc.VectorSubcoreMesh(
        core_axis_name="c", subcore_axis_name="s",
        num_cores=NC, num_subcores=NS)

    @functools.partial(
        pl.kernel,
        out_type=jax.ShapeDtypeStruct((NC, ACC_ROWS, C), jnp.float32),
        mesh=mesh,
        scratch_types=[
            pltpu.VMEM_SHARED((ACC_ROWS, C), jnp.float32),
            pltpu.VMEM((4, 2, EPC), jnp.int32),
            pltpu.VMEM((3, EPC, C), jnp.float32),
            pltpu.VMEM((4, EPC, C), jnp.float32),
            pltpu.SemaphoreType.DMA,
            pltpu.SemaphoreType.DMA,
            pltpu.SemaphoreType.DMA,
            pltpu.SemaphoreType.DMA,
            pltpu.SemaphoreType.DMA,
        ],
        compiler_params=pltpu.CompilerParams(use_tc_tiling_on_sc=False),
    )
    def k(tsrc_hbm, tdst_hbm, selfh_hbm, edge_hbm, out_hbm,
          acc, cidx, sbuf, dbuf, isem, gsem0, gsem1, gsem2, ssem):
        cid = lax.axis_index("c")
        sid = lax.axis_index("s")
        wid = cid * NS + sid
        gsems = (gsem0, gsem1, gsem2)

        pltpu.sync_copy(selfh_hbm.at[pl.ds(sid * RPT, RPT)],
                        acc.at[pl.ds(sid * RPT, RPT)])
        plsc.subcore_barrier()

        perm = lax.iota(jnp.int32, 16) & 7
        half = lax.iota(jnp.int32, 16) < 8

        def active(g):
            return wid + NW * g < TOTC

        def sync_idx(g, s4):
            pltpu.sync_copy(edge_hbm.at[:, pl.ds((wid + NW * g) * EPC, EPC)],
                            cidx.at[s4])

        def fire_idx(g, s4):
            pltpu.async_copy(edge_hbm.at[:, pl.ds((wid + NW * g) * EPC, EPC)],
                             cidx.at[s4], isem)

        def drain_idx(s4):
            pltpu.make_async_copy(edge_hbm.at[:, pl.ds(0, EPC)],
                                  cidx.at[s4], isem).wait()

        def fire_gathers(s4, s3, gsem):
            pltpu.async_copy(tsrc_hbm.at[cidx.at[s4, 0]], sbuf.at[s3], gsem)
            pltpu.async_copy(tdst_hbm.at[cidx.at[s4, 1]], dbuf.at[s4], gsem)

        def drain_gathers(s4, s3, gsem):
            pltpu.make_async_copy(tsrc_hbm.at[cidx.at[s4, 0]],
                                  sbuf.at[s3], gsem).wait()
            pltpu.make_async_copy(tdst_hbm.at[cidx.at[s4, 1]],
                                  dbuf.at[s4], gsem).wait()

        def fire_scatter(s4):
            pltpu.async_copy(dbuf.at[s4], acc.at[cidx.at[s4, 1]], ssem,
                             add=True)

        def drain_scatter(s4):
            pltpu.make_async_copy(dbuf.at[s4], acc.at[cidx.at[s4, 1]],
                                  ssem).wait()

        def compute(s4, s3):
            @plsc.parallel_loop(0, EPC, unroll=8)
            def _(e):
                s = sbuf[s3, e, :]
                dd = dbuf[s4, e, :]
                u = s + dd
                lr = jnp.where(u >= 0.0, u, 0.2 * u)
                zz = _lane_gather(lr, perm)
                ex2 = jnp.exp(zz)
                dbuf[s4, e, :] = ex2 * jnp.where(half, 1.0, s)

        sync_idx(0, 0)
        sync_idx(1, 1)
        fire_gathers(0, 0, gsems[0])
        fire_gathers(1, 1, gsems[1])
        fire_idx(2, 2)

        def twelve(p, _):
            for b in range(12):
                g = 12 * p + b
                s4, s3 = b % 4, b % 3
                p4, p3 = (b + 2) % 4, (b + 2) % 3

                @pl.when(active(g + 2))
                def _():
                    drain_idx(p4)
                    fire_gathers(p4, p3, gsems[p3])

                @pl.when(active(g))
                def _():
                    drain_gathers(s4, s3, gsems[s3])
                    compute(s4, s3)

                @pl.when((g > 0) & active(g - 1))
                def _():
                    drain_scatter((b + 3) % 4)

                @pl.when(active(g))
                def _():
                    fire_scatter(s4)

                @pl.when(active(g + 3))
                def _():
                    fire_idx(g + 3, (b + 3) % 4)
            return 0

        lax.fori_loop(0, GMAX // 12, twelve, 0)
        plsc.subcore_barrier()

        pltpu.sync_copy(acc.at[pl.ds(sid * RPT, RPT)],
                        out_hbm.at[cid].at[pl.ds(sid * RPT, RPT)])

    return k(tsrc, tdst, selfh, edge3)


def _stage_c(acc128, x128, pdup, pwm, gb128, bl128, tb128):
    BLK = 1024

    def body(a_ref, x_ref, pd_ref, pw_ref, gb, bl, tb, o_ref):
        a = a_ref[0] + a_ref[1]
        dd = jnp.dot(a, pd_ref[...],
                     preferred_element_type=jnp.float32)
        hh = a / (dd + 1e-16) + gb[...]
        ts2 = jnp.dot(hh, pw_ref[...],
                      preferred_element_type=jnp.float32)
        t = jnp.maximum(ts2 + bl[...], 0.0) + tb[...]
        o_ref[...] = x_ref[...] / t

    grid = ((NR + BLK - 1) // BLK,)
    mm = pl.BlockSpec((128, 128), lambda i: (0, 0))
    row = pl.BlockSpec((1, 128), lambda i: (0, 0))
    blk = pl.BlockSpec((BLK, 128), lambda i: (i, 0))
    return pl.pallas_call(
        body,
        grid=grid,
        in_specs=[pl.BlockSpec((NC, BLK, 128), lambda i: (0, i, 0)),
                  blk, mm, mm, row, row, row],
        out_specs=blk,
        out_shape=jax.ShapeDtypeStruct((NR, 128), jnp.float32),
    )(acc128, x128, pdup, pwm, gb128, bl128, tb128)


def kernel(x, edge_index, W_gat, att_src, att_dst, gat_bias, W_lin, b_lin,
           temp_bias):
    f32 = jnp.float32
    x128 = x.reshape(NR, 128)

    eye8 = jnp.eye(8, dtype=f32)
    z88 = jnp.zeros((8, 8), dtype=f32)
    z816 = jnp.zeros((8, 16), dtype=f32)
    bsrc = jnp.kron(eye8, jnp.concatenate([W_gat * att_src[None, :], W_gat],
                                          axis=1))
    bdst = jnp.kron(eye8, jnp.concatenate(
        [W_gat * att_dst[None, :], jnp.zeros((C, H), f32)], axis=1))
    pdup = jnp.kron(eye8, jnp.concatenate(
        [jnp.concatenate([eye8, eye8], axis=1), z816], axis=0))
    pwm = jnp.kron(eye8, jnp.concatenate(
        [z816, jnp.tile(W_lin, (1, 16))], axis=0))
    gb128 = jnp.tile(jnp.concatenate([jnp.zeros((H,), f32), gat_bias]),
                     8).reshape(1, 128)
    bl128 = jnp.broadcast_to(b_lin.reshape(1, 1), (1, 128))
    tb128 = jnp.broadcast_to(temp_bias.reshape(1, 1), (1, 128))

    ts, td, sh = _stage_a(x128, bsrc, bdst, pdup)
    acc2 = _edge_phase(ts.reshape(N, C), td.reshape(N, C), sh.reshape(N, C),
                       edge_index.astype(jnp.int32))
    out128 = _stage_c(acc2.reshape(NC, ACC_NR, 128), x128, pdup, pwm,
                      gb128, bl128, tb128)
    return out128.reshape(N, C)

# --- scband reference (transcript-rebuilt; emitter-appended) ---
"""Pipeline reference for scband-gats-42296837931448 (READ-ONLY COPY).

The authoritative reference and input builder live on the scoring server;
editing this copy changes nothing except your own understanding.
"""

import jax, jax.numpy as jnp
import numpy as np

N = 100000   # num_nodes
E = 3200000  # num_edges
C = 16       # num_classes (in_channels of CalibAttentionLayer)
H = 8        # heads (out_channels=1 per head -> collapsed)


def setup_inputs(seed: int = 0) -> dict:
    key = jax.random.key(seed)
    ks = jax.random.split(key, 10)
    x = jax.random.normal(ks[0], (N, C), dtype=jnp.float32)
    edge_index = jax.random.randint(ks[1], (2, E), 0, N, dtype=jnp.int32)
    # GATConv params: lin weight maps C -> H*1
    W_gat = jax.random.normal(ks[2], (C, H), dtype=jnp.float32) * (1.0 / np.sqrt(C))
    att_src = jax.random.normal(ks[3], (H,), dtype=jnp.float32) * 0.1
    att_dst = jax.random.normal(ks[4], (H,), dtype=jnp.float32) * 0.1
    gat_bias = jnp.zeros((H,), dtype=jnp.float32)
    # Linear(heads -> 1)
    W_lin = jax.random.normal(ks[5], (H, 1), dtype=jnp.float32) * (1.0 / np.sqrt(H))
    b_lin = jnp.zeros((1,), dtype=jnp.float32)
    # learnable temperature bias (init 1.0)
    temp_bias = jnp.ones((1,), dtype=jnp.float32)
    return {
        "x": x, "edge_index": edge_index,
        "W_gat": W_gat, "att_src": att_src, "att_dst": att_dst,
        "gat_bias": gat_bias, "W_lin": W_lin, "b_lin": b_lin,
        "temp_bias": temp_bias,
    }


def reference(x, edge_index, W_gat, att_src, att_dst, gat_bias, W_lin, b_lin, temp_bias):
    # underlying calibrated model: identity on logits (self.model(x, edge_index) = x)
    logits = x  # [N, C]
    # --- CalibAttentionLayer: GATConv(C -> 1, heads=H, concat=True) ---
    xp = logits @ W_gat  # [N, H] (out_channels=1 per head, collapsed)
    src = edge_index[0]
    dst = edge_index[1]
    # PyG GATConv default add_self_loops=True
    loop = jnp.arange(N, dtype=edge_index.dtype)
    src = jnp.concatenate([src, loop])
    dst = jnp.concatenate([dst, loop])
    a_src = xp * att_src  # [N, H]
    a_dst = xp * att_dst  # [N, H]
    alpha = a_src[src] + a_dst[dst]          # [Etot, H] gather
    alpha = jax.nn.leaky_relu(alpha, 0.2)
    # segment softmax over edges grouped by dst
    amax = jax.lax.stop_gradient(jax.ops.segment_max(alpha, dst, num_segments=N))
    amax = jnp.where(jnp.isfinite(amax), amax, 0.0)
    ex = jnp.exp(alpha - amax[dst])
    denom = jax.ops.segment_sum(ex, dst, num_segments=N)
    attn = ex / (denom[dst] + 1e-16)
    msg = attn * xp[src]                     # [Etot, H] gather + multiply
    h = jax.ops.segment_sum(msg, dst, num_segments=N) + gat_bias  # [N, H] scatter-add
    # temperature = relu(Linear(h)) + bias; dist_to_train is None
    temperature = jax.nn.relu(h @ W_lin + b_lin) + temp_bias  # [N, 1]
    return logits / temperature  # broadcast over C

if __name__ == "__main__":
    import jax
    _d = setup_inputs()
    print(jax.jit(kernel)(*tuple(_d.values())))

</pallas_src>

<mosaic_0001>
#map = affine_map<(d0, d1) -> (0, 0)>
#map1 = affine_map<(d0, d1) -> (0, 0, 0)>
module attributes {stable_mosaic.version = 14 : i64} {
  func.func @k(%arg0: i32, %arg1: i32, %arg2: memref<100000x16xf32, #tpu.memory_space<hbm>>, %arg3: memref<100000x16xf32, #tpu.memory_space<hbm>>, %arg4: memref<100000x16xf32, #tpu.memory_space<hbm>>, %arg5: memref<2x3200000xi32, #tpu.memory_space<hbm>>, %arg6: memref<2x100000x16xf32, #tpu.memory_space<hbm>>, %arg7: memref<100000x16xf32, #tpu.memory_space<vmem_shared>>, %arg8: memref<4x2x256xi32, #tpu.memory_space<vmem>>, %arg9: memref<3x256x16xf32, #tpu.memory_space<vmem>>, %arg10: memref<4x256x16xf32, #tpu.memory_space<vmem>>, %arg11: memref<!tpu.dma_semaphore, #tpu.memory_space<semaphore_mem>>, %arg12: memref<!tpu.dma_semaphore, #tpu.memory_space<semaphore_mem>>, %arg13: memref<!tpu.dma_semaphore, #tpu.memory_space<semaphore_mem>>, %arg14: memref<!tpu.dma_semaphore, #tpu.memory_space<semaphore_mem>>, %arg15: memref<!tpu.dma_semaphore, #tpu.memory_space<semaphore_mem>>) attributes {dimension_semantics = [#tpu.dimension_semantics<core_parallel>, #tpu.dimension_semantics<subcore_parallel>], iteration_bounds = array<i64: 2, 16>, scalar_prefetch = 0 : i64, scratch_operands = 9 : i64, tpu.core_type = #tpu.core_type<sc_vector_subcore>, window_params = [{transform_indices = #map}, {transform_indices = #map}, {transform_indices = #map}, {transform_indices = #map}, {transform_indices = #map1}]} {
    %mul3A = arith.constant 16 : i32
    %mul3A_0 = arith.muli %arg0, %mul3A : i32
    %add3A = arith.addi %mul3A_0, %arg1 : i32
    %mul3A_1 = arith.constant 6250 : i32
    %mul3A_2 = arith.muli %arg1, %mul3A_1 : i32
    %mul3A_3 = arith.constant 6250 : i32
    %mul3A_4 = arith.muli %arg1, %mul3A_3 : i32
    "tpu.region"() ({
      %run_scoped3A_98 = tpu.sem_alloc : memref<!tpu.dma_semaphore, #tpu.memory_space<semaphore_mem>>
      %dma_start3A_99 = arith.constant 0 : i32
      %dma_start3A_100 = tpu.memref_slice %arg7[%mul3A_4, %dma_start3A_99] : memref<100000x16xf32, #tpu.memory_space<vmem_shared>> -> memref<6250x16xf32, #tpu.memory_space<vmem_shared>>
      %dma_start3A_101 = arith.constant 0 : i32
      %dma_start3A_102 = tpu.memref_slice %arg4[%mul3A_2, %dma_start3A_101] : memref<100000x16xf32, #tpu.memory_space<hbm>> -> memref<6250x16xf32, #tpu.memory_space<hbm>>
      tpu.enqueue_dma source(%dma_start3A_102 : memref<6250x16xf32, #tpu.memory_space<hbm>>) target(%dma_start3A_100 : memref<6250x16xf32, #tpu.memory_space<vmem_shared>>) target_semaphore(%run_scoped3A_98 : memref<!tpu.dma_semaphore, #tpu.memory_space<semaphore_mem>>)
      %dma_wait3A = arith.constant 0 : i32
      %dma_wait3A_103 = tpu.memref_slice %arg7[%mul3A_4, %dma_wait3A] : memref<100000x16xf32, #tpu.memory_space<vmem_shared>> -> memref<6250x16xf32, #tpu.memory_space<vmem_shared>>
      %dma_wait3A_104 = arith.constant 0 : i32
      %dma_wait3A_105 = tpu.memref_slice %arg4[%mul3A_2, %dma_wait3A_104] : memref<100000x16xf32, #tpu.memory_space<hbm>> -> memref<6250x16xf32, #tpu.memory_space<hbm>>
      tpu.wait_dma2 semaphore(%run_scoped3A_98 : memref<!tpu.dma_semaphore, #tpu.memory_space<semaphore_mem>>) src(%dma_wait3A_105 : memref<6250x16xf32, #tpu.memory_space<hbm>>) dst(%dma_wait3A_103 : memref<6250x16xf32, #tpu.memory_space<vmem_shared>>)
      tpu.yield
    }) : () -> ()
    %barrier3A = arith.constant 0 : index
    tpu.barrier barrier_id(%barrier3A)
    %iota3A = tpu.iota {dimensions = array<i32: 0>} : vector<16xi32>
    %and3A = arith.constant 7 : i32
    %and3A_5 = vector.broadcast %and3A : i32 to vector<16xi32>
    %and3A_6 = arith.andi %iota3A, %and3A_5 : vector<16xi32>
    %iota3A_7 = tpu.iota {dimensions = array<i32: 0>} : vector<16xi32>
    %lt3A = arith.constant 8 : i32
    %lt3A_8 = vector.broadcast %lt3A : i32 to vector<16xi32>
    %lt3A_9 = arith.cmpi slt, %iota3A_7, %lt3A_8 : vector<16xi32>
    %add3A_10 = arith.constant 0 : i32
    %add3A_11 = arith.addi %add3A, %add3A_10 : i32
    %mul3A_12 = arith.constant 256 : i32
    %mul3A_13 = arith.muli %add3A_11, %mul3A_12 : i32
    %run_scoped3A = arith.constant 0 : i32
    "tpu.region"() ({
      %run_scoped3A_98 = tpu.sem_alloc : memref<!tpu.dma_semaphore, #tpu.memory_space<semaphore_mem>>
      %dma_start3A_99 = arith.constant 0 : i32
      %dma_start3A_100 = arith.constant 0 : i32
      %dma_start3A_101 = tpu.memref_slice %arg8[%run_scoped3A, %dma_start3A_99, %dma_start3A_100] : memref<4x2x256xi32, #tpu.memory_space<vmem>> -> memref<1x2x256xi32, #tpu.memory_space<vmem>>
      %dma_start3A_102 = tpu.memref_squeeze %dma_start3A_101 : memref<1x2x256xi32, #tpu.memory_space<vmem>> -> memref<2x256xi32, #tpu.memory_space<vmem>>
      %dma_start3A_103 = arith.constant 0 : i32
      %dma_start3A_104 = tpu.memref_slice %arg5[%dma_start3A_103, %mul3A_13] : memref<2x3200000xi32, #tpu.memory_space<hbm>> -> memref<2x256xi32, #tpu.memory_space<hbm>>
      %dma_start3A_105 = arith.constant 0 : i32
      %dma_start3A_106 = arith.constant 0 : i32
      %dma_start3A_107 = tpu.memref_slice %arg8[%run_scoped3A, %dma_start3A_105, %dma_start3A_106] : memref<4x2x256xi32, #tpu.memory_space<vmem>> -> memref<1x2x256xi32, #tpu.memory_space<vmem>>
      %dma_start3A_108 = tpu.memref_squeeze %dma_start3A_107 : memref<1x2x256xi32, #tpu.memory_space<vmem>> -> memref<2x256xi32, #tpu.memory_space<vmem>>
      %dma_start3A_109 = arith.constant 0 : i32
      %dma_start3A_110 = tpu.memref_slice %arg5[%dma_start3A_109, %mul3A_13] : memref<2x3200000xi32, #tpu.memory_space<hbm>> -> memref<2x256xi32, #tpu.memory_space<hbm>>
      tpu.enqueue_dma source(%dma_start3A_110 : memref<2x256xi32, #tpu.memory_space<hbm>>) target(%dma_start3A_108 : memref<2x256xi32, #tpu.memory_space<vmem>>) target_semaphore(%run_scoped3A_98 : memref<!tpu.dma_semaphore, #tpu.memory_space<semaphore_mem>>)
      %dma_wait3A = arith.constant 0 : i32
      %dma_wait3A_111 = arith.constant 0 : i32
      %dma_wait3A_112 = tpu.memref_slice %arg8[%run_scoped3A, %dma_wait3A, %dma_wait3A_111] : memref<4x2x256xi32, #tpu.memory_space<vmem>> -> memref<1x2x256xi32, #tpu.memory_space<vmem>>
      %dma_wait3A_113 = tpu.memref_squeeze %dma_wait3A_112 : memref<1x2x256xi32, #tpu.memory_space<vmem>> -> memref<2x256xi32, #tpu.memory_space<vmem>>
      %dma_wait3A_114 = arith.constant 0 : i32
      %dma_wait3A_115 = tpu.memref_slice %arg5[%dma_wait3A_114, %mul3A_13] : memref<2x3200000xi32, #tpu.memory_space<hbm>> -> memref<2x256xi32, #tpu.memory_space<hbm>>
      %dma_wait3A_116 = arith.constant 0 : i32
      %dma_wait3A_117 = arith.constant 0 : i32
      %dma_wait3A_118 = tpu.memref_slice %arg8[%run_scoped3A, %dma_wait3A_116, %dma_wait3A_117] : memref<4x2x256xi32, #tpu.memory_space<vmem>> -> memref<1x2x256xi32, #tpu.memory_space<vmem>>
      %dma_wait3A_119 = tpu.memref_squeeze %dma_wait3A_118 : memref<1x2x256xi32, #tpu.memory_space<vmem>> -> memref<2x256xi32, #tpu.memory_space<vmem>>
      %dma_wait3A_120 = arith.constant 0 : i32
      %dma_wait3A_121 = tpu.memref_slice %arg5[%dma_wait3A_120, %mul3A_13] : memref<2x3200000xi32, #tpu.memory_space<hbm>> -> memref<2x256xi32, #tpu.memory_space<hbm>>
      tpu.wait_dma2 semaphore(%run_scoped3A_98 : memref<!tpu.dma_semaphore, #tpu.memory_space<semaphore_mem>>) src(%dma_wait3A_121 : memref<2x256xi32, #tpu.memory_space<hbm>>) dst(%dma_wait3A_119 : memref<2x256xi32, #tpu.memory_space<vmem>>)
      tpu.yield
    }) : () -> ()
    %add3A_14 = arith.constant 32 : i32
    %add3A_15 = arith.addi %add3A, %add3A_14 : i32
    %mul3A_16 = arith.constant 256 : i32
    %mul3A_17 = arith.muli %add3A_15, %mul3A_16 : i32
    %run_scoped3A_18 = arith.constant 1 : i32
    "tpu.region"() ({
      %run_scoped3A_98 = tpu.sem_alloc : memref<!tpu.dma_semaphore, #tpu.memory_space<semaphore_mem>>
      %dma_start3A_99 = arith.constant 0 : i32
      %dma_start3A_100 = arith.constant 0 : i32
      %dma_start3A_101 = tpu.memref_slice %arg8[%run_scoped3A_18, %dma_start3A_99, %dma_start3A_100] : memref<4x2x256xi32, #tpu.memory_space<vmem>> -> memref<1x2x256xi32, #tpu.memory_space<vmem>>
      %dma_start3A_102 = tpu.memref_squeeze %dma_start3A_101 : memref<1x2x256xi32, #tpu.memory_space<vmem>> -> memref<2x256xi32, #tpu.memory_space<vmem>>
      %dma_start3A_103 = arith.constant 0 : i32
      %dma_start3A_104 = tpu.memref_slice %arg5[%dma_start3A_103, %mul3A_17] : memref<2x3200000xi32, #tpu.memory_space<hbm>> -> memref<2x256xi32, #tpu.memory_space<hbm>>
      %dma_start3A_105 = arith.constant 0 : i32
      %dma_start3A_106 = arith.constant 0 : i32
      %dma_start3A_107 = tpu.memref_slice %arg8[%run_scoped3A_18, %dma_start3A_105, %dma_start3A_106] : memref<4x2x256xi32, #tpu.memory_space<vmem>> -> memref<1x2x256xi32, #tpu.memory_space<vmem>>
      %dma_start3A_108 = tpu.memref_squeeze %dma_start3A_107 : memref<1x2x256xi32, #tpu.memory_space<vmem>> -> memref<2x256xi32, #tpu.memory_space<vmem>>
      %dma_start3A_109 = arith.constant 0 : i32
      %dma_start3A_110 = tpu.memref_slice %arg5[%dma_start3A_109, %mul3A_17] : memref<2x3200000xi32, #tpu.memory_space<hbm>> -> memref<2x256xi32, #tpu.memory_space<hbm>>
      tpu.enqueue_dma source(%dma_start3A_110 : memref<2x256xi32, #tpu.memory_space<hbm>>) target(%dma_start3A_108 : memref<2x256xi32, #tpu.memory_space<vmem>>) target_semaphore(%run_scoped3A_98 : memref<!tpu.dma_semaphore, #tpu.memory_space<semaphore_mem>>)
      %dma_wait3A = arith.constant 0 : i32
      %dma_wait3A_111 = arith.constant 0 : i32
      %dma_wait3A_112 = tpu.memref_slice %arg8[%run_scoped3A_18, %dma_wait3A, %dma_wait3A_111] : memref<4x2x256xi32, #tpu.memory_space<vmem>> -> memref<1x2x256xi32, #tpu.memory_space<vmem>>
      %dma_wait3A_113 = tpu.memref_squeeze %dma_wait3A_112 : memref<1x2x256xi32, #tpu.memory_space<vmem>> -> memref<2x256xi32, #tpu.memory_space<vmem>>
      %dma_wait3A_114 = arith.constant 0 : i32
      %dma_wait3A_115 = tpu.memref_slice %arg5[%dma_wait3A_114, %mul3A_17] : memref<2x3200000xi32, #tpu.memory_space<hbm>> -> memref<2x256xi32, #tpu.memory_space<hbm>>
      %dma_wait3A_116 = arith.constant 0 : i32
      %dma_wait3A_117 = arith.constant 0 : i32
      %dma_wait3A_118 = tpu.memref_slice %arg8[%run_scoped3A_18, %dma_wait3A_116, %dma_wait3A_117] : memref<4x2x256xi32, #tpu.memory_space<vmem>> -> memref<1x2x256xi32, #tpu.memory_space<vmem>>
      %dma_wait3A_119 = tpu.memref_squeeze %dma_wait3A_118 : memref<1x2x256xi32, #tpu.memory_space<vmem>> -> memref<2x256xi32, #tpu.memory_space<vmem>>
      %dma_wait3A_120 = arith.constant 0 : i32
      %dma_wait3A_121 = tpu.memref_slice %arg5[%dma_wait3A_120, %mul3A_17] : memref<2x3200000xi32, #tpu.memory_space<hbm>> -> memref<2x256xi32, #tpu.memory_space<hbm>>
      tpu.wait_dma2 semaphore(%run_scoped3A_98 : memref<!tpu.dma_semaphore, #tpu.memory_space<semaphore_mem>>) src(%dma_wait3A_121 : memref<2x256xi32, #tpu.memory_space<hbm>>) dst(%dma_wait3A_119 : memref<2x256xi32, #tpu.memory_space<vmem>>)
      tpu.yield
    }) : () -> ()
    %dma_start3A = arith.constant 0 : i32
    %dma_start3A_19 = arith.constant 0 : i32
    %dma_start3A_20 = arith.constant 0 : i32
    %dma_start3A_21 = arith.constant 0 : i32
    %dma_start3A_22 = arith.constant 0 : i32
    %dma_start3A_23 = tpu.memref_slice %arg9[%dma_start3A_20, %dma_start3A_21, %dma_start3A_22] : memref<3x256x16xf32, #tpu.memory_space<vmem>> -> memref<1x256x16xf32, #tpu.memory_space<vmem>>
    %dma_start3A_24 = tpu.memref_squeeze %dma_start3A_23 : memref<1x256x16xf32, #tpu.memory_space<vmem>> -> memref<256x16xf32, #tpu.memory_space<vmem>>
    %dma_start3A_25 = arith.constant 0 : i32
    %dma_start3A_26 = tpu.memref_slice %arg8[%dma_start3A, %dma_start3A_19, %dma_start3A_25] : memref<4x2x256xi32, #tpu.memory_space<vmem>> -> memref<1x1x256xi32, #tpu.memory_space<vmem>>
    %dma_start3A_27 = tpu.memref_squeeze %dma_start3A_26 : memref<1x1x256xi32, #tpu.memory_space<vmem>> -> memref<256xi32, #tpu.memory_space<vmem>>
    %dma_start3A_28 = arith.constant 0 : i32
    %dma_start3A_29 = arith.constant 0 : i32
    %dma_start3A_30 = tpu.memref_slice %arg2[%dma_start3A_28, %dma_start3A_29] : memref<100000x16xf32, #tpu.memory_space<hbm>> -> memref<100000x16xf32, #tpu.memory_space<hbm>>
    tpu.enqueue_indirect_dma source(%dma_start3A_30 : memref<100000x16xf32, #tpu.memory_space<hbm>>) target(%dma_start3A_24 : memref<256x16xf32, #tpu.memory_space<vmem>>) offsets(%dma_start3A_27 : memref<256xi32, #tpu.memory_space<vmem>>) semaphore(%arg12 : memref<!tpu.dma_semaphore, #tpu.memory_space<semaphore_mem>>)
    %dma_start3A_31 = arith.constant 0 : i32
    %dma_start3A_32 = arith.constant 1 : i32
    %dma_start3A_33 = arith.constant 0 : i32
    %dma_start3A_34 = arith.constant 0 : i32
    %dma_start3A_35 = arith.constant 0 : i32
    %dma_start3A_36 = tpu.memref_slice %arg10[%dma_start3A_33, %dma_start3A_34, %dma_start3A_35] : memref<4x256x16xf32, #tpu.memory_space<vmem>> -> memref<1x256x16xf32, #tpu.memory_space<vmem>>
    %dma_start3A_37 = tpu.memref_squeeze %dma_start3A_36 : memref<1x256x16xf32, #tpu.memory_space<vmem>> -> memref<256x16xf32, #tpu.memory_space<vmem>>
    %dma_start3A_38 = arith.constant 0 : i32
    %dma_start3A_39 = tpu.memref_slice %arg8[%dma_start3A_31, %dma_start3A_32, %dma_start3A_38] : memref<4x2x256xi32, #tpu.memory_space<vmem>> -> memref<1x1x256xi32, #tpu.memory_space<vmem>>
    %dma_start3A_40 = tpu.memref_squeeze %dma_start3A_39 : memref<1x1x256xi32, #tpu.memory_space<vmem>> -> memref<256xi32, #tpu.memory_space<vmem>>
    %dma_start3A_41 = arith.constant 0 : i32
    %dma_start3A_42 = arith.constant 0 : i32
    %dma_start3A_43 = tpu.memref_slice %arg3[%dma_start3A_41, %dma_start3A_42] : memref<100000x16xf32, #tpu.memory_space<hbm>> -> memref<100000x16xf32, #tpu.memory_space<hbm>>
    tpu.enqueue_indirect_dma source(%dma_start3A_43 : memref<100000x16xf32, #tpu.memory_space<hbm>>) target(%dma_start3A_37 : memref<256x16xf32, #tpu.memory_space<vmem>>) offsets(%dma_start3A_40 : memref<256xi32, #tpu.memory_space<vmem>>) semaphore(%arg12 : memref<!tpu.dma_semaphore, #tpu.memory_space<semaphore_mem>>)
    %dma_start3A_44 = arith.constant 1 : i32
    %dma_start3A_45 = arith.constant 0 : i32
    %dma_start3A_46 = arith.constant 1 : i32
    %dma_start3A_47 = arith.constant 0 : i32
    %dma_start3A_48 = arith.constant 0 : i32
    %dma_start3A_49 = tpu.memref_slice %arg9[%dma_start3A_46, %dma_start3A_47, %dma_start3A_48] : memref<3x256x16xf32, #tpu.memory_space<vmem>> -> memref<1x256x16xf32, #tpu.memory_space<vmem>>
    %dma_start3A_50 = tpu.memref_squeeze %dma_start3A_49 : memref<1x256x16xf32, #tpu.memory_space<vmem>> -> memref<256x16xf32, #tpu.memory_space<vmem>>
    %dma_start3A_51 = arith.constant 0 : i32
    %dma_start3A_52 = tpu.memref_slice %arg8[%dma_start3A_44, %dma_start3A_45, %dma_start3A_51] : memref<4x2x256xi32, #tpu.memory_space<vmem>> -> memref<1x1x256xi32, #tpu.memory_space<vmem>>
    %dma_start3A_53 = tpu.memref_squeeze %dma_start3A_52 : memref<1x1x256xi32, #tpu.memory_space<vmem>> -> memref<256xi32, #tpu.memory_space<vmem>>
    %dma_start3A_54 = arith.constant 0 : i32
    %dma_start3A_55 = arith.constant 0 : i32
    %dma_start3A_56 = tpu.memref_slice %arg2[%dma_start3A_54, %dma_start3A_55] : memref<100000x16xf32, #tpu.memory_space<hbm>> -> memref<100000x16xf32, #tpu.memory_space<hbm>>
    tpu.enqueue_indirect_dma source(%dma_start3A_56 : memref<100000x16xf32, #tpu.memory_space<hbm>>) target(%dma_start3A_50 : memref<256x16xf32, #tpu.memory_space<vmem>>) offsets(%dma_start3A_53 : memref<256xi32, #tpu.memory_space<vmem>>) semaphore(%arg13 : memref<!tpu.dma_semaphore, #tpu.memory_space<semaphore_mem>>)
    %dma_start3A_57 = arith.constant 1 : i32
    %dma_start3A_58 = arith.constant 1 : i32
    %dma_start3A_59 = arith.constant 1 : i32
    %dma_start3A_60 = arith.constant 0 : i32
    %dma_start3A_61 = arith.constant 0 : i32
    %dma_start3A_62 = tpu.memref_slice %arg10[%dma_start3A_59, %dma_start3A_60, %dma_start3A_61] : memref<4x256x16xf32, #tpu.memory_space<vmem>> -> memref<1x256x16xf32, #tpu.memory_space<vmem>>
    %dma_start3A_63 = tpu.memref_squeeze %dma_start3A_62 : memref<1x256x16xf32, #tpu.memory_space<vmem>> -> memref<256x16xf32, #tpu.memory_space<vmem>>
    %dma_start3A_64 = arith.constant 0 : i32
    %dma_start3A_65 = tpu.memref_slice %arg8[%dma_start3A_57, %dma_start3A_58, %dma_start3A_64] : memref<4x2x256xi32, #tpu.memory_space<vmem>> -> memref<1x1x256xi32, #tpu.memory_space<vmem>>
    %dma_start3A_66 = tpu.memref_squeeze %dma_start3A_65 : memref<1x1x256xi32, #tpu.memory_space<vmem>> -> memref<256xi32, #tpu.memory_space<vmem>>
    %dma_start3A_67 = arith.constant 0 : i32
    %dma_start3A_68 = arith.constant 0 : i32
    %dma_start3A_69 = tpu.memref_slice %arg3[%dma_start3A_67, %dma_start3A_68] : memref<100000x16xf32, #tpu.memory_space<hbm>> -> memref<100000x16xf32, #tpu.memory_space<hbm>>
    tpu.enqueue_indirect_dma source(%dma_start3A_69 : memref<100000x16xf32, #tpu.memory_space<hbm>>) target(%dma_start3A_63 : memref<256x16xf32, #tpu.memory_space<vmem>>) offsets(%dma_start3A_66 : memref<256xi32, #tpu.memory_space<vmem>>) semaphore(%arg13 : memref<!tpu.dma_semaphore, #tpu.memory_space<semaphore_mem>>)
    %add3A_70 = arith.constant 64 : i32
    %add3A_71 = arith.addi %add3A, %add3A_70 : i32
    %mul3A_72 = arith.constant 256 : i32
    %mul3A_73 = arith.muli %add3A_71, %mul3A_72 : i32
    %dma_start3A_74 = arith.constant 2 : i32
    %dma_start3A_75 = arith.constant 0 : i32
    %dma_start3A_76 = arith.constant 0 : i32
    %dma_start3A_77 = tpu.memref_slice %arg8[%dma_start3A_74, %dma_start3A_75, %dma_start3A_76] : memref<4x2x256xi32, #tpu.memory_space<vmem>> -> memref<1x2x256xi32, #tpu.memory_space<vmem>>
    %dma_start3A_78 = tpu.memref_squeeze %dma_start3A_77 : memref<1x2x256xi32, #tpu.memory_space<vmem>> -> memref<2x256xi32, #tpu.memory_space<vmem>>
    %dma_start3A_79 = arith.constant 0 : i32
    %dma_start3A_80 = tpu.memref_slice %arg5[%dma_start3A_79, %mul3A_73] : memref<2x3200000xi32, #tpu.memory_space<hbm>> -> memref<2x256xi32, #tpu.memory_space<hbm>>
    %dma_start3A_81 = arith.constant 0 : i32
    %dma_start3A_82 = arith.constant 0 : i32
    %dma_start3A_83 = tpu.memref_slice %arg8[%dma_start3A_74, %dma_start3A_81, %dma_start3A_82] : memref<4x2x256xi32, #tpu.memory_space<vmem>> -> memref<1x2x256xi32, #tpu.memory_space<vmem>>
    %dma_start3A_84 = tpu.memref_squeeze %dma_start3A_83 : memref<1x2x256xi32, #tpu.memory_space<vmem>> -> memref<2x256xi32, #tpu.memory_space<vmem>>
    %dma_start3A_85 = arith.constant 0 : i32
    %dma_start3A_86 = tpu.memref_slice %arg5[%dma_start3A_85, %mul3A_73] : memref<2x3200000xi32, #tpu.memory_space<hbm>> -> memref<2x256xi32, #tpu.memory_space<hbm>>
    tpu.enqueue_dma source(%dma_start3A_86 : memref<2x256xi32, #tpu.memory_space<hbm>>) target(%dma_start3A_84 : memref<2x256xi32, #tpu.memory_space<vmem>>) target_semaphore(%arg11 : memref<!tpu.dma_semaphore, #tpu.memory_space<semaphore_mem>>)
    %scan3A = arith.constant 0 : i32
    %scan3A_87 = arith.constant 0 : i32
    %scan3A_88 = arith.constant 33 : i32
    %scan3A_89 = arith.addi %scan3A_87, %scan3A_88 : i32
    %scan3A_90 = arith.constant 1 : i32
    %scan3A_91 = scf.for %scan3A_98 = %scan3A_87 to %scan3A_89 step %scan3A_90 iter_args(%scan3A_99 = %scan3A) -> (i32)  : i32 {
      %mul3A_100 = arith.constant 12 : i32
      %mul3A_101 = arith.muli %mul3A_100, %scan3A_98 : i32
      %add3A_102 = arith.constant 0 : i32
      %add3A_103 = arith.addi %mul3A_101, %add3A_102 : i32
      %add3A_104 = arith.constant 2 : i32
      %add3A_105 = arith.addi %add3A_103, %add3A_104 : i32
      %mul3A_106 = arith.constant 32 : i32
      %mul3A_107 = arith.muli %mul3A_106, %add3A_105 : i32
      %add3A_108 = arith.addi %add3A, %mul3A_107 : i32
      %lt3A_109 = arith.constant 12500 : i32
      %lt3A_110 = arith.cmpi slt, %add3A_108, %lt3A_109 : i32
      %convert_element_type3A = arith.extui %lt3A_110 : i1 to i32
      %cond3A = arith.constant 0 : i32
      %cond3A_111 = arith.cmpi ne, %convert_element_type3A, %cond3A : i32
      scf.if %cond3A_111 {
        %dma_wait3A = arith.constant 2 : i32
        %dma_wait3A_733 = arith.constant 0 : i32
        %dma_wait3A_734 = arith.constant 0 : i32
        %dma_wait3A_735 = tpu.memref_slice %arg8[%dma_wait3A, %dma_wait3A_733, %dma_wait3A_734] : memref<4x2x256xi32, #tpu.memory_space<vmem>> -> memref<1x2x256xi32, #tpu.memory_space<vmem>>
        %dma_wait3A_736 = tpu.memref_squeeze %dma_wait3A_735 : memref<1x2x256xi32, #tpu.memory_space<vmem>> -> memref<2x256xi32, #tpu.memory_space<vmem>>
        %dma_wait3A_737 = arith.constant 0 : i32
        %dma_wait3A_738 = arith.constant 0 : i32
        %dma_wait3A_739 = tpu.memref_slice %arg5[%dma_wait3A_737, %dma_wait3A_738] : memref<2x3200000xi32, #tpu.memory_space<hbm>> -> memref<2x256xi32, #tpu.memory_space<hbm>>
        %dma_wait3A_740 = arith.constant 0 : i32
        %dma_wait3A_741 = arith.constant 0 : i32
        %dma_wait3A_742 = tpu.memref_slice %arg8[%dma_wait3A, %dma_wait3A_740, %dma_wait3A_741] : memref<4x2x256xi32, #tpu.memory_space<vmem>> -> memref<1x2x256xi32, #tpu.memory_space<vmem>>
        %dma_wait3A_743 = tpu.memref_squeeze %dma_wait3A_742 : memref<1x2x256xi32, #tpu.memory_space<vmem>> -> memref<2x256xi32, #tpu.memory_space<vmem>>
        %dma_wait3A_744 = arith.constant 0 : i32
        %dma_wait3A_745 = arith.constant 0 : i32
        %dma_wait3A_746 = tpu.memref_slice %arg5[%dma_wait3A_744, %dma_wait3A_745] : memref<2x3200000xi32, #tpu.memory_space<hbm>> -> memref<2x256xi32, #tpu.memory_space<hbm>>
        tpu.wait_dma2 semaphore(%arg11 : memref<!tpu.dma_semaphore, #tpu.memory_space<semaphore_mem>>) src(%dma_wait3A_746 : memref<2x256xi32, #tpu.memory_space<hbm>>) dst(%dma_wait3A_743 : memref<2x256xi32, #tpu.memory_space<vmem>>)
        %dma_start3A_747 = arith.constant 2 : i32
        %dma_start3A_748 = arith.constant 0 : i32
        %dma_start3A_749 = arith.constant 2 : i32
        %dma_start3A_750 = arith.constant 0 : i32
        %dma_start3A_751 = arith.constant 0 : i32
        %dma_start3A_752 = tpu.memref_slice %arg9[%dma_start3A_749, %dma_start3A_750, %dma_start3A_751] : memref<3x256x16xf32, #tpu.memory_space<vmem>> -> memref<1x256x16xf32, #tpu.memory_space<vmem>>
        %dma_start3A_753 = tpu.memref_squeeze %dma_start3A_752 : memref<1x256x16xf32, #tpu.memory_space<vmem>> -> memref<256x16xf32, #tpu.memory_space<vmem>>
        %dma_start3A_754 = arith.constant 0 : i32
        %dma_start3A_755 = tpu.memref_slice %arg8[%dma_start3A_747, %dma_start3A_748, %dma_start3A_754] : memref<4x2x256xi32, #tpu.memory_space<vmem>> -> memref<1x1x256xi32, #tpu.memory_space<vmem>>
        %dma_start3A_756 = tpu.memref_squeeze %dma_start3A_755 : memref<1x1x256xi32, #tpu.memory_space<vmem>> -> memref<256xi32, #tpu.memory_space<vmem>>
        %dma_start3A_757 = arith.constant 0 : i32
        %dma_start3A_758 = arith.constant 0 : i32
        %dma_start3A_759 = tpu.memref_slice %arg2[%dma_start3A_757, %dma_start3A_758] : memref<100000x16xf32, #tpu.memory_space<hbm>> -> memref<100000x16xf32, #tpu.memory_space<hbm>>
        tpu.enqueue_indirect_dma source(%dma_start3A_759 : memref<100000x16xf32, #tpu.memory_space<hbm>>) target(%dma_start3A_753 : memref<256x16xf32, #tpu.memory_space<vmem>>) offsets(%dma_start3A_756 : memref<256xi32, #tpu.memory_space<vmem>>) semaphore(%arg14 : memref<!tpu.dma_semaphore, #tpu.memory_space<semaphore_mem>>)
        %dma_start3A_760 = arith.constant 2 : i32
        %dma_start3A_761 = arith.constant 1 : i32
        %dma_start3A_762 = arith.constant 2 : i32
        %dma_start3A_763 = arith.constant 0 : i32
        %dma_start3A_764 = arith.constant 0 : i32
        %dma_start3A_765 = tpu.memref_slice %arg10[%dma_start3A_762, %dma_start3A_763, %dma_start3A_764] : memref<4x256x16xf32, #tpu.memory_space<vmem>> -> memref<1x256x16xf32, #tpu.memory_space<vmem>>
        %dma_start3A_766 = tpu.memref_squeeze %dma_start3A_765 : memref<1x256x16xf32, #tpu.memory_space<vmem>> -> memref<256x16xf32, #tpu.memory_space<vmem>>
        %dma_start3A_767 = arith.constant 0 : i32
        %dma_start3A_768 = tpu.memref_slice %arg8[%dma_start3A_760, %dma_start3A_761, %dma_start3A_767] : memref<4x2x256xi32, #tpu.memory_space<vmem>> -> memref<1x1x256xi32, #tpu.memory_space<vmem>>
        %dma_start3A_769 = tpu.memref_squeeze %dma_start3A_768 : memref<1x1x256xi32, #tpu.memory_space<vmem>> -> memref<256xi32, #tpu.memory_space<vmem>>
        %dma_start3A_770 = arith.constant 0 : i32
        %dma_start3A_771 = arith.constant 0 : i32
        %dma_start3A_772 = tpu.memref_slice %arg3[%dma_start3A_770, %dma_start3A_771] : memref<100000x16xf32, #tpu.memory_space<hbm>> -> memref<100000x16xf32, #tpu.memory_space<hbm>>
        tpu.enqueue_indirect_dma source(%dma_start3A_772 : memref<100000x16xf32, #tpu.memory_space<hbm>>) target(%dma_start3A_766 : memref<256x16xf32, #tpu.memory_space<vmem>>) offsets(%dma_start3A_769 : memref<256xi32, #tpu.memory_space<vmem>>) semaphore(%arg14 : memref<!tpu.dma_semaphore, #tpu.memory_space<semaphore_mem>>)
      } else {
      }
      %mul3A_112 = arith.constant 32 : i32
      %mul3A_113 = arith.muli %mul3A_112, %add3A_103 : i32
      %add3A_114 = arith.addi %add3A, %mul3A_113 : i32
      %lt3A_115 = arith.constant 12500 : i32
      %lt3A_116 = arith.cmpi slt, %add3A_114, %lt3A_115 : i32
      %convert_element_type3A_117 = arith.extui %lt3A_116 : i1 to i32
      %cond3A_118 = arith.constant 0 : i32
      %cond3A_119 = arith.cmpi ne, %convert_element_type3A_117, %cond3A_118 : i32
      scf.if %cond3A_119 {
        %dma_wait3A = arith.constant 0 : i32
        %dma_wait3A_733 = arith.constant 0 : i32
        %dma_wait3A_734 = arith.constant 0 : i32
        %dma_wait3A_735 = arith.constant 0 : i32
        %dma_wait3A_736 = arith.constant 0 : i32
        %dma_wait3A_737 = tpu.memref_slice %arg9[%dma_wait3A_734, %dma_wait3A_735, %dma_wait3A_736] : memref<3x256x16xf32, #tpu.memory_space<vmem>> -> memref<1x256x16xf32, #tpu.memory_space<vmem>>
        %dma_wait3A_738 = tpu.memref_squeeze %dma_wait3A_737 : memref<1x256x16xf32, #tpu.memory_space<vmem>> -> memref<256x16xf32, #tpu.memory_space<vmem>>
        %dma_wait3A_739 = arith.constant 0 : i32
        %dma_wait3A_740 = tpu.memref_slice %arg8[%dma_wait3A, %dma_wait3A_733, %dma_wait3A_739] : memref<4x2x256xi32, #tpu.memory_space<vmem>> -> memref<1x1x256xi32, #tpu.memory_space<vmem>>
        %dma_wait3A_741 = tpu.memref_squeeze %dma_wait3A_740 : memref<1x1x256xi32, #tpu.memory_space<vmem>> -> memref<256xi32, #tpu.memory_space<vmem>>
        %dma_wait3A_742 = arith.constant 0 : i32
        %dma_wait3A_743 = arith.constant 0 : i32
        %dma_wait3A_744 = tpu.memref_slice %arg2[%dma_wait3A_742, %dma_wait3A_743] : memref<100000x16xf32, #tpu.memory_space<hbm>> -> memref<100000x16xf32, #tpu.memory_space<hbm>>
        tpu.wait_indirect_dma semaphore(%arg12 : memref<!tpu.dma_semaphore, #tpu.memory_space<semaphore_mem>>) src(%dma_wait3A_744 : memref<100000x16xf32, #tpu.memory_space<hbm>>) dst(%dma_wait3A_738 : memref<256x16xf32, #tpu.memory_space<vmem>>)
        %dma_wait3A_745 = arith.constant 0 : i32
        %dma_wait3A_746 = arith.constant 1 : i32
        %dma_wait3A_747 = arith.constant 0 : i32
        %dma_wait3A_748 = arith.constant 0 : i32
        %dma_wait3A_749 = arith.constant 0 : i32
        %dma_wait3A_750 = tpu.memref_slice %arg10[%dma_wait3A_747, %dma_wait3A_748, %dma_wait3A_749] : memref<4x256x16xf32, #tpu.memory_space<vmem>> -> memref<1x256x16xf32, #tpu.memory_space<vmem>>
        %dma_wait3A_751 = tpu.memref_squeeze %dma_wait3A_750 : memref<1x256x16xf32, #tpu.memory_space<vmem>> -> memref<256x16xf32, #tpu.memory_space<vmem>>
        %dma_wait3A_752 = arith.constant 0 : i32
        %dma_wait3A_753 = tpu.memref_slice %arg8[%dma_wait3A_745, %dma_wait3A_746, %dma_wait3A_752] : memref<4x2x256xi32, #tpu.memory_space<vmem>> -> memref<1x1x256xi32, #tpu.memory_space<vmem>>
        %dma_wait3A_754 = tpu.memref_squeeze %dma_wait3A_753 : memref<1x1x256xi32, #tpu.memory_space<vmem>> -> memref<256xi32, #tpu.memory_space<vmem>>
        %dma_wait3A_755 = arith.constant 0 : i32
        %dma_wait3A_756 = arith.constant 0 : i32
        %dma_wait3A_757 = tpu.memref_slice %arg3[%dma_wait3A_755, %dma_wait3A_756] : memref<100000x16xf32, #tpu.memory_space<hbm>> -> memref<100000x16xf32, #tpu.memory_space<hbm>>
        tpu.wait_indirect_dma semaphore(%arg12 : memref<!tpu.dma_semaphore, #tpu.memory_space<semaphore_mem>>) src(%dma_wait3A_757 : memref<100000x16xf32, #tpu.memory_space<hbm>>) dst(%dma_wait3A_751 : memref<256x16xf32, #tpu.memory_space<vmem>>)
        %parallel_loop3A = arith.constant 0 : i32
        %parallel_loop3A_758 = arith.constant 256 : i32
        %parallel_loop3A_759 = arith.constant 1 : i32
        scf.for %parallel_loop3A_760 = %parallel_loop3A to %parallel_loop3A_758 step %parallel_loop3A_759  : i32 {
          %parallel_loop3A_761 = arith.constant 0 : i32
          %parallel_loop3A_762 = arith.index_cast %parallel_loop3A_761 : i32 to index
          %parallel_loop3A_763 = arith.index_cast %parallel_loop3A_760 : i32 to index
          %parallel_loop3A_764 = arith.constant 0 : index
          %parallel_loop3A_765 = tpu.vector_load %arg9[%parallel_loop3A_762, %parallel_loop3A_763, %parallel_loop3A_764] {strides = array<i32>} : memref<3x256x16xf32, #tpu.memory_space<vmem>>, vector<1x1x16xf32>,
          %parallel_loop3A_766 = vector.shape_cast %parallel_loop3A_765 : vector<1x1x16xf32> to vector<16xf32>
          %parallel_loop3A_767 = arith.constant 0 : i32
          %parallel_loop3A_768 = arith.index_cast %parallel_loop3A_767 : i32 to index
          %parallel_loop3A_769 = arith.index_cast %parallel_loop3A_760 : i32 to index
          %parallel_loop3A_770 = arith.constant 0 : index
          %parallel_loop3A_771 = tpu.vector_load %arg10[%parallel_loop3A_768, %parallel_loop3A_769, %parallel_loop3A_770] {strides = array<i32>} : memref<4x256x16xf32, #tpu.memory_space<vmem>>, vector<1x1x16xf32>,
          %parallel_loop3A_772 = vector.shape_cast %parallel_loop3A_771 : vector<1x1x16xf32> to vector<16xf32>
          %parallel_loop3A_773 = arith.addf %parallel_loop3A_766, %parallel_loop3A_772 : vector<16xf32>
          %parallel_loop3A_774 = arith.constant 0.000000e+00 : f32
          %parallel_loop3A_775 = vector.broadcast %parallel_loop3A_774 : f32 to vector<16xf32>
          %parallel_loop3A_776 = arith.cmpf oge, %parallel_loop3A_773, %parallel_loop3A_775 : vector<16xf32>
          %parallel_loop3A_777 = arith.constant 2.000000e-01 : f32
          %parallel_loop3A_778 = vector.broadcast %parallel_loop3A_777 : f32 to vector<16xf32>
          %parallel_loop3A_779 = arith.mulf %parallel_loop3A_778, %parallel_loop3A_773 : vector<16xf32>
          %parallel_loop3A_780 = arith.select %parallel_loop3A_776, %parallel_loop3A_773, %parallel_loop3A_779 : vector<16xi1>, vector<16xf32>
          %parallel_loop3A_781 = vector.shape_cast %and3A_6 : vector<16xi32> to vector<16x1xi32>
          %parallel_loop3A_782 = vector.shape_cast %parallel_loop3A_781 : vector<16x1xi32> to vector<16xi32>
          %parallel_loop3A_783 = tpu.dynamic_gather %parallel_loop3A_780[%parallel_loop3A_782] in [0] : vector<16xf32>, vector<16xi32> -> vector<16xf32>
          %parallel_loop3A_784 = math.exp %parallel_loop3A_783 : vector<16xf32>
          %parallel_loop3A_785 = arith.constant 1.000000e+00 : f32
          %parallel_loop3A_786 = vector.broadcast %parallel_loop3A_785 : f32 to vector<16xf32>
          %parallel_loop3A_787 = arith.select %lt3A_9, %parallel_loop3A_786, %parallel_loop3A_766 : vector<16xi1>, vector<16xf32>
          %parallel_loop3A_788 = arith.mulf %parallel_loop3A_784, %parallel_loop3A_787 : vector<16xf32>
          %parallel_loop3A_789 = arith.constant 0 : i32
          %parallel_loop3A_790 = arith.index_cast %parallel_loop3A_789 : i32 to index
          %parallel_loop3A_791 = arith.index_cast %parallel_loop3A_760 : i32 to index
          %parallel_loop3A_792 = arith.constant 0 : index
          %parallel_loop3A_793 = tpu.vector_load %arg10[%parallel_loop3A_790, %parallel_loop3A_791, %parallel_loop3A_792] {strides = array<i32>} : memref<4x256x16xf32, #tpu.memory_space<vmem>>, vector<1x1x16xf32>,
          %parallel_loop3A_794 = vector.shape_cast %parallel_loop3A_793 : vector<1x1x16xf32> to vector<16xf32>
          %parallel_loop3A_795 = vector.shape_cast %parallel_loop3A_788 : vector<16xf32> to vector<1x1x16xf32>
          tpu.vector_store %arg10[%parallel_loop3A_790, %parallel_loop3A_791, %parallel_loop3A_792], %parallel_loop3A_795 {strides = array<i32>} : memref<4x256x16xf32, #tpu.memory_space<vmem>>, vector<1x1x16xf32>,
        } {sc.loop_unroll_factor = 8 : i64, sc.parallel_access}
      } else {
      }
      %gt3A = arith.constant 0 : i32
      %gt3A_120 = arith.cmpi sgt, %add3A_103, %gt3A : i32
      %sub3A = arith.constant 1 : i32
      %sub3A_121 = arith.subi %add3A_103, %sub3A : i32
      %mul3A_122 = arith.constant 32 : i32
      %mul3A_123 = arith.muli %mul3A_122, %sub3A_121 : i32
      %add3A_124 = arith.addi %add3A, %mul3A_123 : i32
      %lt3A_125 = arith.constant 12500 : i32
      %lt3A_126 = arith.cmpi slt, %add3A_124, %lt3A_125 : i32
      %and3A_127 = arith.andi %gt3A_120, %lt3A_126 : i1
      %convert_element_type3A_128 = arith.extui %and3A_127 : i1 to i32
      %cond3A_129 = arith.constant 0 : i32
      %cond3A_130 = arith.cmpi ne, %convert_element_type3A_128, %cond3A_129 : i32
      scf.if %cond3A_130 {
        %dma_wait3A = arith.constant 3 : i32
        %dma_wait3A_733 = arith.constant 3 : i32
        %dma_wait3A_734 = arith.constant 1 : i32
        %dma_wait3A_735 = arith.constant 0 : i32
        %dma_wait3A_736 = arith.constant 0 : i32
        %dma_wait3A_737 = tpu.memref_slice %arg10[%dma_wait3A, %dma_wait3A_735, %dma_wait3A_736] : memref<4x256x16xf32, #tpu.memory_space<vmem>> -> memref<1x256x16xf32, #tpu.memory_space<vmem>>
        %dma_wait3A_738 = tpu.memref_squeeze %dma_wait3A_737 : memref<1x256x16xf32, #tpu.memory_space<vmem>> -> memref<256x16xf32, #tpu.memory_space<vmem>>
        %dma_wait3A_739 = arith.constant 0 : i32
        %dma_wait3A_740 = tpu.memref_slice %arg8[%dma_wait3A_733, %dma_wait3A_734, %dma_wait3A_739] : memref<4x2x256xi32, #tpu.memory_space<vmem>> -> memref<1x1x256xi32, #tpu.memory_space<vmem>>
        %dma_wait3A_741 = tpu.memref_squeeze %dma_wait3A_740 : memref<1x1x256xi32, #tpu.memory_space<vmem>> -> memref<256xi32, #tpu.memory_space<vmem>>
        %dma_wait3A_742 = arith.constant 0 : i32
        %dma_wait3A_743 = arith.constant 0 : i32
        %dma_wait3A_744 = tpu.memref_slice %arg7[%dma_wait3A_742, %dma_wait3A_743] : memref<100000x16xf32, #tpu.memory_space<vmem_shared>> -> memref<100000x16xf32, #tpu.memory_space<vmem_shared>>
        tpu.wait_indirect_dma semaphore(%arg15 : memref<!tpu.dma_semaphore, #tpu.memory_space<semaphore_mem>>) src(%dma_wait3A_738 : memref<256x16xf32, #tpu.memory_space<vmem>>) dst(%dma_wait3A_744 : memref<100000x16xf32, #tpu.memory_space<vmem_shared>>)
      } else {
      }
      %mul3A_131 = arith.constant 32 : i32
      %mul3A_132 = arith.muli %mul3A_131, %add3A_103 : i32
      %add3A_133 = arith.addi %add3A, %mul3A_132 : i32
      %lt3A_134 = arith.constant 12500 : i32
      %lt3A_135 = arith.cmpi slt, %add3A_133, %lt3A_134 : i32
      %convert_element_type3A_136 = arith.extui %lt3A_135 : i1 to i32
      %cond3A_137 = arith.constant 0 : i32
      %cond3A_138 = arith.cmpi ne, %convert_element_type3A_136, %cond3A_137 : i32
      scf.if %cond3A_138 {
        %dma_start3A_733 = arith.constant 0 : i32
        %dma_start3A_734 = arith.constant 0 : i32
        %dma_start3A_735 = arith.constant 1 : i32
        %dma_start3A_736 = arith.constant 0 : i32
        %dma_start3A_737 = arith.constant 0 : i32
        %dma_start3A_738 = tpu.memref_slice %arg10[%dma_start3A_733, %dma_start3A_736, %dma_start3A_737] : memref<4x256x16xf32, #tpu.memory_space<vmem>> -> memref<1x256x16xf32, #tpu.memory_space<vmem>>
        %dma_start3A_739 = tpu.memref_squeeze %dma_start3A_738 : memref<1x256x16xf32, #tpu.memory_space<vmem>> -> memref<256x16xf32, #tpu.memory_space<vmem>>
        %dma_start3A_740 = arith.constant 0 : i32
        %dma_start3A_741 = tpu.memref_slice %arg8[%dma_start3A_734, %dma_start3A_735, %dma_start3A_740] : memref<4x2x256xi32, #tpu.memory_space<vmem>> -> memref<1x1x256xi32, #tpu.memory_space<vmem>>
        %dma_start3A_742 = tpu.memref_squeeze %dma_start3A_741 : memref<1x1x256xi32, #tpu.memory_space<vmem>> -> memref<256xi32, #tpu.memory_space<vmem>>
        %dma_start3A_743 = arith.constant 0 : i32
        %dma_start3A_744 = arith.constant 0 : i32
        %dma_start3A_745 = tpu.memref_slice %arg7[%dma_start3A_743, %dma_start3A_744] : memref<100000x16xf32, #tpu.memory_space<vmem_shared>> -> memref<100000x16xf32, #tpu.memory_space<vmem_shared>>
        tpu.enqueue_indirect_dma source(%dma_start3A_739 : memref<256x16xf32, #tpu.memory_space<vmem>>) target(%dma_start3A_745 : memref<100000x16xf32, #tpu.memory_space<vmem_shared>>) offsets(%dma_start3A_742 : memref<256xi32, #tpu.memory_space<vmem>>) semaphore(%arg15 : memref<!tpu.dma_semaphore, #tpu.memory_space<semaphore_mem>>) {add = true}
      } else {
      }
      %add3A_139 = arith.constant 3 : i32
      %add3A_140 = arith.addi %add3A_103, %add3A_139 : i32
      %mul3A_141 = arith.constant 32 : i32
      %mul3A_142 = arith.muli %mul3A_141, %add3A_140 : i32
      %add3A_143 = arith.addi %add3A, %mul3A_142 : i32
      %lt3A_144 = arith.constant 12500 : i32
      %lt3A_145 = arith.cmpi slt, %add3A_143, %lt3A_144 : i32
      %convert_element_type3A_146 = arith.extui %lt3A_145 : i1 to i32
      %cond3A_147 = arith.constant 0 : i32
      %cond3A_148 = arith.cmpi ne, %convert_element_type3A_146, %cond3A_147 : i32
      scf.if %cond3A_148 {
        %add3A_733 = arith.constant 3 : i32
        %add3A_734 = arith.addi %add3A_103, %add3A_733 : i32
        %mul3A_735 = arith.constant 32 : i32
        %mul3A_736 = arith.muli %mul3A_735, %add3A_734 : i32
        %add3A_737 = arith.addi %add3A, %mul3A_736 : i32
        %mul3A_738 = arith.constant 256 : i32
        %mul3A_739 = arith.muli %add3A_737, %mul3A_738 : i32
        %dma_start3A_740 = arith.constant 3 : i32
        %dma_start3A_741 = arith.constant 0 : i32
        %dma_start3A_742 = arith.constant 0 : i32
        %dma_start3A_743 = tpu.memref_slice %arg8[%dma_start3A_740, %dma_start3A_741, %dma_start3A_742] : memref<4x2x256xi32, #tpu.memory_space<vmem>> -> memref<1x2x256xi32, #tpu.memory_space<vmem>>
        %dma_start3A_744 = tpu.memref_squeeze %dma_start3A_743 : memref<1x2x256xi32, #tpu.memory_space<vmem>> -> memref<2x256xi32, #tpu.memory_space<vmem>>
        %dma_start3A_745 = arith.constant 0 : i32
        %dma_start3A_746 = tpu.memref_slice %arg5[%dma_start3A_745, %mul3A_739] : memref<2x3200000xi32, #tpu.memory_space<hbm>> -> memref<2x256xi32, #tpu.memory_space<hbm>>
        %dma_start3A_747 = arith.constant 0 : i32
        %dma_start3A_748 = arith.constant 0 : i32
        %dma_start3A_749 = tpu.memref_slice %arg8[%dma_start3A_740, %dma_start3A_747, %dma_start3A_748] : memref<4x2x256xi32, #tpu.memory_space<vmem>> -> memref<1x2x256xi32, #tpu.memory_space<vmem>>
        %dma_start3A_750 = tpu.memref_squeeze %dma_start3A_749 : memref<1x2x256xi32, #tpu.memory_space<vmem>> -> memref<2x256xi32, #tpu.memory_space<vmem>>
        %dma_start3A_751 = arith.constant 0 : i32
        %dma_start3A_752 = tpu.memref_slice %arg5[%dma_start3A_751, %mul3A_739] : memref<2x3200000xi32, #tpu.memory_space<hbm>> -> memref<2x256xi32, #tpu.memory_space<hbm>>
        tpu.enqueue_dma source(%dma_start3A_752 : memref<2x256xi32, #tpu.memory_space<hbm>>) target(%dma_start3A_750 : memref<2x256xi32, #tpu.memory_space<vmem>>) target_semaphore(%arg11 : memref<!tpu.dma_semaphore, #tpu.memory_space<semaphore_mem>>)
      } else {
      }
      %mul3A_149 = arith.constant 12 : i32
      %mul3A_150 = arith.muli %mul3A_149, %scan3A_98 : i32
      %add3A_151 = arith.constant 1 : i32
      %add3A_152 = arith.addi %mul3A_150, %add3A_151 : i32
      %add3A_153 = arith.constant 2 : i32
      %add3A_154 = arith.addi %add3A_152, %add3A_153 : i32
      %mul3A_155 = arith.constant 32 : i32
      %mul3A_156 = arith.muli %mul3A_155, %add3A_154 : i32
      %add3A_157 = arith.addi %add3A, %mul3A_156 : i32
      %lt3A_158 = arith.constant 12500 : i32
      %lt3A_159 = arith.cmpi slt, %add3A_157, %lt3A_158 : i32
      %convert_element_type3A_160 = arith.extui %lt3A_159 : i1 to i32
      %cond3A_161 = arith.constant 0 : i32
      %cond3A_162 = arith.cmpi ne, %convert_element_type3A_160, %cond3A_161 : i32
      scf.if %cond3A_162 {
        %dma_wait3A = arith.constant 3 : i32
        %dma_wait3A_733 = arith.constant 0 : i32
        %dma_wait3A_734 = arith.constant 0 : i32
        %dma_wait3A_735 = tpu.memref_slice %arg8[%dma_wait3A, %dma_wait3A_733, %dma_wait3A_734] : memref<4x2x256xi32, #tpu.memory_space<vmem>> -> memref<1x2x256xi32, #tpu.memory_space<vmem>>
        %dma_wait3A_736 = tpu.memref_squeeze %dma_wait3A_735 : memref<1x2x256xi32, #tpu.memory_space<vmem>> -> memref<2x256xi32, #tpu.memory_space<vmem>>
        %dma_wait3A_737 = arith.constant 0 : i32
        %dma_wait3A_738 = arith.constant 0 : i32
        %dma_wait3A_739 = tpu.memref_slice %arg5[%dma_wait3A_737, %dma_wait3A_738] : memref<2x3200000xi32, #tpu.memory_space<hbm>> -> memref<2x256xi32, #tpu.memory_space<hbm>>
        %dma_wait3A_740 = arith.constant 0 : i32
        %dma_wait3A_741 = arith.constant 0 : i32
        %dma_wait3A_742 = tpu.memref_slice %arg8[%dma_wait3A, %dma_wait3A_740, %dma_wait3A_741] : memref<4x2x256xi32, #tpu.memory_space<vmem>> -> memref<1x2x256xi32, #tpu.memory_space<vmem>>
        %dma_wait3A_743 = tpu.memref_squeeze %dma_wait3A_742 : memref<1x2x256xi32, #tpu.memory_space<vmem>> -> memref<2x256xi32, #tpu.memory_space<vmem>>
        %dma_wait3A_744 = arith.constant 0 : i32
        %dma_wait3A_745 = arith.constant 0 : i32
        %dma_wait3A_746 = tpu.memref_slice %arg5[%dma_wait3A_744, %dma_wait3A_745] : memref<2x3200000xi32, #tpu.memory_space<hbm>> -> memref<2x256xi32, #tpu.memory_space<hbm>>
        tpu.wait_dma2 semaphore(%arg11 : memref<!tpu.dma_semaphore, #tpu.memory_space<semaphore_mem>>) src(%dma_wait3A_746 : memref<2x256xi32, #tpu.memory_space<hbm>>) dst(%dma_wait3A_743 : memref<2x256xi32, #tpu.memory_space<vmem>>)
        %dma_start3A_747 = arith.constant 3 : i32
        %dma_start3A_748 = arith.constant 0 : i32
        %dma_start3A_749 = arith.constant 0 : i32
        %dma_start3A_750 = arith.constant 0 : i32
        %dma_start3A_751 = arith.constant 0 : i32
        %dma_start3A_752 = tpu.memref_slice %arg9[%dma_start3A_749, %dma_start3A_750, %dma_start3A_751] : memref<3x256x16xf32, #tpu.memory_space<vmem>> -> memref<1x256x16xf32, #tpu.memory_space<vmem>>
        %dma_start3A_753 = tpu.memref_squeeze %dma_start3A_752 : memref<1x256x16xf32, #tpu.memory_space<vmem>> -> memref<256x16xf32, #tpu.memory_space<vmem>>
        %dma_start3A_754 = arith.constant 0 : i32
        %dma_start3A_755 = tpu.memref_slice %arg8[%dma_start3A_747, %dma_start3A_748, %dma_start3A_754] : memref<4x2x256xi32, #tpu.memory_space<vmem>> -> memref<1x1x256xi32, #tpu.memory_space<vmem>>
        %dma_start3A_756 = tpu.memref_squeeze %dma_start3A_755 : memref<1x1x256xi32, #tpu.memory_space<vmem>> -> memref<256xi32, #tpu.memory_space<vmem>>
        %dma_start3A_757 = arith.constant 0 : i32
        %dma_start3A_758 = arith.constant 0 : i32
        %dma_start3A_759 = tpu.memref_slice %arg2[%dma_start3A_757, %dma_start3A_758] : memref<100000x16xf32, #tpu.memory_space<hbm>> -> memref<100000x16xf32, #tpu.memory_space<hbm>>
        tpu.enqueue_indirect_dma source(%dma_start3A_759 : memref<100000x16xf32, #tpu.memory_space<hbm>>) target(%dma_start3A_753 : memref<256x16xf32, #tpu.memory_space<vmem>>) offsets(%dma_start3A_756 : memref<256xi32, #tpu.memory_space<vmem>>) semaphore(%arg12 : memref<!tpu.dma_semaphore, #tpu.memory_space<semaphore_mem>>)
        %dma_start3A_760 = arith.constant 3 : i32
        %dma_start3A_761 = arith.constant 1 : i32
        %dma_start3A_762 = arith.constant 3 : i32
        %dma_start3A_763 = arith.constant 0 : i32
        %dma_start3A_764 = arith.constant 0 : i32
        %dma_start3A_765 = tpu.memref_slice %arg10[%dma_start3A_762, %dma_start3A_763, %dma_start3A_764] : memref<4x256x16xf32, #tpu.memory_space<vmem>> -> memref<1x256x16xf32, #tpu.memory_space<vmem>>
        %dma_start3A_766 = tpu.memref_squeeze %dma_start3A_765 : memref<1x256x16xf32, #tpu.memory_space<vmem>> -> memref<256x16xf32, #tpu.memory_space<vmem>>
        %dma_start3A_767 = arith.constant 0 : i32
        %dma_start3A_768 = tpu.memref_slice %arg8[%dma_start3A_760, %dma_start3A_761, %dma_start3A_767] : memref<4x2x256xi32, #tpu.memory_space<vmem>> -> memref<1x1x256xi32, #tpu.memory_space<vmem>>
        %dma_start3A_769 = tpu.memref_squeeze %dma_start3A_768 : memref<1x1x256xi32, #tpu.memory_space<vmem>> -> memref<256xi32, #tpu.memory_space<vmem>>
        %dma_start3A_770 = arith.constant 0 : i32
        %dma_start3A_771 = arith.constant 0 : i32
        %dma_start3A_772 = tpu.memref_slice %arg3[%dma_start3A_770, %dma_start3A_771] : memref<100000x16xf32, #tpu.memory_space<hbm>> -> memref<100000x16xf32, #tpu.memory_space<hbm>>
        tpu.enqueue_indirect_dma source(%dma_start3A_772 : memref<100000x16xf32, #tpu.memory_space<hbm>>) target(%dma_start3A_766 : memref<256x16xf32, #tpu.memory_space<vmem>>) offsets(%dma_start3A_769 : memref<256xi32, #tpu.memory_space<vmem>>) semaphore(%arg12 : memref<!tpu.dma_semaphore, #tpu.memory_space<semaphore_mem>>)
      } else {
      }
      %mul3A_163 = arith.constant 32 : i32
      %mul3A_164 = arith.muli %mul3A_163, %add3A_152 : i32
      %add3A_165 = arith.addi %add3A, %mul3A_164 : i32
      %lt3A_166 = arith.constant 12500 : i32
      %lt3A_167 = arith.cmpi slt, %add3A_165, %lt3A_166 : i32
      %convert_element_type3A_168 = arith.extui %lt3A_167 : i1 to i32
      %cond3A_169 = arith.constant 0 : i32
      %cond3A_170 = arith.cmpi ne, %convert_element_type3A_168, %cond3A_169 : i32
      scf.if %cond3A_170 {
        %dma_wait3A = arith.constant 1 : i32
        %dma_wait3A_733 = arith.constant 0 : i32
        %dma_wait3A_734 = arith.constant 1 : i32
        %dma_wait3A_735 = arith.constant 0 : i32
        %dma_wait3A_736 = arith.constant 0 : i32
        %dma_wait3A_737 = tpu.memref_slice %arg9[%dma_wait3A_734, %dma_wait3A_735, %dma_wait3A_736] : memref<3x256x16xf32, #tpu.memory_space<vmem>> -> memref<1x256x16xf32, #tpu.memory_space<vmem>>
        %dma_wait3A_738 = tpu.memref_squeeze %dma_wait3A_737 : memref<1x256x16xf32, #tpu.memory_space<vmem>> -> memref<256x16xf32, #tpu.memory_space<vmem>>
        %dma_wait3A_739 = arith.constant 0 : i32
        %dma_wait3A_740 = tpu.memref_slice %arg8[%dma_wait3A, %dma_wait3A_733, %dma_wait3A_739] : memref<4x2x256xi32, #tpu.memory_space<vmem>> -> memref<1x1x256xi32, #tpu.memory_space<vmem>>
        %dma_wait3A_741 = tpu.memref_squeeze %dma_wait3A_740 : memref<1x1x256xi32, #tpu.memory_space<vmem>> -> memref<256xi32, #tpu.memory_space<vmem>>
        %dma_wait3A_742 = arith.constant 0 : i32
        %dma_wait3A_743 = arith.constant 0 : i32
        %dma_wait3A_744 = tpu.memref_slice %arg2[%dma_wait3A_742, %dma_wait3A_743] : memref<100000x16xf32, #tpu.memory_space<hbm>> -> memref<100000x16xf32, #tpu.memory_space<hbm>>
        tpu.wait_indirect_dma semaphore(%arg13 : memref<!tpu.dma_semaphore, #tpu.memory_space<semaphore_mem>>) src(%dma_wait3A_744 : memref<100000x16xf32, #tpu.memory_space<hbm>>) dst(%dma_wait3A_738 : memref<256x16xf32, #tpu.memory_space<vmem>>)
        %dma_wait3A_745 = arith.constant 1 : i32
        %dma_wait3A_746 = arith.constant 1 : i32
        %dma_wait3A_747 = arith.constant 1 : i32
        %dma_wait3A_748 = arith.constant 0 : i32
        %dma_wait3A_749 = arith.constant 0 : i32
        %dma_wait3A_750 = tpu.memref_slice %arg10[%dma_wait3A_747, %dma_wait3A_748, %dma_wait3A_749] : memref<4x256x16xf32, #tpu.memory_space<vmem>> -> memref<1x256x16xf32, #tpu.memory_space<vmem>>
        %dma_wait3A_751 = tpu.memref_squeeze %dma_wait3A_750 : memref<1x256x16xf32, #tpu.memory_space<vmem>> -> memref<256x16xf32, #tpu.memory_space<vmem>>
        %dma_wait3A_752 = arith.constant 0 : i32
        %dma_wait3A_753 = tpu.memref_slice %arg8[%dma_wait3A_745, %dma_wait3A_746, %dma_wait3A_752] : memref<4x2x256xi32, #tpu.memory_space<vmem>> -> memref<1x1x256xi32, #tpu.memory_space<vmem>>
        %dma_wait3A_754 = tpu.memref_squeeze %dma_wait3A_753 : memref<1x1x256xi32, #tpu.memory_space<vmem>> -> memref<256xi32, #tpu.memory_space<vmem>>
        %dma_wait3A_755 = arith.constant 0 : i32
        %dma_wait3A_756 = arith.constant 0 : i32
        %dma_wait3A_757 = tpu.memref_slice %arg3[%dma_wait3A_755, %dma_wait3A_756] : memref<100000x16xf32, #tpu.memory_space<hbm>> -> memref<100000x16xf32, #tpu.memory_space<hbm>>
        tpu.wait_indirect_dma semaphore(%arg13 : memref<!tpu.dma_semaphore, #tpu.memory_space<semaphore_mem>>) src(%dma_wait3A_757 : memref<100000x16xf32, #tpu.memory_space<hbm>>) dst(%dma_wait3A_751 : memref<256x16xf32, #tpu.memory_space<vmem>>)
        %parallel_loop3A = arith.constant 0 : i32
        %parallel_loop3A_758 = arith.constant 256 : i32
        %parallel_loop3A_759 = arith.constant 1 : i32
        scf.for %parallel_loop3A_760 = %parallel_loop3A to %parallel_loop3A_758 step %parallel_loop3A_759  : i32 {
          %parallel_loop3A_761 = arith.constant 1 : i32
          %parallel_loop3A_762 = arith.index_cast %parallel_loop3A_761 : i32 to index
          %parallel_loop3A_763 = arith.index_cast %parallel_loop3A_760 : i32 to index
          %parallel_loop3A_764 = arith.constant 0 : index
          %parallel_loop3A_765 = tpu.vector_load %arg9[%parallel_loop3A_762, %parallel_loop3A_763, %parallel_loop3A_764] {strides = array<i32>} : memref<3x256x16xf32, #tpu.memory_space<vmem>>, vector<1x1x16xf32>,
          %parallel_loop3A_766 = vector.shape_cast %parallel_loop3A_765 : vector<1x1x16xf32> to vector<16xf32>
          %parallel_loop3A_767 = arith.constant 1 : i32
          %parallel_loop3A_768 = arith.index_cast %parallel_loop3A_767 : i32 to index
          %parallel_loop3A_769 = arith.index_cast %parallel_loop3A_760 : i32 to index
          %parallel_loop3A_770 = arith.constant 0 : index
          %parallel_loop3A_771 = tpu.vector_load %arg10[%parallel_loop3A_768, %parallel_loop3A_769, %parallel_loop3A_770] {strides = array<i32>} : memref<4x256x16xf32, #tpu.memory_space<vmem>>, vector<1x1x16xf32>,
          %parallel_loop3A_772 = vector.shape_cast %parallel_loop3A_771 : vector<1x1x16xf32> to vector<16xf32>
          %parallel_loop3A_773 = arith.addf %parallel_loop3A_766, %parallel_loop3A_772 : vector<16xf32>
          %parallel_loop3A_774 = arith.constant 0.000000e+00 : f32
          %parallel_loop3A_775 = vector.broadcast %parallel_loop3A_774 : f32 to vector<16xf32>
          %parallel_loop3A_776 = arith.cmpf oge, %parallel_loop3A_773, %parallel_loop3A_775 : vector<16xf32>
          %parallel_loop3A_777 = arith.constant 2.000000e-01 : f32
          %parallel_loop3A_778 = vector.broadcast %parallel_loop3A_777 : f32 to vector<16xf32>
          %parallel_loop3A_779 = arith.mulf %parallel_loop3A_778, %parallel_loop3A_773 : vector<16xf32>
          %parallel_loop3A_780 = arith.select %parallel_loop3A_776, %parallel_loop3A_773, %parallel_loop3A_779 : vector<16xi1>, vector<16xf32>
          %parallel_loop3A_781 = vector.shape_cast %and3A_6 : vector<16xi32> to vector<16x1xi32>
          %parallel_loop3A_782 = vector.shape_cast %parallel_loop3A_781 : vector<16x1xi32> to vector<16xi32>
          %parallel_loop3A_783 = tpu.dynamic_gather %parallel_loop3A_780[%parallel_loop3A_782] in [0] : vector<16xf32>, vector<16xi32> -> vector<16xf32>
          %parallel_loop3A_784 = math.exp %parallel_loop3A_783 : vector<16xf32>
          %parallel_loop3A_785 = arith.constant 1.000000e+00 : f32
          %parallel_loop3A_786 = vector.broadcast %parallel_loop3A_785 : f32 to vector<16xf32>
          %parallel_loop3A_787 = arith.select %lt3A_9, %parallel_loop3A_786, %parallel_loop3A_766 : vector<16xi1>, vector<16xf32>
          %parallel_loop3A_788 = arith.mulf %parallel_loop3A_784, %parallel_loop3A_787 : vector<16xf32>
          %parallel_loop3A_789 = arith.constant 1 : i32
          %parallel_loop3A_790 = arith.index_cast %parallel_loop3A_789 : i32 to index
          %parallel_loop3A_791 = arith.index_cast %parallel_loop3A_760 : i32 to index
          %parallel_loop3A_792 = arith.constant 0 : index
          %parallel_loop3A_793 = tpu.vector_load %arg10[%parallel_loop3A_790, %parallel_loop3A_791, %parallel_loop3A_792] {strides = array<i32>} : memref<4x256x16xf32, #tpu.memory_space<vmem>>, vector<1x1x16xf32>,
          %parallel_loop3A_794 = vector.shape_cast %parallel_loop3A_793 : vector<1x1x16xf32> to vector<16xf32>
          %parallel_loop3A_795 = vector.shape_cast %parallel_loop3A_788 : vector<16xf32> to vector<1x1x16xf32>
          tpu.vector_store %arg10[%parallel_loop3A_790, %parallel_loop3A_791, %parallel_loop3A_792], %parallel_loop3A_795 {strides = array<i32>} : memref<4x256x16xf32, #tpu.memory_space<vmem>>, vector<1x1x16xf32>,
        } {sc.loop_unroll_factor = 8 : i64, sc.parallel_access}
      } else {
      }
      %gt3A_171 = arith.constant 0 : i32
      %gt3A_172 = arith.cmpi sgt, %add3A_152, %gt3A_171 : i32
      %sub3A_173 = arith.constant 1 : i32
      %sub3A_174 = arith.subi %add3A_152, %sub3A_173 : i32
      %mul3A_175 = arith.constant 32 : i32
      %mul3A_176 = arith.muli %mul3A_175, %sub3A_174 : i32
      %add3A_177 = arith.addi %add3A, %mul3A_176 : i32
      %lt3A_178 = arith.constant 12500 : i32
      %lt3A_179 = arith.cmpi slt, %add3A_177, %lt3A_178 : i32
      %and3A_180 = arith.andi %gt3A_172, %lt3A_179 : i1
      %convert_element_type3A_181 = arith.extui %and3A_180 : i1 to i32
      %cond3A_182 = arith.constant 0 : i32
      %cond3A_183 = arith.cmpi ne, %convert_element_type3A_181, %cond3A_182 : i32
      scf.if %cond3A_183 {
        %dma_wait3A = arith.constant 0 : i32
        %dma_wait3A_733 = arith.constant 0 : i32
        %dma_wait3A_734 = arith.constant 1 : i32
        %dma_wait3A_735 = arith.constant 0 : i32
        %dma_wait3A_736 = arith.constant 0 : i32
        %dma_wait3A_737 = tpu.memref_slice %arg10[%dma_wait3A, %dma_wait3A_735, %dma_wait3A_736] : memref<4x256x16xf32, #tpu.memory_space<vmem>> -> memref<1x256x16xf32, #tpu.memory_space<vmem>>
        %dma_wait3A_738 = tpu.memref_squeeze %dma_wait3A_737 : memref<1x256x16xf32, #tpu.memory_space<vmem>> -> memref<256x16xf32, #tpu.memory_space<vmem>>
        %dma_wait3A_739 = arith.constant 0 : i32
        %dma_wait3A_740 = tpu.memref_slice %arg8[%dma_wait3A_733, %dma_wait3A_734, %dma_wait3A_739] : memref<4x2x256xi32, #tpu.memory_space<vmem>> -> memref<1x1x256xi32, #tpu.memory_space<vmem>>
        %dma_wait3A_741 = tpu.memref_squeeze %dma_wait3A_740 : memref<1x1x256xi32, #tpu.memory_space<vmem>> -> memref<256xi32, #tpu.memory_space<vmem>>
        %dma_wait3A_742 = arith.constant 0 : i32
        %dma_wait3A_743 = arith.constant 0 : i32
        %dma_wait3A_744 = tpu.memref_slice %arg7[%dma_wait3A_742, %dma_wait3A_743] : memref<100000x16xf32, #tpu.memory_space<vmem_shared>> -> memref<100000x16xf32, #tpu.memory_space<vmem_shared>>
        tpu.wait_indirect_dma semaphore(%arg15 : memref<!tpu.dma_semaphore, #tpu.memory_space<semaphore_mem>>) src(%dma_wait3A_738 : memref<256x16xf32, #tpu.memory_space<vmem>>) dst(%dma_wait3A_744 : memref<100000x16xf32, #tpu.memory_space<vmem_shared>>)
      } else {
      }
      %mul3A_184 = arith.constant 32 : i32
      %mul3A_185 = arith.muli %mul3A_184, %add3A_152 : i32
      %add3A_186 = arith.addi %add3A, %mul3A_185 : i32
      %lt3A_187 = arith.constant 12500 : i32
      %lt3A_188 = arith.cmpi slt, %add3A_186, %lt3A_187 : i32
      %convert_element_type3A_189 = arith.extui %lt3A_188 : i1 to i32
      %cond3A_190 = arith.constant 0 : i32
      %cond3A_191 = arith.cmpi ne, %convert_element_type3A_189, %cond3A_190 : i32
      scf.if %cond3A_191 {
        %dma_start3A_733 = arith.constant 1 : i32
        %dma_start3A_734 = arith.constant 1 : i32
        %dma_start3A_735 = arith.constant 1 : i32
        %dma_start3A_736 = arith.constant 0 : i32
        %dma_start3A_737 = arith.constant 0 : i32
        %dma_start3A_738 = tpu.memref_slice %arg10[%dma_start3A_733, %dma_start3A_736, %dma_start3A_737] : memref<4x256x16xf32, #tpu.memory_space<vmem>> -> memref<1x256x16xf32, #tpu.memory_space<vmem>>
        %dma_start3A_739 = tpu.memref_squeeze %dma_start3A_738 : memref<1x256x16xf32, #tpu.memory_space<vmem>> -> memref<256x16xf32, #tpu.memory_space<vmem>>
        %dma_start3A_740 = arith.constant 0 : i32
        %dma_start3A_741 = tpu.memref_slice %arg8[%dma_start3A_734, %dma_start3A_735, %dma_start3A_740] : memref<4x2x256xi32, #tpu.memory_space<vmem>> -> memref<1x1x256xi32, #tpu.memory_space<vmem>>
        %dma_start3A_742 = tpu.memref_squeeze %dma_start3A_741 : memref<1x1x256xi32, #tpu.memory_space<vmem>> -> memref<256xi32, #tpu.memory_space<vmem>>
        %dma_start3A_743 = arith.constant 0 : i32
        %dma_start3A_744 = arith.constant 0 : i32
        %dma_start3A_745 = tpu.memref_slice %arg7[%dma_start3A_743, %dma_start3A_744] : memref<100000x16xf32, #tpu.memory_space<vmem_shared>> -> memref<100000x16xf32, #tpu.memory_space<vmem_shared>>
        tpu.enqueue_indirect_dma source(%dma_start3A_739 : memref<256x16xf32, #tpu.memory_space<vmem>>) target(%dma_start3A_745 : memref<100000x16xf32, #tpu.memory_space<vmem_shared>>) offsets(%dma_start3A_742 : memref<256xi32, #tpu.memory_space<vmem>>) semaphore(%arg15 : memref<!tpu.dma_semaphore, #tpu.memory_space<semaphore_mem>>) {add = true}
      } else {
      }
      %add3A_192 = arith.constant 3 : i32
      %add3A_193 = arith.addi %add3A_152, %add3A_192 : i32
      %mul3A_194 = arith.constant 32 : i32
      %mul3A_195 = arith.muli %mul3A_194, %add3A_193 : i32
      %add3A_196 = arith.addi %add3A, %mul3A_195 : i32
      %lt3A_197 = arith.constant 12500 : i32
      %lt3A_198 = arith.cmpi slt, %add3A_196, %lt3A_197 : i32
      %convert_element_type3A_199 = arith.extui %lt3A_198 : i1 to i32
      %cond3A_200 = arith.constant 0 : i32
      %cond3A_201 = arith.cmpi ne, %convert_element_type3A_199, %cond3A_200 : i32
      scf.if %cond3A_201 {
        %add3A_733 = arith.constant 3 : i32
        %add3A_734 = arith.addi %add3A_152, %add3A_733 : i32
        %mul3A_735 = arith.constant 32 : i32
        %mul3A_736 = arith.muli %mul3A_735, %add3A_734 : i32
        %add3A_737 = arith.addi %add3A, %mul3A_736 : i32
        %mul3A_738 = arith.constant 256 : i32
        %mul3A_739 = arith.muli %add3A_737, %mul3A_738 : i32
        %dma_start3A_740 = arith.constant 0 : i32
        %dma_start3A_741 = arith.constant 0 : i32
        %dma_start3A_742 = arith.constant 0 : i32
        %dma_start3A_743 = tpu.memref_slice %arg8[%dma_start3A_740, %dma_start3A_741, %dma_start3A_742] : memref<4x2x256xi32, #tpu.memory_space<vmem>> -> memref<1x2x256xi32, #tpu.memory_space<vmem>>
        %dma_start3A_744 = tpu.memref_squeeze %dma_start3A_743 : memref<1x2x256xi32, #tpu.memory_space<vmem>> -> memref<2x256xi32, #tpu.memory_space<vmem>>
        %dma_start3A_745 = arith.constant 0 : i32
        %dma_start3A_746 = tpu.memref_slice %arg5[%dma_start3A_745, %mul3A_739] : memref<2x3200000xi32, #tpu.memory_space<hbm>> -> memref<2x256xi32, #tpu.memory_space<hbm>>
        %dma_start3A_747 = arith.constant 0 : i32
        %dma_start3A_748 = arith.constant 0 : i32
        %dma_start3A_749 = tpu.memref_slice %arg8[%dma_start3A_740, %dma_start3A_747, %dma_start3A_748] : memref<4x2x256xi32, #tpu.memory_space<vmem>> -> memref<1x2x256xi32, #tpu.memory_space<vmem>>
        %dma_start3A_750 = tpu.memref_squeeze %dma_start3A_749 : memref<1x2x256xi32, #tpu.memory_space<vmem>> -> memref<2x256xi32, #tpu.memory_space<vmem>>
        %dma_start3A_751 = arith.constant 0 : i32
        %dma_start3A_752 = tpu.memref_slice %arg5[%dma_start3A_751, %mul3A_739] : memref<2x3200000xi32, #tpu.memory_space<hbm>> -> memref<2x256xi32, #tpu.memory_space<hbm>>
        tpu.enqueue_dma source(%dma_start3A_752 : memref<2x256xi32, #tpu.memory_space<hbm>>) target(%dma_start3A_750 : memref<2x256xi32, #tpu.memory_space<vmem>>) target_semaphore(%arg11 : memref<!tpu.dma_semaphore, #tpu.memory_space<semaphore_mem>>)
      } else {
      }
      %mul3A_202 = arith.constant 12 : i32
      %mul3A_203 = arith.muli %mul3A_202, %scan3A_98 : i32
      %add3A_204 = arith.constant 2 : i32
      %add3A_205 = arith.addi %mul3A_203, %add3A_204 : i32
      %add3A_206 = arith.constant 2 : i32
      %add3A_207 = arith.addi %add3A_205, %add3A_206 : i32
      %mul3A_208 = arith.constant 32 : i32
      %mul3A_209 = arith.muli %mul3A_208, %add3A_207 : i32
      %add3A_210 = arith.addi %add3A, %mul3A_209 : i32
      %lt3A_211 = arith.constant 12500 : i32
      %lt3A_212 = arith.cmpi slt, %add3A_210, %lt3A_211 : i32
      %convert_element_type3A_213 = arith.extui %lt3A_212 : i1 to i32
      %cond3A_214 = arith.constant 0 : i32
      %cond3A_215 = arith.cmpi ne, %convert_element_type3A_213, %cond3A_214 : i32
      scf.if %cond3A_215 {
        %dma_wait3A = arith.constant 0 : i32
        %dma_wait3A_733 = arith.constant 0 : i32
        %dma_wait3A_734 = arith.constant 0 : i32
        %dma_wait3A_735 = tpu.memref_slice %arg8[%dma_wait3A, %dma_wait3A_733, %dma_wait3A_734] : memref<4x2x256xi32, #tpu.memory_space<vmem>> -> memref<1x2x256xi32, #tpu.memory_space<vmem>>
        %dma_wait3A_736 = tpu.memref_squeeze %dma_wait3A_735 : memref<1x2x256xi32, #tpu.memory_space<vmem>> -> memref<2x256xi32, #tpu.memory_space<vmem>>
        %dma_wait3A_737 = arith.constant 0 : i32
        %dma_wait3A_738 = arith.constant 0 : i32
        %dma_wait3A_739 = tpu.memref_slice %arg5[%dma_wait3A_737, %dma_wait3A_738] : memref<2x3200000xi32, #tpu.memory_space<hbm>> -> memref<2x256xi32, #tpu.memory_space<hbm>>
        %dma_wait3A_740 = arith.constant 0 : i32
        %dma_wait3A_741 = arith.constant 0 : i32
        %dma_wait3A_742 = tpu.memref_slice %arg8[%dma_wait3A, %dma_wait3A_740, %dma_wait3A_741] : memref<4x2x256xi32, #tpu.memory_space<vmem>> -> memref<1x2x256xi32, #tpu.memory_space<vmem>>
        %dma_wait3A_743 = tpu.memref_squeeze %dma_wait3A_742 : memref<1x2x256xi32, #tpu.memory_space<vmem>> -> memref<2x256xi32, #tpu.memory_space<vmem>>
        %dma_wait3A_744 = arith.constant 0 : i32
        %dma_wait3A_745 = arith.constant 0 : i32
        %dma_wait3A_746 = tpu.memref_slice %arg5[%dma_wait3A_744, %dma_wait3A_745] : memref<2x3200000xi32, #tpu.memory_space<hbm>> -> memref<2x256xi32, #tpu.memory_space<hbm>>
        tpu.wait_dma2 semaphore(%arg11 : memref<!tpu.dma_semaphore, #tpu.memory_space<semaphore_mem>>) src(%dma_wait3A_746 : memref<2x256xi32, #tpu.memory_space<hbm>>) dst(%dma_wait3A_743 : memref<2x256xi32, #tpu.memory_space<vmem>>)
        %dma_start3A_747 = arith.constant 0 : i32
        %dma_start3A_748 = arith.constant 0 : i32
        %dma_start3A_749 = arith.constant 1 : i32
        %dma_start3A_750 = arith.constant 0 : i32
        %dma_start3A_751 = arith.constant 0 : i32
        %dma_start3A_752 = tpu.memref_slice %arg9[%dma_start3A_749, %dma_start3A_750, %dma_start3A_751] : memref<3x256x16xf32, #tpu.memory_space<vmem>> -> memref<1x256x16xf32, #tpu.memory_space<vmem>>
        %dma_start3A_753 = tpu.memref_squeeze %dma_start3A_752 : memref<1x256x16xf32, #tpu.memory_space<vmem>> -> memref<256x16xf32, #tpu.memory_space<vmem>>
        %dma_start3A_754 = arith.constant 0 : i32
        %dma_start3A_755 = tpu.memref_slice %arg8[%dma_start3A_747, %dma_start3A_748, %dma_start3A_754] : memref<4x2x256xi32, #tpu.memory_space<vmem>> -> memref<1x1x256xi32, #tpu.memory_space<vmem>>
        %dma_start3A_756 = tpu.memref_squeeze %dma_start3A_755 : memref<1x1x256xi32, #tpu.memory_space<vmem>> -> memref<256xi32, #tpu.memory_space<vmem>>
        %dma_start3A_757 = arith.constant 0 : i32
        %dma_start3A_758 = arith.constant 0 : i32
        %dma_start3A_759 = tpu.memref_slice %arg2[%dma_start3A_757, %dma_start3A_758] : memref<100000x16xf32, #tpu.memory_space<hbm>> -> memref<100000x16xf32, #tpu.memory_space<hbm>>
        tpu.enqueue_indirect_dma source(%dma_start3A_759 : memref<100000x16xf32, #tpu.memory_space<hbm>>) target(%dma_start3A_753 : memref<256x16xf32, #tpu.memory_space<vmem>>) offsets(%dma_start3A_756 : memref<256xi32, #tpu.memory_space<vmem>>) semaphore(%arg13 : memref<!tpu.dma_semaphore, #tpu.memory_space<semaphore_mem>>)
        %dma_start3A_760 = arith.constant 0 : i32
        %dma_start3A_761 = arith.constant 1 : i32
        %dma_start3A_762 = arith.constant 0 : i32
        %dma_start3A_763 = arith.constant 0 : i32
        %dma_start3A_764 = arith.constant 0 : i32
        %dma_start3A_765 = tpu.memref_slice %arg10[%dma_start3A_762, %dma_start3A_763, %dma_start3A_764] : memref<4x256x16xf32, #tpu.memory_space<vmem>> -> memref<1x256x16xf32, #tpu.memory_space<vmem>>
        %dma_start3A_766 = tpu.memref_squeeze %dma_start3A_765 : memref<1x256x16xf32, #tpu.memory_space<vmem>> -> memref<256x16xf32, #tpu.memory_space<vmem>>
        %dma_start3A_767 = arith.constant 0 : i32
        %dma_start3A_768 = tpu.memref_slice %arg8[%dma_start3A_760, %dma_start3A_761, %dma_start3A_767] : memref<4x2x256xi32, #tpu.memory_space<vmem>> -> memref<1x1x256xi32, #tpu.memory_space<vmem>>
        %dma_start3A_769 = tpu.memref_squeeze %dma_start3A_768 : memref<1x1x256xi32, #tpu.memory_space<vmem>> -> memref<256xi32, #tpu.memory_space<vmem>>
        %dma_start3A_770 = arith.constant 0 : i32
        %dma_start3A_771 = arith.constant 0 : i32
        %dma_start3A_772 = tpu.memref_slice %arg3[%dma_start3A_770, %dma_start3A_771] : memref<100000x16xf32, #tpu.memory_space<hbm>> -> memref<100000x16xf32, #tpu.memory_space<hbm>>
        tpu.enqueue_indirect_dma source(%dma_start3A_772 : memref<100000x16xf32, #tpu.memory_space<hbm>>) target(%dma_start3A_766 : memref<256x16xf32, #tpu.memory_space<vmem>>) offsets(%dma_start3A_769 : memref<256xi32, #tpu.memory_space<vmem>>) semaphore(%arg13 : memref<!tpu.dma_semaphore, #tpu.memory_space<semaphore_mem>>)
      } else {
      }
      %mul3A_216 = arith.constant 32 : i32
      %mul3A_217 = arith.muli %mul3A_216, %add3A_205 : i32
      %add3A_218 = arith.addi %add3A, %mul3A_217 : i32
      %lt3A_219 = arith.constant 12500 : i32
      %lt3A_220 = arith.cmpi slt, %add3A_218, %lt3A_219 : i32
      %convert_element_type3A_221 = arith.extui %lt3A_220 : i1 to i32
      %cond3A_222 = arith.constant 0 : i32
      %cond3A_223 = arith.cmpi ne, %convert_element_type3A_221, %cond3A_222 : i32
      scf.if %cond3A_223 {
        %dma_wait3A = arith.constant 2 : i32
        %dma_wait3A_733 = arith.constant 0 : i32
        %dma_wait3A_734 = arith.constant 2 : i32
        %dma_wait3A_735 = arith.constant 0 : i32
        %dma_wait3A_736 = arith.constant 0 : i32
        %dma_wait3A_737 = tpu.memref_slice %arg9[%dma_wait3A_734, %dma_wait3A_735, %dma_wait3A_736] : memref<3x256x16xf32, #tpu.memory_space<vmem>> -> memref<1x256x16xf32, #tpu.memory_space<vmem>>
        %dma_wait3A_738 = tpu.memref_squeeze %dma_wait3A_737 : memref<1x256x16xf32, #tpu.memory_space<vmem>> -> memref<256x16xf32, #tpu.memory_space<vmem>>
        %dma_wait3A_739 = arith.constant 0 : i32
        %dma_wait3A_740 = tpu.memref_slice %arg8[%dma_wait3A, %dma_wait3A_733, %dma_wait3A_739] : memref<4x2x256xi32, #tpu.memory_space<vmem>> -> memref<1x1x256xi32, #tpu.memory_space<vmem>>
        %dma_wait3A_741 = tpu.memref_squeeze %dma_wait3A_740 : memref<1x1x256xi32, #tpu.memory_space<vmem>> -> memref<256xi32, #tpu.memory_space<vmem>>
        %dma_wait3A_742 = arith.constant 0 : i32
        %dma_wait3A_743 = arith.constant 0 : i32
        %dma_wait3A_744 = tpu.memref_slice %arg2[%dma_wait3A_742, %dma_wait3A_743] : memref<100000x16xf32, #tpu.memory_space<hbm>> -> memref<100000x16xf32, #tpu.memory_space<hbm>>
        tpu.wait_indirect_dma semaphore(%arg14 : memref<!tpu.dma_semaphore, #tpu.memory_space<semaphore_mem>>) src(%dma_wait3A_744 : memref<100000x16xf32, #tpu.memory_space<hbm>>) dst(%dma_wait3A_738 : memref<256x16xf32, #tpu.memory_space<vmem>>)
        %dma_wait3A_745 = arith.constant 2 : i32
        %dma_wait3A_746 = arith.constant 1 : i32
        %dma_wait3A_747 = arith.constant 2 : i32
        %dma_wait3A_748 = arith.constant 0 : i32
        %dma_wait3A_749 = arith.constant 0 : i32
        %dma_wait3A_750 = tpu.memref_slice %arg10[%dma_wait3A_747, %dma_wait3A_748, %dma_wait3A_749] : memref<4x256x16xf32, #tpu.memory_space<vmem>> -> memref<1x256x16xf32, #tpu.memory_space<vmem>>
        %dma_wait3A_751 = tpu.memref_squeeze %dma_wait3A_750 : memref<1x256x16xf32, #tpu.memory_space<vmem>> -> memref<256x16xf32, #tpu.memory_space<vmem>>
        %dma_wait3A_752 = arith.constant 0 : i32
        %dma_wait3A_753 = tpu.memref_slice %arg8[%dma_wait3A_745, %dma_wait3A_746, %dma_wait3A_752] : memref<4x2x256xi32, #tpu.memory_space<vmem>> -> memref<1x1x256xi32, #tpu.memory_space<vmem>>
        %dma_wait3A_754 = tpu.memref_squeeze %dma_wait3A_753 : memref<1x1x256xi32, #tpu.memory_space<vmem>> -> memref<256xi32, #tpu.memory_space<vmem>>
        %dma_wait3A_755 = arith.constant 0 : i32
        %dma_wait3A_756 = arith.constant 0 : i32
        %dma_wait3A_757 = tpu.memref_slice %arg3[%dma_wait3A_755, %dma_wait3A_756] : memref<100000x16xf32, #tpu.memory_space<hbm>> -> memref<100000x16xf32, #tpu.memory_space<hbm>>
        tpu.wait_indirect_dma semaphore(%arg14 : memref<!tpu.dma_semaphore, #tpu.memory_space<semaphore_mem>>) src(%dma_wait3A_757 : memref<100000x16xf32, #tpu.memory_space<hbm>>) dst(%dma_wait3A_751 : memref<256x16xf32, #tpu.memory_space<vmem>>)
        %parallel_loop3A = arith.constant 0 : i32
        %parallel_loop3A_758 = arith.constant 256 : i32
        %parallel_loop3A_759 = arith.constant 1 : i32
        scf.for %parallel_loop3A_760 = %parallel_loop3A to %parallel_loop3A_758 step %parallel_loop3A_759  : i32 {
          %parallel_loop3A_761 = arith.constant 2 : i32
          %parallel_loop3A_762 = arith.index_cast %parallel_loop3A_761 : i32 to index
          %parallel_loop3A_763 = arith.index_cast %parallel_loop3A_760 : i32 to index
          %parallel_loop3A_764 = arith.constant 0 : index
          %parallel_loop3A_765 = tpu.vector_load %arg9[%parallel_loop3A_762, %parallel_loop3A_763, %parallel_loop3A_764] {strides = array<i32>} : memref<3x256x16xf32, #tpu.memory_space<vmem>>, vector<1x1x16xf32>,
          %parallel_loop3A_766 = vector.shape_cast %parallel_loop3A_765 : vector<1x1x16xf32> to vector<16xf32>
          %parallel_loop3A_767 = arith.constant 2 : i32
          %parallel_loop3A_768 = arith.index_cast %parallel_loop3A_767 : i32 to index
          %parallel_loop3A_769 = arith.index_cast %parallel_loop3A_760 : i32 to index
          %parallel_loop3A_770 = arith.constant 0 : index
          %parallel_loop3A_771 = tpu.vector_load %arg10[%parallel_loop3A_768, %parallel_loop3A_769, %parallel_loop3A_770] {strides = array<i32>} : memref<4x256x16xf32, #tpu.memory_space<vmem>>, vector<1x1x16xf32>,
          %parallel_loop3A_772 = vector.shape_cast %parallel_loop3A_771 : vector<1x1x16xf32> to vector<16xf32>
          %parallel_loop3A_773 = arith.addf %parallel_loop3A_766, %parallel_loop3A_772 : vector<16xf32>
          %parallel_loop3A_774 = arith.constant 0.000000e+00 : f32
          %parallel_loop3A_775 = vector.broadcast %parallel_loop3A_774 : f32 to vector<16xf32>
          %parallel_loop3A_776 = arith.cmpf oge, %parallel_loop3A_773, %parallel_loop3A_775 : vector<16xf32>
          %parallel_loop3A_777 = arith.constant 2.000000e-01 : f32
          %parallel_loop3A_778 = vector.broadcast %parallel_loop3A_777 : f32 to vector<16xf32>
          %parallel_loop3A_779 = arith.mulf %parallel_loop3A_778, %parallel_loop3A_773 : vector<16xf32>
          %parallel_loop3A_780 = arith.select %parallel_loop3A_776, %parallel_loop3A_773, %parallel_loop3A_779 : vector<16xi1>, vector<16xf32>
          %parallel_loop3A_781 = vector.shape_cast %and3A_6 : vector<16xi32> to vector<16x1xi32>
          %parallel_loop3A_782 = vector.shape_cast %parallel_loop3A_781 : vector<16x1xi32> to vector<16xi32>
          %parallel_loop3A_783 = tpu.dynamic_gather %parallel_loop3A_780[%parallel_loop3A_782] in [0] : vector<16xf32>, vector<16xi32> -> vector<16xf32>
          %parallel_loop3A_784 = math.exp %parallel_loop3A_783 : vector<16xf32>
          %parallel_loop3A_785 = arith.constant 1.000000e+00 : f32
          %parallel_loop3A_786 = vector.broadcast %parallel_loop3A_785 : f32 to vector<16xf32>
          %parallel_loop3A_787 = arith.select %lt3A_9, %parallel_loop3A_786, %parallel_loop3A_766 : vector<16xi1>, vector<16xf32>
          %parallel_loop3A_788 = arith.mulf %parallel_loop3A_784, %parallel_loop3A_787 : vector<16xf32>
          %parallel_loop3A_789 = arith.constant 2 : i32
          %parallel_loop3A_790 = arith.index_cast %parallel_loop3A_789 : i32 to index
          %parallel_loop3A_791 = arith.index_cast %parallel_loop3A_760 : i32 to index
          %parallel_loop3A_792 = arith.constant 0 : index
          %parallel_loop3A_793 = tpu.vector_load %arg10[%parallel_loop3A_790, %parallel_loop3A_791, %parallel_loop3A_792] {strides = array<i32>} : memref<4x256x16xf32, #tpu.memory_space<vmem>>, vector<1x1x16xf32>,
          %parallel_loop3A_794 = vector.shape_cast %parallel_loop3A_793 : vector<1x1x16xf32> to vector<16xf32>
          %parallel_loop3A_795 = vector.shape_cast %parallel_loop3A_788 : vector<16xf32> to vector<1x1x16xf32>
          tpu.vector_store %arg10[%parallel_loop3A_790, %parallel_loop3A_791, %parallel_loop3A_792], %parallel_loop3A_795 {strides = array<i32>} : memref<4x256x16xf32, #tpu.memory_space<vmem>>, vector<1x1x16xf32>,
        } {sc.loop_unroll_factor = 8 : i64, sc.parallel_access}
      } else {
      }
      %gt3A_224 = arith.constant 0 : i32
      %gt3A_225 = arith.cmpi sgt, %add3A_205, %gt3A_224 : i32
      %sub3A_226 = arith.constant 1 : i32
      %sub3A_227 = arith.subi %add3A_205, %sub3A_226 : i32
      %mul3A_228 = arith.constant 32 : i32
      %mul3A_229 = arith.muli %mul3A_228, %sub3A_227 : i32
      %add3A_230 = arith.addi %add3A, %mul3A_229 : i32
      %lt3A_231 = arith.constant 12500 : i32
      %lt3A_232 = arith.cmpi slt, %add3A_230, %lt3A_231 : i32
      %and3A_233 = arith.andi %gt3A_225, %lt3A_232 : i1
      %convert_element_type3A_234 = arith.extui %and3A_233 : i1 to i32
      %cond3A_235 = arith.constant 0 : i32
      %cond3A_236 = arith.cmpi ne, %convert_element_type3A_234, %cond3A_235 : i32
      scf.if %cond3A_236 {
        %dma_wait3A = arith.constant 1 : i32
        %dma_wait3A_733 = arith.constant 1 : i32
        %dma_wait3A_734 = arith.constant 1 : i32
        %dma_wait3A_735 = arith.constant 0 : i32
        %dma_wait3A_736 = arith.constant 0 : i32
        %dma_wait3A_737 = tpu.memref_slice %arg10[%dma_wait3A, %dma_wait3A_735, %dma_wait3A_736] : memref<4x256x16xf32, #tpu.memory_space<vmem>> -> memref<1x256x16xf32, #tpu.memory_space<vmem>>
        %dma_wait3A_738 = tpu.memref_squeeze %dma_wait3A_737 : memref<1x256x16xf32, #tpu.memory_space<vmem>> -> memref<256x16xf32, #tpu.memory_space<vmem>>
        %dma_wait3A_739 = arith.constant 0 : i32
        %dma_wait3A_740 = tpu.memref_slice %arg8[%dma_wait3A_733, %dma_wait3A_734, %dma_wait3A_739] : memref<4x2x256xi32, #tpu.memory_space<vmem>> -> memref<1x1x256xi32, #tpu.memory_space<vmem>>
        %dma_wait3A_741 = tpu.memref_squeeze %dma_wait3A_740 : memref<1x1x256xi32, #tpu.memory_space<vmem>> -> memref<256xi32, #tpu.memory_space<vmem>>
        %dma_wait3A_742 = arith.constant 0 : i32
        %dma_wait3A_743 = arith.constant 0 : i32
        %dma_wait3A_744 = tpu.memref_slice %arg7[%dma_wait3A_742, %dma_wait3A_743] : memref<100000x16xf32, #tpu.memory_space<vmem_shared>> -> memref<100000x16xf32, #tpu.memory_space<vmem_shared>>
        tpu.wait_indirect_dma semaphore(%arg15 : memref<!tpu.dma_semaphore, #tpu.memory_space<semaphore_mem>>) src(%dma_wait3A_738 : memref<256x16xf32, #tpu.memory_space<vmem>>) dst(%dma_wait3A_744 : memref<100000x16xf32, #tpu.memory_space<vmem_shared>>)
      } else {
      }
      %mul3A_237 = arith.constant 32 : i32
      %mul3A_238 = arith.muli %mul3A_237, %add3A_205 : i32
      %add3A_239 = arith.addi %add3A, %mul3A_238 : i32
      %lt3A_240 = arith.constant 12500 : i32
      %lt3A_241 = arith.cmpi slt, %add3A_239, %lt3A_240 : i32
      %convert_element_type3A_242 = arith.extui %lt3A_241 : i1 to i32
      %cond3A_243 = arith.constant 0 : i32
      %cond3A_244 = arith.cmpi ne, %convert_element_type3A_242, %cond3A_243 : i32
      scf.if %cond3A_244 {
        %dma_start3A_733 = arith.constant 2 : i32
        %dma_start3A_734 = arith.constant 2 : i32
        %dma_start3A_735 = arith.constant 1 : i32
        %dma_start3A_736 = arith.constant 0 : i32
        %dma_start3A_737 = arith.constant 0 : i32
        %dma_start3A_738 = tpu.memref_slice %arg10[%dma_start3A_733, %dma_start3A_736, %dma_start3A_737] : memref<4x256x16xf32, #tpu.memory_space<vmem>> -> memref<1x256x16xf32, #tpu.memory_space<vmem>>
        %dma_start3A_739 = tpu.memref_squeeze %dma_start3A_738 : memref<1x256x16xf32, #tpu.memory_space<vmem>> -> memref<256x16xf32, #tpu.memory_space<vmem>>
        %dma_start3A_740 = arith.constant 0 : i32
        %dma_start3A_741 = tpu.memref_slice %arg8[%dma_start3A_734, %dma_start3A_735, %dma_start3A_740] : memref<4x2x256xi32, #tpu.memory_space<vmem>> -> memref<1x1x256xi32, #tpu.memory_space<vmem>>
        %dma_start3A_742 = tpu.memref_squeeze %dma_start3A_741 : memref<1x1x256xi32, #tpu.memory_space<vmem>> -> memref<256xi32, #tpu.memory_space<vmem>>
        %dma_start3A_743 = arith.constant 0 : i32
        %dma_start3A_744 = arith.constant 0 : i32
        %dma_start3A_745 = tpu.memref_slice %arg7[%dma_start3A_743, %dma_start3A_744] : memref<100000x16xf32, #tpu.memory_space<vmem_shared>> -> memref<100000x16xf32, #tpu.memory_space<vmem_shared>>
        tpu.enqueue_indirect_dma source(%dma_start3A_739 : memref<256x16xf32, #tpu.memory_space<vmem>>) target(%dma_start3A_745 : memref<100000x16xf32, #tpu.memory_space<vmem_shared>>) offsets(%dma_start3A_742 : memref<256xi32, #tpu.memory_space<vmem>>) semaphore(%arg15 : memref<!tpu.dma_semaphore, #tpu.memory_space<semaphore_mem>>) {add = true}
      } else {
      }
      %add3A_245 = arith.constant 3 : i32
      %add3A_246 = arith.addi %add3A_205, %add3A_245 : i32
      %mul3A_247 = arith.constant 32 : i32
      %mul3A_248 = arith.muli %mul3A_247, %add3A_246 : i32
      %add3A_249 = arith.addi %add3A, %mul3A_248 : i32
      %lt3A_250 = arith.constant 12500 : i32
      %lt3A_251 = arith.cmpi slt, %add3A_249, %lt3A_250 : i32
      %convert_element_type3A_252 = arith.extui %lt3A_251 : i1 to i32
      %cond3A_253 = arith.constant 0 : i32
      %cond3A_254 = arith.cmpi ne, %convert_element_type3A_252, %cond3A_253 : i32
      scf.if %cond3A_254 {
        %add3A_733 = arith.constant 3 : i32
        %add3A_734 = arith.addi %add3A_205, %add3A_733 : i32
        %mul3A_735 = arith.constant 32 : i32
        %mul3A_736 = arith.muli %mul3A_735, %add3A_734 : i32
        %add3A_737 = arith.addi %add3A, %mul3A_736 : i32
        %mul3A_738 = arith.constant 256 : i32
        %mul3A_739 = arith.muli %add3A_737, %mul3A_738 : i32
        %dma_start3A_740 = arith.constant 1 : i32
        %dma_start3A_741 = arith.constant 0 : i32
        %dma_start3A_742 = arith.constant 0 : i32
        %dma_start3A_743 = tpu.memref_slice %arg8[%dma_start3A_740, %dma_start3A_741, %dma_start3A_742] : memref<4x2x256xi32, #tpu.memory_space<vmem>> -> memref<1x2x256xi32, #tpu.memory_space<vmem>>
        %dma_start3A_744 = tpu.memref_squeeze %dma_start3A_743 : memref<1x2x256xi32, #tpu.memory_space<vmem>> -> memref<2x256xi32, #tpu.memory_space<vmem>>
        %dma_start3A_745 = arith.constant 0 : i32
        %dma_start3A_746 = tpu.memref_slice %arg5[%dma_start3A_745, %mul3A_739] : memref<2x3200000xi32, #tpu.memory_space<hbm>> -> memref<2x256xi32, #tpu.memory_space<hbm>>
        %dma_start3A_747 = arith.constant 0 : i32
        %dma_start3A_748 = arith.constant 0 : i32
        %dma_start3A_749 = tpu.memref_slice %arg8[%dma_start3A_740, %dma_start3A_747, %dma_start3A_748] : memref<4x2x256xi32, #tpu.memory_space<vmem>> -> memref<1x2x256xi32, #tpu.memory_space<vmem>>
        %dma_start3A_750 = tpu.memref_squeeze %dma_start3A_749 : memref<1x2x256xi32, #tpu.memory_space<vmem>> -> memref<2x256xi32, #tpu.memory_space<vmem>>
        %dma_start3A_751 = arith.constant 0 : i32
        %dma_start3A_752 = tpu.memref_slice %arg5[%dma_start3A_751, %mul3A_739] : memref<2x3200000xi32, #tpu.memory_space<hbm>> -> memref<2x256xi32, #tpu.memory_space<hbm>>
        tpu.enqueue_dma source(%dma_start3A_752 : memref<2x256xi32, #tpu.memory_space<hbm>>) target(%dma_start3A_750 : memref<2x256xi32, #tpu.memory_space<vmem>>) target_semaphore(%arg11 : memref<!tpu.dma_semaphore, #tpu.memory_space<semaphore_mem>>)
      } else {
      }
      %mul3A_255 = arith.constant 12 : i32
      %mul3A_256 = arith.muli %mul3A_255, %scan3A_98 : i32
      %add3A_257 = arith.constant 3 : i32
      %add3A_258 = arith.addi %mul3A_256, %add3A_257 : i32
      %add3A_259 = arith.constant 2 : i32
      %add3A_260 = arith.addi %add3A_258, %add3A_259 : i32
      %mul3A_261 = arith.constant 32 : i32
      %mul3A_262 = arith.muli %mul3A_261, %add3A_260 : i32
      %add3A_263 = arith.addi %add3A, %mul3A_262 : i32
      %lt3A_264 = arith.constant 12500 : i32
      %lt3A_265 = arith.cmpi slt, %add3A_263, %lt3A_264 : i32
      %convert_element_type3A_266 = arith.extui %lt3A_265 : i1 to i32
      %cond3A_267 = arith.constant 0 : i32
      %cond3A_268 = arith.cmpi ne, %convert_element_type3A_266, %cond3A_267 : i32
      scf.if %cond3A_268 {
        %dma_wait3A = arith.constant 1 : i32
        %dma_wait3A_733 = arith.constant 0 : i32
        %dma_wait3A_734 = arith.constant 0 : i32
        %dma_wait3A_735 = tpu.memref_slice %arg8[%dma_wait3A, %dma_wait3A_733, %dma_wait3A_734] : memref<4x2x256xi32, #tpu.memory_space<vmem>> -> memref<1x2x256xi32, #tpu.memory_space<vmem>>
        %dma_wait3A_736 = tpu.memref_squeeze %dma_wait3A_735 : memref<1x2x256xi32, #tpu.memory_space<vmem>> -> memref<2x256xi32, #tpu.memory_space<vmem>>
        %dma_wait3A_737 = arith.constant 0 : i32
        %dma_wait3A_738 = arith.constant 0 : i32
        %dma_wait3A_739 = tpu.memref_slice %arg5[%dma_wait3A_737, %dma_wait3A_738] : memref<2x3200000xi32, #tpu.memory_space<hbm>> -> memref<2x256xi32, #tpu.memory_space<hbm>>
        %dma_wait3A_740 = arith.constant 0 : i32
        %dma_wait3A_741 = arith.constant 0 : i32
        %dma_wait3A_742 = tpu.memref_slice %arg8[%dma_wait3A, %dma_wait3A_740, %dma_wait3A_741] : memref<4x2x256xi32, #tpu.memory_space<vmem>> -> memref<1x2x256xi32, #tpu.memory_space<vmem>>
        %dma_wait3A_743 = tpu.memref_squeeze %dma_wait3A_742 : memref<1x2x256xi32, #tpu.memory_space<vmem>> -> memref<2x256xi32, #tpu.memory_space<vmem>>
        %dma_wait3A_744 = arith.constant 0 : i32
        %dma_wait3A_745 = arith.constant 0 : i32
        %dma_wait3A_746 = tpu.memref_slice %arg5[%dma_wait3A_744, %dma_wait3A_745] : memref<2x3200000xi32, #tpu.memory_space<hbm>> -> memref<2x256xi32, #tpu.memory_space<hbm>>
        tpu.wait_dma2 semaphore(%arg11 : memref<!tpu.dma_semaphore, #tpu.memory_space<semaphore_mem>>) src(%dma_wait3A_746 : memref<2x256xi32, #tpu.memory_space<hbm>>) dst(%dma_wait3A_743 : memref<2x256xi32, #tpu.memory_space<vmem>>)
        %dma_start3A_747 = arith.constant 1 : i32
        %dma_start3A_748 = arith.constant 0 : i32
        %dma_start3A_749 = arith.constant 2 : i32
        %dma_start3A_750 = arith.constant 0 : i32
        %dma_start3A_751 = arith.constant 0 : i32
        %dma_start3A_752 = tpu.memref_slice %arg9[%dma_start3A_749, %dma_start3A_750, %dma_start3A_751] : memref<3x256x16xf32, #tpu.memory_space<vmem>> -> memref<1x256x16xf32, #tpu.memory_space<vmem>>
        %dma_start3A_753 = tpu.memref_squeeze %dma_start3A_752 : memref<1x256x16xf32, #tpu.memory_space<vmem>> -> memref<256x16xf32, #tpu.memory_space<vmem>>
        %dma_start3A_754 = arith.constant 0 : i32
        %dma_start3A_755 = tpu.memref_slice %arg8[%dma_start3A_747, %dma_start3A_748, %dma_start3A_754] : memref<4x2x256xi32, #tpu.memory_space<vmem>> -> memref<1x1x256xi32, #tpu.memory_space<vmem>>
        %dma_start3A_756 = tpu.memref_squeeze %dma_start3A_755 : memref<1x1x256xi32, #tpu.memory_space<vmem>> -> memref<256xi32, #tpu.memory_space<vmem>>
        %dma_start3A_757 = arith.constant 0 : i32
        %dma_start3A_758 = arith.constant 0 : i32
        %dma_start3A_759 = tpu.memref_slice %arg2[%dma_start3A_757, %dma_start3A_758] : memref<100000x16xf32, #tpu.memory_space<hbm>> -> memref<100000x16xf32, #tpu.memory_space<hbm>>
        tpu.enqueue_indirect_dma source(%dma_start3A_759 : memref<100000x16xf32, #tpu.memory_space<hbm>>) target(%dma_start3A_753 : memref<256x16xf32, #tpu.memory_space<vmem>>) offsets(%dma_start3A_756 : memref<256xi32, #tpu.memory_space<vmem>>) semaphore(%arg14 : memref<!tpu.dma_semaphore, #tpu.memory_space<semaphore_mem>>)
        %dma_start3A_760 = arith.constant 1 : i32
        %dma_start3A_761 = arith.constant 1 : i32
        %dma_start3A_762 = arith.constant 1 : i32
        %dma_start3A_763 = arith.constant 0 : i32
        %dma_start3A_764 = arith.constant 0 : i32
        %dma_start3A_765 = tpu.memref_slice %arg10[%dma_start3A_762, %dma_start3A_763, %dma_start3A_764] : memref<4x256x16xf32, #tpu.memory_space<vmem>> -> memref<1x256x16xf32, #tpu.memory_space<vmem>>
        %dma_start3A_766 = tpu.memref_squeeze %dma_start3A_765 : memref<1x256x16xf32, #tpu.memory_space<vmem>> -> memref<256x16xf32, #tpu.memory_space<vmem>>
        %dma_start3A_767 = arith.constant 0 : i32
        %dma_start3A_768 = tpu.memref_slice %arg8[%dma_start3A_760, %dma_start3A_761, %dma_start3A_767] : memref<4x2x256xi32, #tpu.memory_space<vmem>> -> memref<1x1x256xi32, #tpu.memory_space<vmem>>
        %dma_start3A_769 = tpu.memref_squeeze %dma_start3A_768 : memref<1x1x256xi32, #tpu.memory_space<vmem>> -> memref<256xi32, #tpu.memory_space<vmem>>
        %dma_start3A_770 = arith.constant 0 : i32
        %dma_start3A_771 = arith.constant 0 : i32
        %dma_start3A_772 = tpu.memref_slice %arg3[%dma_start3A_770, %dma_start3A_771] : memref<100000x16xf32, #tpu.memory_space<hbm>> -> memref<100000x16xf32, #tpu.memory_space<hbm>>
        tpu.enqueue_indirect_dma source(%dma_start3A_772 : memref<100000x16xf32, #tpu.memory_space<hbm>>) target(%dma_start3A_766 : memref<256x16xf32, #tpu.memory_space<vmem>>) offsets(%dma_start3A_769 : memref<256xi32, #tpu.memory_space<vmem>>) semaphore(%arg14 : memref<!tpu.dma_semaphore, #tpu.memory_space<semaphore_mem>>)
      } else {
      }
      %mul3A_269 = arith.constant 32 : i32
      %mul3A_270 = arith.muli %mul3A_269, %add3A_258 : i32
      %add3A_271 = arith.addi %add3A, %mul3A_270 : i32
      %lt3A_272 = arith.constant 12500 : i32
      %lt3A_273 = arith.cmpi slt, %add3A_271, %lt3A_272 : i32
      %convert_element_type3A_274 = arith.extui %lt3A_273 : i1 to i32
      %cond3A_275 = arith.constant 0 : i32
      %cond3A_276 = arith.cmpi ne, %convert_element_type3A_274, %cond3A_275 : i32
      scf.if %cond3A_276 {
        %dma_wait3A = arith.constant 3 : i32
        %dma_wait3A_733 = arith.constant 0 : i32
        %dma_wait3A_734 = arith.constant 0 : i32
        %dma_wait3A_735 = arith.constant 0 : i32
        %dma_wait3A_736 = arith.constant 0 : i32
        %dma_wait3A_737 = tpu.memref_slice %arg9[%dma_wait3A_734, %dma_wait3A_735, %dma_wait3A_736] : memref<3x256x16xf32, #tpu.memory_space<vmem>> -> memref<1x256x16xf32, #tpu.memory_space<vmem>>
        %dma_wait3A_738 = tpu.memref_squeeze %dma_wait3A_737 : memref<1x256x16xf32, #tpu.memory_space<vmem>> -> memref<256x16xf32, #tpu.memory_space<vmem>>
        %dma_wait3A_739 = arith.constant 0 : i32
        %dma_wait3A_740 = tpu.memref_slice %arg8[%dma_wait3A, %dma_wait3A_733, %dma_wait3A_739] : memref<4x2x256xi32, #tpu.memory_space<vmem>> -> memref<1x1x256xi32, #tpu.memory_space<vmem>>
        %dma_wait3A_741 = tpu.memref_squeeze %dma_wait3A_740 : memref<1x1x256xi32, #tpu.memory_space<vmem>> -> memref<256xi32, #tpu.memory_space<vmem>>
        %dma_wait3A_742 = arith.constant 0 : i32
        %dma_wait3A_743 = arith.constant 0 : i32
        %dma_wait3A_744 = tpu.memref_slice %arg2[%dma_wait3A_742, %dma_wait3A_743] : memref<100000x16xf32, #tpu.memory_space<hbm>> -> memref<100000x16xf32, #tpu.memory_space<hbm>>
        tpu.wait_indirect_dma semaphore(%arg12 : memref<!tpu.dma_semaphore, #tpu.memory_space<semaphore_mem>>) src(%dma_wait3A_744 : memref<100000x16xf32, #tpu.memory_space<hbm>>) dst(%dma_wait3A_738 : memref<256x16xf32, #tpu.memory_space<vmem>>)
        %dma_wait3A_745 = arith.constant 3 : i32
        %dma_wait3A_746 = arith.constant 1 : i32
        %dma_wait3A_747 = arith.constant 3 : i32
        %dma_wait3A_748 = arith.constant 0 : i32
        %dma_wait3A_749 = arith.constant 0 : i32
        %dma_wait3A_750 = tpu.memref_slice %arg10[%dma_wait3A_747, %dma_wait3A_748, %dma_wait3A_749] : memref<4x256x16xf32, #tpu.memory_space<vmem>> -> memref<1x256x16xf32, #tpu.memory_space<vmem>>
        %dma_wait3A_751 = tpu.memref_squeeze %dma_wait3A_750 : memref<1x256x16xf32, #tpu.memory_space<vmem>> -> memref<256x16xf32, #tpu.memory_space<vmem>>
        %dma_wait3A_752 = arith.constant 0 : i32
        %dma_wait3A_753 = tpu.memref_slice %arg8[%dma_wait3A_745, %dma_wait3A_746, %dma_wait3A_752] : memref<4x2x256xi32, #tpu.memory_space<vmem>> -> memref<1x1x256xi32, #tpu.memory_space<vmem>>
        %dma_wait3A_754 = tpu.memref_squeeze %dma_wait3A_753 : memref<1x1x256xi32, #tpu.memory_space<vmem>> -> memref<256xi32, #tpu.memory_space<vmem>>
        %dma_wait3A_755 = arith.constant 0 : i32
        %dma_wait3A_756 = arith.constant 0 : i32
        %dma_wait3A_757 = tpu.memref_slice %arg3[%dma_wait3A_755, %dma_wait3A_756] : memref<100000x16xf32, #tpu.memory_space<hbm>> -> memref<100000x16xf32, #tpu.memory_space<hbm>>
        tpu.wait_indirect_dma semaphore(%arg12 : memref<!tpu.dma_semaphore, #tpu.memory_space<semaphore_mem>>) src(%dma_wait3A_757 : memref<100000x16xf32, #tpu.memory_space<hbm>>) dst(%dma_wait3A_751 : memref<256x16xf32, #tpu.memory_space<vmem>>)
        %parallel_loop3A = arith.constant 0 : i32
        %parallel_loop3A_758 = arith.constant 256 : i32
        %parallel_loop3A_759 = arith.constant 1 : i32
        scf.for %parallel_loop3A_760 = %parallel_loop3A to %parallel_loop3A_758 step %parallel_loop3A_759  : i32 {
          %parallel_loop3A_761 = arith.constant 0 : i32
          %parallel_loop3A_762 = arith.index_cast %parallel_loop3A_761 : i32 to index
          %parallel_loop3A_763 = arith.index_cast %parallel_loop3A_760 : i32 to index
          %parallel_loop3A_764 = arith.constant 0 : index
          %parallel_loop3A_765 = tpu.vector_load %arg9[%parallel_loop3A_762, %parallel_loop3A_763, %parallel_loop3A_764] {strides = array<i32>} : memref<3x256x16xf32, #tpu.memory_space<vmem>>, vector<1x1x16xf32>,
          %parallel_loop3A_766 = vector.shape_cast %parallel_loop3A_765 : vector<1x1x16xf32> to vector<16xf32>
          %parallel_loop3A_767 = arith.constant 3 : i32
          %parallel_loop3A_768 = arith.index_cast %parallel_loop3A_767 : i32 to index
          %parallel_loop3A_769 = arith.index_cast %parallel_loop3A_760 : i32 to index
          %parallel_loop3A_770 = arith.constant 0 : index
          %parallel_loop3A_771 = tpu.vector_load %arg10[%parallel_loop3A_768, %parallel_loop3A_769, %parallel_loop3A_770] {strides = array<i32>} : memref<4x256x16xf32, #tpu.memory_space<vmem>>, vector<1x1x16xf32>,
          %parallel_loop3A_772 = vector.shape_cast %parallel_loop3A_771 : vector<1x1x16xf32> to vector<16xf32>
          %parallel_loop3A_773 = arith.addf %parallel_loop3A_766, %parallel_loop3A_772 : vector<16xf32>
          %parallel_loop3A_774 = arith.constant 0.000000e+00 : f32
          %parallel_loop3A_775 = vector.broadcast %parallel_loop3A_774 : f32 to vector<16xf32>
          %parallel_loop3A_776 = arith.cmpf oge, %parallel_loop3A_773, %parallel_loop3A_775 : vector<16xf32>
          %parallel_loop3A_777 = arith.constant 2.000000e-01 : f32
          %parallel_loop3A_778 = vector.broadcast %parallel_loop3A_777 : f32 to vector<16xf32>
          %parallel_loop3A_779 = arith.mulf %parallel_loop3A_778, %parallel_loop3A_773 : vector<16xf32>
          %parallel_loop3A_780 = arith.select %parallel_loop3A_776, %parallel_loop3A_773, %parallel_loop3A_779 : vector<16xi1>, vector<16xf32>
          %parallel_loop3A_781 = vector.shape_cast %and3A_6 : vector<16xi32> to vector<16x1xi32>
          %parallel_loop3A_782 = vector.shape_cast %parallel_loop3A_781 : vector<16x1xi32> to vector<16xi32>
          %parallel_loop3A_783 = tpu.dynamic_gather %parallel_loop3A_780[%parallel_loop3A_782] in [0] : vector<16xf32>, vector<16xi32> -> vector<16xf32>
          %parallel_loop3A_784 = math.exp %parallel_loop3A_783 : vector<16xf32>
          %parallel_loop3A_785 = arith.constant 1.000000e+00 : f32
          %parallel_loop3A_786 = vector.broadcast %parallel_loop3A_785 : f32 to vector<16xf32>
          %parallel_loop3A_787 = arith.select %lt3A_9, %parallel_loop3A_786, %parallel_loop3A_766 : vector<16xi1>, vector<16xf32>
          %parallel_loop3A_788 = arith.mulf %parallel_loop3A_784, %parallel_loop3A_787 : vector<16xf32>
          %parallel_loop3A_789 = arith.constant 3 : i32
          %parallel_loop3A_790 = arith.index_cast %parallel_loop3A_789 : i32 to index
          %parallel_loop3A_791 = arith.index_cast %parallel_loop3A_760 : i32 to index
          %parallel_loop3A_792 = arith.constant 0 : index
          %parallel_loop3A_793 = tpu.vector_load %arg10[%parallel_loop3A_790, %parallel_loop3A_791, %parallel_loop3A_792] {strides = array<i32>} : memref<4x256x16xf32, #tpu.memory_space<vmem>>, vector<1x1x16xf32>,
          %parallel_loop3A_794 = vector.shape_cast %parallel_loop3A_793 : vector<1x1x16xf32> to vector<16xf32>
          %parallel_loop3A_795 = vector.shape_cast %parallel_loop3A_788 : vector<16xf32> to vector<1x1x16xf32>
          tpu.vector_store %arg10[%parallel_loop3A_790, %parallel_loop3A_791, %parallel_loop3A_792], %parallel_loop3A_795 {strides = array<i32>} : memref<4x256x16xf32, #tpu.memory_space<vmem>>, vector<1x1x16xf32>,
        } {sc.loop_unroll_factor = 8 : i64, sc.parallel_access}
      } else {
      }
      %gt3A_277 = arith.constant 0 : i32
      %gt3A_278 = arith.cmpi sgt, %add3A_258, %gt3A_277 : i32
      %sub3A_279 = arith.constant 1 : i32
      %sub3A_280 = arith.subi %add3A_258, %sub3A_279 : i32
      %mul3A_281 = arith.constant 32 : i32
      %mul3A_282 = arith.muli %mul3A_281, %sub3A_280 : i32
      %add3A_283 = arith.addi %add3A, %mul3A_282 : i32
      %lt3A_284 = arith.constant 12500 : i32
      %lt3A_285 = arith.cmpi slt, %add3A_283, %lt3A_284 : i32
      %and3A_286 = arith.andi %gt3A_278, %lt3A_285 : i1
      %convert_element_type3A_287 = arith.extui %and3A_286 : i1 to i32
      %cond3A_288 = arith.constant 0 : i32
      %cond3A_289 = arith.cmpi ne, %convert_element_type3A_287, %cond3A_288 : i32
      scf.if %cond3A_289 {
        %dma_wait3A = arith.constant 2 : i32
        %dma_wait3A_733 = arith.constant 2 : i32
        %dma_wait3A_734 = arith.constant 1 : i32
        %dma_wait3A_735 = arith.constant 0 : i32
        %dma_wait3A_736 = arith.constant 0 : i32
        %dma_wait3A_737 = tpu.memref_slice %arg10[%dma_wait3A, %dma_wait3A_735, %dma_wait3A_736] : memref<4x256x16xf32, #tpu.memory_space<vmem>> -> memref<1x256x16xf32, #tpu.memory_space<vmem>>
        %dma_wait3A_738 = tpu.memref_squeeze %dma_wait3A_737 : memref<1x256x16xf32, #tpu.memory_space<vmem>> -> memref<256x16xf32, #tpu.memory_space<vmem>>
        %dma_wait3A_739 = arith.constant 0 : i32
        %dma_wait3A_740 = tpu.memref_slice %arg8[%dma_wait3A_733, %dma_wait3A_734, %dma_wait3A_739] : memref<4x2x256xi32, #tpu.memory_space<vmem>> -> memref<1x1x256xi32, #tpu.memory_space<vmem>>
        %dma_wait3A_741 = tpu.memref_squeeze %dma_wait3A_740 : memref<1x1x256xi32, #tpu.memory_space<vmem>> -> memref<256xi32, #tpu.memory_space<vmem>>
        %dma_wait3A_742 = arith.constant 0 : i32
        %dma_wait3A_743 = arith.constant 0 : i32
        %dma_wait3A_744 = tpu.memref_slice %arg7[%dma_wait3A_742, %dma_wait3A_743] : memref<100000x16xf32, #tpu.memory_space<vmem_shared>> -> memref<100000x16xf32, #tpu.memory_space<vmem_shared>>
        tpu.wait_indirect_dma semaphore(%arg15 : memref<!tpu.dma_semaphore, #tpu.memory_space<semaphore_mem>>) src(%dma_wait3A_738 : memref<256x16xf32, #tpu.memory_space<vmem>>) dst(%dma_wait3A_744 : memref<100000x16xf32, #tpu.memory_space<vmem_shared>>)
      } else {
      }
      %mul3A_290 = arith.constant 32 : i32
      %mul3A_291 = arith.muli %mul3A_290, %add3A_258 : i32
      %add3A_292 = arith.addi %add3A, %mul3A_291 : i32
      %lt3A_293 = arith.constant 12500 : i32
      %lt3A_294 = arith.cmpi slt, %add3A_292, %lt3A_293 : i32
      %convert_element_type3A_295 = arith.extui %lt3A_294 : i1 to i32
      %cond3A_296 = arith.constant 0 : i32
      %cond3A_297 = arith.cmpi ne, %convert_element_type3A_295, %cond3A_296 : i32
      scf.if %cond3A_297 {
        %dma_start3A_733 = arith.constant 3 : i32
        %dma_start3A_734 = arith.constant 3 : i32
        %dma_start3A_735 = arith.constant 1 : i32
        %dma_start3A_736 = arith.constant 0 : i32
        %dma_start3A_737 = arith.constant 0 : i32
        %dma_start3A_738 = tpu.memref_slice %arg10[%dma_start3A_733, %dma_start3A_736, %dma_start3A_737] : memref<4x256x16xf32, #tpu.memory_space<vmem>> -> memref<1x256x16xf32, #tpu.memory_space<vmem>>
        %dma_start3A_739 = tpu.memref_squeeze %dma_start3A_738 : memref<1x256x16xf32, #tpu.memory_space<vmem>> -> memref<256x16xf32, #tpu.memory_space<vmem>>
        %dma_start3A_740 = arith.constant 0 : i32
        %dma_start3A_741 = tpu.memref_slice %arg8[%dma_start3A_734, %dma_start3A_735, %dma_start3A_740] : memref<4x2x256xi32, #tpu.memory_space<vmem>> -> memref<1x1x256xi32, #tpu.memory_space<vmem>>
        %dma_start3A_742 = tpu.memref_squeeze %dma_start3A_741 : memref<1x1x256xi32, #tpu.memory_space<vmem>> -> memref<256xi32, #tpu.memory_space<vmem>>
        %dma_start3A_743 = arith.constant 0 : i32
        %dma_start3A_744 = arith.constant 0 : i32
        %dma_start3A_745 = tpu.memref_slice %arg7[%dma_start3A_743, %dma_start3A_744] : memref<100000x16xf32, #tpu.memory_space<vmem_shared>> -> memref<100000x16xf32, #tpu.memory_space<vmem_shared>>
        tpu.enqueue_indirect_dma source(%dma_start3A_739 : memref<256x16xf32, #tpu.memory_space<vmem>>) target(%dma_start3A_745 : memref<100000x16xf32, #tpu.memory_space<vmem_shared>>) offsets(%dma_start3A_742 : memref<256xi32, #tpu.memory_space<vmem>>) semaphore(%arg15 : memref<!tpu.dma_semaphore, #tpu.memory_space<semaphore_mem>>) {add = true}
      } else {
      }
      %add3A_298 = arith.constant 3 : i32
      %add3A_299 = arith.addi %add3A_258, %add3A_298 : i32
      %mul3A_300 = arith.constant 32 : i32
      %mul3A_301 = arith.muli %mul3A_300, %add3A_299 : i32
      %add3A_302 = arith.addi %add3A, %mul3A_301 : i32
      %lt3A_303 = arith.constant 12500 : i32
      %lt3A_304 = arith.cmpi slt, %add3A_302, %lt3A_303 : i32
      %convert_element_type3A_305 = arith.extui %lt3A_304 : i1 to i32
      %cond3A_306 = arith.constant 0 : i32
      %cond3A_307 = arith.cmpi ne, %convert_element_type3A_305, %cond3A_306 : i32
      scf.if %cond3A_307 {
        %add3A_733 = arith.constant 3 : i32
        %add3A_734 = arith.addi %add3A_258, %add3A_733 : i32
        %mul3A_735 = arith.constant 32 : i32
        %mul3A_736 = arith.muli %mul3A_735, %add3A_734 : i32
        %add3A_737 = arith.addi %add3A, %mul3A_736 : i32
        %mul3A_738 = arith.constant 256 : i32
        %mul3A_739 = arith.muli %add3A_737, %mul3A_738 : i32
        %dma_start3A_740 = arith.constant 2 : i32
        %dma_start3A_741 = arith.constant 0 : i32
        %dma_start3A_742 = arith.constant 0 : i32
        %dma_start3A_743 = tpu.memref_slice %arg8[%dma_start3A_740, %dma_start3A_741, %dma_start3A_742] : memref<4x2x256xi32, #tpu.memory_space<vmem>> -> memref<1x2x256xi32, #tpu.memory_space<vmem>>
        %dma_start3A_744 = tpu.memref_squeeze %dma_start3A_743 : memref<1x2x256xi32, #tpu.memory_space<vmem>> -> memref<2x256xi32, #tpu.memory_space<vmem>>
        %dma_start3A_745 = arith.constant 0 : i32
        %dma_start3A_746 = tpu.memref_slice %arg5[%dma_start3A_745, %mul3A_739] : memref<2x3200000xi32, #tpu.memory_space<hbm>> -> memref<2x256xi32, #tpu.memory_space<hbm>>
        %dma_start3A_747 = arith.constant 0 : i32
        %dma_start3A_748 = arith.constant 0 : i32
        %dma_start3A_749 = tpu.memref_slice %arg8[%dma_start3A_740, %dma_start3A_747, %dma_start3A_748] : memref<4x2x256xi32, #tpu.memory_space<vmem>> -> memref<1x2x256xi32, #tpu.memory_space<vmem>>
        %dma_start3A_750 = tpu.memref_squeeze %dma_start3A_749 : memref<1x2x256xi32, #tpu.memory_space<vmem>> -> memref<2x256xi32, #tpu.memory_space<vmem>>
        %dma_start3A_751 = arith.constant 0 : i32
        %dma_start3A_752 = tpu.memref_slice %arg5[%dma_start3A_751, %mul3A_739] : memref<2x3200000xi32, #tpu.memory_space<hbm>> -> memref<2x256xi32, #tpu.memory_space<hbm>>
        tpu.enqueue_dma source(%dma_start3A_752 : memref<2x256xi32, #tpu.memory_space<hbm>>) target(%dma_start3A_750 : memref<2x256xi32, #tpu.memory_space<vmem>>) target_semaphore(%arg11 : memref<!tpu.dma_semaphore, #tpu.memory_space<semaphore_mem>>)
      } else {
      }
      %mul3A_308 = arith.constant 12 : i32
      %mul3A_309 = arith.muli %mul3A_308, %scan3A_98 : i32
      %add3A_310 = arith.constant 4 : i32
      %add3A_311 = arith.addi %mul3A_309, %add3A_310 : i32
      %add3A_312 = arith.constant 2 : i32
      %add3A_313 = arith.addi %add3A_311, %add3A_312 : i32
      %mul3A_314 = arith.constant 32 : i32
      %mul3A_315 = arith.muli %mul3A_314, %add3A_313 : i32
      %add3A_316 = arith.addi %add3A, %mul3A_315 : i32
      %lt3A_317 = arith.constant 12500 : i32
      %lt3A_318 = arith.cmpi slt, %add3A_316, %lt3A_317 : i32
      %convert_element_type3A_319 = arith.extui %lt3A_318 : i1 to i32
      %cond3A_320 = arith.constant 0 : i32
      %cond3A_321 = arith.cmpi ne, %convert_element_type3A_319, %cond3A_320 : i32
      scf.if %cond3A_321 {
        %dma_wait3A = arith.constant 2 : i32
        %dma_wait3A_733 = arith.constant 0 : i32
        %dma_wait3A_734 = arith.constant 0 : i32
        %dma_wait3A_735 = tpu.memref_slice %arg8[%dma_wait3A, %dma_wait3A_733, %dma_wait3A_734] : memref<4x2x256xi32, #tpu.memory_space<vmem>> -> memref<1x2x256xi32, #tpu.memory_space<vmem>>
        %dma_wait3A_736 = tpu.memref_squeeze %dma_wait3A_735 : memref<1x2x256xi32, #tpu.memory_space<vmem>> -> memref<2x256xi32, #tpu.memory_space<vmem>>
        %dma_wait3A_737 = arith.constant 0 : i32
        %dma_wait3A_738 = arith.constant 0 : i32
        %dma_wait3A_739 = tpu.memref_slice %arg5[%dma_wait3A_737, %dma_wait3A_738] : memref<2x3200000xi32, #tpu.memory_space<hbm>> -> memref<2x256xi32, #tpu.memory_space<hbm>>
        %dma_wait3A_740 = arith.constant 0 : i32
        %dma_wait3A_741 = arith.constant 0 : i32
        %dma_wait3A_742 = tpu.memref_slice %arg8[%dma_wait3A, %dma_wait3A_740, %dma_wait3A_741] : memref<4x2x256xi32, #tpu.memory_space<vmem>> -> memref<1x2x256xi32, #tpu.memory_space<vmem>>
        %dma_wait3A_743 = tpu.memref_squeeze %dma_wait3A_742 : memref<1x2x256xi32, #tpu.memory_space<vmem>> -> memref<2x256xi32, #tpu.memory_space<vmem>>
        %dma_wait3A_744 = arith.constant 0 : i32
        %dma_wait3A_745 = arith.constant 0 : i32
        %dma_wait3A_746 = tpu.memref_slice %arg5[%dma_wait3A_744, %dma_wait3A_745] : memref<2x3200000xi32, #tpu.memory_space<hbm>> -> memref<2x256xi32, #tpu.memory_space<hbm>>
        tpu.wait_dma2 semaphore(%arg11 : memref<!tpu.dma_semaphore, #tpu.memory_space<semaphore_mem>>) src(%dma_wait3A_746 : memref<2x256xi32, #tpu.memory_space<hbm>>) dst(%dma_wait3A_743 : memref<2x256xi32, #tpu.memory_space<vmem>>)
        %dma_start3A_747 = arith.constant 2 : i32
        %dma_start3A_748 = arith.constant 0 : i32
        %dma_start3A_749 = arith.constant 0 : i32
        %dma_start3A_750 = arith.constant 0 : i32
        %dma_start3A_751 = arith.constant 0 : i32
        %dma_start3A_752 = tpu.memref_slice %arg9[%dma_start3A_749, %dma_start3A_750, %dma_start3A_751] : memref<3x256x16xf32, #tpu.memory_space<vmem>> -> memref<1x256x16xf32, #tpu.memory_space<vmem>>
        %dma_start3A_753 = tpu.memref_squeeze %dma_start3A_752 : memref<1x256x16xf32, #tpu.memory_space<vmem>> -> memref<256x16xf32, #tpu.memory_space<vmem>>
        %dma_start3A_754 = arith.constant 0 : i32
        %dma_start3A_755 = tpu.memref_slice %arg8[%dma_start3A_747, %dma_start3A_748, %dma_start3A_754] : memref<4x2x256xi32, #tpu.memory_space<vmem>> -> memref<1x1x256xi32, #tpu.memory_space<vmem>>
        %dma_start3A_756 = tpu.memref_squeeze %dma_start3A_755 : memref<1x1x256xi32, #tpu.memory_space<vmem>> -> memref<256xi32, #tpu.memory_space<vmem>>
        %dma_start3A_757 = arith.constant 0 : i32
        %dma_start3A_758 = arith.constant 0 : i32
        %dma_start3A_759 = tpu.memref_slice %arg2[%dma_start3A_757, %dma_start3A_758] : memref<100000x16xf32, #tpu.memory_space<hbm>> -> memref<100000x16xf32, #tpu.memory_space<hbm>>
        tpu.enqueue_indirect_dma source(%dma_start3A_759 : memref<100000x16xf32, #tpu.memory_space<hbm>>) target(%dma_start3A_753 : memref<256x16xf32, #tpu.memory_space<vmem>>) offsets(%dma_start3A_756 : memref<256xi32, #tpu.memory_space<vmem>>) semaphore(%arg12 : memref<!tpu.dma_semaphore, #tpu.memory_space<semaphore_mem>>)
        %dma_start3A_760 = arith.constant 2 : i32
        %dma_start3A_761 = arith.constant 1 : i32
        %dma_start3A_762 = arith.constant 2 : i32
        %dma_start3A_763 = arith.constant 0 : i32
        %dma_start3A_764 = arith.constant 0 : i32
        %dma_start3A_765 = tpu.memref_slice %arg10[%dma_start3A_762, %dma_start3A_763, %dma_start3A_764] : memref<4x256x16xf32, #tpu.memory_space<vmem>> -> memref<1x256x16xf32, #tpu.memory_space<vmem>>
        %dma_start3A_766 = tpu.memref_squeeze %dma_start3A_765 : memref<1x256x16xf32, #tpu.memory_space<vmem>> -> memref<256x16xf32, #tpu.memory_space<vmem>>
        %dma_start3A_767 = arith.constant 0 : i32
        %dma_start3A_768 = tpu.memref_slice %arg8[%dma_start3A_760, %dma_start3A_761, %dma_start3A_767] : memref<4x2x256xi32, #tpu.memory_space<vmem>> -> memref<1x1x256xi32, #tpu.memory_space<vmem>>
        %dma_start3A_769 = tpu.memref_squeeze %dma_start3A_768 : memref<1x1x256xi32, #tpu.memory_space<vmem>> -> memref<256xi32, #tpu.memory_space<vmem>>
        %dma_start3A_770 = arith.constant 0 : i32
        %dma_start3A_771 = arith.constant 0 : i32
        %dma_start3A_772 = tpu.memref_slice %arg3[%dma_start3A_770, %dma_start3A_771] : memref<100000x16xf32, #tpu.memory_space<hbm>> -> memref<100000x16xf32, #tpu.memory_space<hbm>>
        tpu.enqueue_indirect_dma source(%dma_start3A_772 : memref<100000x16xf32, #tpu.memory_space<hbm>>) target(%dma_start3A_766 : memref<256x16xf32, #tpu.memory_space<vmem>>) offsets(%dma_start3A_769 : memref<256xi32, #tpu.memory_space<vmem>>) semaphore(%arg12 : memref<!tpu.dma_semaphore, #tpu.memory_space<semaphore_mem>>)
      } else {
      }
      %mul3A_322 = arith.constant 32 : i32
      %mul3A_323 = arith.muli %mul3A_322, %add3A_311 : i32
      %add3A_324 = arith.addi %add3A, %mul3A_323 : i32
      %lt3A_325 = arith.constant 12500 : i32
      %lt3A_326 = arith.cmpi slt, %add3A_324, %lt3A_325 : i32
      %convert_element_type3A_327 = arith.extui %lt3A_326 : i1 to i32
      %cond3A_328 = arith.constant 0 : i32
      %cond3A_329 = arith.cmpi ne, %convert_element_type3A_327, %cond3A_328 : i32
      scf.if %cond3A_329 {
        %dma_wait3A = arith.constant 0 : i32
        %dma_wait3A_733 = arith.constant 0 : i32
        %dma_wait3A_734 = arith.constant 1 : i32
        %dma_wait3A_735 = arith.constant 0 : i32
        %dma_wait3A_736 = arith.constant 0 : i32
        %dma_wait3A_737 = tpu.memref_slice %arg9[%dma_wait3A_734, %dma_wait3A_735, %dma_wait3A_736] : memref<3x256x16xf32, #tpu.memory_space<vmem>> -> memref<1x256x16xf32, #tpu.memory_space<vmem>>
        %dma_wait3A_738 = tpu.memref_squeeze %dma_wait3A_737 : memref<1x256x16xf32, #tpu.memory_space<vmem>> -> memref<256x16xf32, #tpu.memory_space<vmem>>
        %dma_wait3A_739 = arith.constant 0 : i32
        %dma_wait3A_740 = tpu.memref_slice %arg8[%dma_wait3A, %dma_wait3A_733, %dma_wait3A_739] : memref<4x2x256xi32, #tpu.memory_space<vmem>> -> memref<1x1x256xi32, #tpu.memory_space<vmem>>
        %dma_wait3A_741 = tpu.memref_squeeze %dma_wait3A_740 : memref<1x1x256xi32, #tpu.memory_space<vmem>> -> memref<256xi32, #tpu.memory_space<vmem>>
        %dma_wait3A_742 = arith.constant 0 : i32
        %dma_wait3A_743 = arith.constant 0 : i32
        %dma_wait3A_744 = tpu.memref_slice %arg2[%dma_wait3A_742, %dma_wait3A_743] : memref<100000x16xf32, #tpu.memory_space<hbm>> -> memref<100000x16xf32, #tpu.memory_space<hbm>>
        tpu.wait_indirect_dma semaphore(%arg13 : memref<!tpu.dma_semaphore, #tpu.memory_space<semaphore_mem>>) src(%dma_wait3A_744 : memref<100000x16xf32, #tpu.memory_space<hbm>>) dst(%dma_wait3A_738 : memref<256x16xf32, #tpu.memory_space<vmem>>)
        %dma_wait3A_745 = arith.constant 0 : i32
        %dma_wait3A_746 = arith.constant 1 : i32
        %dma_wait3A_747 = arith.constant 0 : i32
        %dma_wait3A_748 = arith.constant 0 : i32
        %dma_wait3A_749 = arith.constant 0 : i32
        %dma_wait3A_750 = tpu.memref_slice %arg10[%dma_wait3A_747, %dma_wait3A_748, %dma_wait3A_749] : memref<4x256x16xf32, #tpu.memory_space<vmem>> -> memref<1x256x16xf32, #tpu.memory_space<vmem>>
        %dma_wait3A_751 = tpu.memref_squeeze %dma_wait3A_750 : memref<1x256x16xf32, #tpu.memory_space<vmem>> -> memref<256x16xf32, #tpu.memory_space<vmem>>
        %dma_wait3A_752 = arith.constant 0 : i32
        %dma_wait3A_753 = tpu.memref_slice %arg8[%dma_wait3A_745, %dma_wait3A_746, %dma_wait3A_752] : memref<4x2x256xi32, #tpu.memory_space<vmem>> -> memref<1x1x256xi32, #tpu.memory_space<vmem>>
        %dma_wait3A_754 = tpu.memref_squeeze %dma_wait3A_753 : memref<1x1x256xi32, #tpu.memory_space<vmem>> -> memref<256xi32, #tpu.memory_space<vmem>>
        %dma_wait3A_755 = arith.constant 0 : i32
        %dma_wait3A_756 = arith.constant 0 : i32
        %dma_wait3A_757 = tpu.memref_slice %arg3[%dma_wait3A_755, %dma_wait3A_756] : memref<100000x16xf32, #tpu.memory_space<hbm>> -> memref<100000x16xf32, #tpu.memory_space<hbm>>
        tpu.wait_indirect_dma semaphore(%arg13 : memref<!tpu.dma_semaphore, #tpu.memory_space<semaphore_mem>>) src(%dma_wait3A_757 : memref<100000x16xf32, #tpu.memory_space<hbm>>) dst(%dma_wait3A_751 : memref<256x16xf32, #tpu.memory_space<vmem>>)
        %parallel_loop3A = arith.constant 0 : i32
        %parallel_loop3A_758 = arith.constant 256 : i32
        %parallel_loop3A_759 = arith.constant 1 : i32
        scf.for %parallel_loop3A_760 = %parallel_loop3A to %parallel_loop3A_758 step %parallel_loop3A_759  : i32 {
          %parallel_loop3A_761 = arith.constant 1 : i32
          %parallel_loop3A_762 = arith.index_cast %parallel_loop3A_761 : i32 to index
          %parallel_loop3A_763 = arith.index_cast %parallel_loop3A_760 : i32 to index
          %parallel_loop3A_764 = arith.constant 0 : index
          %parallel_loop3A_765 = tpu.vector_load %arg9[%parallel_loop3A_762, %parallel_loop3A_763, %parallel_loop3A_764] {strides = array<i32>} : memref<3x256x16xf32, #tpu.memory_space<vmem>>, vector<1x1x16xf32>,
          %parallel_loop3A_766 = vector.shape_cast %parallel_loop3A_765 : vector<1x1x16xf32> to vector<16xf32>
          %parallel_loop3A_767 = arith.constant 0 : i32
          %parallel_loop3A_768 = arith.index_cast %parallel_loop3A_767 : i32 to index
          %parallel_loop3A_769 = arith.index_cast %parallel_loop3A_760 : i32 to index
          %parallel_loop3A_770 = arith.constant 0 : index
          %parallel_loop3A_771 = tpu.vector_load %arg10[%parallel_loop3A_768, %parallel_loop3A_769, %parallel_loop3A_770] {strides = array<i32>} : memref<4x256x16xf32, #tpu.memory_space<vmem>>, vector<1x1x16xf32>,
          %parallel_loop3A_772 = vector.shape_cast %parallel_loop3A_771 : vector<1x1x16xf32> to vector<16xf32>
          %parallel_loop3A_773 = arith.addf %parallel_loop3A_766, %parallel_loop3A_772 : vector<16xf32>
          %parallel_loop3A_774 = arith.constant 0.000000e+00 : f32
          %parallel_loop3A_775 = vector.broadcast %parallel_loop3A_774 : f32 to vector<16xf32>
          %parallel_loop3A_776 = arith.cmpf oge, %parallel_loop3A_773, %parallel_loop3A_775 : vector<16xf32>
          %parallel_loop3A_777 = arith.constant 2.000000e-01 : f32
          %parallel_loop3A_778 = vector.broadcast %parallel_loop3A_777 : f32 to vector<16xf32>
          %parallel_loop3A_779 = arith.mulf %parallel_loop3A_778, %parallel_loop3A_773 : vector<16xf32>
          %parallel_loop3A_780 = arith.select %parallel_loop3A_776, %parallel_loop3A_773, %parallel_loop3A_779 : vector<16xi1>, vector<16xf32>
          %parallel_loop3A_781 = vector.shape_cast %and3A_6 : vector<16xi32> to vector<16x1xi32>
          %parallel_loop3A_782 = vector.shape_cast %parallel_loop3A_781 : vector<16x1xi32> to vector<16xi32>
          %parallel_loop3A_783 = tpu.dynamic_gather %parallel_loop3A_780[%parallel_loop3A_782] in [0] : vector<16xf32>, vector<16xi32> -> vector<16xf32>
          %parallel_loop3A_784 = math.exp %parallel_loop3A_783 : vector<16xf32>
          %parallel_loop3A_785 = arith.constant 1.000000e+00 : f32
          %parallel_loop3A_786 = vector.broadcast %parallel_loop3A_785 : f32 to vector<16xf32>
          %parallel_loop3A_787 = arith.select %lt3A_9, %parallel_loop3A_786, %parallel_loop3A_766 : vector<16xi1>, vector<16xf32>
          %parallel_loop3A_788 = arith.mulf %parallel_loop3A_784, %parallel_loop3A_787 : vector<16xf32>
          %parallel_loop3A_789 = arith.constant 0 : i32
          %parallel_loop3A_790 = arith.index_cast %parallel_loop3A_789 : i32 to index
          %parallel_loop3A_791 = arith.index_cast %parallel_loop3A_760 : i32 to index
          %parallel_loop3A_792 = arith.constant 0 : index
          %parallel_loop3A_793 = tpu.vector_load %arg10[%parallel_loop3A_790, %parallel_loop3A_791, %parallel_loop3A_792] {strides = array<i32>} : memref<4x256x16xf32, #tpu.memory_space<vmem>>, vector<1x1x16xf32>,
          %parallel_loop3A_794 = vector.shape_cast %parallel_loop3A_793 : vector<1x1x16xf32> to vector<16xf32>
          %parallel_loop3A_795 = vector.shape_cast %parallel_loop3A_788 : vector<16xf32> to vector<1x1x16xf32>
          tpu.vector_store %arg10[%parallel_loop3A_790, %parallel_loop3A_791, %parallel_loop3A_792], %parallel_loop3A_795 {strides = array<i32>} : memref<4x256x16xf32, #tpu.memory_space<vmem>>, vector<1x1x16xf32>,
        } {sc.loop_unroll_factor = 8 : i64, sc.parallel_access}
      } else {
      }
      %gt3A_330 = arith.constant 0 : i32
      %gt3A_331 = arith.cmpi sgt, %add3A_311, %gt3A_330 : i32
      %sub3A_332 = arith.constant 1 : i32
      %sub3A_333 = arith.subi %add3A_311, %sub3A_332 : i32
      %mul3A_334 = arith.constant 32 : i32
      %mul3A_335 = arith.muli %mul3A_334, %sub3A_333 : i32
      %add3A_336 = arith.addi %add3A, %mul3A_335 : i32
      %lt3A_337 = arith.constant 12500 : i32
      %lt3A_338 = arith.cmpi slt, %add3A_336, %lt3A_337 : i32
      %and3A_339 = arith.andi %gt3A_331, %lt3A_338 : i1
      %convert_element_type3A_340 = arith.extui %and3A_339 : i1 to i32
      %cond3A_341 = arith.constant 0 : i32
      %cond3A_342 = arith.cmpi ne, %convert_element_type3A_340, %cond3A_341 : i32
      scf.if %cond3A_342 {
        %dma_wait3A = arith.constant 3 : i32
        %dma_wait3A_733 = arith.constant 3 : i32
        %dma_wait3A_734 = arith.constant 1 : i32
        %dma_wait3A_735 = arith.constant 0 : i32
        %dma_wait3A_736 = arith.constant 0 : i32
        %dma_wait3A_737 = tpu.memref_slice %arg10[%dma_wait3A, %dma_wait3A_735, %dma_wait3A_736] : memref<4x256x16xf32, #tpu.memory_space<vmem>> -> memref<1x256x16xf32, #tpu.memory_space<vmem>>
        %dma_wait3A_738 = tpu.memref_squeeze %dma_wait3A_737 : memref<1x256x16xf32, #tpu.memory_space<vmem>> -> memref<256x16xf32, #tpu.memory_space<vmem>>
        %dma_wait3A_739 = arith.constant 0 : i32
        %dma_wait3A_740 = tpu.memref_slice %arg8[%dma_wait3A_733, %dma_wait3A_734, %dma_wait3A_739] : memref<4x2x256xi32, #tpu.memory_space<vmem>> -> memref<1x1x256xi32, #tpu.memory_space<vmem>>
        %dma_wait3A_741 = tpu.memref_squeeze %dma_wait3A_740 : memref<1x1x256xi32, #tpu.memory_space<vmem>> -> memref<256xi32, #tpu.memory_space<vmem>>
        %dma_wait3A_742 = arith.constant 0 : i32
        %dma_wait3A_743 = arith.constant 0 : i32
        %dma_wait3A_744 = tpu.memref_slice %arg7[%dma_wait3A_742, %dma_wait3A_743] : memref<100000x16xf32, #tpu.memory_space<vmem_shared>> -> memref<100000x16xf32, #tpu.memory_space<vmem_shared>>
        tpu.wait_indirect_dma semaphore(%arg15 : memref<!tpu.dma_semaphore, #tpu.memory_space<semaphore_mem>>) src(%dma_wait3A_738 : memref<256x16xf32, #tpu.memory_space<vmem>>) dst(%dma_wait3A_744 : memref<100000x16xf32, #tpu.memory_space<vmem_shared>>)
      } else {
      }
      %mul3A_343 = arith.constant 32 : i32
      %mul3A_344 = arith.muli %mul3A_343, %add3A_311 : i32
      %add3A_345 = arith.addi %add3A, %mul3A_344 : i32
      %lt3A_346 = arith.constant 12500 : i32
      %lt3A_347 = arith.cmpi slt, %add3A_345, %lt3A_346 : i32
      %convert_element_type3A_348 = arith.extui %lt3A_347 : i1 to i32
      %cond3A_349 = arith.constant 0 : i32
      %cond3A_350 = arith.cmpi ne, %convert_element_type3A_348, %cond3A_349 : i32
      scf.if %cond3A_350 {
        %dma_start3A_733 = arith.constant 0 : i32
        %dma_start3A_734 = arith.constant 0 : i32
        %dma_start3A_735 = arith.constant 1 : i32
        %dma_start3A_736 = arith.constant 0 : i32
        %dma_start3A_737 = arith.constant 0 : i32
        %dma_start3A_738 = tpu.memref_slice %arg10[%dma_start3A_733, %dma_start3A_736, %dma_start3A_737] : memref<4x256x16xf32, #tpu.memory_space<vmem>> -> memref<1x256x16xf32, #tpu.memory_space<vmem>>
        %dma_start3A_739 = tpu.memref_squeeze %dma_start3A_738 : memref<1x256x16xf32, #tpu.memory_space<vmem>> -> memref<256x16xf32, #tpu.memory_space<vmem>>
        %dma_start3A_740 = arith.constant 0 : i32
        %dma_start3A_741 = tpu.memref_slice %arg8[%dma_start3A_734, %dma_start3A_735, %dma_start3A_740] : memref<4x2x256xi32, #tpu.memory_space<vmem>> -> memref<1x1x256xi32, #tpu.memory_space<vmem>>
        %dma_start3A_742 = tpu.memref_squeeze %dma_start3A_741 : memref<1x1x256xi32, #tpu.memory_space<vmem>> -> memref<256xi32, #tpu.memory_space<vmem>>
        %dma_start3A_743 = arith.constant 0 : i32
        %dma_start3A_744 = arith.constant 0 : i32
        %dma_start3A_745 = tpu.memref_slice %arg7[%dma_start3A_743, %dma_start3A_744] : memref<100000x16xf32, #tpu.memory_space<vmem_shared>> -> memref<100000x16xf32, #tpu.memory_space<vmem_shared>>
        tpu.enqueue_indirect_dma source(%dma_start3A_739 : memref<256x16xf32, #tpu.memory_space<vmem>>) target(%dma_start3A_745 : memref<100000x16xf32, #tpu.memory_space<vmem_shared>>) offsets(%dma_start3A_742 : memref<256xi32, #tpu.memory_space<vmem>>) semaphore(%arg15 : memref<!tpu.dma_semaphore, #tpu.memory_space<semaphore_mem>>) {add = true}
      } else {
      }
      %add3A_351 = arith.constant 3 : i32
      %add3A_352 = arith.addi %add3A_311, %add3A_351 : i32
      %mul3A_353 = arith.constant 32 : i32
      %mul3A_354 = arith.muli %mul3A_353, %add3A_352 : i32
      %add3A_355 = arith.addi %add3A, %mul3A_354 : i32
      %lt3A_356 = arith.constant 12500 : i32
      %lt3A_357 = arith.cmpi slt, %add3A_355, %lt3A_356 : i32
      %convert_element_type3A_358 = arith.extui %lt3A_357 : i1 to i32
      %cond3A_359 = arith.constant 0 : i32
      %cond3A_360 = arith.cmpi ne, %convert_element_type3A_358, %cond3A_359 : i32
      scf.if %cond3A_360 {
        %add3A_733 = arith.constant 3 : i32
        %add3A_734 = arith.addi %add3A_311, %add3A_733 : i32
        %mul3A_735 = arith.constant 32 : i32
        %mul3A_736 = arith.muli %mul3A_735, %add3A_734 : i32
        %add3A_737 = arith.addi %add3A, %mul3A_736 : i32
        %mul3A_738 = arith.constant 256 : i32
        %mul3A_739 = arith.muli %add3A_737, %mul3A_738 : i32
        %dma_start3A_740 = arith.constant 3 : i32
        %dma_start3A_741 = arith.constant 0 : i32
        %dma_start3A_742 = arith.constant 0 : i32
        %dma_start3A_743 = tpu.memref_slice %arg8[%dma_start3A_740, %dma_start3A_741, %dma_start3A_742] : memref<4x2x256xi32, #tpu.memory_space<vmem>> -> memref<1x2x256xi32, #tpu.memory_space<vmem>>
        %dma_start3A_744 = tpu.memref_squeeze %dma_start3A_743 : memref<1x2x256xi32, #tpu.memory_space<vmem>> -> memref<2x256xi32, #tpu.memory_space<vmem>>
        %dma_start3A_745 = arith.constant 0 : i32
        %dma_start3A_746 = tpu.memref_slice %arg5[%dma_start3A_745, %mul3A_739] : memref<2x3200000xi32, #tpu.memory_space<hbm>> -> memref<2x256xi32, #tpu.memory_space<hbm>>
        %dma_start3A_747 = arith.constant 0 : i32
        %dma_start3A_748 = arith.constant 0 : i32
        %dma_start3A_749 = tpu.memref_slice %arg8[%dma_start3A_740, %dma_start3A_747, %dma_start3A_748] : memref<4x2x256xi32, #tpu.memory_space<vmem>> -> memref<1x2x256xi32, #tpu.memory_space<vmem>>
        %dma_start3A_750 = tpu.memref_squeeze %dma_start3A_749 : memref<1x2x256xi32, #tpu.memory_space<vmem>> -> memref<2x256xi32, #tpu.memory_space<vmem>>
        %dma_start3A_751 = arith.constant 0 : i32
        %dma_start3A_752 = tpu.memref_slice %arg5[%dma_start3A_751, %mul3A_739] : memref<2x3200000xi32, #tpu.memory_space<hbm>> -> memref<2x256xi32, #tpu.memory_space<hbm>>
        tpu.enqueue_dma source(%dma_start3A_752 : memref<2x256xi32, #tpu.memory_space<hbm>>) target(%dma_start3A_750 : memref<2x256xi32, #tpu.memory_space<vmem>>) target_semaphore(%arg11 : memref<!tpu.dma_semaphore, #tpu.memory_space<semaphore_mem>>)
      } else {
      }
      %mul3A_361 = arith.constant 12 : i32
      %mul3A_362 = arith.muli %mul3A_361, %scan3A_98 : i32
      %add3A_363 = arith.constant 5 : i32
      %add3A_364 = arith.addi %mul3A_362, %add3A_363 : i32
      %add3A_365 = arith.constant 2 : i32
      %add3A_366 = arith.addi %add3A_364, %add3A_365 : i32
      %mul3A_367 = arith.constant 32 : i32
      %mul3A_368 = arith.muli %mul3A_367, %add3A_366 : i32
      %add3A_369 = arith.addi %add3A, %mul3A_368 : i32
      %lt3A_370 = arith.constant 12500 : i32
      %lt3A_371 = arith.cmpi slt, %add3A_369, %lt3A_370 : i32
      %convert_element_type3A_372 = arith.extui %lt3A_371 : i1 to i32
      %cond3A_373 = arith.constant 0 : i32
      %cond3A_374 = arith.cmpi ne, %convert_element_type3A_372, %cond3A_373 : i32
      scf.if %cond3A_374 {
        %dma_wait3A = arith.constant 3 : i32
        %dma_wait3A_733 = arith.constant 0 : i32
        %dma_wait3A_734 = arith.constant 0 : i32
        %dma_wait3A_735 = tpu.memref_slice %arg8[%dma_wait3A, %dma_wait3A_733, %dma_wait3A_734] : memref<4x2x256xi32, #tpu.memory_space<vmem>> -> memref<1x2x256xi32, #tpu.memory_space<vmem>>
        %dma_wait3A_736 = tpu.memref_squeeze %dma_wait3A_735 : memref<1x2x256xi32, #tpu.memory_space<vmem>> -> memref<2x256xi32, #tpu.memory_space<vmem>>
        %dma_wait3A_737 = arith.constant 0 : i32
        %dma_wait3A_738 = arith.constant 0 : i32
        %dma_wait3A_739 = tpu.memref_slice %arg5[%dma_wait3A_737, %dma_wait3A_738] : memref<2x3200000xi32, #tpu.memory_space<hbm>> -> memref<2x256xi32, #tpu.memory_space<hbm>>
        %dma_wait3A_740 = arith.constant 0 : i32
        %dma_wait3A_741 = arith.constant 0 : i32
        %dma_wait3A_742 = tpu.memref_slice %arg8[%dma_wait3A, %dma_wait3A_740, %dma_wait3A_741] : memref<4x2x256xi32, #tpu.memory_space<vmem>> -> memref<1x2x256xi32, #tpu.memory_space<vmem>>
        %dma_wait3A_743 = tpu.memref_squeeze %dma_wait3A_742 : memref<1x2x256xi32, #tpu.memory_space<vmem>> -> memref<2x256xi32, #tpu.memory_space<vmem>>
        %dma_wait3A_744 = arith.constant 0 : i32
        %dma_wait3A_745 = arith.constant 0 : i32
        %dma_wait3A_746 = tpu.memref_slice %arg5[%dma_wait3A_744, %dma_wait3A_745] : memref<2x3200000xi32, #tpu.memory_space<hbm>> -> memref<2x256xi32, #tpu.memory_space<hbm>>
        tpu.wait_dma2 semaphore(%arg11 : memref<!tpu.dma_semaphore, #tpu.memory_space<semaphore_mem>>) src(%dma_wait3A_746 : memref<2x256xi32, #tpu.memory_space<hbm>>) dst(%dma_wait3A_743 : memref<2x256xi32, #tpu.memory_space<vmem>>)
        %dma_start3A_747 = arith.constant 3 : i32
        %dma_start3A_748 = arith.constant 0 : i32
        %dma_start3A_749 = arith.constant 1 : i32
        %dma_start3A_750 = arith.constant 0 : i32
        %dma_start3A_751 = arith.constant 0 : i32
        %dma_start3A_752 = tpu.memref_slice %arg9[%dma_start3A_749, %dma_start3A_750, %dma_start3A_751] : memref<3x256x16xf32, #tpu.memory_space<vmem>> -> memref<1x256x16xf32, #tpu.memory_space<vmem>>
        %dma_start3A_753 = tpu.memref_squeeze %dma_start3A_752 : memref<1x256x16xf32, #tpu.memory_space<vmem>> -> memref<256x16xf32, #tpu.memory_space<vmem>>
        %dma_start3A_754 = arith.constant 0 : i32
        %dma_start3A_755 = tpu.memref_slice %arg8[%dma_start3A_747, %dma_start3A_748, %dma_start3A_754] : memref<4x2x256xi32, #tpu.memory_space<vmem>> -> memref<1x1x256xi32, #tpu.memory_space<vmem>>
        %dma_start3A_756 = tpu.memref_squeeze %dma_start3A_755 : memref<1x1x256xi32, #tpu.memory_space<vmem>> -> memref<256xi32, #tpu.memory_space<vmem>>
        %dma_start3A_757 = arith.constant 0 : i32
        %dma_start3A_758 = arith.constant 0 : i32
        %dma_start3A_759 = tpu.memref_slice %arg2[%dma_start3A_757, %dma_start3A_758] : memref<100000x16xf32, #tpu.memory_space<hbm>> -> memref<100000x16xf32, #tpu.memory_space<hbm>>
        tpu.enqueue_indirect_dma source(%dma_start3A_759 : memref<100000x16xf32, #tpu.memory_space<hbm>>) target(%dma_start3A_753 : memref<256x16xf32, #tpu.memory_space<vmem>>) offsets(%dma_start3A_756 : memref<256xi32, #tpu.memory_space<vmem>>) semaphore(%arg13 : memref<!tpu.dma_semaphore, #tpu.memory_space<semaphore_mem>>)
        %dma_start3A_760 = arith.constant 3 : i32
        %dma_start3A_761 = arith.constant 1 : i32
        %dma_start3A_762 = arith.constant 3 : i32
        %dma_start3A_763 = arith.constant 0 : i32
        %dma_start3A_764 = arith.constant 0 : i32
        %dma_start3A_765 = tpu.memref_slice %arg10[%dma_start3A_762, %dma_start3A_763, %dma_start3A_764] : memref<4x256x16xf32, #tpu.memory_space<vmem>> -> memref<1x256x16xf32, #tpu.memory_space<vmem>>
        %dma_start3A_766 = tpu.memref_squeeze %dma_start3A_765 : memref<1x256x16xf32, #tpu.memory_space<vmem>> -> memref<256x16xf32, #tpu.memory_space<vmem>>
        %dma_start3A_767 = arith.constant 0 : i32
        %dma_start3A_768 = tpu.memref_slice %arg8[%dma_start3A_760, %dma_start3A_761, %dma_start3A_767] : memref<4x2x256xi32, #tpu.memory_space<vmem>> -> memref<1x1x256xi32, #tpu.memory_space<vmem>>
        %dma_start3A_769 = tpu.memref_squeeze %dma_start3A_768 : memref<1x1x256xi32, #tpu.memory_space<vmem>> -> memref<256xi32, #tpu.memory_space<vmem>>
        %dma_start3A_770 = arith.constant 0 : i32
        %dma_start3A_771 = arith.constant 0 : i32
        %dma_start3A_772 = tpu.memref_slice %arg3[%dma_start3A_770, %dma_start3A_771] : memref<100000x16xf32, #tpu.memory_space<hbm>> -> memref<100000x16xf32, #tpu.memory_space<hbm>>
        tpu.enqueue_indirect_dma source(%dma_start3A_772 : memref<100000x16xf32, #tpu.memory_space<hbm>>) target(%dma_start3A_766 : memref<256x16xf32, #tpu.memory_space<vmem>>) offsets(%dma_start3A_769 : memref<256xi32, #tpu.memory_space<vmem>>) semaphore(%arg13 : memref<!tpu.dma_semaphore, #tpu.memory_space<semaphore_mem>>)
      } else {
      }
      %mul3A_375 = arith.constant 32 : i32
      %mul3A_376 = arith.muli %mul3A_375, %add3A_364 : i32
      %add3A_377 = arith.addi %add3A, %mul3A_376 : i32
      %lt3A_378 = arith.constant 12500 : i32
      %lt3A_379 = arith.cmpi slt, %add3A_377, %lt3A_378 : i32
      %convert_element_type3A_380 = arith.extui %lt3A_379 : i1 to i32
      %cond3A_381 = arith.constant 0 : i32
      %cond3A_382 = arith.cmpi ne, %convert_element_type3A_380, %cond3A_381 : i32
      scf.if %cond3A_382 {
        %dma_wait3A = arith.constant 1 : i32
        %dma_wait3A_733 = arith.constant 0 : i32
        %dma_wait3A_734 = arith.constant 2 : i32
        %dma_wait3A_735 = arith.constant 0 : i32
        %dma_wait3A_736 = arith.constant 0 : i32
        %dma_wait3A_737 = tpu.memref_slice %arg9[%dma_wait3A_734, %dma_wait3A_735, %dma_wait3A_736] : memref<3x256x16xf32, #tpu.memory_space<vmem>> -> memref<1x256x16xf32, #tpu.memory_space<vmem>>
        %dma_wait3A_738 = tpu.memref_squeeze %dma_wait3A_737 : memref<1x256x16xf32, #tpu.memory_space<vmem>> -> memref<256x16xf32, #tpu.memory_space<vmem>>
        %dma_wait3A_739 = arith.constant 0 : i32
        %dma_wait3A_740 = tpu.memref_slice %arg8[%dma_wait3A, %dma_wait3A_733, %dma_wait3A_739] : memref<4x2x256xi32, #tpu.memory_space<vmem>> -> memref<1x1x256xi32, #tpu.memory_space<vmem>>
        %dma_wait3A_741 = tpu.memref_squeeze %dma_wait3A_740 : memref<1x1x256xi32, #tpu.memory_space<vmem>> -> memref<256xi32, #tpu.memory_space<vmem>>
        %dma_wait3A_742 = arith.constant 0 : i32
        %dma_wait3A_743 = arith.constant 0 : i32
        %dma_wait3A_744 = tpu.memref_slice %arg2[%dma_wait3A_742, %dma_wait3A_743] : memref<100000x16xf32, #tpu.memory_space<hbm>> -> memref<100000x16xf32, #tpu.memory_space<hbm>>
        tpu.wait_indirect_dma semaphore(%arg14 : memref<!tpu.dma_semaphore, #tpu.memory_space<semaphore_mem>>) src(%dma_wait3A_744 : memref<100000x16xf32, #tpu.memory_space<hbm>>) dst(%dma_wait3A_738 : memref<256x16xf32, #tpu.memory_space<vmem>>)
        %dma_wait3A_745 = arith.constant 1 : i32
        %dma_wait3A_746 = arith.constant 1 : i32
        %dma_wait3A_747 = arith.constant 1 : i32
        %dma_wait3A_748 = arith.constant 0 : i32
        %dma_wait3A_749 = arith.constant 0 : i32
        %dma_wait3A_750 = tpu.memref_slice %arg10[%dma_wait3A_747, %dma_wait3A_748, %dma_wait3A_749] : memref<4x256x16xf32, #tpu.memory_space<vmem>> -> memref<1x256x16xf32, #tpu.memory_space<vmem>>
        %dma_wait3A_751 = tpu.memref_squeeze %dma_wait3A_750 : memref<1x256x16xf32, #tpu.memory_space<vmem>> -> memref<256x16xf32, #tpu.memory_space<vmem>>
        %dma_wait3A_752 = arith.constant 0 : i32
        %dma_wait3A_753 = tpu.memref_slice %arg8[%dma_wait3A_745, %dma_wait3A_746, %dma_wait3A_752] : memref<4x2x256xi32, #tpu.memory_space<vmem>> -> memref<1x1x256xi32, #tpu.memory_space<vmem>>
        %dma_wait3A_754 = tpu.memref_squeeze %dma_wait3A_753 : memref<1x1x256xi32, #tpu.memory_space<vmem>> -> memref<256xi32, #tpu.memory_space<vmem>>
        %dma_wait3A_755 = arith.constant 0 : i32
        %dma_wait3A_756 = arith.constant 0 : i32
        %dma_wait3A_757 = tpu.memref_slice %arg3[%dma_wait3A_755, %dma_wait3A_756] : memref<100000x16xf32, #tpu.memory_space<hbm>> -> memref<100000x16xf32, #tpu.memory_space<hbm>>
        tpu.wait_indirect_dma semaphore(%arg14 : memref<!tpu.dma_semaphore, #tpu.memory_space<semaphore_mem>>) src(%dma_wait3A_757 : memref<100000x16xf32, #tpu.memory_space<hbm>>) dst(%dma_wait3A_751 : memref<256x16xf32, #tpu.memory_space<vmem>>)
        %parallel_loop3A = arith.constant 0 : i32
        %parallel_loop3A_758 = arith.constant 256 : i32
        %parallel_loop3A_759 = arith.constant 1 : i32
        scf.for %parallel_loop3A_760 = %parallel_loop3A to %parallel_loop3A_758 step %parallel_loop3A_759  : i32 {
          %parallel_loop3A_761 = arith.constant 2 : i32
          %parallel_loop3A_762 = arith.index_cast %parallel_loop3A_761 : i32 to index
          %parallel_loop3A_763 = arith.index_cast %parallel_loop3A_760 : i32 to index
          %parallel_loop3A_764 = arith.constant 0 : index
          %parallel_loop3A_765 = tpu.vector_load %arg9[%parallel_loop3A_762, %parallel_loop3A_763, %parallel_loop3A_764] {strides = array<i32>} : memref<3x256x16xf32, #tpu.memory_space<vmem>>, vector<1x1x16xf32>,
          %parallel_loop3A_766 = vector.shape_cast %parallel_loop3A_765 : vector<1x1x16xf32> to vector<16xf32>
          %parallel_loop3A_767 = arith.constant 1 : i32
          %parallel_loop3A_768 = arith.index_cast %parallel_loop3A_767 : i32 to index
          %parallel_loop3A_769 = arith.index_cast %parallel_loop3A_760 : i32 to index
          %parallel_loop3A_770 = arith.constant 0 : index
          %parallel_loop3A_771 = tpu.vector_load %arg10[%parallel_loop3A_768, %parallel_loop3A_769, %parallel_loop3A_770] {strides = array<i32>} : memref<4x256x16xf32, #tpu.memory_space<vmem>>, vector<1x1x16xf32>,
          %parallel_loop3A_772 = vector.shape_cast %parallel_loop3A_771 : vector<1x1x16xf32> to vector<16xf32>
          %parallel_loop3A_773 = arith.addf %parallel_loop3A_766, %parallel_loop3A_772 : vector<16xf32>
          %parallel_loop3A_774 = arith.constant 0.000000e+00 : f32
          %parallel_loop3A_775 = vector.broadcast %parallel_loop3A_774 : f32 to vector<16xf32>
          %parallel_loop3A_776 = arith.cmpf oge, %parallel_loop3A_773, %parallel_loop3A_775 : vector<16xf32>
          %parallel_loop3A_777 = arith.constant 2.000000e-01 : f32
          %parallel_loop3A_778 = vector.broadcast %parallel_loop3A_777 : f32 to vector<16xf32>
          %parallel_loop3A_779 = arith.mulf %parallel_loop3A_778, %parallel_loop3A_773 : vector<16xf32>
          %parallel_loop3A_780 = arith.select %parallel_loop3A_776, %parallel_loop3A_773, %parallel_loop3A_779 : vector<16xi1>, vector<16xf32>
          %parallel_loop3A_781 = vector.shape_cast %and3A_6 : vector<16xi32> to vector<16x1xi32>
          %parallel_loop3A_782 = vector.shape_cast %parallel_loop3A_781 : vector<16x1xi32> to vector<16xi32>
          %parallel_loop3A_783 = tpu.dynamic_gather %parallel_loop3A_780[%parallel_loop3A_782] in [0] : vector<16xf32>, vector<16xi32> -> vector<16xf32>
          %parallel_loop3A_784 = math.exp %parallel_loop3A_783 : vector<16xf32>
          %parallel_loop3A_785 = arith.constant 1.000000e+00 : f32
          %parallel_loop3A_786 = vector.broadcast %parallel_loop3A_785 : f32 to vector<16xf32>
          %parallel_loop3A_787 = arith.select %lt3A_9, %parallel_loop3A_786, %parallel_loop3A_766 : vector<16xi1>, vector<16xf32>
          %parallel_loop3A_788 = arith.mulf %parallel_loop3A_784, %parallel_loop3A_787 : vector<16xf32>
          %parallel_loop3A_789 = arith.constant 1 : i32
          %parallel_loop3A_790 = arith.index_cast %parallel_loop3A_789 : i32 to index
          %parallel_loop3A_791 = arith.index_cast %parallel_loop3A_760 : i32 to index
          %parallel_loop3A_792 = arith.constant 0 : index
          %parallel_loop3A_793 = tpu.vector_load %arg10[%parallel_loop3A_790, %parallel_loop3A_791, %parallel_loop3A_792] {strides = array<i32>} : memref<4x256x16xf32, #tpu.memory_space<vmem>>, vector<1x1x16xf32>,
          %parallel_loop3A_794 = vector.shape_cast %parallel_loop3A_793 : vector<1x1x16xf32> to vector<16xf32>
          %parallel_loop3A_795 = vector.shape_cast %parallel_loop3A_788 : vector<16xf32> to vector<1x1x16xf32>
          tpu.vector_store %arg10[%parallel_loop3A_790, %parallel_loop3A_791, %parallel_loop3A_792], %parallel_loop3A_795 {strides = array<i32>} : memref<4x256x16xf32, #tpu.memory_space<vmem>>, vector<1x1x16xf32>,
        } {sc.loop_unroll_factor = 8 : i64, sc.parallel_access}
      } else {
      }
      %gt3A_383 = arith.constant 0 : i32
      %gt3A_384 = arith.cmpi sgt, %add3A_364, %gt3A_383 : i32
      %sub3A_385 = arith.constant 1 : i32
      %sub3A_386 = arith.subi %add3A_364, %sub3A_385 : i32
      %mul3A_387 = arith.constant 32 : i32
      %mul3A_388 = arith.muli %mul3A_387, %sub3A_386 : i32
      %add3A_389 = arith.addi %add3A, %mul3A_388 : i32
      %lt3A_390 = arith.constant 12500 : i32
      %lt3A_391 = arith.cmpi slt, %add3A_389, %lt3A_390 : i32
      %and3A_392 = arith.andi %gt3A_384, %lt3A_391 : i1
      %convert_element_type3A_393 = arith.extui %and3A_392 : i1 to i32
      %cond3A_394 = arith.constant 0 : i32
      %cond3A_395 = arith.cmpi ne, %convert_element_type3A_393, %cond3A_394 : i32
      scf.if %cond3A_395 {
        %dma_wait3A = arith.constant 0 : i32
        %dma_wait3A_733 = arith.constant 0 : i32
        %dma_wait3A_734 = arith.constant 1 : i32
        %dma_wait3A_735 = arith.constant 0 : i32
        %dma_wait3A_736 = arith.constant 0 : i32
        %dma_wait3A_737 = tpu.memref_slice %arg10[%dma_wait3A, %dma_wait3A_735, %dma_wait3A_736] : memref<4x256x16xf32, #tpu.memory_space<vmem>> -> memref<1x256x16xf32, #tpu.memory_space<vmem>>
        %dma_wait3A_738 = tpu.memref_squeeze %dma_wait3A_737 : memref<1x256x16xf32, #tpu.memory_space<vmem>> -> memref<256x16xf32, #tpu.memory_space<vmem>>
        %dma_wait3A_739 = arith.constant 0 : i32
        %dma_wait3A_740 = tpu.memref_slice %arg8[%dma_wait3A_733, %dma_wait3A_734, %dma_wait3A_739] : memref<4x2x256xi32, #tpu.memory_space<vmem>> -> memref<1x1x256xi32, #tpu.memory_space<vmem>>
        %dma_wait3A_741 = tpu.memref_squeeze %dma_wait3A_740 : memref<1x1x256xi32, #tpu.memory_space<vmem>> -> memref<256xi32, #tpu.memory_space<vmem>>
        %dma_wait3A_742 = arith.constant 0 : i32
        %dma_wait3A_743 = arith.constant 0 : i32
        %dma_wait3A_744 = tpu.memref_slice %arg7[%dma_wait3A_742, %dma_wait3A_743] : memref<100000x16xf32, #tpu.memory_space<vmem_shared>> -> memref<100000x16xf32, #tpu.memory_space<vmem_shared>>
        tpu.wait_indirect_dma semaphore(%arg15 : memref<!tpu.dma_semaphore, #tpu.memory_space<semaphore_mem>>) src(%dma_wait3A_738 : memref<256x16xf32, #tpu.memory_space<vmem>>) dst(%dma_wait3A_744 : memref<100000x16xf32, #tpu.memory_space<vmem_shared>>)
      } else {
      }
      %mul3A_396 = arith.constant 32 : i32
      %mul3A_397 = arith.muli %mul3A_396, %add3A_364 : i32
      %add3A_398 = arith.addi %add3A, %mul3A_397 : i32
      %lt3A_399 = arith.constant 12500 : i32
      %lt3A_400 = arith.cmpi slt, %add3A_398, %lt3A_399 : i32
      %convert_element_type3A_401 = arith.extui %lt3A_400 : i1 to i32
      %cond3A_402 = arith.constant 0 : i32
      %cond3A_403 = arith.cmpi ne, %convert_element_type3A_401, %cond3A_402 : i32
      scf.if %cond3A_403 {
        %dma_start3A_733 = arith.constant 1 : i32
        %dma_start3A_734 = arith.constant 1 : i32
        %dma_start3A_735 = arith.constant 1 : i32
        %dma_start3A_736 = arith.constant 0 : i32
        %dma_start3A_737 = arith.constant 0 : i32
        %dma_start3A_738 = tpu.memref_slice %arg10[%dma_start3A_733, %dma_start3A_736, %dma_start3A_737] : memref<4x256x16xf32, #tpu.memory_space<vmem>> -> memref<1x256x16xf32, #tpu.memory_space<vmem>>
        %dma_start3A_739 = tpu.memref_squeeze %dma_start3A_738 : memref<1x256x16xf32, #tpu.memory_space<vmem>> -> memref<256x16xf32, #tpu.memory_space<vmem>>
        %dma_start3A_740 = arith.constant 0 : i32
        %dma_start3A_741 = tpu.memref_slice %arg8[%dma_start3A_734, %dma_start3A_735, %dma_start3A_740] : memref<4x2x256xi32, #tpu.memory_space<vmem>> -> memref<1x1x256xi32, #tpu.memory_space<vmem>>
        %dma_start3A_742 = tpu.memref_squeeze %dma_start3A_741 : memref<1x1x256xi32, #tpu.memory_space<vmem>> -> memref<256xi32, #tpu.memory_space<vmem>>
        %dma_start3A_743 = arith.constant 0 : i32
        %dma_start3A_744 = arith.constant 0 : i32
        %dma_start3A_745 = tpu.memref_slice %arg7[%dma_start3A_743, %dma_start3A_744] : memref<100000x16xf32, #tpu.memory_space<vmem_shared>> -> memref<100000x16xf32, #tpu.memory_space<vmem_shared>>
        tpu.enqueue_indirect_dma source(%dma_start3A_739 : memref<256x16xf32, #tpu.memory_space<vmem>>) target(%dma_start3A_745 : memref<100000x16xf32, #tpu.memory_space<vmem_shared>>) offsets(%dma_start3A_742 : memref<256xi32, #tpu.memory_space<vmem>>) semaphore(%arg15 : memref<!tpu.dma_semaphore, #tpu.memory_space<semaphore_mem>>) {add = true}
      } else {
      }
      %add3A_404 = arith.constant 3 : i32
      %add3A_405 = arith.addi %add3A_364, %add3A_404 : i32
      %mul3A_406 = arith.constant 32 : i32
      %mul3A_407 = arith.muli %mul3A_406, %add3A_405 : i32
      %add3A_408 = arith.addi %add3A, %mul3A_407 : i32
      %lt3A_409 = arith.constant 12500 : i32
      %lt3A_410 = arith.cmpi slt, %add3A_408, %lt3A_409 : i32
      %convert_element_type3A_411 = arith.extui %lt3A_410 : i1 to i32
      %cond3A_412 = arith.constant 0 : i32
      %cond3A_413 = arith.cmpi ne, %convert_element_type3A_411, %cond3A_412 : i32
      scf.if %cond3A_413 {
        %add3A_733 = arith.constant 3 : i32
        %add3A_734 = arith.addi %add3A_364, %add3A_733 : i32
        %mul3A_735 = arith.constant 32 : i32
        %mul3A_736 = arith.muli %mul3A_735, %add3A_734 : i32
        %add3A_737 = arith.addi %add3A, %mul3A_736 : i32
        %mul3A_738 = arith.constant 256 : i32
        %mul3A_739 = arith.muli %add3A_737, %mul3A_738 : i32
        %dma_start3A_740 = arith.constant 0 : i32
        %dma_start3A_741 = arith.constant 0 : i32
        %dma_start3A_742 = arith.constant 0 : i32
        %dma_start3A_743 = tpu.memref_slice %arg8[%dma_start3A_740, %dma_start3A_741, %dma_start3A_742] : memref<4x2x256xi32, #tpu.memory_space<vmem>> -> memref<1x2x256xi32, #tpu.memory_space<vmem>>
        %dma_start3A_744 = tpu.memref_squeeze %dma_start3A_743 : memref<1x2x256xi32, #tpu.memory_space<vmem>> -> memref<2x256xi32, #tpu.memory_space<vmem>>
        %dma_start3A_745 = arith.constant 0 : i32
        %dma_start3A_746 = tpu.memref_slice %arg5[%dma_start3A_745, %mul3A_739] : memref<2x3200000xi32, #tpu.memory_space<hbm>> -> memref<2x256xi32, #tpu.memory_space<hbm>>
        %dma_start3A_747 = arith.constant 0 : i32
        %dma_start3A_748 = arith.constant 0 : i32
        %dma_start3A_749 = tpu.memref_slice %arg8[%dma_start3A_740, %dma_start3A_747, %dma_start3A_748] : memref<4x2x256xi32, #tpu.memory_space<vmem>> -> memref<1x2x256xi32, #tpu.memory_space<vmem>>
        %dma_start3A_750 = tpu.memref_squeeze %dma_start3A_749 : memref<1x2x256xi32, #tpu.memory_space<vmem>> -> memref<2x256xi32, #tpu.memory_space<vmem>>
        %dma_start3A_751 = arith.constant 0 : i32
        %dma_start3A_752 = tpu.memref_slice %arg5[%dma_start3A_751, %mul3A_739] : memref<2x3200000xi32, #tpu.memory_space<hbm>> -> memref<2x256xi32, #tpu.memory_space<hbm>>
        tpu.enqueue_dma source(%dma_start3A_752 : memref<2x256xi32, #tpu.memory_space<hbm>>) target(%dma_start3A_750 : memref<2x256xi32, #tpu.memory_space<vmem>>) target_semaphore(%arg11 : memref<!tpu.dma_semaphore, #tpu.memory_space<semaphore_mem>>)
      } else {
      }
      %mul3A_414 = arith.constant 12 : i32
      %mul3A_415 = arith.muli %mul3A_414, %scan3A_98 : i32
      %add3A_416 = arith.constant 6 : i32
      %add3A_417 = arith.addi %mul3A_415, %add3A_416 : i32
      %add3A_418 = arith.constant 2 : i32
      %add3A_419 = arith.addi %add3A_417, %add3A_418 : i32
      %mul3A_420 = arith.constant 32 : i32
      %mul3A_421 = arith.muli %mul3A_420, %add3A_419 : i32
      %add3A_422 = arith.addi %add3A, %mul3A_421 : i32
      %lt3A_423 = arith.constant 12500 : i32
      %lt3A_424 = arith.cmpi slt, %add3A_422, %lt3A_423 : i32
      %convert_element_type3A_425 = arith.extui %lt3A_424 : i1 to i32
      %cond3A_426 = arith.constant 0 : i32
      %cond3A_427 = arith.cmpi ne, %convert_element_type3A_425, %cond3A_426 : i32
      scf.if %cond3A_427 {
        %dma_wait3A = arith.constant 0 : i32
        %dma_wait3A_733 = arith.constant 0 : i32
        %dma_wait3A_734 = arith.constant 0 : i32
        %dma_wait3A_735 = tpu.memref_slice %arg8[%dma_wait3A, %dma_wait3A_733, %dma_wait3A_734] : memref<4x2x256xi32, #tpu.memory_space<vmem>> -> memref<1x2x256xi32, #tpu.memory_space<vmem>>
        %dma_wait3A_736 = tpu.memref_squeeze %dma_wait3A_735 : memref<1x2x256xi32, #tpu.memory_space<vmem>> -> memref<2x256xi32, #tpu.memory_space<vmem>>
        %dma_wait3A_737 = arith.constant 0 : i32
        %dma_wait3A_738 = arith.constant 0 : i32
        %dma_wait3A_739 = tpu.memref_slice %arg5[%dma_wait3A_737, %dma_wait3A_738] : memref<2x3200000xi32, #tpu.memory_space<hbm>> -> memref<2x256xi32, #tpu.memory_space<hbm>>
        %dma_wait3A_740 = arith.constant 0 : i32
        %dma_wait3A_741 = arith.constant 0 : i32
        %dma_wait3A_742 = tpu.memref_slice %arg8[%dma_wait3A, %dma_wait3A_740, %dma_wait3A_741] : memref<4x2x256xi32, #tpu.memory_space<vmem>> -> memref<1x2x256xi32, #tpu.memory_space<vmem>>
        %dma_wait3A_743 = tpu.memref_squeeze %dma_wait3A_742 : memref<1x2x256xi32, #tpu.memory_space<vmem>> -> memref<2x256xi32, #tpu.memory_space<vmem>>
        %dma_wait3A_744 = arith.constant 0 : i32
        %dma_wait3A_745 = arith.constant 0 : i32
        %dma_wait3A_746 = tpu.memref_slice %arg5[%dma_wait3A_744, %dma_wait3A_745] : memref<2x3200000xi32, #tpu.memory_space<hbm>> -> memref<2x256xi32, #tpu.memory_space<hbm>>
        tpu.wait_dma2 semaphore(%arg11 : memref<!tpu.dma_semaphore, #tpu.memory_space<semaphore_mem>>) src(%dma_wait3A_746 : memref<2x256xi32, #tpu.memory_space<hbm>>) dst(%dma_wait3A_743 : memref<2x256xi32, #tpu.memory_space<vmem>>)
        %dma_start3A_747 = arith.constant 0 : i32
        %dma_start3A_748 = arith.constant 0 : i32
        %dma_start3A_749 = arith.constant 2 : i32
        %dma_start3A_750 = arith.constant 0 : i32
        %dma_start3A_751 = arith.constant 0 : i32
        %dma_start3A_752 = tpu.memref_slice %arg9[%dma_start3A_749, %dma_start3A_750, %dma_start3A_751] : memref<3x256x16xf32, #tpu.memory_space<vmem>> -> memref<1x256x16xf32, #tpu.memory_space<vmem>>
        %dma_start3A_753 = tpu.memref_squeeze %dma_start3A_752 : memref<1x256x16xf32, #tpu.memory_space<vmem>> -> memref<256x16xf32, #tpu.memory_space<vmem>>
        %dma_start3A_754 = arith.constant 0 : i32
        %dma_start3A_755 = tpu.memref_slice %arg8[%dma_start3A_747, %dma_start3A_748, %dma_start3A_754] : memref<4x2x256xi32, #tpu.memory_space<vmem>> -> memref<1x1x256xi32, #tpu.memory_space<vmem>>
        %dma_start3A_756 = tpu.memref_squeeze %dma_start3A_755 : memref<1x1x256xi32, #tpu.memory_space<vmem>> -> memref<256xi32, #tpu.memory_space<vmem>>
        %dma_start3A_757 = arith.constant 0 : i32
        %dma_start3A_758 = arith.constant 0 : i32
        %dma_start3A_759 = tpu.memref_slice %arg2[%dma_start3A_757, %dma_start3A_758] : memref<100000x16xf32, #tpu.memory_space<hbm>> -> memref<100000x16xf32, #tpu.memory_space<hbm>>
        tpu.enqueue_indirect_dma source(%dma_start3A_759 : memref<100000x16xf32, #tpu.memory_space<hbm>>) target(%dma_start3A_753 : memref<256x16xf32, #tpu.memory_space<vmem>>) offsets(%dma_start3A_756 : memref<256xi32, #tpu.memory_space<vmem>>) semaphore(%arg14 : memref<!tpu.dma_semaphore, #tpu.memory_space<semaphore_mem>>)
        %dma_start3A_760 = arith.constant 0 : i32
        %dma_start3A_761 = arith.constant 1 : i32
        %dma_start3A_762 = arith.constant 0 : i32
        %dma_start3A_763 = arith.constant 0 : i32
        %dma_start3A_764 = arith.constant 0 : i32
        %dma_start3A_765 = tpu.memref_slice %arg10[%dma_start3A_762, %dma_start3A_763, %dma_start3A_764] : memref<4x256x16xf32, #tpu.memory_space<vmem>> -> memref<1x256x16xf32, #tpu.memory_space<vmem>>
        %dma_start3A_766 = tpu.memref_squeeze %dma_start3A_765 : memref<1x256x16xf32, #tpu.memory_space<vmem>> -> memref<256x16xf32, #tpu.memory_space<vmem>>
        %dma_start3A_767 = arith.constant 0 : i32
        %dma_start3A_768 = tpu.memref_slice %arg8[%dma_start3A_760, %dma_start3A_761, %dma_start3A_767] : memref<4x2x256xi32, #tpu.memory_space<vmem>> -> memref<1x1x256xi32, #tpu.memory_space<vmem>>
        %dma_start3A_769 = tpu.memref_squeeze %dma_start3A_768 : memref<1x1x256xi32, #tpu.memory_space<vmem>> -> memref<256xi32, #tpu.memory_space<vmem>>
        %dma_start3A_770 = arith.constant 0 : i32
        %dma_start3A_771 = arith.constant 0 : i32
        %dma_start3A_772 = tpu.memref_slice %arg3[%dma_start3A_770, %dma_start3A_771] : memref<100000x16xf32, #tpu.memory_space<hbm>> -> memref<100000x16xf32, #tpu.memory_space<hbm>>
        tpu.enqueue_indirect_dma source(%dma_start3A_772 : memref<100000x16xf32, #tpu.memory_space<hbm>>) target(%dma_start3A_766 : memref<256x16xf32, #tpu.memory_space<vmem>>) offsets(%dma_start3A_769 : memref<256xi32, #tpu.memory_space<vmem>>) semaphore(%arg14 : memref<!tpu.dma_semaphore, #tpu.memory_space<semaphore_mem>>)
      } else {
      }
      %mul3A_428 = arith.constant 32 : i32
      %mul3A_429 = arith.muli %mul3A_428, %add3A_417 : i32
      %add3A_430 = arith.addi %add3A, %mul3A_429 : i32
      %lt3A_431 = arith.constant 12500 : i32
      %lt3A_432 = arith.cmpi slt, %add3A_430, %lt3A_431 : i32
      %convert_element_type3A_433 = arith.extui %lt3A_432 : i1 to i32
      %cond3A_434 = arith.constant 0 : i32
      %cond3A_435 = arith.cmpi ne, %convert_element_type3A_433, %cond3A_434 : i32
      scf.if %cond3A_435 {
        %dma_wait3A = arith.constant 2 : i32
        %dma_wait3A_733 = arith.constant 0 : i32
        %dma_wait3A_734 = arith.constant 0 : i32
        %dma_wait3A_735 = arith.constant 0 : i32
        %dma_wait3A_736 = arith.constant 0 : i32
        %dma_wait3A_737 = tpu.memref_slice %arg9[%dma_wait3A_734, %dma_wait3A_735, %dma_wait3A_736] : memref<3x256x16xf32, #tpu.memory_space<vmem>> -> memref<1x256x16xf32, #tpu.memory_space<vmem>>
        %dma_wait3A_738 = tpu.memref_squeeze %dma_wait3A_737 : memref<1x256x16xf32, #tpu.memory_space<vmem>> -> memref<256x16xf32, #tpu.memory_space<vmem>>
        %dma_wait3A_739 = arith.constant 0 : i32
        %dma_wait3A_740 = tpu.memref_slice %arg8[%dma_wait3A, %dma_wait3A_733, %dma_wait3A_739] : memref<4x2x256xi32, #tpu.memory_space<vmem>> -> memref<1x1x256xi32, #tpu.memory_space<vmem>>
        %dma_wait3A_741 = tpu.memref_squeeze %dma_wait3A_740 : memref<1x1x256xi32, #tpu.memory_space<vmem>> -> memref<256xi32, #tpu.memory_space<vmem>>
        %dma_wait3A_742 = arith.constant 0 : i32
        %dma_wait3A_743 = arith.constant 0 : i32
        %dma_wait3A_744 = tpu.memref_slice %arg2[%dma_wait3A_742, %dma_wait3A_743] : memref<100000x16xf32, #tpu.memory_space<hbm>> -> memref<100000x16xf32, #tpu.memory_space<hbm>>
        tpu.wait_indirect_dma semaphore(%arg12 : memref<!tpu.dma_semaphore, #tpu.memory_space<semaphore_mem>>) src(%dma_wait3A_744 : memref<100000x16xf32, #tpu.memory_space<hbm>>) dst(%dma_wait3A_738 : memref<256x16xf32, #tpu.memory_space<vmem>>)
        %dma_wait3A_745 = arith.constant 2 : i32
        %dma_wait3A_746 = arith.constant 1 : i32
        %dma_wait3A_747 = arith.constant 2 : i32
        %dma_wait3A_748 = arith.constant 0 : i32
        %dma_wait3A_749 = arith.constant 0 : i32
        %dma_wait3A_750 = tpu.memref_slice %arg10[%dma_wait3A_747, %dma_wait3A_748, %dma_wait3A_749] : memref<4x256x16xf32, #tpu.memory_space<vmem>> -> memref<1x256x16xf32, #tpu.memory_space<vmem>>
        %dma_wait3A_751 = tpu.memref_squeeze %dma_wait3A_750 : memref<1x256x16xf32, #tpu.memory_space<vmem>> -> memref<256x16xf32, #tpu.memory_space<vmem>>
        %dma_wait3A_752 = arith.constant 0 : i32
        %dma_wait3A_753 = tpu.memref_slice %arg8[%dma_wait3A_745, %dma_wait3A_746, %dma_wait3A_752] : memref<4x2x256xi32, #tpu.memory_space<vmem>> -> memref<1x1x256xi32, #tpu.memory_space<vmem>>
        %dma_wait3A_754 = tpu.memref_squeeze %dma_wait3A_753 : memref<1x1x256xi32, #tpu.memory_space<vmem>> -> memref<256xi32, #tpu.memory_space<vmem>>
        %dma_wait3A_755 = arith.constant 0 : i32
        %dma_wait3A_756 = arith.constant 0 : i32
        %dma_wait3A_757 = tpu.memref_slice %arg3[%dma_wait3A_755, %dma_wait3A_756] : memref<100000x16xf32, #tpu.memory_space<hbm>> -> memref<100000x16xf32, #tpu.memory_space<hbm>>
        tpu.wait_indirect_dma semaphore(%arg12 : memref<!tpu.dma_semaphore, #tpu.memory_space<semaphore_mem>>) src(%dma_wait3A_757 : memref<100000x16xf32, #tpu.memory_space<hbm>>) dst(%dma_wait3A_751 : memref<256x16xf32, #tpu.memory_space<vmem>>)
        %parallel_loop3A = arith.constant 0 : i32
        %parallel_loop3A_758 = arith.constant 256 : i32
        %parallel_loop3A_759 = arith.constant 1 : i32
        scf.for %parallel_loop3A_760 = %parallel_loop3A to %parallel_loop3A_758 step %parallel_loop3A_759  : i32 {
          %parallel_loop3A_761 = arith.constant 0 : i32
          %parallel_loop3A_762 = arith.index_cast %parallel_loop3A_761 : i32 to index
          %parallel_loop3A_763 = arith.index_cast %parallel_loop3A_760 : i32 to index
          %parallel_loop3A_764 = arith.constant 0 : index
          %parallel_loop3A_765 = tpu.vector_load %arg9[%parallel_loop3A_762, %parallel_loop3A_763, %parallel_loop3A_764] {strides = array<i32>} : memref<3x256x16xf32, #tpu.memory_space<vmem>>, vector<1x1x16xf32>,
          %parallel_loop3A_766 = vector.shape_cast %parallel_loop3A_765 : vector<1x1x16xf32> to vector<16xf32>
          %parallel_loop3A_767 = arith.constant 2 : i32
          %parallel_loop3A_768 = arith.index_cast %parallel_loop3A_767 : i32 to index
          %parallel_loop3A_769 = arith.index_cast %parallel_loop3A_760 : i32 to index
          %parallel_loop3A_770 = arith.constant 0 : index
          %parallel_loop3A_771 = tpu.vector_load %arg10[%parallel_loop3A_768, %parallel_loop3A_769, %parallel_loop3A_770] {strides = array<i32>} : memref<4x256x16xf32, #tpu.memory_space<vmem>>, vector<1x1x16xf32>,
          %parallel_loop3A_772 = vector.shape_cast %parallel_loop3A_771 : vector<1x1x16xf32> to vector<16xf32>
          %parallel_loop3A_773 = arith.addf %parallel_loop3A_766, %parallel_loop3A_772 : vector<16xf32>
          %parallel_loop3A_774 = arith.constant 0.000000e+00 : f32
          %parallel_loop3A_775 = vector.broadcast %parallel_loop3A_774 : f32 to vector<16xf32>
          %parallel_loop3A_776 = arith.cmpf oge, %parallel_loop3A_773, %parallel_loop3A_775 : vector<16xf32>
          %parallel_loop3A_777 = arith.constant 2.000000e-01 : f32
          %parallel_loop3A_778 = vector.broadcast %parallel_loop3A_777 : f32 to vector<16xf32>
          %parallel_loop3A_779 = arith.mulf %parallel_loop3A_778, %parallel_loop3A_773 : vector<16xf32>
          %parallel_loop3A_780 = arith.select %parallel_loop3A_776, %parallel_loop3A_773, %parallel_loop3A_779 : vector<16xi1>, vector<16xf32>
          %parallel_loop3A_781 = vector.shape_cast %and3A_6 : vector<16xi32> to vector<16x1xi32>
          %parallel_loop3A_782 = vector.shape_cast %parallel_loop3A_781 : vector<16x1xi32> to vector<16xi32>
          %parallel_loop3A_783 = tpu.dynamic_gather %parallel_loop3A_780[%parallel_loop3A_782] in [0] : vector<16xf32>, vector<16xi32> -> vector<16xf32>
          %parallel_loop3A_784 = math.exp %parallel_loop3A_783 : vector<16xf32>
          %parallel_loop3A_785 = arith.constant 1.000000e+00 : f32
          %parallel_loop3A_786 = vector.broadcast %parallel_loop3A_785 : f32 to vector<16xf32>
          %parallel_loop3A_787 = arith.select %lt3A_9, %parallel_loop3A_786, %parallel_loop3A_766 : vector<16xi1>, vector<16xf32>
          %parallel_loop3A_788 = arith.mulf %parallel_loop3A_784, %parallel_loop3A_787 : vector<16xf32>
          %parallel_loop3A_789 = arith.constant 2 : i32
          %parallel_loop3A_790 = arith.index_cast %parallel_loop3A_789 : i32 to index
          %parallel_loop3A_791 = arith.index_cast %parallel_loop3A_760 : i32 to index
          %parallel_loop3A_792 = arith.constant 0 : index
          %parallel_loop3A_793 = tpu.vector_load %arg10[%parallel_loop3A_790, %parallel_loop3A_791, %parallel_loop3A_792] {strides = array<i32>} : memref<4x256x16xf32, #tpu.memory_space<vmem>>, vector<1x1x16xf32>,
          %parallel_loop3A_794 = vector.shape_cast %parallel_loop3A_793 : vector<1x1x16xf32> to vector<16xf32>
          %parallel_loop3A_795 = vector.shape_cast %parallel_loop3A_788 : vector<16xf32> to vector<1x1x16xf32>
          tpu.vector_store %arg10[%parallel_loop3A_790, %parallel_loop3A_791, %parallel_loop3A_792], %parallel_loop3A_795 {strides = array<i32>} : memref<4x256x16xf32, #tpu.memory_space<vmem>>, vector<1x1x16xf32>,
        } {sc.loop_unroll_factor = 8 : i64, sc.parallel_access}
      } else {
      }
      %gt3A_436 = arith.constant 0 : i32
      %gt3A_437 = arith.cmpi sgt, %add3A_417, %gt3A_436 : i32
      %sub3A_438 = arith.constant 1 : i32
      %sub3A_439 = arith.subi %add3A_417, %sub3A_438 : i32
      %mul3A_440 = arith.constant 32 : i32
      %mul3A_441 = arith.muli %mul3A_440, %sub3A_439 : i32
      %add3A_442 = arith.addi %add3A, %mul3A_441 : i32
      %lt3A_443 = arith.constant 12500 : i32
      %lt3A_444 = arith.cmpi slt, %add3A_442, %lt3A_443 : i32
      %and3A_445 = arith.andi %gt3A_437, %lt3A_444 : i1
      %convert_element_type3A_446 = arith.extui %and3A_445 : i1 to i32
      %cond3A_447 = arith.constant 0 : i32
      %cond3A_448 = arith.cmpi ne, %convert_element_type3A_446, %cond3A_447 : i32
      scf.if %cond3A_448 {
        %dma_wait3A = arith.constant 1 : i32
        %dma_wait3A_733 = arith.constant 1 : i32
        %dma_wait3A_734 = arith.constant 1 : i32
        %dma_wait3A_735 = arith.constant 0 : i32
        %dma_wait3A_736 = arith.constant 0 : i32
        %dma_wait3A_737 = tpu.memref_slice %arg10[%dma_wait3A, %dma_wait3A_735, %dma_wait3A_736] : memref<4x256x16xf32, #tpu.memory_space<vmem>> -> memref<1x256x16xf32, #tpu.memory_space<vmem>>
        %dma_wait3A_738 = tpu.memref_squeeze %dma_wait3A_737 : memref<1x256x16xf32, #tpu.memory_space<vmem>> -> memref<256x16xf32, #tpu.memory_space<vmem>>
        %dma_wait3A_739 = arith.constant 0 : i32
        %dma_wait3A_740 = tpu.memref_slice %arg8[%dma_wait3A_733, %dma_wait3A_734, %dma_wait3A_739] : memref<4x2x256xi32, #tpu.memory_space<vmem>> -> memref<1x1x256xi32, #tpu.memory_space<vmem>>
        %dma_wait3A_741 = tpu.memref_squeeze %dma_wait3A_740 : memref<1x1x256xi32, #tpu.memory_space<vmem>> -> memref<256xi32, #tpu.memory_space<vmem>>
        %dma_wait3A_742 = arith.constant 0 : i32
        %dma_wait3A_743 = arith.constant 0 : i32
        %dma_wait3A_744 = tpu.memref_slice %arg7[%dma_wait3A_742, %dma_wait3A_743] : memref<100000x16xf32, #tpu.memory_space<vmem_shared>> -> memref<100000x16xf32, #tpu.memory_space<vmem_shared>>
        tpu.wait_indirect_dma semaphore(%arg15 : memref<!tpu.dma_semaphore, #tpu.memory_space<semaphore_mem>>) src(%dma_wait3A_738 : memref<256x16xf32, #tpu.memory_space<vmem>>) dst(%dma_wait3A_744 : memref<100000x16xf32, #tpu.memory_space<vmem_shared>>)
      } else {
      }
      %mul3A_449 = arith.constant 32 : i32
      %mul3A_450 = arith.muli %mul3A_449, %add3A_417 : i32
      %add3A_451 = arith.addi %add3A, %mul3A_450 : i32
      %lt3A_452 = arith.constant 12500 : i32
      %lt3A_453 = arith.cmpi slt, %add3A_451, %lt3A_452 : i32
      %convert_element_type3A_454 = arith.extui %lt3A_453 : i1 to i32
      %cond3A_455 = arith.constant 0 : i32
      %cond3A_456 = arith.cmpi ne, %convert_element_type3A_454, %cond3A_455 : i32
      scf.if %cond3A_456 {
        %dma_start3A_733 = arith.constant 2 : i32
        %dma_start3A_734 = arith.constant 2 : i32
        %dma_start3A_735 = arith.constant 1 : i32
        %dma_start3A_736 = arith.constant 0 : i32
        %dma_start3A_737 = arith.constant 0 : i32
        %dma_start3A_738 = tpu.memref_slice %arg10[%dma_start3A_733, %dma_start3A_736, %dma_start3A_737] : memref<4x256x16xf32, #tpu.memory_space<vmem>> -> memref<1x256x16xf32, #tpu.memory_space<vmem>>
        %dma_start3A_739 = tpu.memref_squeeze %dma_start3A_738 : memref<1x256x16xf32, #tpu.memory_space<vmem>> -> memref<256x16xf32, #tpu.memory_space<vmem>>
        %dma_start3A_740 = arith.constant 0 : i32
        %dma_start3A_741 = tpu.memref_slice %arg8[%dma_start3A_734, %dma_start3A_735, %dma_start3A_740] : memref<4x2x256xi32, #tpu.memory_space<vmem>> -> memref<1x1x256xi32, #tpu.memory_space<vmem>>
        %dma_start3A_742 = tpu.memref_squeeze %dma_start3A_741 : memref<1x1x256xi32, #tpu.memory_space<vmem>> -> memref<256xi32, #tpu.memory_space<vmem>>
        %dma_start3A_743 = arith.constant 0 : i32
        %dma_start3A_744 = arith.constant 0 : i32
        %dma_start3A_745 = tpu.memref_slice %arg7[%dma_start3A_743, %dma_start3A_744] : memref<100000x16xf32, #tpu.memory_space<vmem_shared>> -> memref<100000x16xf32, #tpu.memory_space<vmem_shared>>
        tpu.enqueue_indirect_dma source(%dma_start3A_739 : memref<256x16xf32, #tpu.memory_space<vmem>>) target(%dma_start3A_745 : memref<100000x16xf32, #tpu.memory_space<vmem_shared>>) offsets(%dma_start3A_742 : memref<256xi32, #tpu.memory_space<vmem>>) semaphore(%arg15 : memref<!tpu.dma_semaphore, #tpu.memory_space<semaphore_mem>>) {add = true}
      } else {
      }
      %add3A_457 = arith.constant 3 : i32
      %add3A_458 = arith.addi %add3A_417, %add3A_457 : i32
      %mul3A_459 = arith.constant 32 : i32
      %mul3A_460 = arith.muli %mul3A_459, %add3A_458 : i32
      %add3A_461 = arith.addi %add3A, %mul3A_460 : i32
      %lt3A_462 = arith.constant 12500 : i32
      %lt3A_463 = arith.cmpi slt, %add3A_461, %lt3A_462 : i32
      %convert_element_type3A_464 = arith.extui %lt3A_463 : i1 to i32
      %cond3A_465 = arith.constant 0 : i32
      %cond3A_466 = arith.cmpi ne, %convert_element_type3A_464, %cond3A_465 : i32
      scf.if %cond3A_466 {
        %add3A_733 = arith.constant 3 : i32
        %add3A_734 = arith.addi %add3A_417, %add3A_733 : i32
        %mul3A_735 = arith.constant 32 : i32
        %mul3A_736 = arith.muli %mul3A_735, %add3A_734 : i32
        %add3A_737 = arith.addi %add3A, %mul3A_736 : i32
        %mul3A_738 = arith.constant 256 : i32
        %mul3A_739 = arith.muli %add3A_737, %mul3A_738 : i32
        %dma_start3A_740 = arith.constant 1 : i32
        %dma_start3A_741 = arith.constant 0 : i32
        %dma_start3A_742 = arith.constant 0 : i32
        %dma_start3A_743 = tpu.memref_slice %arg8[%dma_start3A_740, %dma_start3A_741, %dma_start3A_742] : memref<4x2x256xi32, #tpu.memory_space<vmem>> -> memref<1x2x256xi32, #tpu.memory_space<vmem>>
        %dma_start3A_744 = tpu.memref_squeeze %dma_start3A_743 : memref<1x2x256xi32, #tpu.memory_space<vmem>> -> memref<2x256xi32, #tpu.memory_space<vmem>>
        %dma_start3A_745 = arith.constant 0 : i32
        %dma_start3A_746 = tpu.memref_slice %arg5[%dma_start3A_745, %mul3A_739] : memref<2x3200000xi32, #tpu.memory_space<hbm>> -> memref<2x256xi32, #tpu.memory_space<hbm>>
        %dma_start3A_747 = arith.constant 0 : i32
        %dma_start3A_748 = arith.constant 0 : i32
        %dma_start3A_749 = tpu.memref_slice %arg8[%dma_start3A_740, %dma_start3A_747, %dma_start3A_748] : memref<4x2x256xi32, #tpu.memory_space<vmem>> -> memref<1x2x256xi32, #tpu.memory_space<vmem>>
        %dma_start3A_750 = tpu.memref_squeeze %dma_start3A_749 : memref<1x2x256xi32, #tpu.memory_space<vmem>> -> memref<2x256xi32, #tpu.memory_space<vmem>>
        %dma_start3A_751 = arith.constant 0 : i32
        %dma_start3A_752 = tpu.memref_slice %arg5[%dma_start3A_751, %mul3A_739] : memref<2x3200000xi32, #tpu.memory_space<hbm>> -> memref<2x256xi32, #tpu.memory_space<hbm>>
        tpu.enqueue_dma source(%dma_start3A_752 : memref<2x256xi32, #tpu.memory_space<hbm>>) target(%dma_start3A_750 : memref<2x256xi32, #tpu.memory_space<vmem>>) target_semaphore(%arg11 : memref<!tpu.dma_semaphore, #tpu.memory_space<semaphore_mem>>)
      } else {
      }
      %mul3A_467 = arith.constant 12 : i32
      %mul3A_468 = arith.muli %mul3A_467, %scan3A_98 : i32
      %add3A_469 = arith.constant 7 : i32
      %add3A_470 = arith.addi %mul3A_468, %add3A_469 : i32
      %add3A_471 = arith.constant 2 : i32
      %add3A_472 = arith.addi %add3A_470, %add3A_471 : i32
      %mul3A_473 = arith.constant 32 : i32
      %mul3A_474 = arith.muli %mul3A_473, %add3A_472 : i32
      %add3A_475 = arith.addi %add3A, %mul3A_474 : i32
      %lt3A_476 = arith.constant 12500 : i32
      %lt3A_477 = arith.cmpi slt, %add3A_475, %lt3A_476 : i32
      %convert_element_type3A_478 = arith.extui %lt3A_477 : i1 to i32
      %cond3A_479 = arith.constant 0 : i32
      %cond3A_480 = arith.cmpi ne, %convert_element_type3A_478, %cond3A_479 : i32
      scf.if %cond3A_480 {
        %dma_wait3A = arith.constant 1 : i32
        %dma_wait3A_733 = arith.constant 0 : i32
        %dma_wait3A_734 = arith.constant 0 : i32
        %dma_wait3A_735 = tpu.memref_slice %arg8[%dma_wait3A, %dma_wait3A_733, %dma_wait3A_734] : memref<4x2x256xi32, #tpu.memory_space<vmem>> -> memref<1x2x256xi32, #tpu.memory_space<vmem>>
        %dma_wait3A_736 = tpu.memref_squeeze %dma_wait3A_735 : memref<1x2x256xi32, #tpu.memory_space<vmem>> -> memref<2x256xi32, #tpu.memory_space<vmem>>
        %dma_wait3A_737 = arith.constant 0 : i32
        %dma_wait3A_738 = arith.constant 0 : i32
        %dma_wait3A_739 = tpu.memref_slice %arg5[%dma_wait3A_737, %dma_wait3A_738] : memref<2x3200000xi32, #tpu.memory_space<hbm>> -> memref<2x256xi32, #tpu.memory_space<hbm>>
        %dma_wait3A_740 = arith.constant 0 : i32
        %dma_wait3A_741 = arith.constant 0 : i32
        %dma_wait3A_742 = tpu.memref_slice %arg8[%dma_wait3A, %dma_wait3A_740, %dma_wait3A_741] : memref<4x2x256xi32, #tpu.memory_space<vmem>> -> memref<1x2x256xi32, #tpu.memory_space<vmem>>
        %dma_wait3A_743 = tpu.memref_squeeze %dma_wait3A_742 : memref<1x2x256xi32, #tpu.memory_space<vmem>> -> memref<2x256xi32, #tpu.memory_space<vmem>>
        %dma_wait3A_744 = arith.constant 0 : i32
        %dma_wait3A_745 = arith.constant 0 : i32
        %dma_wait3A_746 = tpu.memref_slice %arg5[%dma_wait3A_744, %dma_wait3A_745] : memref<2x3200000xi32, #tpu.memory_space<hbm>> -> memref<2x256xi32, #tpu.memory_space<hbm>>
        tpu.wait_dma2 semaphore(%arg11 : memref<!tpu.dma_semaphore, #tpu.memory_space<semaphore_mem>>) src(%dma_wait3A_746 : memref<2x256xi32, #tpu.memory_space<hbm>>) dst(%dma_wait3A_743 : memref<2x256xi32, #tpu.memory_space<vmem>>)
        %dma_start3A_747 = arith.constant 1 : i32
        %dma_start3A_748 = arith.constant 0 : i32
        %dma_start3A_749 = arith.constant 0 : i32
        %dma_start3A_750 = arith.constant 0 : i32
        %dma_start3A_751 = arith.constant 0 : i32
        %dma_start3A_752 = tpu.memref_slice %arg9[%dma_start3A_749, %dma_start3A_750, %dma_start3A_751] : memref<3x256x16xf32, #tpu.memory_space<vmem>> -> memref<1x256x16xf32, #tpu.memory_space<vmem>>
        %dma_start3A_753 = tpu.memref_squeeze %dma_start3A_752 : memref<1x256x16xf32, #tpu.memory_space<vmem>> -> memref<256x16xf32, #tpu.memory_space<vmem>>
        %dma_start3A_754 = arith.constant 0 : i32
        %dma_start3A_755 = tpu.memref_slice %arg8[%dma_start3A_747, %dma_start3A_748, %dma_start3A_754] : memref<4x2x256xi32, #tpu.memory_space<vmem>> -> memref<1x1x256xi32, #tpu.memory_space<vmem>>
        %dma_start3A_756 = tpu.memref_squeeze %dma_start3A_755 : memref<1x1x256xi32, #tpu.memory_space<vmem>> -> memref<256xi32, #tpu.memory_space<vmem>>
        %dma_start3A_757 = arith.constant 0 : i32
        %dma_start3A_758 = arith.constant 0 : i32
        %dma_start3A_759 = tpu.memref_slice %arg2[%dma_start3A_757, %dma_start3A_758] : memref<100000x16xf32, #tpu.memory_space<hbm>> -> memref<100000x16xf32, #tpu.memory_space<hbm>>
        tpu.enqueue_indirect_dma source(%dma_start3A_759 : memref<100000x16xf32, #tpu.memory_space<hbm>>) target(%dma_start3A_753 : memref<256x16xf32, #tpu.memory_space<vmem>>) offsets(%dma_start3A_756 : memref<256xi32, #tpu.memory_space<vmem>>) semaphore(%arg12 : memref<!tpu.dma_semaphore, #tpu.memory_space<semaphore_mem>>)
        %dma_start3A_760 = arith.constant 1 : i32
        %dma_start3A_761 = arith.constant 1 : i32
        %dma_start3A_762 = arith.constant 1 : i32
        %dma_start3A_763 = arith.constant 0 : i32
        %dma_start3A_764 = arith.constant 0 : i32
        %dma_start3A_765 = tpu.memref_slice %arg10[%dma_start3A_762, %dma_start3A_763, %dma_start3A_764] : memref<4x256x16xf32, #tpu.memory_space<vmem>> -> memref<1x256x16xf32, #tpu.memory_space<vmem>>
        %dma_start3A_766 = tpu.memref_squeeze %dma_start3A_765 : memref<1x256x16xf32, #tpu.memory_space<vmem>> -> memref<256x16xf32, #tpu.memory_space<vmem>>
        %dma_start3A_767 = arith.constant 0 : i32
        %dma_start3A_768 = tpu.memref_slice %arg8[%dma_start3A_760, %dma_start3A_761, %dma_start3A_767] : memref<4x2x256xi32, #tpu.memory_space<vmem>> -> memref<1x1x256xi32, #tpu.memory_space<vmem>>
        %dma_start3A_769 = tpu.memref_squeeze %dma_start3A_768 : memref<1x1x256xi32, #tpu.memory_space<vmem>> -> memref<256xi32, #tpu.memory_space<vmem>>
        %dma_start3A_770 = arith.constant 0 : i32
        %dma_start3A_771 = arith.constant 0 : i32
        %dma_start3A_772 = tpu.memref_slice %arg3[%dma_start3A_770, %dma_start3A_771] : memref<100000x16xf32, #tpu.memory_space<hbm>> -> memref<100000x16xf32, #tpu.memory_space<hbm>>
        tpu.enqueue_indirect_dma source(%dma_start3A_772 : memref<100000x16xf32, #tpu.memory_space<hbm>>) target(%dma_start3A_766 : memref<256x16xf32, #tpu.memory_space<vmem>>) offsets(%dma_start3A_769 : memref<256xi32, #tpu.memory_space<vmem>>) semaphore(%arg12 : memref<!tpu.dma_semaphore, #tpu.memory_space<semaphore_mem>>)
      } else {
      }
      %mul3A_481 = arith.constant 32 : i32
      %mul3A_482 = arith.muli %mul3A_481, %add3A_470 : i32
      %add3A_483 = arith.addi %add3A, %mul3A_482 : i32
      %lt3A_484 = arith.constant 12500 : i32
      %lt3A_485 = arith.cmpi slt, %add3A_483, %lt3A_484 : i32
      %convert_element_type3A_486 = arith.extui %lt3A_485 : i1 to i32
      %cond3A_487 = arith.constant 0 : i32
      %cond3A_488 = arith.cmpi ne, %convert_element_type3A_486, %cond3A_487 : i32
      scf.if %cond3A_488 {
        %dma_wait3A = arith.constant 3 : i32
        %dma_wait3A_733 = arith.constant 0 : i32
        %dma_wait3A_734 = arith.constant 1 : i32
        %dma_wait3A_735 = arith.constant 0 : i32
        %dma_wait3A_736 = arith.constant 0 : i32
        %dma_wait3A_737 = tpu.memref_slice %arg9[%dma_wait3A_734, %dma_wait3A_735, %dma_wait3A_736] : memref<3x256x16xf32, #tpu.memory_space<vmem>> -> memref<1x256x16xf32, #tpu.memory_space<vmem>>
        %dma_wait3A_738 = tpu.memref_squeeze %dma_wait3A_737 : memref<1x256x16xf32, #tpu.memory_space<vmem>> -> memref<256x16xf32, #tpu.memory_space<vmem>>
        %dma_wait3A_739 = arith.constant 0 : i32
        %dma_wait3A_740 = tpu.memref_slice %arg8[%dma_wait3A, %dma_wait3A_733, %dma_wait3A_739] : memref<4x2x256xi32, #tpu.memory_space<vmem>> -> memref<1x1x256xi32, #tpu.memory_space<vmem>>
        %dma_wait3A_741 = tpu.memref_squeeze %dma_wait3A_740 : memref<1x1x256xi32, #tpu.memory_space<vmem>> -> memref<256xi32, #tpu.memory_space<vmem>>
        %dma_wait3A_742 = arith.constant 0 : i32
        %dma_wait3A_743 = arith.constant 0 : i32
        %dma_wait3A_744 = tpu.memref_slice %arg2[%dma_wait3A_742, %dma_wait3A_743] : memref<100000x16xf32, #tpu.memory_space<hbm>> -> memref<100000x16xf32, #tpu.memory_space<hbm>>
        tpu.wait_indirect_dma semaphore(%arg13 : memref<!tpu.dma_semaphore, #tpu.memory_space<semaphore_mem>>) src(%dma_wait3A_744 : memref<100000x16xf32, #tpu.memory_space<hbm>>) dst(%dma_wait3A_738 : memref<256x16xf32, #tpu.memory_space<vmem>>)
        %dma_wait3A_745 = arith.constant 3 : i32
        %dma_wait3A_746 = arith.constant 1 : i32
        %dma_wait3A_747 = arith.constant 3 : i32
        %dma_wait3A_748 = arith.constant 0 : i32
        %dma_wait3A_749 = arith.constant 0 : i32
        %dma_wait3A_750 = tpu.memref_slice %arg10[%dma_wait3A_747, %dma_wait3A_748, %dma_wait3A_749] : memref<4x256x16xf32, #tpu.memory_space<vmem>> -> memref<1x256x16xf32, #tpu.memory_space<vmem>>
        %dma_wait3A_751 = tpu.memref_squeeze %dma_wait3A_750 : memref<1x256x16xf32, #tpu.memory_space<vmem>> -> memref<256x16xf32, #tpu.memory_space<vmem>>
        %dma_wait3A_752 = arith.constant 0 : i32
        %dma_wait3A_753 = tpu.memref_slice %arg8[%dma_wait3A_745, %dma_wait3A_746, %dma_wait3A_752] : memref<4x2x256xi32, #tpu.memory_space<vmem>> -> memref<1x1x256xi32, #tpu.memory_space<vmem>>
        %dma_wait3A_754 = tpu.memref_squeeze %dma_wait3A_753 : memref<1x1x256xi32, #tpu.memory_space<vmem>> -> memref<256xi32, #tpu.memory_space<vmem>>
        %dma_wait3A_755 = arith.constant 0 : i32
        %dma_wait3A_756 = arith.constant 0 : i32
        %dma_wait3A_757 = tpu.memref_slice %arg3[%dma_wait3A_755, %dma_wait3A_756] : memref<100000x16xf32, #tpu.memory_space<hbm>> -> memref<100000x16xf32, #tpu.memory_space<hbm>>
        tpu.wait_indirect_dma semaphore(%arg13 : memref<!tpu.dma_semaphore, #tpu.memory_space<semaphore_mem>>) src(%dma_wait3A_757 : memref<100000x16xf32, #tpu.memory_space<hbm>>) dst(%dma_wait3A_751 : memref<256x16xf32, #tpu.memory_space<vmem>>)
        %parallel_loop3A = arith.constant 0 : i32
        %parallel_loop3A_758 = arith.constant 256 : i32
        %parallel_loop3A_759 = arith.constant 1 : i32
        scf.for %parallel_loop3A_760 = %parallel_loop3A to %parallel_loop3A_758 step %parallel_loop3A_759  : i32 {
          %parallel_loop3A_761 = arith.constant 1 : i32
          %parallel_loop3A_762 = arith.index_cast %parallel_loop3A_761 : i32 to index
          %parallel_loop3A_763 = arith.index_cast %parallel_loop3A_760 : i32 to index
          %parallel_loop3A_764 = arith.constant 0 : index
          %parallel_loop3A_765 = tpu.vector_load %arg9[%parallel_loop3A_762, %parallel_loop3A_763, %parallel_loop3A_764] {strides = array<i32>} : memref<3x256x16xf32, #tpu.memory_space<vmem>>, vector<1x1x16xf32>,
          %parallel_loop3A_766 = vector.shape_cast %parallel_loop3A_765 : vector<1x1x16xf32> to vector<16xf32>
          %parallel_loop3A_767 = arith.constant 3 : i32
          %parallel_loop3A_768 = arith.index_cast %parallel_loop3A_767 : i32 to index
          %parallel_loop3A_769 = arith.index_cast %parallel_loop3A_760 : i32 to index
          %parallel_loop3A_770 = arith.constant 0 : index
          %parallel_loop3A_771 = tpu.vector_load %arg10[%parallel_loop3A_768, %parallel_loop3A_769, %parallel_loop3A_770] {strides = array<i32>} : memref<4x256x16xf32, #tpu.memory_space<vmem>>, vector<1x1x16xf32>,
          %parallel_loop3A_772 = vector.shape_cast %parallel_loop3A_771 : vector<1x1x16xf32> to vector<16xf32>
          %parallel_loop3A_773 = arith.addf %parallel_loop3A_766, %parallel_loop3A_772 : vector<16xf32>
          %parallel_loop3A_774 = arith.constant 0.000000e+00 : f32
          %parallel_loop3A_775 = vector.broadcast %parallel_loop3A_774 : f32 to vector<16xf32>
          %parallel_loop3A_776 = arith.cmpf oge, %parallel_loop3A_773, %parallel_loop3A_775 : vector<16xf32>
          %parallel_loop3A_777 = arith.constant 2.000000e-01 : f32
          %parallel_loop3A_778 = vector.broadcast %parallel_loop3A_777 : f32 to vector<16xf32>
          %parallel_loop3A_779 = arith.mulf %parallel_loop3A_778, %parallel_loop3A_773 : vector<16xf32>
          %parallel_loop3A_780 = arith.select %parallel_loop3A_776, %parallel_loop3A_773, %parallel_loop3A_779 : vector<16xi1>, vector<16xf32>
          %parallel_loop3A_781 = vector.shape_cast %and3A_6 : vector<16xi32> to vector<16x1xi32>
          %parallel_loop3A_782 = vector.shape_cast %parallel_loop3A_781 : vector<16x1xi32> to vector<16xi32>
          %parallel_loop3A_783 = tpu.dynamic_gather %parallel_loop3A_780[%parallel_loop3A_782] in [0] : vector<16xf32>, vector<16xi32> -> vector<16xf32>
          %parallel_loop3A_784 = math.exp %parallel_loop3A_783 : vector<16xf32>
          %parallel_loop3A_785 = arith.constant 1.000000e+00 : f32
          %parallel_loop3A_786 = vector.broadcast %parallel_loop3A_785 : f32 to vector<16xf32>
          %parallel_loop3A_787 = arith.select %lt3A_9, %parallel_loop3A_786, %parallel_loop3A_766 : vector<16xi1>, vector<16xf32>
          %parallel_loop3A_788 = arith.mulf %parallel_loop3A_784, %parallel_loop3A_787 : vector<16xf32>
          %parallel_loop3A_789 = arith.constant 3 : i32
          %parallel_loop3A_790 = arith.index_cast %parallel_loop3A_789 : i32 to index
          %parallel_loop3A_791 = arith.index_cast %parallel_loop3A_760 : i32 to index
          %parallel_loop3A_792 = arith.constant 0 : index
          %parallel_loop3A_793 = tpu.vector_load %arg10[%parallel_loop3A_790, %parallel_loop3A_791, %parallel_loop3A_792] {strides = array<i32>} : memref<4x256x16xf32, #tpu.memory_space<vmem>>, vector<1x1x16xf32>,
          %parallel_loop3A_794 = vector.shape_cast %parallel_loop3A_793 : vector<1x1x16xf32> to vector<16xf32>
          %parallel_loop3A_795 = vector.shape_cast %parallel_loop3A_788 : vector<16xf32> to vector<1x1x16xf32>
          tpu.vector_store %arg10[%parallel_loop3A_790, %parallel_loop3A_791, %parallel_loop3A_792], %parallel_loop3A_795 {strides = array<i32>} : memref<4x256x16xf32, #tpu.memory_space<vmem>>, vector<1x1x16xf32>,
        } {sc.loop_unroll_factor = 8 : i64, sc.parallel_access}
      } else {
      }
      %gt3A_489 = arith.constant 0 : i32
      %gt3A_490 = arith.cmpi sgt, %add3A_470, %gt3A_489 : i32
      %sub3A_491 = arith.constant 1 : i32
      %sub3A_492 = arith.subi %add3A_470, %sub3A_491 : i32
      %mul3A_493 = arith.constant 32 : i32
      %mul3A_494 = arith.muli %mul3A_493, %sub3A_492 : i32
      %add3A_495 = arith.addi %add3A, %mul3A_494 : i32
      %lt3A_496 = arith.constant 12500 : i32
      %lt3A_497 = arith.cmpi slt, %add3A_495, %lt3A_496 : i32
      %and3A_498 = arith.andi %gt3A_490, %lt3A_497 : i1
      %convert_element_type3A_499 = arith.extui %and3A_498 : i1 to i32
      %cond3A_500 = arith.constant 0 : i32
      %cond3A_501 = arith.cmpi ne, %convert_element_type3A_499, %cond3A_500 : i32
      scf.if %cond3A_501 {
        %dma_wait3A = arith.constant 2 : i32
        %dma_wait3A_733 = arith.constant 2 : i32
        %dma_wait3A_734 = arith.constant 1 : i32
        %dma_wait3A_735 = arith.constant 0 : i32
        %dma_wait3A_736 = arith.constant 0 : i32
        %dma_wait3A_737 = tpu.memref_slice %arg10[%dma_wait3A, %dma_wait3A_735, %dma_wait3A_736] : memref<4x256x16xf32, #tpu.memory_space<vmem>> -> memref<1x256x16xf32, #tpu.memory_space<vmem>>
        %dma_wait3A_738 = tpu.memref_squeeze %dma_wait3A_737 : memref<1x256x16xf32, #tpu.memory_space<vmem>> -> memref<256x16xf32, #tpu.memory_space<vmem>>
        %dma_wait3A_739 = arith.constant 0 : i32
        %dma_wait3A_740 = tpu.memref_slice %arg8[%dma_wait3A_733, %dma_wait3A_734, %dma_wait3A_739] : memref<4x2x256xi32, #tpu.memory_space<vmem>> -> memref<1x1x256xi32, #tpu.memory_space<vmem>>
        %dma_wait3A_741 = tpu.memref_squeeze %dma_wait3A_740 : memref<1x1x256xi32, #tpu.memory_space<vmem>> -> memref<256xi32, #tpu.memory_space<vmem>>
        %dma_wait3A_742 = arith.constant 0 : i32
        %dma_wait3A_743 = arith.constant 0 : i32
        %dma_wait3A_744 = tpu.memref_slice %arg7[%dma_wait3A_742, %dma_wait3A_743] : memref<100000x16xf32, #tpu.memory_space<vmem_shared>> -> memref<100000x16xf32, #tpu.memory_space<vmem_shared>>
        tpu.wait_indirect_dma semaphore(%arg15 : memref<!tpu.dma_semaphore, #tpu.memory_space<semaphore_mem>>) src(%dma_wait3A_738 : memref<256x16xf32, #tpu.memory_space<vmem>>) dst(%dma_wait3A_744 : memref<100000x16xf32, #tpu.memory_space<vmem_shared>>)
      } else {
      }
      %mul3A_502 = arith.constant 32 : i32
      %mul3A_503 = arith.muli %mul3A_502, %add3A_470 : i32
      %add3A_504 = arith.addi %add3A, %mul3A_503 : i32
      %lt3A_505 = arith.constant 12500 : i32
      %lt3A_506 = arith.cmpi slt, %add3A_504, %lt3A_505 : i32
      %convert_element_type3A_507 = arith.extui %lt3A_506 : i1 to i32
      %cond3A_508 = arith.constant 0 : i32
      %cond3A_509 = arith.cmpi ne, %convert_element_type3A_507, %cond3A_508 : i32
      scf.if %cond3A_509 {
        %dma_start3A_733 = arith.constant 3 : i32
        %dma_start3A_734 = arith.constant 3 : i32
        %dma_start3A_735 = arith.constant 1 : i32
        %dma_start3A_736 = arith.constant 0 : i32
        %dma_start3A_737 = arith.constant 0 : i32
        %dma_start3A_738 = tpu.memref_slice %arg10[%dma_start3A_733, %dma_start3A_736, %dma_start3A_737] : memref<4x256x16xf32, #tpu.memory_space<vmem>> -> memref<1x256x16xf32, #tpu.memory_space<vmem>>
        %dma_start3A_739 = tpu.memref_squeeze %dma_start3A_738 : memref<1x256x16xf32, #tpu.memory_space<vmem>> -> memref<256x16xf32, #tpu.memory_space<vmem>>
        %dma_start3A_740 = arith.constant 0 : i32
        %dma_start3A_741 = tpu.memref_slice %arg8[%dma_start3A_734, %dma_start3A_735, %dma_start3A_740] : memref<4x2x256xi32, #tpu.memory_space<vmem>> -> memref<1x1x256xi32, #tpu.memory_space<vmem>>
        %dma_start3A_742 = tpu.memref_squeeze %dma_start3A_741 : memref<1x1x256xi32, #tpu.memory_space<vmem>> -> memref<256xi32, #tpu.memory_space<vmem>>
        %dma_start3A_743 = arith.constant 0 : i32
        %dma_start3A_744 = arith.constant 0 : i32
        %dma_start3A_745 = tpu.memref_slice %arg7[%dma_start3A_743, %dma_start3A_744] : memref<100000x16xf32, #tpu.memory_space<vmem_shared>> -> memref<100000x16xf32, #tpu.memory_space<vmem_shared>>
        tpu.enqueue_indirect_dma source(%dma_start3A_739 : memref<256x16xf32, #tpu.memory_space<vmem>>) target(%dma_start3A_745 : memref<100000x16xf32, #tpu.memory_space<vmem_shared>>) offsets(%dma_start3A_742 : memref<256xi32, #tpu.memory_space<vmem>>) semaphore(%arg15 : memref<!tpu.dma_semaphore, #tpu.memory_space<semaphore_mem>>) {add = true}
      } else {
      }
      %add3A_510 = arith.constant 3 : i32
      %add3A_511 = arith.addi %add3A_470, %add3A_510 : i32
      %mul3A_512 = arith.constant 32 : i32
      %mul3A_513 = arith.muli %mul3A_512, %add3A_511 : i32
      %add3A_514 = arith.addi %add3A, %mul3A_513 : i32
      %lt3A_515 = arith.constant 12500 : i32
      %lt3A_516 = arith.cmpi slt, %add3A_514, %lt3A_515 : i32
      %convert_element_type3A_517 = arith.extui %lt3A_516 : i1 to i32
      %cond3A_518 = arith.constant 0 : i32
      %cond3A_519 = arith.cmpi ne, %convert_element_type3A_517, %cond3A_518 : i32
      scf.if %cond3A_519 {
        %add3A_733 = arith.constant 3 : i32
        %add3A_734 = arith.addi %add3A_470, %add3A_733 : i32
        %mul3A_735 = arith.constant 32 : i32
        %mul3A_736 = arith.muli %mul3A_735, %add3A_734 : i32
        %add3A_737 = arith.addi %add3A, %mul3A_736 : i32
        %mul3A_738 = arith.constant 256 : i32
        %mul3A_739 = arith.muli %add3A_737, %mul3A_738 : i32
        %dma_start3A_740 = arith.constant 2 : i32
        %dma_start3A_741 = arith.constant 0 : i32
        %dma_start3A_742 = arith.constant 0 : i32
        %dma_start3A_743 = tpu.memref_slice %arg8[%dma_start3A_740, %dma_start3A_741, %dma_start3A_742] : memref<4x2x256xi32, #tpu.memory_space<vmem>> -> memref<1x2x256xi32, #tpu.memory_space<vmem>>
        %dma_start3A_744 = tpu.memref_squeeze %dma_start3A_743 : memref<1x2x256xi32, #tpu.memory_space<vmem>> -> memref<2x256xi32, #tpu.memory_space<vmem>>
        %dma_start3A_745 = arith.constant 0 : i32
        %dma_start3A_746 = tpu.memref_slice %arg5[%dma_start3A_745, %mul3A_739] : memref<2x3200000xi32, #tpu.memory_space<hbm>> -> memref<2x256xi32, #tpu.memory_space<hbm>>
        %dma_start3A_747 = arith.constant 0 : i32
        %dma_start3A_748 = arith.constant 0 : i32
        %dma_start3A_749 = tpu.memref_slice %arg8[%dma_start3A_740, %dma_start3A_747, %dma_start3A_748] : memref<4x2x256xi32, #tpu.memory_space<vmem>> -> memref<1x2x256xi32, #tpu.memory_space<vmem>>
        %dma_start3A_750 = tpu.memref_squeeze %dma_start3A_749 : memref<1x2x256xi32, #tpu.memory_space<vmem>> -> memref<2x256xi32, #tpu.memory_space<vmem>>
        %dma_start3A_751 = arith.constant 0 : i32
        %dma_start3A_752 = tpu.memref_slice %arg5[%dma_start3A_751, %mul3A_739] : memref<2x3200000xi32, #tpu.memory_space<hbm>> -> memref<2x256xi32, #tpu.memory_space<hbm>>
        tpu.enqueue_dma source(%dma_start3A_752 : memref<2x256xi32, #tpu.memory_space<hbm>>) target(%dma_start3A_750 : memref<2x256xi32, #tpu.memory_space<vmem>>) target_semaphore(%arg11 : memref<!tpu.dma_semaphore, #tpu.memory_space<semaphore_mem>>)
      } else {
      }
      %mul3A_520 = arith.constant 12 : i32
      %mul3A_521 = arith.muli %mul3A_520, %scan3A_98 : i32
      %add3A_522 = arith.constant 8 : i32
      %add3A_523 = arith.addi %mul3A_521, %add3A_522 : i32
      %add3A_524 = arith.constant 2 : i32
      %add3A_525 = arith.addi %add3A_523, %add3A_524 : i32
      %mul3A_526 = arith.constant 32 : i32
      %mul3A_527 = arith.muli %mul3A_526, %add3A_525 : i32
      %add3A_528 = arith.addi %add3A, %mul3A_527 : i32
      %lt3A_529 = arith.constant 12500 : i32
      %lt3A_530 = arith.cmpi slt, %add3A_528, %lt3A_529 : i32
      %convert_element_type3A_531 = arith.extui %lt3A_530 : i1 to i32
      %cond3A_532 = arith.constant 0 : i32
      %cond3A_533 = arith.cmpi ne, %convert_element_type3A_531, %cond3A_532 : i32
      scf.if %cond3A_533 {
        %dma_wait3A = arith.constant 2 : i32
        %dma_wait3A_733 = arith.constant 0 : i32
        %dma_wait3A_734 = arith.constant 0 : i32
        %dma_wait3A_735 = tpu.memref_slice %arg8[%dma_wait3A, %dma_wait3A_733, %dma_wait3A_734] : memref<4x2x256xi32, #tpu.memory_space<vmem>> -> memref<1x2x256xi32, #tpu.memory_space<vmem>>
        %dma_wait3A_736 = tpu.memref_squeeze %dma_wait3A_735 : memref<1x2x256xi32, #tpu.memory_space<vmem>> -> memref<2x256xi32, #tpu.memory_space<vmem>>
        %dma_wait3A_737 = arith.constant 0 : i32
        %dma_wait3A_738 = arith.constant 0 : i32
        %dma_wait3A_739 = tpu.memref_slice %arg5[%dma_wait3A_737, %dma_wait3A_738] : memref<2x3200000xi32, #tpu.memory_space<hbm>> -> memref<2x256xi32, #tpu.memory_space<hbm>>
        %dma_wait3A_740 = arith.constant 0 : i32
        %dma_wait3A_741 = arith.constant 0 : i32
        %dma_wait3A_742 = tpu.memref_slice %arg8[%dma_wait3A, %dma_wait3A_740, %dma_wait3A_741] : memref<4x2x256xi32, #tpu.memory_space<vmem>> -> memref<1x2x256xi32, #tpu.memory_space<vmem>>
        %dma_wait3A_743 = tpu.memref_squeeze %dma_wait3A_742 : memref<1x2x256xi32, #tpu.memory_space<vmem>> -> memref<2x256xi32, #tpu.memory_space<vmem>>
        %dma_wait3A_744 = arith.constant 0 : i32
        %dma_wait3A_745 = arith.constant 0 : i32
        %dma_wait3A_746 = tpu.memref_slice %arg5[%dma_wait3A_744, %dma_wait3A_745] : memref<2x3200000xi32, #tpu.memory_space<hbm>> -> memref<2x256xi32, #tpu.memory_space<hbm>>
        tpu.wait_dma2 semaphore(%arg11 : memref<!tpu.dma_semaphore, #tpu.memory_space<semaphore_mem>>) src(%dma_wait3A_746 : memref<2x256xi32, #tpu.memory_space<hbm>>) dst(%dma_wait3A_743 : memref<2x256xi32, #tpu.memory_space<vmem>>)
        %dma_start3A_747 = arith.constant 2 : i32
        %dma_start3A_748 = arith.constant 0 : i32
        %dma_start3A_749 = arith.constant 1 : i32
        %dma_start3A_750 = arith.constant 0 : i32
        %dma_start3A_751 = arith.constant 0 : i32
        %dma_start3A_752 = tpu.memref_slice %arg9[%dma_start3A_749, %dma_start3A_750, %dma_start3A_751] : memref<3x256x16xf32, #tpu.memory_space<vmem>> -> memref<1x256x16xf32, #tpu.memory_space<vmem>>
        %dma_start3A_753 = tpu.memref_squeeze %dma_start3A_752 : memref<1x256x16xf32, #tpu.memory_space<vmem>> -> memref<256x16xf32, #tpu.memory_space<vmem>>
        %dma_start3A_754 = arith.constant 0 : i32
        %dma_start3A_755 = tpu.memref_slice %arg8[%dma_start3A_747, %dma_start3A_748, %dma_start3A_754] : memref<4x2x256xi32, #tpu.memory_space<vmem>> -> memref<1x1x256xi32, #tpu.memory_space<vmem>>
        %dma_start3A_756 = tpu.memref_squeeze %dma_start3A_755 : memref<1x1x256xi32, #tpu.memory_space<vmem>> -> memref<256xi32, #tpu.memory_space<vmem>>
        %dma_start3A_757 = arith.constant 0 : i32
        %dma_start3A_758 = arith.constant 0 : i32
        %dma_start3A_759 = tpu.memref_slice %arg2[%dma_start3A_757, %dma_start3A_758] : memref<100000x16xf32, #tpu.memory_space<hbm>> -> memref<100000x16xf32, #tpu.memory_space<hbm>>
        tpu.enqueue_indirect_dma source(%dma_start3A_759 : memref<100000x16xf32, #tpu.memory_space<hbm>>) target(%dma_start3A_753 : memref<256x16xf32, #tpu.memory_space<vmem>>) offsets(%dma_start3A_756 : memref<256xi32, #tpu.memory_space<vmem>>) semaphore(%arg13 : memref<!tpu.dma_semaphore, #tpu.memory_space<semaphore_mem>>)
        %dma_start3A_760 = arith.constant 2 : i32
        %dma_start3A_761 = arith.constant 1 : i32
        %dma_start3A_762 = arith.constant 2 : i32
        %dma_start3A_763 = arith.constant 0 : i32
        %dma_start3A_764 = arith.constant 0 : i32
        %dma_start3A_765 = tpu.memref_slice %arg10[%dma_start3A_762, %dma_start3A_763, %dma_start3A_764] : memref<4x256x16xf32, #tpu.memory_space<vmem>> -> memref<1x256x16xf32, #tpu.memory_space<vmem>>
        %dma_start3A_766 = tpu.memref_squeeze %dma_start3A_765 : memref<1x256x16xf32, #tpu.memory_space<vmem>> -> memref<256x16xf32, #tpu.memory_space<vmem>>
        %dma_start3A_767 = arith.constant 0 : i32
        %dma_start3A_768 = tpu.memref_slice %arg8[%dma_start3A_760, %dma_start3A_761, %dma_start3A_767] : memref<4x2x256xi32, #tpu.memory_space<vmem>> -> memref<1x1x256xi32, #tpu.memory_space<vmem>>
        %dma_start3A_769 = tpu.memref_squeeze %dma_start3A_768 : memref<1x1x256xi32, #tpu.memory_space<vmem>> -> memref<256xi32, #tpu.memory_space<vmem>>
        %dma_start3A_770 = arith.constant 0 : i32
        %dma_start3A_771 = arith.constant 0 : i32
        %dma_start3A_772 = tpu.memref_slice %arg3[%dma_start3A_770, %dma_start3A_771] : memref<100000x16xf32, #tpu.memory_space<hbm>> -> memref<100000x16xf32, #tpu.memory_space<hbm>>
        tpu.enqueue_indirect_dma source(%dma_start3A_772 : memref<100000x16xf32, #tpu.memory_space<hbm>>) target(%dma_start3A_766 : memref<256x16xf32, #tpu.memory_space<vmem>>) offsets(%dma_start3A_769 : memref<256xi32, #tpu.memory_space<vmem>>) semaphore(%arg13 : memref<!tpu.dma_semaphore, #tpu.memory_space<semaphore_mem>>)
      } else {
      }
      %mul3A_534 = arith.constant 32 : i32
      %mul3A_535 = arith.muli %mul3A_534, %add3A_523 : i32
      %add3A_536 = arith.addi %add3A, %mul3A_535 : i32
      %lt3A_537 = arith.constant 12500 : i32
      %lt3A_538 = arith.cmpi slt, %add3A_536, %lt3A_537 : i32
      %convert_element_type3A_539 = arith.extui %lt3A_538 : i1 to i32
      %cond3A_540 = arith.constant 0 : i32
      %cond3A_541 = arith.cmpi ne, %convert_element_type3A_539, %cond3A_540 : i32
      scf.if %cond3A_541 {
        %dma_wait3A = arith.constant 0 : i32
        %dma_wait3A_733 = arith.constant 0 : i32
        %dma_wait3A_734 = arith.constant 2 : i32
        %dma_wait3A_735 = arith.constant 0 : i32
        %dma_wait3A_736 = arith.constant 0 : i32
        %dma_wait3A_737 = tpu.memref_slice %arg9[%dma_wait3A_734, %dma_wait3A_735, %dma_wait3A_736] : memref<3x256x16xf32, #tpu.memory_space<vmem>> -> memref<1x256x16xf32, #tpu.memory_space<vmem>>
        %dma_wait3A_738 = tpu.memref_squeeze %dma_wait3A_737 : memref<1x256x16xf32, #tpu.memory_space<vmem>> -> memref<256x16xf32, #tpu.memory_space<vmem>>
        %dma_wait3A_739 = arith.constant 0 : i32
        %dma_wait3A_740 = tpu.memref_slice %arg8[%dma_wait3A, %dma_wait3A_733, %dma_wait3A_739] : memref<4x2x256xi32, #tpu.memory_space<vmem>> -> memref<1x1x256xi32, #tpu.memory_space<vmem>>
        %dma_wait3A_741 = tpu.memref_squeeze %dma_wait3A_740 : memref<1x1x256xi32, #tpu.memory_space<vmem>> -> memref<256xi32, #tpu.memory_space<vmem>>
        %dma_wait3A_742 = arith.constant 0 : i32
        %dma_wait3A_743 = arith.constant 0 : i32
        %dma_wait3A_744 = tpu.memref_slice %arg2[%dma_wait3A_742, %dma_wait3A_743] : memref<100000x16xf32, #tpu.memory_space<hbm>> -> memref<100000x16xf32, #tpu.memory_space<hbm>>
        tpu.wait_indirect_dma semaphore(%arg14 : memref<!tpu.dma_semaphore, #tpu.memory_space<semaphore_mem>>) src(%dma_wait3A_744 : memref<100000x16xf32, #tpu.memory_space<hbm>>) dst(%dma_wait3A_738 : memref<256x16xf32, #tpu.memory_space<vmem>>)
        %dma_wait3A_745 = arith.constant 0 : i32
        %dma_wait3A_746 = arith.constant 1 : i32
        %dma_wait3A_747 = arith.constant 0 : i32
        %dma_wait3A_748 = arith.constant 0 : i32
        %dma_wait3A_749 = arith.constant 0 : i32
        %dma_wait3A_750 = tpu.memref_slice %arg10[%dma_wait3A_747, %dma_wait3A_748, %dma_wait3A_749] : memref<4x256x16xf32, #tpu.memory_space<vmem>> -> memref<1x256x16xf32, #tpu.memory_space<vmem>>
        %dma_wait3A_751 = tpu.memref_squeeze %dma_wait3A_750 : memref<1x256x16xf32, #tpu.memory_space<vmem>> -> memref<256x16xf32, #tpu.memory_space<vmem>>
        %dma_wait3A_752 = arith.constant 0 : i32
        %dma_wait3A_753 = tpu.memref_slice %arg8[%dma_wait3A_745, %dma_wait3A_746, %dma_wait3A_752] : memref<4x2x256xi32, #tpu.memory_space<vmem>> -> memref<1x1x256xi32, #tpu.memory_space<vmem>>
        %dma_wait3A_754 = tpu.memref_squeeze %dma_wait3A_753 : memref<1x1x256xi32, #tpu.memory_space<vmem>> -> memref<256xi32, #tpu.memory_space<vmem>>
        %dma_wait3A_755 = arith.constant 0 : i32
        %dma_wait3A_756 = arith.constant 0 : i32
        %dma_wait3A_757 = tpu.memref_slice %arg3[%dma_wait3A_755, %dma_wait3A_756] : memref<100000x16xf32, #tpu.memory_space<hbm>> -> memref<100000x16xf32, #tpu.memory_space<hbm>>
        tpu.wait_indirect_dma semaphore(%arg14 : memref<!tpu.dma_semaphore, #tpu.memory_space<semaphore_mem>>) src(%dma_wait3A_757 : memref<100000x16xf32, #tpu.memory_space<hbm>>) dst(%dma_wait3A_751 : memref<256x16xf32, #tpu.memory_space<vmem>>)
        %parallel_loop3A = arith.constant 0 : i32
        %parallel_loop3A_758 = arith.constant 256 : i32
        %parallel_loop3A_759 = arith.constant 1 : i32
        scf.for %parallel_loop3A_760 = %parallel_loop3A to %parallel_loop3A_758 step %parallel_loop3A_759  : i32 {
          %parallel_loop3A_761 = arith.constant 2 : i32
          %parallel_loop3A_762 = arith.index_cast %parallel_loop3A_761 : i32 to index
          %parallel_loop3A_763 = arith.index_cast %parallel_loop3A_760 : i32 to index
          %parallel_loop3A_764 = arith.constant 0 : index
          %parallel_loop3A_765 = tpu.vector_load %arg9[%parallel_loop3A_762, %parallel_loop3A_763, %parallel_loop3A_764] {strides = array<i32>} : memref<3x256x16xf32, #tpu.memory_space<vmem>>, vector<1x1x16xf32>,
          %parallel_loop3A_766 = vector.shape_cast %parallel_loop3A_765 : vector<1x1x16xf32> to vector<16xf32>
          %parallel_loop3A_767 = arith.constant 0 : i32
          %parallel_loop3A_768 = arith.index_cast %parallel_loop3A_767 : i32 to index
          %parallel_loop3A_769 = arith.index_cast %parallel_loop3A_760 : i32 to index
          %parallel_loop3A_770 = arith.constant 0 : index
          %parallel_loop3A_771 = tpu.vector_load %arg10[%parallel_loop3A_768, %parallel_loop3A_769, %parallel_loop3A_770] {strides = array<i32>} : memref<4x256x16xf32, #tpu.memory_space<vmem>>, vector<1x1x16xf32>,
          %parallel_loop3A_772 = vector.shape_cast %parallel_loop3A_771 : vector<1x1x16xf32> to vector<16xf32>
          %parallel_loop3A_773 = arith.addf %parallel_loop3A_766, %parallel_loop3A_772 : vector<16xf32>
          %parallel_loop3A_774 = arith.constant 0.000000e+00 : f32
          %parallel_loop3A_775 = vector.broadcast %parallel_loop3A_774 : f32 to vector<16xf32>
          %parallel_loop3A_776 = arith.cmpf oge, %parallel_loop3A_773, %parallel_loop3A_775 : vector<16xf32>
          %parallel_loop3A_777 = arith.constant 2.000000e-01 : f32
          %parallel_loop3A_778 = vector.broadcast %parallel_loop3A_777 : f32 to vector<16xf32>
          %parallel_loop3A_779 = arith.mulf %parallel_loop3A_778, %parallel_loop3A_773 : vector<16xf32>
          %parallel_loop3A_780 = arith.select %parallel_loop3A_776, %parallel_loop3A_773, %parallel_loop3A_779 : vector<16xi1>, vector<16xf32>
          %parallel_loop3A_781 = vector.shape_cast %and3A_6 : vector<16xi32> to vector<16x1xi32>
          %parallel_loop3A_782 = vector.shape_cast %parallel_loop3A_781 : vector<16x1xi32> to vector<16xi32>
          %parallel_loop3A_783 = tpu.dynamic_gather %parallel_loop3A_780[%parallel_loop3A_782] in [0] : vector<16xf32>, vector<16xi32> -> vector<16xf32>
          %parallel_loop3A_784 = math.exp %parallel_loop3A_783 : vector<16xf32>
          %parallel_loop3A_785 = arith.constant 1.000000e+00 : f32
          %parallel_loop3A_786 = vector.broadcast %parallel_loop3A_785 : f32 to vector<16xf32>
          %parallel_loop3A_787 = arith.select %lt3A_9, %parallel_loop3A_786, %parallel_loop3A_766 : vector<16xi1>, vector<16xf32>
          %parallel_loop3A_788 = arith.mulf %parallel_loop3A_784, %parallel_loop3A_787 : vector<16xf32>
          %parallel_loop3A_789 = arith.constant 0 : i32
          %parallel_loop3A_790 = arith.index_cast %parallel_loop3A_789 : i32 to index
          %parallel_loop3A_791 = arith.index_cast %parallel_loop3A_760 : i32 to index
          %parallel_loop3A_792 = arith.constant 0 : index
          %parallel_loop3A_793 = tpu.vector_load %arg10[%parallel_loop3A_790, %parallel_loop3A_791, %parallel_loop3A_792] {strides = array<i32>} : memref<4x256x16xf32, #tpu.memory_space<vmem>>, vector<1x1x16xf32>,
          %parallel_loop3A_794 = vector.shape_cast %parallel_loop3A_793 : vector<1x1x16xf32> to vector<16xf32>
          %parallel_loop3A_795 = vector.shape_cast %parallel_loop3A_788 : vector<16xf32> to vector<1x1x16xf32>
          tpu.vector_store %arg10[%parallel_loop3A_790, %parallel_loop3A_791, %parallel_loop3A_792], %parallel_loop3A_795 {strides = array<i32>} : memref<4x256x16xf32, #tpu.memory_space<vmem>>, vector<1x1x16xf32>,
        } {sc.loop_unroll_factor = 8 : i64, sc.parallel_access}
      } else {
      }
      %gt3A_542 = arith.constant 0 : i32
      %gt3A_543 = arith.cmpi sgt, %add3A_523, %gt3A_542 : i32
      %sub3A_544 = arith.constant 1 : i32
      %sub3A_545 = arith.subi %add3A_523, %sub3A_544 : i32
      %mul3A_546 = arith.constant 32 : i32
      %mul3A_547 = arith.muli %mul3A_546, %sub3A_545 : i32
      %add3A_548 = arith.addi %add3A, %mul3A_547 : i32
      %lt3A_549 = arith.constant 12500 : i32
      %lt3A_550 = arith.cmpi slt, %add3A_548, %lt3A_549 : i32
      %and3A_551 = arith.andi %gt3A_543, %lt3A_550 : i1
      %convert_element_type3A_552 = arith.extui %and3A_551 : i1 to i32
      %cond3A_553 = arith.constant 0 : i32
      %cond3A_554 = arith.cmpi ne, %convert_element_type3A_552, %cond3A_553 : i32
      scf.if %cond3A_554 {
        %dma_wait3A = arith.constant 3 : i32
        %dma_wait3A_733 = arith.constant 3 : i32
        %dma_wait3A_734 = arith.constant 1 : i32
        %dma_wait3A_735 = arith.constant 0 : i32
        %dma_wait3A_736 = arith.constant 0 : i32
        %dma_wait3A_737 = tpu.memref_slice %arg10[%dma_wait3A, %dma_wait3A_735, %dma_wait3A_736] : memref<4x256x16xf32, #tpu.memory_space<vmem>> -> memref<1x256x16xf32, #tpu.memory_space<vmem>>
        %dma_wait3A_738 = tpu.memref_squeeze %dma_wait3A_737 : memref<1x256x16xf32, #tpu.memory_space<vmem>> -> memref<256x16xf32, #tpu.memory_space<vmem>>
        %dma_wait3A_739 = arith.constant 0 : i32
        %dma_wait3A_740 = tpu.memref_slice %arg8[%dma_wait3A_733, %dma_wait3A_734, %dma_wait3A_739] : memref<4x2x256xi32, #tpu.memory_space<vmem>> -> memref<1x1x256xi32, #tpu.memory_space<vmem>>
        %dma_wait3A_741 = tpu.memref_squeeze %dma_wait3A_740 : memref<1x1x256xi32, #tpu.memory_space<vmem>> -> memref<256xi32, #tpu.memory_space<vmem>>
        %dma_wait3A_742 = arith.constant 0 : i32
        %dma_wait3A_743 = arith.constant 0 : i32
        %dma_wait3A_744 = tpu.memref_slice %arg7[%dma_wait3A_742, %dma_wait3A_743] : memref<100000x16xf32, #tpu.memory_space<vmem_shared>> -> memref<100000x16xf32, #tpu.memory_space<vmem_shared>>
        tpu.wait_indirect_dma semaphore(%arg15 : memref<!tpu.dma_semaphore, #tpu.memory_space<semaphore_mem>>) src(%dma_wait3A_738 : memref<256x16xf32, #tpu.memory_space<vmem>>) dst(%dma_wait3A_744 : memref<100000x16xf32, #tpu.memory_space<vmem_shared>>)
      } else {
      }
      %mul3A_555 = arith.constant 32 : i32
      %mul3A_556 = arith.muli %mul3A_555, %add3A_523 : i32
      %add3A_557 = arith.addi %add3A, %mul3A_556 : i32
      %lt3A_558 = arith.constant 12500 : i32
      %lt3A_559 = arith.cmpi slt, %add3A_557, %lt3A_558 : i32
      %convert_element_type3A_560 = arith.extui %lt3A_559 : i1 to i32
      %cond3A_561 = arith.constant 0 : i32
      %cond3A_562 = arith.cmpi ne, %convert_element_type3A_560, %cond3A_561 : i32
      scf.if %cond3A_562 {
        %dma_start3A_733 = arith.constant 0 : i32
        %dma_start3A_734 = arith.constant 0 : i32
        %dma_start3A_735 = arith.constant 1 : i32
        %dma_start3A_736 = arith.constant 0 : i32
        %dma_start3A_737 = arith.constant 0 : i32
        %dma_start3A_738 = tpu.memref_slice %arg10[%dma_start3A_733, %dma_start3A_736, %dma_start3A_737] : memref<4x256x16xf32, #tpu.memory_space<vmem>> -> memref<1x256x16xf32, #tpu.memory_space<vmem>>
        %dma_start3A_739 = tpu.memref_squeeze %dma_start3A_738 : memref<1x256x16xf32, #tpu.memory_space<vmem>> -> memref<256x16xf32, #tpu.memory_space<vmem>>
        %dma_start3A_740 = arith.constant 0 : i32
        %dma_start3A_741 = tpu.memref_slice %arg8[%dma_start3A_734, %dma_start3A_735, %dma_start3A_740] : memref<4x2x256xi32, #tpu.memory_space<vmem>> -> memref<1x1x256xi32, #tpu.memory_space<vmem>>
        %dma_start3A_742 = tpu.memref_squeeze %dma_start3A_741 : memref<1x1x256xi32, #tpu.memory_space<vmem>> -> memref<256xi32, #tpu.memory_space<vmem>>
        %dma_start3A_743 = arith.constant 0 : i32
        %dma_start3A_744 = arith.constant 0 : i32
        %dma_start3A_745 = tpu.memref_slice %arg7[%dma_start3A_743, %dma_start3A_744] : memref<100000x16xf32, #tpu.memory_space<vmem_shared>> -> memref<100000x16xf32, #tpu.memory_space<vmem_shared>>
        tpu.enqueue_indirect_dma source(%dma_start3A_739 : memref<256x16xf32, #tpu.memory_space<vmem>>) target(%dma_start3A_745 : memref<100000x16xf32, #tpu.memory_space<vmem_shared>>) offsets(%dma_start3A_742 : memref<256xi32, #tpu.memory_space<vmem>>) semaphore(%arg15 : memref<!tpu.dma_semaphore, #tpu.memory_space<semaphore_mem>>) {add = true}
      } else {
      }
      %add3A_563 = arith.constant 3 : i32
      %add3A_564 = arith.addi %add3A_523, %add3A_563 : i32
      %mul3A_565 = arith.constant 32 : i32
      %mul3A_566 = arith.muli %mul3A_565, %add3A_564 : i32
      %add3A_567 = arith.addi %add3A, %mul3A_566 : i32
      %lt3A_568 = arith.constant 12500 : i32
      %lt3A_569 = arith.cmpi slt, %add3A_567, %lt3A_568 : i32
      %convert_element_type3A_570 = arith.extui %lt3A_569 : i1 to i32
      %cond3A_571 = arith.constant 0 : i32
      %cond3A_572 = arith.cmpi ne, %convert_element_type3A_570, %cond3A_571 : i32
      scf.if %cond3A_572 {
        %add3A_733 = arith.constant 3 : i32
        %add3A_734 = arith.addi %add3A_523, %add3A_733 : i32
        %mul3A_735 = arith.constant 32 : i32
        %mul3A_736 = arith.muli %mul3A_735, %add3A_734 : i32
        %add3A_737 = arith.addi %add3A, %mul3A_736 : i32
        %mul3A_738 = arith.constant 256 : i32
        %mul3A_739 = arith.muli %add3A_737, %mul3A_738 : i32
        %dma_start3A_740 = arith.constant 3 : i32
        %dma_start3A_741 = arith.constant 0 : i32
        %dma_start3A_742 = arith.constant 0 : i32
        %dma_start3A_743 = tpu.memref_slice %arg8[%dma_start3A_740, %dma_start3A_741, %dma_start3A_742] : memref<4x2x256xi32, #tpu.memory_space<vmem>> -> memref<1x2x256xi32, #tpu.memory_space<vmem>>
        %dma_start3A_744 = tpu.memref_squeeze %dma_start3A_743 : memref<1x2x256xi32, #tpu.memory_space<vmem>> -> memref<2x256xi32, #tpu.memory_space<vmem>>
        %dma_start3A_745 = arith.constant 0 : i32
        %dma_start3A_746 = tpu.memref_slice %arg5[%dma_start3A_745, %mul3A_739] : memref<2x3200000xi32, #tpu.memory_space<hbm>> -> memref<2x256xi32, #tpu.memory_space<hbm>>
        %dma_start3A_747 = arith.constant 0 : i32
        %dma_start3A_748 = arith.constant 0 : i32
        %dma_start3A_749 = tpu.memref_slice %arg8[%dma_start3A_740, %dma_start3A_747, %dma_start3A_748] : memref<4x2x256xi32, #tpu.memory_space<vmem>> -> memref<1x2x256xi32, #tpu.memory_space<vmem>>
        %dma_start3A_750 = tpu.memref_squeeze %dma_start3A_749 : memref<1x2x256xi32, #tpu.memory_space<vmem>> -> memref<2x256xi32, #tpu.memory_space<vmem>>
        %dma_start3A_751 = arith.constant 0 : i32
        %dma_start3A_752 = tpu.memref_slice %arg5[%dma_start3A_751, %mul3A_739] : memref<2x3200000xi32, #tpu.memory_space<hbm>> -> memref<2x256xi32, #tpu.memory_space<hbm>>
        tpu.enqueue_dma source(%dma_start3A_752 : memref<2x256xi32, #tpu.memory_space<hbm>>) target(%dma_start3A_750 : memref<2x256xi32, #tpu.memory_space<vmem>>) target_semaphore(%arg11 : memref<!tpu.dma_semaphore, #tpu.memory_space<semaphore_mem>>)
      } else {
      }
      %mul3A_573 = arith.constant 12 : i32
      %mul3A_574 = arith.muli %mul3A_573, %scan3A_98 : i32
      %add3A_575 = arith.constant 9 : i32
      %add3A_576 = arith.addi %mul3A_574, %add3A_575 : i32
      %add3A_577 = arith.constant 2 : i32
      %add3A_578 = arith.addi %add3A_576, %add3A_577 : i32
      %mul3A_579 = arith.constant 32 : i32
      %mul3A_580 = arith.muli %mul3A_579, %add3A_578 : i32
      %add3A_581 = arith.addi %add3A, %mul3A_580 : i32
      %lt3A_582 = arith.constant 12500 : i32
      %lt3A_583 = arith.cmpi slt, %add3A_581, %lt3A_582 : i32
      %convert_element_type3A_584 = arith.extui %lt3A_583 : i1 to i32
      %cond3A_585 = arith.constant 0 : i32
      %cond3A_586 = arith.cmpi ne, %convert_element_type3A_584, %cond3A_585 : i32
      scf.if %cond3A_586 {
        %dma_wait3A = arith.constant 3 : i32
        %dma_wait3A_733 = arith.constant 0 : i32
        %dma_wait3A_734 = arith.constant 0 : i32
        %dma_wait3A_735 = tpu.memref_slice %arg8[%dma_wait3A, %dma_wait3A_733, %dma_wait3A_734] : memref<4x2x256xi32, #tpu.memory_space<vmem>> -> memref<1x2x256xi32, #tpu.memory_space<vmem>>
        %dma_wait3A_736 = tpu.memref_squeeze %dma_wait3A_735 : memref<1x2x256xi32, #tpu.memory_space<vmem>> -> memref<2x256xi32, #tpu.memory_space<vmem>>
        %dma_wait3A_737 = arith.constant 0 : i32
        %dma_wait3A_738 = arith.constant 0 : i32
        %dma_wait3A_739 = tpu.memref_slice %arg5[%dma_wait3A_737, %dma_wait3A_738] : memref<2x3200000xi32, #tpu.memory_space<hbm>> -> memref<2x256xi32, #tpu.memory_space<hbm>>
        %dma_wait3A_740 = arith.constant 0 : i32
        %dma_wait3A_741 = arith.constant 0 : i32
        %dma_wait3A_742 = tpu.memref_slice %arg8[%dma_wait3A, %dma_wait3A_740, %dma_wait3A_741] : memref<4x2x256xi32, #tpu.memory_space<vmem>> -> memref<1x2x256xi32, #tpu.memory_space<vmem>>
        %dma_wait3A_743 = tpu.memref_squeeze %dma_wait3A_742 : memref<1x2x256xi32, #tpu.memory_space<vmem>> -> memref<2x256xi32, #tpu.memory_space<vmem>>
        %dma_wait3A_744 = arith.constant 0 : i32
        %dma_wait3A_745 = arith.constant 0 : i32
        %dma_wait3A_746 = tpu.memref_slice %arg5[%dma_wait3A_744, %dma_wait3A_745] : memref<2x3200000xi32, #tpu.memory_space<hbm>> -> memref<2x256xi32, #tpu.memory_space<hbm>>
        tpu.wait_dma2 semaphore(%arg11 : memref<!tpu.dma_semaphore, #tpu.memory_space<semaphore_mem>>) src(%dma_wait3A_746 : memref<2x256xi32, #tpu.memory_space<hbm>>) dst(%dma_wait3A_743 : memref<2x256xi32, #tpu.memory_space<vmem>>)
        %dma_start3A_747 = arith.constant 3 : i32
        %dma_start3A_748 = arith.constant 0 : i32
        %dma_start3A_749 = arith.constant 2 : i32
        %dma_start3A_750 = arith.constant 0 : i32
        %dma_start3A_751 = arith.constant 0 : i32
        %dma_start3A_752 = tpu.memref_slice %arg9[%dma_start3A_749, %dma_start3A_750, %dma_start3A_751] : memref<3x256x16xf32, #tpu.memory_space<vmem>> -> memref<1x256x16xf32, #tpu.memory_space<vmem>>
        %dma_start3A_753 = tpu.memref_squeeze %dma_start3A_752 : memref<1x256x16xf32, #tpu.memory_space<vmem>> -> memref<256x16xf32, #tpu.memory_space<vmem>>
        %dma_start3A_754 = arith.constant 0 : i32
        %dma_start3A_755 = tpu.memref_slice %arg8[%dma_start3A_747, %dma_start3A_748, %dma_start3A_754] : memref<4x2x256xi32, #tpu.memory_space<vmem>> -> memref<1x1x256xi32, #tpu.memory_space<vmem>>
        %dma_start3A_756 = tpu.memref_squeeze %dma_start3A_755 : memref<1x1x256xi32, #tpu.memory_space<vmem>> -> memref<256xi32, #tpu.memory_space<vmem>>
        %dma_start3A_757 = arith.constant 0 : i32
        %dma_start3A_758 = arith.constant 0 : i32
        %dma_start3A_759 = tpu.memref_slice %arg2[%dma_start3A_757, %dma_start3A_758] : memref<100000x16xf32, #tpu.memory_space<hbm>> -> memref<100000x16xf32, #tpu.memory_space<hbm>>
        tpu.enqueue_indirect_dma source(%dma_start3A_759 : memref<100000x16xf32, #tpu.memory_space<hbm>>) target(%dma_start3A_753 : memref<256x16xf32, #tpu.memory_space<vmem>>) offsets(%dma_start3A_756 : memref<256xi32, #tpu.memory_space<vmem>>) semaphore(%arg14 : memref<!tpu.dma_semaphore, #tpu.memory_space<semaphore_mem>>)
        %dma_start3A_760 = arith.constant 3 : i32
        %dma_start3A_761 = arith.constant 1 : i32
        %dma_start3A_762 = arith.constant 3 : i32
        %dma_start3A_763 = arith.constant 0 : i32
        %dma_start3A_764 = arith.constant 0 : i32
        %dma_start3A_765 = tpu.memref_slice %arg10[%dma_start3A_762, %dma_start3A_763, %dma_start3A_764] : memref<4x256x16xf32, #tpu.memory_space<vmem>> -> memref<1x256x16xf32, #tpu.memory_space<vmem>>
        %dma_start3A_766 = tpu.memref_squeeze %dma_start3A_765 : memref<1x256x16xf32, #tpu.memory_space<vmem>> -> memref<256x16xf32, #tpu.memory_space<vmem>>
        %dma_start3A_767 = arith.constant 0 : i32
        %dma_start3A_768 = tpu.memref_slice %arg8[%dma_start3A_760, %dma_start3A_761, %dma_start3A_767] : memref<4x2x256xi32, #tpu.memory_space<vmem>> -> memref<1x1x256xi32, #tpu.memory_space<vmem>>
        %dma_start3A_769 = tpu.memref_squeeze %dma_start3A_768 : memref<1x1x256xi32, #tpu.memory_space<vmem>> -> memref<256xi32, #tpu.memory_space<vmem>>
        %dma_start3A_770 = arith.constant 0 : i32
        %dma_start3A_771 = arith.constant 0 : i32
        %dma_start3A_772 = tpu.memref_slice %arg3[%dma_start3A_770, %dma_start3A_771] : memref<100000x16xf32, #tpu.memory_space<hbm>> -> memref<100000x16xf32, #tpu.memory_space<hbm>>
        tpu.enqueue_indirect_dma source(%dma_start3A_772 : memref<100000x16xf32, #tpu.memory_space<hbm>>) target(%dma_start3A_766 : memref<256x16xf32, #tpu.memory_space<vmem>>) offsets(%dma_start3A_769 : memref<256xi32, #tpu.memory_space<vmem>>) semaphore(%arg14 : memref<!tpu.dma_semaphore, #tpu.memory_space<semaphore_mem>>)
      } else {
      }
      %mul3A_587 = arith.constant 32 : i32
      %mul3A_588 = arith.muli %mul3A_587, %add3A_576 : i32
      %add3A_589 = arith.addi %add3A, %mul3A_588 : i32
      %lt3A_590 = arith.constant 12500 : i32
      %lt3A_591 = arith.cmpi slt, %add3A_589, %lt3A_590 : i32
      %convert_element_type3A_592 = arith.extui %lt3A_591 : i1 to i32
      %cond3A_593 = arith.constant 0 : i32
      %cond3A_594 = arith.cmpi ne, %convert_element_type3A_592, %cond3A_593 : i32
      scf.if %cond3A_594 {
        %dma_wait3A = arith.constant 1 : i32
        %dma_wait3A_733 = arith.constant 0 : i32
        %dma_wait3A_734 = arith.constant 0 : i32
        %dma_wait3A_735 = arith.constant 0 : i32
        %dma_wait3A_736 = arith.constant 0 : i32
        %dma_wait3A_737 = tpu.memref_slice %arg9[%dma_wait3A_734, %dma_wait3A_735, %dma_wait3A_736] : memref<3x256x16xf32, #tpu.memory_space<vmem>> -> memref<1x256x16xf32, #tpu.memory_space<vmem>>
        %dma_wait3A_738 = tpu.memref_squeeze %dma_wait3A_737 : memref<1x256x16xf32, #tpu.memory_space<vmem>> -> memref<256x16xf32, #tpu.memory_space<vmem>>
        %dma_wait3A_739 = arith.constant 0 : i32
        %dma_wait3A_740 = tpu.memref_slice %arg8[%dma_wait3A, %dma_wait3A_733, %dma_wait3A_739] : memref<4x2x256xi32, #tpu.memory_space<vmem>> -> memref<1x1x256xi32, #tpu.memory_space<vmem>>
        %dma_wait3A_741 = tpu.memref_squeeze %dma_wait3A_740 : memref<1x1x256xi32, #tpu.memory_space<vmem>> -> memref<256xi32, #tpu.memory_space<vmem>>
        %dma_wait3A_742 = arith.constant 0 : i32
        %dma_wait3A_743 = arith.constant 0 : i32
        %dma_wait3A_744 = tpu.memref_slice %arg2[%dma_wait3A_742, %dma_wait3A_743] : memref<100000x16xf32, #tpu.memory_space<hbm>> -> memref<100000x16xf32, #tpu.memory_space<hbm>>
        tpu.wait_indirect_dma semaphore(%arg12 : memref<!tpu.dma_semaphore, #tpu.memory_space<semaphore_mem>>) src(%dma_wait3A_744 : memref<100000x16xf32, #tpu.memory_space<hbm>>) dst(%dma_wait3A_738 : memref<256x16xf32, #tpu.memory_space<vmem>>)
        %dma_wait3A_745 = arith.constant 1 : i32
        %dma_wait3A_746 = arith.constant 1 : i32
        %dma_wait3A_747 = arith.constant 1 : i32
        %dma_wait3A_748 = arith.constant 0 : i32
        %dma_wait3A_749 = arith.constant 0 : i32
        %dma_wait3A_750 = tpu.memref_slice %arg10[%dma_wait3A_747, %dma_wait3A_748, %dma_wait3A_749] : memref<4x256x16xf32, #tpu.memory_space<vmem>> -> memref<1x256x16xf32, #tpu.memory_space<vmem>>
        %dma_wait3A_751 = tpu.memref_squeeze %dma_wait3A_750 : memref<1x256x16xf32, #tpu.memory_space<vmem>> -> memref<256x16xf32, #tpu.memory_space<vmem>>
        %dma_wait3A_752 = arith.constant 0 : i32
        %dma_wait3A_753 = tpu.memref_slice %arg8[%dma_wait3A_745, %dma_wait3A_746, %dma_wait3A_752] : memref<4x2x256xi32, #tpu.memory_space<vmem>> -> memref<1x1x256xi32, #tpu.memory_space<vmem>>
        %dma_wait3A_754 = tpu.memref_squeeze %dma_wait3A_753 : memref<1x1x256xi32, #tpu.memory_space<vmem>> -> memref<256xi32, #tpu.memory_space<vmem>>
        %dma_wait3A_755 = arith.constant 0 : i32
        %dma_wait3A_756 = arith.constant 0 : i32
        %dma_wait3A_757 = tpu.memref_slice %arg3[%dma_wait3A_755, %dma_wait3A_756] : memref<100000x16xf32, #tpu.memory_space<hbm>> -> memref<100000x16xf32, #tpu.memory_space<hbm>>
        tpu.wait_indirect_dma semaphore(%arg12 : memref<!tpu.dma_semaphore, #tpu.memory_space<semaphore_mem>>) src(%dma_wait3A_757 : memref<100000x16xf32, #tpu.memory_space<hbm>>) dst(%dma_wait3A_751 : memref<256x16xf32, #tpu.memory_space<vmem>>)
        %parallel_loop3A = arith.constant 0 : i32
        %parallel_loop3A_758 = arith.constant 256 : i32
        %parallel_loop3A_759 = arith.constant 1 : i32
        scf.for %parallel_loop3A_760 = %parallel_loop3A to %parallel_loop3A_758 step %parallel_loop3A_759  : i32 {
          %parallel_loop3A_761 = arith.constant 0 : i32
          %parallel_loop3A_762 = arith.index_cast %parallel_loop3A_761 : i32 to index
          %parallel_loop3A_763 = arith.index_cast %parallel_loop3A_760 : i32 to index
          %parallel_loop3A_764 = arith.constant 0 : index
          %parallel_loop3A_765 = tpu.vector_load %arg9[%parallel_loop3A_762, %parallel_loop3A_763, %parallel_loop3A_764] {strides = array<i32>} : memref<3x256x16xf32, #tpu.memory_space<vmem>>, vector<1x1x16xf32>,
          %parallel_loop3A_766 = vector.shape_cast %parallel_loop3A_765 : vector<1x1x16xf32> to vector<16xf32>
          %parallel_loop3A_767 = arith.constant 1 : i32
          %parallel_loop3A_768 = arith.index_cast %parallel_loop3A_767 : i32 to index
          %parallel_loop3A_769 = arith.index_cast %parallel_loop3A_760 : i32 to index
          %parallel_loop3A_770 = arith.constant 0 : index
          %parallel_loop3A_771 = tpu.vector_load %arg10[%parallel_loop3A_768, %parallel_loop3A_769, %parallel_loop3A_770] {strides = array<i32>} : memref<4x256x16xf32, #tpu.memory_space<vmem>>, vector<1x1x16xf32>,
          %parallel_loop3A_772 = vector.shape_cast %parallel_loop3A_771 : vector<1x1x16xf32> to vector<16xf32>
          %parallel_loop3A_773 = arith.addf %parallel_loop3A_766, %parallel_loop3A_772 : vector<16xf32>
          %parallel_loop3A_774 = arith.constant 0.000000e+00 : f32
          %parallel_loop3A_775 = vector.broadcast %parallel_loop3A_774 : f32 to vector<16xf32>
          %parallel_loop3A_776 = arith.cmpf oge, %parallel_loop3A_773, %parallel_loop3A_775 : vector<16xf32>
          %parallel_loop3A_777 = arith.constant 2.000000e-01 : f32
          %parallel_loop3A_778 = vector.broadcast %parallel_loop3A_777 : f32 to vector<16xf32>
          %parallel_loop3A_779 = arith.mulf %parallel_loop3A_778, %parallel_loop3A_773 : vector<16xf32>
          %parallel_loop3A_780 = arith.select %parallel_loop3A_776, %parallel_loop3A_773, %parallel_loop3A_779 : vector<16xi1>, vector<16xf32>
          %parallel_loop3A_781 = vector.shape_cast %and3A_6 : vector<16xi32> to vector<16x1xi32>
          %parallel_loop3A_782 = vector.shape_cast %parallel_loop3A_781 : vector<16x1xi32> to vector<16xi32>
          %parallel_loop3A_783 = tpu.dynamic_gather %parallel_loop3A_780[%parallel_loop3A_782] in [0] : vector<16xf32>, vector<16xi32> -> vector<16xf32>
          %parallel_loop3A_784 = math.exp %parallel_loop3A_783 : vector<16xf32>
          %parallel_loop3A_785 = arith.constant 1.000000e+00 : f32
          %parallel_loop3A_786 = vector.broadcast %parallel_loop3A_785 : f32 to vector<16xf32>
          %parallel_loop3A_787 = arith.select %lt3A_9, %parallel_loop3A_786, %parallel_loop3A_766 : vector<16xi1>, vector<16xf32>
          %parallel_loop3A_788 = arith.mulf %parallel_loop3A_784, %parallel_loop3A_787 : vector<16xf32>
          %parallel_loop3A_789 = arith.constant 1 : i32
          %parallel_loop3A_790 = arith.index_cast %parallel_loop3A_789 : i32 to index
          %parallel_loop3A_791 = arith.index_cast %parallel_loop3A_760 : i32 to index
          %parallel_loop3A_792 = arith.constant 0 : index
          %parallel_loop3A_793 = tpu.vector_load %arg10[%parallel_loop3A_790, %parallel_loop3A_791, %parallel_loop3A_792] {strides = array<i32>} : memref<4x256x16xf32, #tpu.memory_space<vmem>>, vector<1x1x16xf32>,
          %parallel_loop3A_794 = vector.shape_cast %parallel_loop3A_793 : vector<1x1x16xf32> to vector<16xf32>
          %parallel_loop3A_795 = vector.shape_cast %parallel_loop3A_788 : vector<16xf32> to vector<1x1x16xf32>
          tpu.vector_store %arg10[%parallel_loop3A_790, %parallel_loop3A_791, %parallel_loop3A_792], %parallel_loop3A_795 {strides = array<i32>} : memref<4x256x16xf32, #tpu.memory_space<vmem>>, vector<1x1x16xf32>,
        } {sc.loop_unroll_factor = 8 : i64, sc.parallel_access}
      } else {
      }
      %gt3A_595 = arith.constant 0 : i32
      %gt3A_596 = arith.cmpi sgt, %add3A_576, %gt3A_595 : i32
      %sub3A_597 = arith.constant 1 : i32
      %sub3A_598 = arith.subi %add3A_576, %sub3A_597 : i32
      %mul3A_599 = arith.constant 32 : i32
      %mul3A_600 = arith.muli %mul3A_599, %sub3A_598 : i32
      %add3A_601 = arith.addi %add3A, %mul3A_600 : i32
      %lt3A_602 = arith.constant 12500 : i32
      %lt3A_603 = arith.cmpi slt, %add3A_601, %lt3A_602 : i32
      %and3A_604 = arith.andi %gt3A_596, %lt3A_603 : i1
      %convert_element_type3A_605 = arith.extui %and3A_604 : i1 to i32
      %cond3A_606 = arith.constant 0 : i32
      %cond3A_607 = arith.cmpi ne, %convert_element_type3A_605, %cond3A_606 : i32
      scf.if %cond3A_607 {
        %dma_wait3A = arith.constant 0 : i32
        %dma_wait3A_733 = arith.constant 0 : i32
        %dma_wait3A_734 = arith.constant 1 : i32
        %dma_wait3A_735 = arith.constant 0 : i32
        %dma_wait3A_736 = arith.constant 0 : i32
        %dma_wait3A_737 = tpu.memref_slice %arg10[%dma_wait3A, %dma_wait3A_735, %dma_wait3A_736] : memref<4x256x16xf32, #tpu.memory_space<vmem>> -> memref<1x256x16xf32, #tpu.memory_space<vmem>>
        %dma_wait3A_738 = tpu.memref_squeeze %dma_wait3A_737 : memref<1x256x16xf32, #tpu.memory_space<vmem>> -> memref<256x16xf32, #tpu.memory_space<vmem>>
        %dma_wait3A_739 = arith.constant 0 : i32
        %dma_wait3A_740 = tpu.memref_slice %arg8[%dma_wait3A_733, %dma_wait3A_734, %dma_wait3A_739] : memref<4x2x256xi32, #tpu.memory_space<vmem>> -> memref<1x1x256xi32, #tpu.memory_space<vmem>>
        %dma_wait3A_741 = tpu.memref_squeeze %dma_wait3A_740 : memref<1x1x256xi32, #tpu.memory_space<vmem>> -> memref<256xi32, #tpu.memory_space<vmem>>
        %dma_wait3A_742 = arith.constant 0 : i32
        %dma_wait3A_743 = arith.constant 0 : i32
        %dma_wait3A_744 = tpu.memref_slice %arg7[%dma_wait3A_742, %dma_wait3A_743] : memref<100000x16xf32, #tpu.memory_space<vmem_shared>> -> memref<100000x16xf32, #tpu.memory_space<vmem_shared>>
        tpu.wait_indirect_dma semaphore(%arg15 : memref<!tpu.dma_semaphore, #tpu.memory_space<semaphore_mem>>) src(%dma_wait3A_738 : memref<256x16xf32, #tpu.memory_space<vmem>>) dst(%dma_wait3A_744 : memref<100000x16xf32, #tpu.memory_space<vmem_shared>>)
      } else {
      }
      %mul3A_608 = arith.constant 32 : i32
      %mul3A_609 = arith.muli %mul3A_608, %add3A_576 : i32
      %add3A_610 = arith.addi %add3A, %mul3A_609 : i32
      %lt3A_611 = arith.constant 12500 : i32
      %lt3A_612 = arith.cmpi slt, %add3A_610, %lt3A_611 : i32
      %convert_element_type3A_613 = arith.extui %lt3A_612 : i1 to i32
      %cond3A_614 = arith.constant 0 : i32
      %cond3A_615 = arith.cmpi ne, %convert_element_type3A_613, %cond3A_614 : i32
      scf.if %cond3A_615 {
        %dma_start3A_733 = arith.constant 1 : i32
        %dma_start3A_734 = arith.constant 1 : i32
        %dma_start3A_735 = arith.constant 1 : i32
        %dma_start3A_736 = arith.constant 0 : i32
        %dma_start3A_737 = arith.constant 0 : i32
        %dma_start3A_738 = tpu.memref_slice %arg10[%dma_start3A_733, %dma_start3A_736, %dma_start3A_737] : memref<4x256x16xf32, #tpu.memory_space<vmem>> -> memref<1x256x16xf32, #tpu.memory_space<vmem>>
        %dma_start3A_739 = tpu.memref_squeeze %dma_start3A_738 : memref<1x256x16xf32, #tpu.memory_space<vmem>> -> memref<256x16xf32, #tpu.memory_space<vmem>>
        %dma_start3A_740 = arith.constant 0 : i32
        %dma_start3A_741 = tpu.memref_slice %arg8[%dma_start3A_734, %dma_start3A_735, %dma_start3A_740] : memref<4x2x256xi32, #tpu.memory_space<vmem>> -> memref<1x1x256xi32, #tpu.memory_space<vmem>>
        %dma_start3A_742 = tpu.memref_squeeze %dma_start3A_741 : memref<1x1x256xi32, #tpu.memory_space<vmem>> -> memref<256xi32, #tpu.memory_space<vmem>>
        %dma_start3A_743 = arith.constant 0 : i32
        %dma_start3A_744 = arith.constant 0 : i32
        %dma_start3A_745 = tpu.memref_slice %arg7[%dma_start3A_743, %dma_start3A_744] : memref<100000x16xf32, #tpu.memory_space<vmem_shared>> -> memref<100000x16xf32, #tpu.memory_space<vmem_shared>>
        tpu.enqueue_indirect_dma source(%dma_start3A_739 : memref<256x16xf32, #tpu.memory_space<vmem>>) target(%dma_start3A_745 : memref<100000x16xf32, #tpu.memory_space<vmem_shared>>) offsets(%dma_start3A_742 : memref<256xi32, #tpu.memory_space<vmem>>) semaphore(%arg15 : memref<!tpu.dma_semaphore, #tpu.memory_space<semaphore_mem>>) {add = true}
      } else {
      }
      %add3A_616 = arith.constant 3 : i32
      %add3A_617 = arith.addi %add3A_576, %add3A_616 : i32
      %mul3A_618 = arith.constant 32 : i32
      %mul3A_619 = arith.muli %mul3A_618, %add3A_617 : i32
      %add3A_620 = arith.addi %add3A, %mul3A_619 : i32
      %lt3A_621 = arith.constant 12500 : i32
      %lt3A_622 = arith.cmpi slt, %add3A_620, %lt3A_621 : i32
      %convert_element_type3A_623 = arith.extui %lt3A_622 : i1 to i32
      %cond3A_624 = arith.constant 0 : i32
      %cond3A_625 = arith.cmpi ne, %convert_element_type3A_623, %cond3A_624 : i32
      scf.if %cond3A_625 {
        %add3A_733 = arith.constant 3 : i32
        %add3A_734 = arith.addi %add3A_576, %add3A_733 : i32
        %mul3A_735 = arith.constant 32 : i32
        %mul3A_736 = arith.muli %mul3A_735, %add3A_734 : i32
        %add3A_737 = arith.addi %add3A, %mul3A_736 : i32
        %mul3A_738 = arith.constant 256 : i32
        %mul3A_739 = arith.muli %add3A_737, %mul3A_738 : i32
        %dma_start3A_740 = arith.constant 0 : i32
        %dma_start3A_741 = arith.constant 0 : i32
        %dma_start3A_742 = arith.constant 0 : i32
        %dma_start3A_743 = tpu.memref_slice %arg8[%dma_start3A_740, %dma_start3A_741, %dma_start3A_742] : memref<4x2x256xi32, #tpu.memory_space<vmem>> -> memref<1x2x256xi32, #tpu.memory_space<vmem>>
        %dma_start3A_744 = tpu.memref_squeeze %dma_start3A_743 : memref<1x2x256xi32, #tpu.memory_space<vmem>> -> memref<2x256xi32, #tpu.memory_space<vmem>>
        %dma_start3A_745 = arith.constant 0 : i32
        %dma_start3A_746 = tpu.memref_slice %arg5[%dma_start3A_745, %mul3A_739] : memref<2x3200000xi32, #tpu.memory_space<hbm>> -> memref<2x256xi32, #tpu.memory_space<hbm>>
        %dma_start3A_747 = arith.constant 0 : i32
        %dma_start3A_748 = arith.constant 0 : i32
        %dma_start3A_749 = tpu.memref_slice %arg8[%dma_start3A_740, %dma_start3A_747, %dma_start3A_748] : memref<4x2x256xi32, #tpu.memory_space<vmem>> -> memref<1x2x256xi32, #tpu.memory_space<vmem>>
        %dma_start3A_750 = tpu.memref_squeeze %dma_start3A_749 : memref<1x2x256xi32, #tpu.memory_space<vmem>> -> memref<2x256xi32, #tpu.memory_space<vmem>>
        %dma_start3A_751 = arith.constant 0 : i32
        %dma_start3A_752 = tpu.memref_slice %arg5[%dma_start3A_751, %mul3A_739] : memref<2x3200000xi32, #tpu.memory_space<hbm>> -> memref<2x256xi32, #tpu.memory_space<hbm>>
        tpu.enqueue_dma source(%dma_start3A_752 : memref<2x256xi32, #tpu.memory_space<hbm>>) target(%dma_start3A_750 : memref<2x256xi32, #tpu.memory_space<vmem>>) target_semaphore(%arg11 : memref<!tpu.dma_semaphore, #tpu.memory_space<semaphore_mem>>)
      } else {
      }
      %mul3A_626 = arith.constant 12 : i32
      %mul3A_627 = arith.muli %mul3A_626, %scan3A_98 : i32
      %add3A_628 = arith.constant 10 : i32
      %add3A_629 = arith.addi %mul3A_627, %add3A_628 : i32
      %add3A_630 = arith.constant 2 : i32
      %add3A_631 = arith.addi %add3A_629, %add3A_630 : i32
      %mul3A_632 = arith.constant 32 : i32
      %mul3A_633 = arith.muli %mul3A_632, %add3A_631 : i32
      %add3A_634 = arith.addi %add3A, %mul3A_633 : i32
      %lt3A_635 = arith.constant 12500 : i32
      %lt3A_636 = arith.cmpi slt, %add3A_634, %lt3A_635 : i32
      %convert_element_type3A_637 = arith.extui %lt3A_636 : i1 to i32
      %cond3A_638 = arith.constant 0 : i32
      %cond3A_639 = arith.cmpi ne, %convert_element_type3A_637, %cond3A_638 : i32
      scf.if %cond3A_639 {
        %dma_wait3A = arith.constant 0 : i32
        %dma_wait3A_733 = arith.constant 0 : i32
        %dma_wait3A_734 = arith.constant 0 : i32
        %dma_wait3A_735 = tpu.memref_slice %arg8[%dma_wait3A, %dma_wait3A_733, %dma_wait3A_734] : memref<4x2x256xi32, #tpu.memory_space<vmem>> -> memref<1x2x256xi32, #tpu.memory_space<vmem>>
        %dma_wait3A_736 = tpu.memref_squeeze %dma_wait3A_735 : memref<1x2x256xi32, #tpu.memory_space<vmem>> -> memref<2x256xi32, #tpu.memory_space<vmem>>
        %dma_wait3A_737 = arith.constant 0 : i32
        %dma_wait3A_738 = arith.constant 0 : i32
        %dma_wait3A_739 = tpu.memref_slice %arg5[%dma_wait3A_737, %dma_wait3A_738] : memref<2x3200000xi32, #tpu.memory_space<hbm>> -> memref<2x256xi32, #tpu.memory_space<hbm>>
        %dma_wait3A_740 = arith.constant 0 : i32
        %dma_wait3A_741 = arith.constant 0 : i32
        %dma_wait3A_742 = tpu.memref_slice %arg8[%dma_wait3A, %dma_wait3A_740, %dma_wait3A_741] : memref<4x2x256xi32, #tpu.memory_space<vmem>> -> memref<1x2x256xi32, #tpu.memory_space<vmem>>
        %dma_wait3A_743 = tpu.memref_squeeze %dma_wait3A_742 : memref<1x2x256xi32, #tpu.memory_space<vmem>> -> memref<2x256xi32, #tpu.memory_space<vmem>>
        %dma_wait3A_744 = arith.constant 0 : i32
        %dma_wait3A_745 = arith.constant 0 : i32
        %dma_wait3A_746 = tpu.memref_slice %arg5[%dma_wait3A_744, %dma_wait3A_745] : memref<2x3200000xi32, #tpu.memory_space<hbm>> -> memref<2x256xi32, #tpu.memory_space<hbm>>
        tpu.wait_dma2 semaphore(%arg11 : memref<!tpu.dma_semaphore, #tpu.memory_space<semaphore_mem>>) src(%dma_wait3A_746 : memref<2x256xi32, #tpu.memory_space<hbm>>) dst(%dma_wait3A_743 : memref<2x256xi32, #tpu.memory_space<vmem>>)
        %dma_start3A_747 = arith.constant 0 : i32
        %dma_start3A_748 = arith.constant 0 : i32
        %dma_start3A_749 = arith.constant 0 : i32
        %dma_start3A_750 = arith.constant 0 : i32
        %dma_start3A_751 = arith.constant 0 : i32
        %dma_start3A_752 = tpu.memref_slice %arg9[%dma_start3A_749, %dma_start3A_750, %dma_start3A_751] : memref<3x256x16xf32, #tpu.memory_space<vmem>> -> memref<1x256x16xf32, #tpu.memory_space<vmem>>
        %dma_start3A_753 = tpu.memref_squeeze %dma_start3A_752 : memref<1x256x16xf32, #tpu.memory_space<vmem>> -> memref<256x16xf32, #tpu.memory_space<vmem>>
        %dma_start3A_754 = arith.constant 0 : i32
        %dma_start3A_755 = tpu.memref_slice %arg8[%dma_start3A_747, %dma_start3A_748, %dma_start3A_754] : memref<4x2x256xi32, #tpu.memory_space<vmem>> -> memref<1x1x256xi32, #tpu.memory_space<vmem>>
        %dma_start3A_756 = tpu.memref_squeeze %dma_start3A_755 : memref<1x1x256xi32, #tpu.memory_space<vmem>> -> memref<256xi32, #tpu.memory_space<vmem>>
        %dma_start3A_757 = arith.constant 0 : i32
        %dma_start3A_758 = arith.constant 0 : i32
        %dma_start3A_759 = tpu.memref_slice %arg2[%dma_start3A_757, %dma_start3A_758] : memref<100000x16xf32, #tpu.memory_space<hbm>> -> memref<100000x16xf32, #tpu.memory_space<hbm>>
        tpu.enqueue_indirect_dma source(%dma_start3A_759 : memref<100000x16xf32, #tpu.memory_space<hbm>>) target(%dma_start3A_753 : memref<256x16xf32, #tpu.memory_space<vmem>>) offsets(%dma_start3A_756 : memref<256xi32, #tpu.memory_space<vmem>>) semaphore(%arg12 : memref<!tpu.dma_semaphore, #tpu.memory_space<semaphore_mem>>)
        %dma_start3A_760 = arith.constant 0 : i32
        %dma_start3A_761 = arith.constant 1 : i32
        %dma_start3A_762 = arith.constant 0 : i32
        %dma_start3A_763 = arith.constant 0 : i32
        %dma_start3A_764 = arith.constant 0 : i32
        %dma_start3A_765 = tpu.memref_slice %arg10[%dma_start3A_762, %dma_start3A_763, %dma_start3A_764] : memref<4x256x16xf32, #tpu.memory_space<vmem>> -> memref<1x256x16xf32, #tpu.memory_space<vmem>>
        %dma_start3A_766 = tpu.memref_squeeze %dma_start3A_765 : memref<1x256x16xf32, #tpu.memory_space<vmem>> -> memref<256x16xf32, #tpu.memory_space<vmem>>
        %dma_start3A_767 = arith.constant 0 : i32
        %dma_start3A_768 = tpu.memref_slice %arg8[%dma_start3A_760, %dma_start3A_761, %dma_start3A_767] : memref<4x2x256xi32, #tpu.memory_space<vmem>> -> memref<1x1x256xi32, #tpu.memory_space<vmem>>
        %dma_start3A_769 = tpu.memref_squeeze %dma_start3A_768 : memref<1x1x256xi32, #tpu.memory_space<vmem>> -> memref<256xi32, #tpu.memory_space<vmem>>
        %dma_start3A_770 = arith.constant 0 : i32
        %dma_start3A_771 = arith.constant 0 : i32
        %dma_start3A_772 = tpu.memref_slice %arg3[%dma_start3A_770, %dma_start3A_771] : memref<100000x16xf32, #tpu.memory_space<hbm>> -> memref<100000x16xf32, #tpu.memory_space<hbm>>
        tpu.enqueue_indirect_dma source(%dma_start3A_772 : memref<100000x16xf32, #tpu.memory_space<hbm>>) target(%dma_start3A_766 : memref<256x16xf32, #tpu.memory_space<vmem>>) offsets(%dma_start3A_769 : memref<256xi32, #tpu.memory_space<vmem>>) semaphore(%arg12 : memref<!tpu.dma_semaphore, #tpu.memory_space<semaphore_mem>>)
      } else {
      }
      %mul3A_640 = arith.constant 32 : i32
      %mul3A_641 = arith.muli %mul3A_640, %add3A_629 : i32
      %add3A_642 = arith.addi %add3A, %mul3A_641 : i32
      %lt3A_643 = arith.constant 12500 : i32
      %lt3A_644 = arith.cmpi slt, %add3A_642, %lt3A_643 : i32
      %convert_element_type3A_645 = arith.extui %lt3A_644 : i1 to i32
      %cond3A_646 = arith.constant 0 : i32
      %cond3A_647 = arith.cmpi ne, %convert_element_type3A_645, %cond3A_646 : i32
      scf.if %cond3A_647 {
        %dma_wait3A = arith.constant 2 : i32
        %dma_wait3A_733 = arith.constant 0 : i32
        %dma_wait3A_734 = arith.constant 1 : i32
        %dma_wait3A_735 = arith.constant 0 : i32
        %dma_wait3A_736 = arith.constant 0 : i32
        %dma_wait3A_737 = tpu.memref_slice %arg9[%dma_wait3A_734, %dma_wait3A_735, %dma_wait3A_736] : memref<3x256x16xf32, #tpu.memory_space<vmem>> -> memref<1x256x16xf32, #tpu.memory_space<vmem>>
        %dma_wait3A_738 = tpu.memref_squeeze %dma_wait3A_737 : memref<1x256x16xf32, #tpu.memory_space<vmem>> -> memref<256x16xf32, #tpu.memory_space<vmem>>
        %dma_wait3A_739 = arith.constant 0 : i32
        %dma_wait3A_740 = tpu.memref_slice %arg8[%dma_wait3A, %dma_wait3A_733, %dma_wait3A_739] : memref<4x2x256xi32, #tpu.memory_space<vmem>> -> memref<1x1x256xi32, #tpu.memory_space<vmem>>
        %dma_wait3A_741 = tpu.memref_squeeze %dma_wait3A_740 : memref<1x1x256xi32, #tpu.memory_space<vmem>> -> memref<256xi32, #tpu.memory_space<vmem>>
        %dma_wait3A_742 = arith.constant 0 : i32
        %dma_wait3A_743 = arith.constant 0 : i32
        %dma_wait3A_744 = tpu.memref_slice %arg2[%dma_wait3A_742, %dma_wait3A_743] : memref<100000x16xf32, #tpu.memory_space<hbm>> -> memref<100000x16xf32, #tpu.memory_space<hbm>>
        tpu.wait_indirect_dma semaphore(%arg13 : memref<!tpu.dma_semaphore, #tpu.memory_space<semaphore_mem>>) src(%dma_wait3A_744 : memref<100000x16xf32, #tpu.memory_space<hbm>>) dst(%dma_wait3A_738 : memref<256x16xf32, #tpu.memory_space<vmem>>)
        %dma_wait3A_745 = arith.constant 2 : i32
        %dma_wait3A_746 = arith.constant 1 : i32
        %dma_wait3A_747 = arith.constant 2 : i32
        %dma_wait3A_748 = arith.constant 0 : i32
        %dma_wait3A_749 = arith.constant 0 : i32
        %dma_wait3A_750 = tpu.memref_slice %arg10[%dma_wait3A_747, %dma_wait3A_748, %dma_wait3A_749] : memref<4x256x16xf32, #tpu.memory_space<vmem>> -> memref<1x256x16xf32, #tpu.memory_space<vmem>>
        %dma_wait3A_751 = tpu.memref_squeeze %dma_wait3A_750 : memref<1x256x16xf32, #tpu.memory_space<vmem>> -> memref<256x16xf32, #tpu.memory_space<vmem>>
        %dma_wait3A_752 = arith.constant 0 : i32
        %dma_wait3A_753 = tpu.memref_slice %arg8[%dma_wait3A_745, %dma_wait3A_746, %dma_wait3A_752] : memref<4x2x256xi32, #tpu.memory_space<vmem>> -> memref<1x1x256xi32, #tpu.memory_space<vmem>>
        %dma_wait3A_754 = tpu.memref_squeeze %dma_wait3A_753 : memref<1x1x256xi32, #tpu.memory_space<vmem>> -> memref<256xi32, #tpu.memory_space<vmem>>
        %dma_wait3A_755 = arith.constant 0 : i32
        %dma_wait3A_756 = arith.constant 0 : i32
        %dma_wait3A_757 = tpu.memref_slice %arg3[%dma_wait3A_755, %dma_wait3A_756] : memref<100000x16xf32, #tpu.memory_space<hbm>> -> memref<100000x16xf32, #tpu.memory_space<hbm>>
        tpu.wait_indirect_dma semaphore(%arg13 : memref<!tpu.dma_semaphore, #tpu.memory_space<semaphore_mem>>) src(%dma_wait3A_757 : memref<100000x16xf32, #tpu.memory_space<hbm>>) dst(%dma_wait3A_751 : memref<256x16xf32, #tpu.memory_space<vmem>>)
        %parallel_loop3A = arith.constant 0 : i32
        %parallel_loop3A_758 = arith.constant 256 : i32
        %parallel_loop3A_759 = arith.constant 1 : i32
        scf.for %parallel_loop3A_760 = %parallel_loop3A to %parallel_loop3A_758 step %parallel_loop3A_759  : i32 {
          %parallel_loop3A_761 = arith.constant 1 : i32
          %parallel_loop3A_762 = arith.index_cast %parallel_loop3A_761 : i32 to index
          %parallel_loop3A_763 = arith.index_cast %parallel_loop3A_760 : i32 to index
          %parallel_loop3A_764 = arith.constant 0 : index
          %parallel_loop3A_765 = tpu.vector_load %arg9[%parallel_loop3A_762, %parallel_loop3A_763, %parallel_loop3A_764] {strides = array<i32>} : memref<3x256x16xf32, #tpu.memory_space<vmem>>, vector<1x1x16xf32>,
          %parallel_loop3A_766 = vector.shape_cast %parallel_loop3A_765 : vector<1x1x16xf32> to vector<16xf32>
          %parallel_loop3A_767 = arith.constant 2 : i32
          %parallel_loop3A_768 = arith.index_cast %parallel_loop3A_767 : i32 to index
          %parallel_loop3A_769 = arith.index_cast %parallel_loop3A_760 : i32 to index
          %parallel_loop3A_770 = arith.constant 0 : index
          %parallel_loop3A_771 = tpu.vector_load %arg10[%parallel_loop3A_768, %parallel_loop3A_769, %parallel_loop3A_770] {strides = array<i32>} : memref<4x256x16xf32, #tpu.memory_space<vmem>>, vector<1x1x16xf32>,
          %parallel_loop3A_772 = vector.shape_cast %parallel_loop3A_771 : vector<1x1x16xf32> to vector<16xf32>
          %parallel_loop3A_773 = arith.addf %parallel_loop3A_766, %parallel_loop3A_772 : vector<16xf32>
          %parallel_loop3A_774 = arith.constant 0.000000e+00 : f32
          %parallel_loop3A_775 = vector.broadcast %parallel_loop3A_774 : f32 to vector<16xf32>
          %parallel_loop3A_776 = arith.cmpf oge, %parallel_loop3A_773, %parallel_loop3A_775 : vector<16xf32>
          %parallel_loop3A_777 = arith.constant 2.000000e-01 : f32
          %parallel_loop3A_778 = vector.broadcast %parallel_loop3A_777 : f32 to vector<16xf32>
          %parallel_loop3A_779 = arith.mulf %parallel_loop3A_778, %parallel_loop3A_773 : vector<16xf32>
          %parallel_loop3A_780 = arith.select %parallel_loop3A_776, %parallel_loop3A_773, %parallel_loop3A_779 : vector<16xi1>, vector<16xf32>
          %parallel_loop3A_781 = vector.shape_cast %and3A_6 : vector<16xi32> to vector<16x1xi32>
          %parallel_loop3A_782 = vector.shape_cast %parallel_loop3A_781 : vector<16x1xi32> to vector<16xi32>
          %parallel_loop3A_783 = tpu.dynamic_gather %parallel_loop3A_780[%parallel_loop3A_782] in [0] : vector<16xf32>, vector<16xi32> -> vector<16xf32>
          %parallel_loop3A_784 = math.exp %parallel_loop3A_783 : vector<16xf32>
          %parallel_loop3A_785 = arith.constant 1.000000e+00 : f32
          %parallel_loop3A_786 = vector.broadcast %parallel_loop3A_785 : f32 to vector<16xf32>
          %parallel_loop3A_787 = arith.select %lt3A_9, %parallel_loop3A_786, %parallel_loop3A_766 : vector<16xi1>, vector<16xf32>
          %parallel_loop3A_788 = arith.mulf %parallel_loop3A_784, %parallel_loop3A_787 : vector<16xf32>
          %parallel_loop3A_789 = arith.constant 2 : i32
          %parallel_loop3A_790 = arith.index_cast %parallel_loop3A_789 : i32 to index
          %parallel_loop3A_791 = arith.index_cast %parallel_loop3A_760 : i32 to index
          %parallel_loop3A_792 = arith.constant 0 : index
          %parallel_loop3A_793 = tpu.vector_load %arg10[%parallel_loop3A_790, %parallel_loop3A_791, %parallel_loop3A_792] {strides = array<i32>} : memref<4x256x16xf32, #tpu.memory_space<vmem>>, vector<1x1x16xf32>,
          %parallel_loop3A_794 = vector.shape_cast %parallel_loop3A_793 : vector<1x1x16xf32> to vector<16xf32>
          %parallel_loop3A_795 = vector.shape_cast %parallel_loop3A_788 : vector<16xf32> to vector<1x1x16xf32>
          tpu.vector_store %arg10[%parallel_loop3A_790, %parallel_loop3A_791, %parallel_loop3A_792], %parallel_loop3A_795 {strides = array<i32>} : memref<4x256x16xf32, #tpu.memory_space<vmem>>, vector<1x1x16xf32>,
        } {sc.loop_unroll_factor = 8 : i64, sc.parallel_access}
      } else {
      }
      %gt3A_648 = arith.constant 0 : i32
      %gt3A_649 = arith.cmpi sgt, %add3A_629, %gt3A_648 : i32
      %sub3A_650 = arith.constant 1 : i32
      %sub3A_651 = arith.subi %add3A_629, %sub3A_650 : i32
      %mul3A_652 = arith.constant 32 : i32
      %mul3A_653 = arith.muli %mul3A_652, %sub3A_651 : i32
      %add3A_654 = arith.addi %add3A, %mul3A_653 : i32
      %lt3A_655 = arith.constant 12500 : i32
      %lt3A_656 = arith.cmpi slt, %add3A_654, %lt3A_655 : i32
      %and3A_657 = arith.andi %gt3A_649, %lt3A_656 : i1
      %convert_element_type3A_658 = arith.extui %and3A_657 : i1 to i32
      %cond3A_659 = arith.constant 0 : i32
      %cond3A_660 = arith.cmpi ne, %convert_element_type3A_658, %cond3A_659 : i32
      scf.if %cond3A_660 {
        %dma_wait3A = arith.constant 1 : i32
        %dma_wait3A_733 = arith.constant 1 : i32
        %dma_wait3A_734 = arith.constant 1 : i32
        %dma_wait3A_735 = arith.constant 0 : i32
        %dma_wait3A_736 = arith.constant 0 : i32
        %dma_wait3A_737 = tpu.memref_slice %arg10[%dma_wait3A, %dma_wait3A_735, %dma_wait3A_736] : memref<4x256x16xf32, #tpu.memory_space<vmem>> -> memref<1x256x16xf32, #tpu.memory_space<vmem>>
        %dma_wait3A_738 = tpu.memref_squeeze %dma_wait3A_737 : memref<1x256x16xf32, #tpu.memory_space<vmem>> -> memref<256x16xf32, #tpu.memory_space<vmem>>
        %dma_wait3A_739 = arith.constant 0 : i32
        %dma_wait3A_740 = tpu.memref_slice %arg8[%dma_wait3A_733, %dma_wait3A_734, %dma_wait3A_739] : memref<4x2x256xi32, #tpu.memory_space<vmem>> -> memref<1x1x256xi32, #tpu.memory_space<vmem>>
        %dma_wait3A_741 = tpu.memref_squeeze %dma_wait3A_740 : memref<1x1x256xi32, #tpu.memory_space<vmem>> -> memref<256xi32, #tpu.memory_space<vmem>>
        %dma_wait3A_742 = arith.constant 0 : i32
        %dma_wait3A_743 = arith.constant 0 : i32
        %dma_wait3A_744 = tpu.memref_slice %arg7[%dma_wait3A_742, %dma_wait3A_743] : memref<100000x16xf32, #tpu.memory_space<vmem_shared>> -> memref<100000x16xf32, #tpu.memory_space<vmem_shared>>
        tpu.wait_indirect_dma semaphore(%arg15 : memref<!tpu.dma_semaphore, #tpu.memory_space<semaphore_mem>>) src(%dma_wait3A_738 : memref<256x16xf32, #tpu.memory_space<vmem>>) dst(%dma_wait3A_744 : memref<100000x16xf32, #tpu.memory_space<vmem_shared>>)
      } else {
      }
      %mul3A_661 = arith.constant 32 : i32
      %mul3A_662 = arith.muli %mul3A_661, %add3A_629 : i32
      %add3A_663 = arith.addi %add3A, %mul3A_662 : i32
      %lt3A_664 = arith.constant 12500 : i32
      %lt3A_665 = arith.cmpi slt, %add3A_663, %lt3A_664 : i32
      %convert_element_type3A_666 = arith.extui %lt3A_665 : i1 to i32
      %cond3A_667 = arith.constant 0 : i32
      %cond3A_668 = arith.cmpi ne, %convert_element_type3A_666, %cond3A_667 : i32
      scf.if %cond3A_668 {
        %dma_start3A_733 = arith.constant 2 : i32
        %dma_start3A_734 = arith.constant 2 : i32
        %dma_start3A_735 = arith.constant 1 : i32
        %dma_start3A_736 = arith.constant 0 : i32
        %dma_start3A_737 = arith.constant 0 : i32
        %dma_start3A_738 = tpu.memref_slice %arg10[%dma_start3A_733, %dma_start3A_736, %dma_start3A_737] : memref<4x256x16xf32, #tpu.memory_space<vmem>> -> memref<1x256x16xf32, #tpu.memory_space<vmem>>
        %dma_start3A_739 = tpu.memref_squeeze %dma_start3A_738 : memref<1x256x16xf32, #tpu.memory_space<vmem>> -> memref<256x16xf32, #tpu.memory_space<vmem>>
        %dma_start3A_740 = arith.constant 0 : i32
        %dma_start3A_741 = tpu.memref_slice %arg8[%dma_start3A_734, %dma_start3A_735, %dma_start3A_740] : memref<4x2x256xi32, #tpu.memory_space<vmem>> -> memref<1x1x256xi32, #tpu.memory_space<vmem>>
        %dma_start3A_742 = tpu.memref_squeeze %dma_start3A_741 : memref<1x1x256xi32, #tpu.memory_space<vmem>> -> memref<256xi32, #tpu.memory_space<vmem>>
        %dma_start3A_743 = arith.constant 0 : i32
        %dma_start3A_744 = arith.constant 0 : i32
        %dma_start3A_745 = tpu.memref_slice %arg7[%dma_start3A_743, %dma_start3A_744] : memref<100000x16xf32, #tpu.memory_space<vmem_shared>> -> memref<100000x16xf32, #tpu.memory_space<vmem_shared>>
        tpu.enqueue_indirect_dma source(%dma_start3A_739 : memref<256x16xf32, #tpu.memory_space<vmem>>) target(%dma_start3A_745 : memref<100000x16xf32, #tpu.memory_space<vmem_shared>>) offsets(%dma_start3A_742 : memref<256xi32, #tpu.memory_space<vmem>>) semaphore(%arg15 : memref<!tpu.dma_semaphore, #tpu.memory_space<semaphore_mem>>) {add = true}
      } else {
      }
      %add3A_669 = arith.constant 3 : i32
      %add3A_670 = arith.addi %add3A_629, %add3A_669 : i32
      %mul3A_671 = arith.constant 32 : i32
      %mul3A_672 = arith.muli %mul3A_671, %add3A_670 : i32
      %add3A_673 = arith.addi %add3A, %mul3A_672 : i32
      %lt3A_674 = arith.constant 12500 : i32
      %lt3A_675 = arith.cmpi slt, %add3A_673, %lt3A_674 : i32
      %convert_element_type3A_676 = arith.extui %lt3A_675 : i1 to i32
      %cond3A_677 = arith.constant 0 : i32
      %cond3A_678 = arith.cmpi ne, %convert_element_type3A_676, %cond3A_677 : i32
      scf.if %cond3A_678 {
        %add3A_733 = arith.constant 3 : i32
        %add3A_734 = arith.addi %add3A_629, %add3A_733 : i32
        %mul3A_735 = arith.constant 32 : i32
        %mul3A_736 = arith.muli %mul3A_735, %add3A_734 : i32
        %add3A_737 = arith.addi %add3A, %mul3A_736 : i32
        %mul3A_738 = arith.constant 256 : i32
        %mul3A_739 = arith.muli %add3A_737, %mul3A_738 : i32
        %dma_start3A_740 = arith.constant 1 : i32
        %dma_start3A_741 = arith.constant 0 : i32
        %dma_start3A_742 = arith.constant 0 : i32
        %dma_start3A_743 = tpu.memref_slice %arg8[%dma_start3A_740, %dma_start3A_741, %dma_start3A_742] : memref<4x2x256xi32, #tpu.memory_space<vmem>> -> memref<1x2x256xi32, #tpu.memory_space<vmem>>
        %dma_start3A_744 = tpu.memref_squeeze %dma_start3A_743 : memref<1x2x256xi32, #tpu.memory_space<vmem>> -> memref<2x256xi32, #tpu.memory_space<vmem>>
        %dma_start3A_745 = arith.constant 0 : i32
        %dma_start3A_746 = tpu.memref_slice %arg5[%dma_start3A_745, %mul3A_739] : memref<2x3200000xi32, #tpu.memory_space<hbm>> -> memref<2x256xi32, #tpu.memory_space<hbm>>
        %dma_start3A_747 = arith.constant 0 : i32
        %dma_start3A_748 = arith.constant 0 : i32
        %dma_start3A_749 = tpu.memref_slice %arg8[%dma_start3A_740, %dma_start3A_747, %dma_start3A_748] : memref<4x2x256xi32, #tpu.memory_space<vmem>> -> memref<1x2x256xi32, #tpu.memory_space<vmem>>
        %dma_start3A_750 = tpu.memref_squeeze %dma_start3A_749 : memref<1x2x256xi32, #tpu.memory_space<vmem>> -> memref<2x256xi32, #tpu.memory_space<vmem>>
        %dma_start3A_751 = arith.constant 0 : i32
        %dma_start3A_752 = tpu.memref_slice %arg5[%dma_start3A_751, %mul3A_739] : memref<2x3200000xi32, #tpu.memory_space<hbm>> -> memref<2x256xi32, #tpu.memory_space<hbm>>
        tpu.enqueue_dma source(%dma_start3A_752 : memref<2x256xi32, #tpu.memory_space<hbm>>) target(%dma_start3A_750 : memref<2x256xi32, #tpu.memory_space<vmem>>) target_semaphore(%arg11 : memref<!tpu.dma_semaphore, #tpu.memory_space<semaphore_mem>>)
      } else {
      }
      %mul3A_679 = arith.constant 12 : i32
      %mul3A_680 = arith.muli %mul3A_679, %scan3A_98 : i32
      %add3A_681 = arith.constant 11 : i32
      %add3A_682 = arith.addi %mul3A_680, %add3A_681 : i32
      %add3A_683 = arith.constant 2 : i32
      %add3A_684 = arith.addi %add3A_682, %add3A_683 : i32
      %mul3A_685 = arith.constant 32 : i32
      %mul3A_686 = arith.muli %mul3A_685, %add3A_684 : i32
      %add3A_687 = arith.addi %add3A, %mul3A_686 : i32
      %lt3A_688 = arith.constant 12500 : i32
      %lt3A_689 = arith.cmpi slt, %add3A_687, %lt3A_688 : i32
      %convert_element_type3A_690 = arith.extui %lt3A_689 : i1 to i32
      %cond3A_691 = arith.constant 0 : i32
      %cond3A_692 = arith.cmpi ne, %convert_element_type3A_690, %cond3A_691 : i32
      scf.if %cond3A_692 {
        %dma_wait3A = arith.constant 1 : i32
        %dma_wait3A_733 = arith.constant 0 : i32
        %dma_wait3A_734 = arith.constant 0 : i32
        %dma_wait3A_735 = tpu.memref_slice %arg8[%dma_wait3A, %dma_wait3A_733, %dma_wait3A_734] : memref<4x2x256xi32, #tpu.memory_space<vmem>> -> memref<1x2x256xi32, #tpu.memory_space<vmem>>
        %dma_wait3A_736 = tpu.memref_squeeze %dma_wait3A_735 : memref<1x2x256xi32, #tpu.memory_space<vmem>> -> memref<2x256xi32, #tpu.memory_space<vmem>>
        %dma_wait3A_737 = arith.constant 0 : i32
        %dma_wait3A_738 = arith.constant 0 : i32
        %dma_wait3A_739 = tpu.memref_slice %arg5[%dma_wait3A_737, %dma_wait3A_738] : memref<2x3200000xi32, #tpu.memory_space<hbm>> -> memref<2x256xi32, #tpu.memory_space<hbm>>
        %dma_wait3A_740 = arith.constant 0 : i32
        %dma_wait3A_741 = arith.constant 0 : i32
        %dma_wait3A_742 = tpu.memref_slice %arg8[%dma_wait3A, %dma_wait3A_740, %dma_wait3A_741] : memref<4x2x256xi32, #tpu.memory_space<vmem>> -> memref<1x2x256xi32, #tpu.memory_space<vmem>>
        %dma_wait3A_743 = tpu.memref_squeeze %dma_wait3A_742 : memref<1x2x256xi32, #tpu.memory_space<vmem>> -> memref<2x256xi32, #tpu.memory_space<vmem>>
        %dma_wait3A_744 = arith.constant 0 : i32
        %dma_wait3A_745 = arith.constant 0 : i32
        %dma_wait3A_746 = tpu.memref_slice %arg5[%dma_wait3A_744, %dma_wait3A_745] : memref<2x3200000xi32, #tpu.memory_space<hbm>> -> memref<2x256xi32, #tpu.memory_space<hbm>>
        tpu.wait_dma2 semaphore(%arg11 : memref<!tpu.dma_semaphore, #tpu.memory_space<semaphore_mem>>) src(%dma_wait3A_746 : memref<2x256xi32, #tpu.memory_space<hbm>>) dst(%dma_wait3A_743 : memref<2x256xi32, #tpu.memory_space<vmem>>)
        %dma_start3A_747 = arith.constant 1 : i32
        %dma_start3A_748 = arith.constant 0 : i32
        %dma_start3A_749 = arith.constant 1 : i32
        %dma_start3A_750 = arith.constant 0 : i32
        %dma_start3A_751 = arith.constant 0 : i32
        %dma_start3A_752 = tpu.memref_slice %arg9[%dma_start3A_749, %dma_start3A_750, %dma_start3A_751] : memref<3x256x16xf32, #tpu.memory_space<vmem>> -> memref<1x256x16xf32, #tpu.memory_space<vmem>>
        %dma_start3A_753 = tpu.memref_squeeze %dma_start3A_752 : memref<1x256x16xf32, #tpu.memory_space<vmem>> -> memref<256x16xf32, #tpu.memory_space<vmem>>
        %dma_start3A_754 = arith.constant 0 : i32
        %dma_start3A_755 = tpu.memref_slice %arg8[%dma_start3A_747, %dma_start3A_748, %dma_start3A_754] : memref<4x2x256xi32, #tpu.memory_space<vmem>> -> memref<1x1x256xi32, #tpu.memory_space<vmem>>
        %dma_start3A_756 = tpu.memref_squeeze %dma_start3A_755 : memref<1x1x256xi32, #tpu.memory_space<vmem>> -> memref<256xi32, #tpu.memory_space<vmem>>
        %dma_start3A_757 = arith.constant 0 : i32
        %dma_start3A_758 = arith.constant 0 : i32
        %dma_start3A_759 = tpu.memref_slice %arg2[%dma_start3A_757, %dma_start3A_758] : memref<100000x16xf32, #tpu.memory_space<hbm>> -> memref<100000x16xf32, #tpu.memory_space<hbm>>
        tpu.enqueue_indirect_dma source(%dma_start3A_759 : memref<100000x16xf32, #tpu.memory_space<hbm>>) target(%dma_start3A_753 : memref<256x16xf32, #tpu.memory_space<vmem>>) offsets(%dma_start3A_756 : memref<256xi32, #tpu.memory_space<vmem>>) semaphore(%arg13 : memref<!tpu.dma_semaphore, #tpu.memory_space<semaphore_mem>>)
        %dma_start3A_760 = arith.constant 1 : i32
        %dma_start3A_761 = arith.constant 1 : i32
        %dma_start3A_762 = arith.constant 1 : i32
        %dma_start3A_763 = arith.constant 0 : i32
        %dma_start3A_764 = arith.constant 0 : i32
        %dma_start3A_765 = tpu.memref_slice %arg10[%dma_start3A_762, %dma_start3A_763, %dma_start3A_764] : memref<4x256x16xf32, #tpu.memory_space<vmem>> -> memref<1x256x16xf32, #tpu.memory_space<vmem>>
        %dma_start3A_766 = tpu.memref_squeeze %dma_start3A_765 : memref<1x256x16xf32, #tpu.memory_space<vmem>> -> memref<256x16xf32, #tpu.memory_space<vmem>>
        %dma_start3A_767 = arith.constant 0 : i32
        %dma_start3A_768 = tpu.memref_slice %arg8[%dma_start3A_760, %dma_start3A_761, %dma_start3A_767] : memref<4x2x256xi32, #tpu.memory_space<vmem>> -> memref<1x1x256xi32, #tpu.memory_space<vmem>>
        %dma_start3A_769 = tpu.memref_squeeze %dma_start3A_768 : memref<1x1x256xi32, #tpu.memory_space<vmem>> -> memref<256xi32, #tpu.memory_space<vmem>>
        %dma_start3A_770 = arith.constant 0 : i32
        %dma_start3A_771 = arith.constant 0 : i32
        %dma_start3A_772 = tpu.memref_slice %arg3[%dma_start3A_770, %dma_start3A_771] : memref<100000x16xf32, #tpu.memory_space<hbm>> -> memref<100000x16xf32, #tpu.memory_space<hbm>>
        tpu.enqueue_indirect_dma source(%dma_start3A_772 : memref<100000x16xf32, #tpu.memory_space<hbm>>) target(%dma_start3A_766 : memref<256x16xf32, #tpu.memory_space<vmem>>) offsets(%dma_start3A_769 : memref<256xi32, #tpu.memory_space<vmem>>) semaphore(%arg13 : memref<!tpu.dma_semaphore, #tpu.memory_space<semaphore_mem>>)
      } else {
      }
      %mul3A_693 = arith.constant 32 : i32
      %mul3A_694 = arith.muli %mul3A_693, %add3A_682 : i32
      %add3A_695 = arith.addi %add3A, %mul3A_694 : i32
      %lt3A_696 = arith.constant 12500 : i32
      %lt3A_697 = arith.cmpi slt, %add3A_695, %lt3A_696 : i32
      %convert_element_type3A_698 = arith.extui %lt3A_697 : i1 to i32
      %cond3A_699 = arith.constant 0 : i32
      %cond3A_700 = arith.cmpi ne, %convert_element_type3A_698, %cond3A_699 : i32
      scf.if %cond3A_700 {
        %dma_wait3A = arith.constant 3 : i32
        %dma_wait3A_733 = arith.constant 0 : i32
        %dma_wait3A_734 = arith.constant 2 : i32
        %dma_wait3A_735 = arith.constant 0 : i32
        %dma_wait3A_736 = arith.constant 0 : i32
        %dma_wait3A_737 = tpu.memref_slice %arg9[%dma_wait3A_734, %dma_wait3A_735, %dma_wait3A_736] : memref<3x256x16xf32, #tpu.memory_space<vmem>> -> memref<1x256x16xf32, #tpu.memory_space<vmem>>
        %dma_wait3A_738 = tpu.memref_squeeze %dma_wait3A_737 : memref<1x256x16xf32, #tpu.memory_space<vmem>> -> memref<256x16xf32, #tpu.memory_space<vmem>>
        %dma_wait3A_739 = arith.constant 0 : i32
        %dma_wait3A_740 = tpu.memref_slice %arg8[%dma_wait3A, %dma_wait3A_733, %dma_wait3A_739] : memref<4x2x256xi32, #tpu.memory_space<vmem>> -> memref<1x1x256xi32, #tpu.memory_space<vmem>>
        %dma_wait3A_741 = tpu.memref_squeeze %dma_wait3A_740 : memref<1x1x256xi32, #tpu.memory_space<vmem>> -> memref<256xi32, #tpu.memory_space<vmem>>
        %dma_wait3A_742 = arith.constant 0 : i32
        %dma_wait3A_743 = arith.constant 0 : i32
        %dma_wait3A_744 = tpu.memref_slice %arg2[%dma_wait3A_742, %dma_wait3A_743] : memref<100000x16xf32, #tpu.memory_space<hbm>> -> memref<100000x16xf32, #tpu.memory_space<hbm>>
        tpu.wait_indirect_dma semaphore(%arg14 : memref<!tpu.dma_semaphore, #tpu.memory_space<semaphore_mem>>) src(%dma_wait3A_744 : memref<100000x16xf32, #tpu.memory_space<hbm>>) dst(%dma_wait3A_738 : memref<256x16xf32, #tpu.memory_space<vmem>>)
        %dma_wait3A_745 = arith.constant 3 : i32
        %dma_wait3A_746 = arith.constant 1 : i32
        %dma_wait3A_747 = arith.constant 3 : i32
        %dma_wait3A_748 = arith.constant 0 : i32
        %dma_wait3A_749 = arith.constant 0 : i32
        %dma_wait3A_750 = tpu.memref_slice %arg10[%dma_wait3A_747, %dma_wait3A_748, %dma_wait3A_749] : memref<4x256x16xf32, #tpu.memory_space<vmem>> -> memref<1x256x16xf32, #tpu.memory_space<vmem>>
        %dma_wait3A_751 = tpu.memref_squeeze %dma_wait3A_750 : memref<1x256x16xf32, #tpu.memory_space<vmem>> -> memref<256x16xf32, #tpu.memory_space<vmem>>
        %dma_wait3A_752 = arith.constant 0 : i32
        %dma_wait3A_753 = tpu.memref_slice %arg8[%dma_wait3A_745, %dma_wait3A_746, %dma_wait3A_752] : memref<4x2x256xi32, #tpu.memory_space<vmem>> -> memref<1x1x256xi32, #tpu.memory_space<vmem>>
        %dma_wait3A_754 = tpu.memref_squeeze %dma_wait3A_753 : memref<1x1x256xi32, #tpu.memory_space<vmem>> -> memref<256xi32, #tpu.memory_space<vmem>>
        %dma_wait3A_755 = arith.constant 0 : i32
        %dma_wait3A_756 = arith.constant 0 : i32
        %dma_wait3A_757 = tpu.memref_slice %arg3[%dma_wait3A_755, %dma_wait3A_756] : memref<100000x16xf32, #tpu.memory_space<hbm>> -> memref<100000x16xf32, #tpu.memory_space<hbm>>
        tpu.wait_indirect_dma semaphore(%arg14 : memref<!tpu.dma_semaphore, #tpu.memory_space<semaphore_mem>>) src(%dma_wait3A_757 : memref<100000x16xf32, #tpu.memory_space<hbm>>) dst(%dma_wait3A_751 : memref<256x16xf32, #tpu.memory_space<vmem>>)
        %parallel_loop3A = arith.constant 0 : i32
        %parallel_loop3A_758 = arith.constant 256 : i32
        %parallel_loop3A_759 = arith.constant 1 : i32
        scf.for %parallel_loop3A_760 = %parallel_loop3A to %parallel_loop3A_758 step %parallel_loop3A_759  : i32 {
          %parallel_loop3A_761 = arith.constant 2 : i32
          %parallel_loop3A_762 = arith.index_cast %parallel_loop3A_761 : i32 to index
          %parallel_loop3A_763 = arith.index_cast %parallel_loop3A_760 : i32 to index
          %parallel_loop3A_764 = arith.constant 0 : index
          %parallel_loop3A_765 = tpu.vector_load %arg9[%parallel_loop3A_762, %parallel_loop3A_763, %parallel_loop3A_764] {strides = array<i32>} : memref<3x256x16xf32, #tpu.memory_space<vmem>>, vector<1x1x16xf32>,
          %parallel_loop3A_766 = vector.shape_cast %parallel_loop3A_765 : vector<1x1x16xf32> to vector<16xf32>
          %parallel_loop3A_767 = arith.constant 3 : i32
          %parallel_loop3A_768 = arith.index_cast %parallel_loop3A_767 : i32 to index
          %parallel_loop3A_769 = arith.index_cast %parallel_loop3A_760 : i32 to index
          %parallel_loop3A_770 = arith.constant 0 : index
          %parallel_loop3A_771 = tpu.vector_load %arg10[%parallel_loop3A_768, %parallel_loop3A_769, %parallel_loop3A_770] {strides = array<i32>} : memref<4x256x16xf32, #tpu.memory_space<vmem>>, vector<1x1x16xf32>,
          %parallel_loop3A_772 = vector.shape_cast %parallel_loop3A_771 : vector<1x1x16xf32> to vector<16xf32>
          %parallel_loop3A_773 = arith.addf %parallel_loop3A_766, %parallel_loop3A_772 : vector<16xf32>
          %parallel_loop3A_774 = arith.constant 0.000000e+00 : f32
          %parallel_loop3A_775 = vector.broadcast %parallel_loop3A_774 : f32 to vector<16xf32>
          %parallel_loop3A_776 = arith.cmpf oge, %parallel_loop3A_773, %parallel_loop3A_775 : vector<16xf32>
          %parallel_loop3A_777 = arith.constant 2.000000e-01 : f32
          %parallel_loop3A_778 = vector.broadcast %parallel_loop3A_777 : f32 to vector<16xf32>
          %parallel_loop3A_779 = arith.mulf %parallel_loop3A_778, %parallel_loop3A_773 : vector<16xf32>
          %parallel_loop3A_780 = arith.select %parallel_loop3A_776, %parallel_loop3A_773, %parallel_loop3A_779 : vector<16xi1>, vector<16xf32>
          %parallel_loop3A_781 = vector.shape_cast %and3A_6 : vector<16xi32> to vector<16x1xi32>
          %parallel_loop3A_782 = vector.shape_cast %parallel_loop3A_781 : vector<16x1xi32> to vector<16xi32>
          %parallel_loop3A_783 = tpu.dynamic_gather %parallel_loop3A_780[%parallel_loop3A_782] in [0] : vector<16xf32>, vector<16xi32> -> vector<16xf32>
          %parallel_loop3A_784 = math.exp %parallel_loop3A_783 : vector<16xf32>
          %parallel_loop3A_785 = arith.constant 1.000000e+00 : f32
          %parallel_loop3A_786 = vector.broadcast %parallel_loop3A_785 : f32 to vector<16xf32>
          %parallel_loop3A_787 = arith.select %lt3A_9, %parallel_loop3A_786, %parallel_loop3A_766 : vector<16xi1>, vector<16xf32>
          %parallel_loop3A_788 = arith.mulf %parallel_loop3A_784, %parallel_loop3A_787 : vector<16xf32>
          %parallel_loop3A_789 = arith.constant 3 : i32
          %parallel_loop3A_790 = arith.index_cast %parallel_loop3A_789 : i32 to index
          %parallel_loop3A_791 = arith.index_cast %parallel_loop3A_760 : i32 to index
          %parallel_loop3A_792 = arith.constant 0 : index
          %parallel_loop3A_793 = tpu.vector_load %arg10[%parallel_loop3A_790, %parallel_loop3A_791, %parallel_loop3A_792] {strides = array<i32>} : memref<4x256x16xf32, #tpu.memory_space<vmem>>, vector<1x1x16xf32>,
          %parallel_loop3A_794 = vector.shape_cast %parallel_loop3A_793 : vector<1x1x16xf32> to vector<16xf32>
          %parallel_loop3A_795 = vector.shape_cast %parallel_loop3A_788 : vector<16xf32> to vector<1x1x16xf32>
          tpu.vector_store %arg10[%parallel_loop3A_790, %parallel_loop3A_791, %parallel_loop3A_792], %parallel_loop3A_795 {strides = array<i32>} : memref<4x256x16xf32, #tpu.memory_space<vmem>>, vector<1x1x16xf32>,
        } {sc.loop_unroll_factor = 8 : i64, sc.parallel_access}
      } else {
      }
      %gt3A_701 = arith.constant 0 : i32
      %gt3A_702 = arith.cmpi sgt, %add3A_682, %gt3A_701 : i32
      %sub3A_703 = arith.constant 1 : i32
      %sub3A_704 = arith.subi %add3A_682, %sub3A_703 : i32
      %mul3A_705 = arith.constant 32 : i32
      %mul3A_706 = arith.muli %mul3A_705, %sub3A_704 : i32
      %add3A_707 = arith.addi %add3A, %mul3A_706 : i32
      %lt3A_708 = arith.constant 12500 : i32
      %lt3A_709 = arith.cmpi slt, %add3A_707, %lt3A_708 : i32
      %and3A_710 = arith.andi %gt3A_702, %lt3A_709 : i1
      %convert_element_type3A_711 = arith.extui %and3A_710 : i1 to i32
      %cond3A_712 = arith.constant 0 : i32
      %cond3A_713 = arith.cmpi ne, %convert_element_type3A_711, %cond3A_712 : i32
      scf.if %cond3A_713 {
        %dma_wait3A = arith.constant 2 : i32
        %dma_wait3A_733 = arith.constant 2 : i32
        %dma_wait3A_734 = arith.constant 1 : i32
        %dma_wait3A_735 = arith.constant 0 : i32
        %dma_wait3A_736 = arith.constant 0 : i32
        %dma_wait3A_737 = tpu.memref_slice %arg10[%dma_wait3A, %dma_wait3A_735, %dma_wait3A_736] : memref<4x256x16xf32, #tpu.memory_space<vmem>> -> memref<1x256x16xf32, #tpu.memory_space<vmem>>
        %dma_wait3A_738 = tpu.memref_squeeze %dma_wait3A_737 : memref<1x256x16xf32, #tpu.memory_space<vmem>> -> memref<256x16xf32, #tpu.memory_space<vmem>>
        %dma_wait3A_739 = arith.constant 0 : i32
        %dma_wait3A_740 = tpu.memref_slice %arg8[%dma_wait3A_733, %dma_wait3A_734, %dma_wait3A_739] : memref<4x2x256xi32, #tpu.memory_space<vmem>> -> memref<1x1x256xi32, #tpu.memory_space<vmem>>
        %dma_wait3A_741 = tpu.memref_squeeze %dma_wait3A_740 : memref<1x1x256xi32, #tpu.memory_space<vmem>> -> memref<256xi32, #tpu.memory_space<vmem>>
        %dma_wait3A_742 = arith.constant 0 : i32
        %dma_wait3A_743 = arith.constant 0 : i32
        %dma_wait3A_744 = tpu.memref_slice %arg7[%dma_wait3A_742, %dma_wait3A_743] : memref<100000x16xf32, #tpu.memory_space<vmem_shared>> -> memref<100000x16xf32, #tpu.memory_space<vmem_shared>>
        tpu.wait_indirect_dma semaphore(%arg15 : memref<!tpu.dma_semaphore, #tpu.memory_space<semaphore_mem>>) src(%dma_wait3A_738 : memref<256x16xf32, #tpu.memory_space<vmem>>) dst(%dma_wait3A_744 : memref<100000x16xf32, #tpu.memory_space<vmem_shared>>)
      } else {
      }
      %mul3A_714 = arith.constant 32 : i32
      %mul3A_715 = arith.muli %mul3A_714, %add3A_682 : i32
      %add3A_716 = arith.addi %add3A, %mul3A_715 : i32
      %lt3A_717 = arith.constant 12500 : i32
      %lt3A_718 = arith.cmpi slt, %add3A_716, %lt3A_717 : i32
      %convert_element_type3A_719 = arith.extui %lt3A_718 : i1 to i32
      %cond3A_720 = arith.constant 0 : i32
      %cond3A_721 = arith.cmpi ne, %convert_element_type3A_719, %cond3A_720 : i32
      scf.if %cond3A_721 {
        %dma_start3A_733 = arith.constant 3 : i32
        %dma_start3A_734 = arith.constant 3 : i32
        %dma_start3A_735 = arith.constant 1 : i32
        %dma_start3A_736 = arith.constant 0 : i32
        %dma_start3A_737 = arith.constant 0 : i32
        %dma_start3A_738 = tpu.memref_slice %arg10[%dma_start3A_733, %dma_start3A_736, %dma_start3A_737] : memref<4x256x16xf32, #tpu.memory_space<vmem>> -> memref<1x256x16xf32, #tpu.memory_space<vmem>>
        %dma_start3A_739 = tpu.memref_squeeze %dma_start3A_738 : memref<1x256x16xf32, #tpu.memory_space<vmem>> -> memref<256x16xf32, #tpu.memory_space<vmem>>
        %dma_start3A_740 = arith.constant 0 : i32
        %dma_start3A_741 = tpu.memref_slice %arg8[%dma_start3A_734, %dma_start3A_735, %dma_start3A_740] : memref<4x2x256xi32, #tpu.memory_space<vmem>> -> memref<1x1x256xi32, #tpu.memory_space<vmem>>
        %dma_start3A_742 = tpu.memref_squeeze %dma_start3A_741 : memref<1x1x256xi32, #tpu.memory_space<vmem>> -> memref<256xi32, #tpu.memory_space<vmem>>
        %dma_start3A_743 = arith.constant 0 : i32
        %dma_start3A_744 = arith.constant 0 : i32
        %dma_start3A_745 = tpu.memref_slice %arg7[%dma_start3A_743, %dma_start3A_744] : memref<100000x16xf32, #tpu.memory_space<vmem_shared>> -> memref<100000x16xf32, #tpu.memory_space<vmem_shared>>
        tpu.enqueue_indirect_dma source(%dma_start3A_739 : memref<256x16xf32, #tpu.memory_space<vmem>>) target(%dma_start3A_745 : memref<100000x16xf32, #tpu.memory_space<vmem_shared>>) offsets(%dma_start3A_742 : memref<256xi32, #tpu.memory_space<vmem>>) semaphore(%arg15 : memref<!tpu.dma_semaphore, #tpu.memory_space<semaphore_mem>>) {add = true}
      } else {
      }
      %add3A_722 = arith.constant 3 : i32
      %add3A_723 = arith.addi %add3A_682, %add3A_722 : i32
      %mul3A_724 = arith.constant 32 : i32
      %mul3A_725 = arith.muli %mul3A_724, %add3A_723 : i32
      %add3A_726 = arith.addi %add3A, %mul3A_725 : i32
      %lt3A_727 = arith.constant 12500 : i32
      %lt3A_728 = arith.cmpi slt, %add3A_726, %lt3A_727 : i32
      %convert_element_type3A_729 = arith.extui %lt3A_728 : i1 to i32
      %cond3A_730 = arith.constant 0 : i32
      %cond3A_731 = arith.cmpi ne, %convert_element_type3A_729, %cond3A_730 : i32
      scf.if %cond3A_731 {
        %add3A_733 = arith.constant 3 : i32
        %add3A_734 = arith.addi %add3A_682, %add3A_733 : i32
        %mul3A_735 = arith.constant 32 : i32
        %mul3A_736 = arith.muli %mul3A_735, %add3A_734 : i32
        %add3A_737 = arith.addi %add3A, %mul3A_736 : i32
        %mul3A_738 = arith.constant 256 : i32
        %mul3A_739 = arith.muli %add3A_737, %mul3A_738 : i32
        %dma_start3A_740 = arith.constant 2 : i32
        %dma_start3A_741 = arith.constant 0 : i32
        %dma_start3A_742 = arith.constant 0 : i32
        %dma_start3A_743 = tpu.memref_slice %arg8[%dma_start3A_740, %dma_start3A_741, %dma_start3A_742] : memref<4x2x256xi32, #tpu.memory_space<vmem>> -> memref<1x2x256xi32, #tpu.memory_space<vmem>>
        %dma_start3A_744 = tpu.memref_squeeze %dma_start3A_743 : memref<1x2x256xi32, #tpu.memory_space<vmem>> -> memref<2x256xi32, #tpu.memory_space<vmem>>
        %dma_start3A_745 = arith.constant 0 : i32
        %dma_start3A_746 = tpu.memref_slice %arg5[%dma_start3A_745, %mul3A_739] : memref<2x3200000xi32, #tpu.memory_space<hbm>> -> memref<2x256xi32, #tpu.memory_space<hbm>>
        %dma_start3A_747 = arith.constant 0 : i32
        %dma_start3A_748 = arith.constant 0 : i32
        %dma_start3A_749 = tpu.memref_slice %arg8[%dma_start3A_740, %dma_start3A_747, %dma_start3A_748] : memref<4x2x256xi32, #tpu.memory_space<vmem>> -> memref<1x2x256xi32, #tpu.memory_space<vmem>>
        %dma_start3A_750 = tpu.memref_squeeze %dma_start3A_749 : memref<1x2x256xi32, #tpu.memory_space<vmem>> -> memref<2x256xi32, #tpu.memory_space<vmem>>
        %dma_start3A_751 = arith.constant 0 : i32
        %dma_start3A_752 = tpu.memref_slice %arg5[%dma_start3A_751, %mul3A_739] : memref<2x3200000xi32, #tpu.memory_space<hbm>> -> memref<2x256xi32, #tpu.memory_space<hbm>>
        tpu.enqueue_dma source(%dma_start3A_752 : memref<2x256xi32, #tpu.memory_space<hbm>>) target(%dma_start3A_750 : memref<2x256xi32, #tpu.memory_space<vmem>>) target_semaphore(%arg11 : memref<!tpu.dma_semaphore, #tpu.memory_space<semaphore_mem>>)
      } else {
      }
      %scan3A_732 = arith.constant 0 : i32
      scf.yield %scan3A_732 : i32
    }
    %scan3A_92 = arith.constant 33 : i32
    %barrier3A_93 = arith.constant 0 : index
    tpu.barrier barrier_id(%barrier3A_93)
    %mul3A_94 = arith.constant 6250 : i32
    %mul3A_95 = arith.muli %arg1, %mul3A_94 : i32
    %mul3A_96 = arith.constant 6250 : i32
    %mul3A_97 = arith.muli %arg1, %mul3A_96 : i32
    "tpu.region"() ({
      %run_scoped3A_98 = tpu.sem_alloc : memref<!tpu.dma_semaphore, #tpu.memory_space<semaphore_mem>>
      %dma_start3A_99 = arith.constant 0 : i32
      %dma_start3A_100 = arith.constant 0 : i32
      %dma_start3A_101 = tpu.memref_slice %arg6[%arg0, %dma_start3A_99, %dma_start3A_100] : memref<2x100000x16xf32, #tpu.memory_space<hbm>> -> memref<1x100000x16xf32, #tpu.memory_space<hbm>>
      %dma_start3A_102 = tpu.memref_squeeze %dma_start3A_101 : memref<1x100000x16xf32, #tpu.memory_space<hbm>> -> memref<100000x16xf32, #tpu.memory_space<hbm>>
      %dma_start3A_103 = arith.constant 0 : i32
      %dma_start3A_104 = tpu.memref_slice %dma_start3A_102[%mul3A_97, %dma_start3A_103] : memref<100000x16xf32, #tpu.memory_space<hbm>> -> memref<6250x16xf32, #tpu.memory_space<hbm>>
      %dma_start3A_105 = arith.constant 0 : i32
      %dma_start3A_106 = tpu.memref_slice %arg7[%mul3A_95, %dma_start3A_105] : memref<100000x16xf32, #tpu.memory_space<vmem_shared>> -> memref<6250x16xf32, #tpu.memory_space<vmem_shared>>
      tpu.enqueue_dma source(%dma_start3A_106 : memref<6250x16xf32, #tpu.memory_space<vmem_shared>>) target(%dma_start3A_104 : memref<6250x16xf32, #tpu.memory_space<hbm>>) target_semaphore(%run_scoped3A_98 : memref<!tpu.dma_semaphore, #tpu.memory_space<semaphore_mem>>)
      %dma_wait3A = arith.constant 0 : i32
      %dma_wait3A_107 = arith.constant 0 : i32
      %dma_wait3A_108 = tpu.memref_slice %arg6[%arg0, %dma_wait3A, %dma_wait3A_107] : memref<2x100000x16xf32, #tpu.memory_space<hbm>> -> memref<1x100000x16xf32, #tpu.memory_space<hbm>>
      %dma_wait3A_109 = tpu.memref_squeeze %dma_wait3A_108 : memref<1x100000x16xf32, #tpu.memory_space<hbm>> -> memref<100000x16xf32, #tpu.memory_space<hbm>>
      %dma_wait3A_110 = arith.constant 0 : i32
      %dma_wait3A_111 = tpu.memref_slice %dma_wait3A_109[%mul3A_97, %dma_wait3A_110] : memref<100000x16xf32, #tpu.memory_space<hbm>> -> memref<6250x16xf32, #tpu.memory_space<hbm>>
      %dma_wait3A_112 = arith.constant 0 : i32
      %dma_wait3A_113 = tpu.memref_slice %arg7[%mul3A_95, %dma_wait3A_112] : memref<100000x16xf32, #tpu.memory_space<vmem_shared>> -> memref<6250x16xf32, #tpu.memory_space<vmem_shared>>
      tpu.wait_dma2 semaphore(%run_scoped3A_98 : memref<!tpu.dma_semaphore, #tpu.memory_space<semaphore_mem>>) src(%dma_wait3A_113 : memref<6250x16xf32, #tpu.memory_space<vmem_shared>>) dst(%dma_wait3A_111 : memref<6250x16xf32, #tpu.memory_space<hbm>>)
      tpu.yield
    }) : () -> ()
    return
  }
}

module attributes {stable_mosaic.version = 14 : i64} {
  func.func @body(%arg0: i32, %arg1: memref<1024x128xf32, #tpu.memory_space<vmem>>, %arg2: memref<128x128xf32, #tpu.memory_space<vmem>>, %arg3: memref<128x128xf32, #tpu.memory_space<vmem>>, %arg4: memref<128x128xf32, #tpu.memory_space<vmem>>, %arg5: memref<1024x128xf32, #tpu.memory_space<vmem>>, %arg6: memref<1024x128xf32, #tpu.memory_space<vmem>>, %arg7: memref<1024x128xf32, #tpu.memory_space<vmem>>) attributes {dimension_semantics = [#tpu.dimension_semantics<arbitrary>], iteration_bounds = array<i64: 13>, scalar_prefetch = 0 : i64, scratch_operands = 0 : i64, tpu.core_type = #tpu.core_type<tc>, window_params = [{transform_indices = @transform_0, window_bounds = array<i64: 1024, 128>}, {pipeline_mode = #tpu.pipeline_mode<synchronous>, transform_indices = @transform_1, window_bounds = array<i64: 128, 128>}, {pipeline_mode = #tpu.pipeline_mode<synchronous>, transform_indices = @transform_2, window_bounds = array<i64: 128, 128>}, {pipeline_mode = #tpu.pipeline_mode<synchronous>, transform_indices = @transform_3, window_bounds = array<i64: 128, 128>}, {transform_indices = @transform_4, window_bounds = array<i64: 1024, 128>}, {transform_indices = @transform_5, window_bounds = array<i64: 1024, 128>}, {transform_indices = @transform_6, window_bounds = array<i64: 1024, 128>}]} {
    %get3A = arith.constant 0 : index
    %get3A_0 = arith.constant 0 : index
    %get3A_1 = vector.load %arg1[%get3A, %get3A_0] : memref<1024x128xf32, #tpu.memory_space<vmem>>, vector<1024x128xf32>
    %get3A_2 = arith.constant 0 : index
    %get3A_3 = arith.constant 0 : index
    %get3A_4 = vector.load %arg2[%get3A_2, %get3A_3] : memref<128x128xf32, #tpu.memory_space<vmem>>, vector<128x128xf32>
    %dot_general3A = arith.constant dense<0.000000e+00> : vector<1024x128xf32>
    %dot_general3A_5 = tpu.matmul %get3A_1, %get3A_4, %dot_general3A {dimension_numbers = #tpu.dot_dimension_numbers<[1], [0], [0], [1], [0, 0, 1, 1], [], []>, transpose_lhs_hint = false} : vector<1024x128xf32>, vector<128x128xf32>, vector<1024x128xf32> -> vector<1024x128xf32>
    %get3A_6 = arith.constant 0 : index
    %get3A_7 = arith.constant 0 : index
    %get3A_8 = vector.load %arg3[%get3A_6, %get3A_7] : memref<128x128xf32, #tpu.memory_space<vmem>>, vector<128x128xf32>
    %dot_general3A_9 = arith.constant dense<0.000000e+00> : vector<1024x128xf32>
    %dot_general3A_10 = tpu.matmul %get3A_1, %get3A_8, %dot_general3A_9 {dimension_numbers = #tpu.dot_dimension_numbers<[1], [0], [0], [1], [0, 0, 1, 1], [], []>, transpose_lhs_hint = false} : vector<1024x128xf32>, vector<128x128xf32>, vector<1024x128xf32> -> vector<1024x128xf32>
    %add3A = arith.addf %dot_general3A_5, %dot_general3A_10 : vector<1024x128xf32>
    %ge3A = arith.constant 0.000000e+00 : f32
    %ge3A_11 = vector.broadcast %ge3A : f32 to vector<1024x128xf32>
    %ge3A_12 = arith.cmpf oge, %add3A, %ge3A_11 : vector<1024x128xf32>
    %mul3A = arith.constant 2.000000e-01 : f32
    %mul3A_13 = vector.broadcast %mul3A : f32 to vector<1024x128xf32>
    %mul3A_14 = arith.mulf %mul3A_13, %add3A : vector<1024x128xf32>
    %select_n3A = arith.select %ge3A_12, %add3A, %mul3A_14 : vector<1024x128xi1>, vector<1024x128xf32>
    %get3A_15 = arith.constant 0 : index
    %get3A_16 = arith.constant 0 : index
    %get3A_17 = vector.load %arg4[%get3A_15, %get3A_16] : memref<128x128xf32, #tpu.memory_space<vmem>>, vector<128x128xf32>
    %dot_general3A_18 = arith.constant dense<0.000000e+00> : vector<1024x128xf32>
    %dot_general3A_19 = tpu.matmul %select_n3A, %get3A_17, %dot_general3A_18 {dimension_numbers = #tpu.dot_dimension_numbers<[1], [0], [0], [1], [0, 0, 1, 1], [], []>, transpose_lhs_hint = false} : vector<1024x128xf32>, vector<128x128xf32>, vector<1024x128xf32> -> vector<1024x128xf32>
    %exp3A = math.exp %dot_general3A_19 : vector<1024x128xf32>
    %iota3A = tpu.iota {dimensions = array<i32: 1>} : vector<1024x128xi32>
    %jit3A = arith.constant 16 : i32
    %eq3A = arith.constant 0 : i32
    %eq3A_20 = arith.cmpi eq, %jit3A, %eq3A : i32
    %jit3A_21 = arith.constant 1 : i32
    %select_n3A_22 = arith.select %eq3A_20, %jit3A_21, %jit3A : i32
    %rem3A = vector.broadcast %select_n3A_22 : i32 to vector<1024x128xi32>
    %rem3A_23 = arith.remsi %iota3A, %rem3A : vector<1024x128xi32>
    %ne3A = arith.constant 0 : i32
    %ne3A_24 = vector.broadcast %ne3A : i32 to vector<1024x128xi32>
    %ne3A_25 = arith.cmpi ne, %rem3A_23, %ne3A_24 : vector<1024x128xi32>
    %lt3A = arith.constant 0 : i32
    %lt3A_26 = vector.broadcast %lt3A : i32 to vector<1024x128xi32>
    %lt3A_27 = arith.cmpi slt, %rem3A_23, %lt3A_26 : vector<1024x128xi32>
    %lt3A_28 = arith.constant 0 : i32
    %lt3A_29 = arith.cmpi slt, %select_n3A_22, %lt3A_28 : i32
    %ne3A_30 = vector.broadcast %lt3A_29 : i1 to vector<1024x128xi1>
    %ne3A_31 = vector.broadcast %ne3A_30 : vector<1024x128xi1> to vector<1024x128xi1>
    %ne3A_32 = arith.xori %lt3A_27, %ne3A_31 : vector<1024x128xi1>
    %and3A = arith.andi %ne3A_32, %ne3A_25 : vector<1024x128xi1>
    %add3A_33 = vector.broadcast %select_n3A_22 : i32 to vector<1024x128xi32>
    %add3A_34 = arith.addi %rem3A_23, %add3A_33 : vector<1024x128xi32>
    %select_n3A_35 = arith.select %and3A, %add3A_34, %rem3A_23 : vector<1024x128xi1>, vector<1024x128xi32>
    %ge3A_36 = arith.constant 8 : i32
    %ge3A_37 = vector.broadcast %ge3A_36 : i32 to vector<1024x128xi32>
    %ge3A_38 = arith.cmpi sge, %select_n3A_35, %ge3A_37 : vector<1024x128xi32>
    %jit3A_39 = arith.constant 1.000000e+00 : f32
    %broadcast_in_dim3A = vector.broadcast %jit3A_39 : f32 to vector<1024x128xf32>
    %select_n3A_40 = arith.select %ge3A_38, %add3A, %broadcast_in_dim3A : vector<1024x128xi1>, vector<1024x128xf32>
    %swap3A = arith.constant 0 : index
    %swap3A_41 = arith.constant 0 : index
    %swap3A_42 = vector.load %arg5[%swap3A, %swap3A_41] : memref<1024x128xf32, #tpu.memory_space<vmem>>, vector<1024x128xf32>
    tpu.vector_store %arg5[%swap3A, %swap3A_41], %dot_general3A_5 {strides = array<i32>} : memref<1024x128xf32, #tpu.memory_space<vmem>>, vector<1024x128xf32>,
    %swap3A_43 = arith.constant 0 : index
    %swap3A_44 = arith.constant 0 : index
    %swap3A_45 = vector.load %arg6[%swap3A_43, %swap3A_44] : memref<1024x128xf32, #tpu.memory_space<vmem>>, vector<1024x128xf32>
    tpu.vector_store %arg6[%swap3A_43, %swap3A_44], %dot_general3A_10 {strides = array<i32>} : memref<1024x128xf32, #tpu.memory_space<vmem>>, vector<1024x128xf32>,
    %mul3A_46 = arith.constant 5.000000e-01 : f32
    %mul3A_47 = vector.broadcast %mul3A_46 : f32 to vector<1024x128xf32>
    %mul3A_48 = arith.mulf %mul3A_47, %exp3A : vector<1024x128xf32>
    %mul3A_49 = arith.mulf %mul3A_48, %select_n3A_40 : vector<1024x128xf32>
    %swap3A_50 = arith.constant 0 : index
    %swap3A_51 = arith.constant 0 : index
    %swap3A_52 = vector.load %arg7[%swap3A_50, %swap3A_51] : memref<1024x128xf32, #tpu.memory_space<vmem>>, vector<1024x128xf32>
    tpu.vector_store %arg7[%swap3A_50, %swap3A_51], %mul3A_49 {strides = array<i32>} : memref<1024x128xf32, #tpu.memory_space<vmem>>, vector<1024x128xf32>,
    return
  }
  func.func @transform_0(%arg0: i32) -> (i32, i32) {
    %c0_i32 = arith.constant 0 : i32
    %c0_i32_0 = arith.constant 0 : i32
    return %arg0, %c0_i32 : i32, i32
  }
  func.func @transform_1(%arg0: i32) -> (i32, i32) {
    %c0_i32 = arith.constant 0 : i32
    %c0_i32_0 = arith.constant 0 : i32
    %c0_i32_1 = arith.constant 0 : i32
    return %c0_i32, %c0_i32_0 : i32, i32
  }
  func.func @transform_2(%arg0: i32) -> (i32, i32) {
    %c0_i32 = arith.constant 0 : i32
    %c0_i32_0 = arith.constant 0 : i32
    %c0_i32_1 = arith.constant 0 : i32
    return %c0_i32, %c0_i32_0 : i32, i32
  }
  func.func @transform_3(%arg0: i32) -> (i32, i32) {
    %c0_i32 = arith.constant 0 : i32
    %c0_i32_0 = arith.constant 0 : i32
    %c0_i32_1 = arith.constant 0 : i32
    return %c0_i32, %c0_i32_0 : i32, i32
  }
  func.func @transform_4(%arg0: i32) -> (i32, i32) {
    %c0_i32 = arith.constant 0 : i32
    %c0_i32_0 = arith.constant 0 : i32
    return %arg0, %c0_i32 : i32, i32
  }
  func.func @transform_5(%arg0: i32) -> (i32, i32) {
    %c0_i32 = arith.constant 0 : i32
    %c0_i32_0 = arith.constant 0 : i32
    return %arg0, %c0_i32 : i32, i32
  }
  func.func @transform_6(%arg0: i32) -> (i32, i32) {
    %c0_i32 = arith.constant 0 : i32
    %c0_i32_0 = arith.constant 0 : i32
    return %arg0, %c0_i32 : i32, i32
  }
}

module attributes {stable_mosaic.version = 14 : i64} {
  func.func @body(%arg0: i32, %arg1: memref<2x1024x128xf32, #tpu.memory_space<vmem>>, %arg2: memref<1024x128xf32, #tpu.memory_space<vmem>>, %arg3: memref<128x128xf32, #tpu.memory_space<vmem>>, %arg4: memref<128x128xf32, #tpu.memory_space<vmem>>, %arg5: memref<1x128xf32, #tpu.memory_space<vmem>>, %arg6: memref<1x128xf32, #tpu.memory_space<vmem>>, %arg7: memref<1x128xf32, #tpu.memory_space<vmem>>, %arg8: memref<1024x128xf32, #tpu.memory_space<vmem>>) attributes {dimension_semantics = [#tpu.dimension_semantics<arbitrary>], iteration_bounds = array<i64: 13>, scalar_prefetch = 0 : i64, scratch_operands = 0 : i64, tpu.core_type = #tpu.core_type<tc>, window_params = [{transform_indices = @transform_0, window_bounds = array<i64: 2, 1024, 128>}, {transform_indices = @transform_1, window_bounds = array<i64: 1024, 128>}, {pipeline_mode = #tpu.pipeline_mode<synchronous>, transform_indices = @transform_2, window_bounds = array<i64: 128, 128>}, {pipeline_mode = #tpu.pipeline_mode<synchronous>, transform_indices = @transform_3, window_bounds = array<i64: 128, 128>}, {pipeline_mode = #tpu.pipeline_mode<synchronous>, transform_indices = @transform_4, window_bounds = array<i64: 1, 128>}, {pipeline_mode = #tpu.pipeline_mode<synchronous>, transform_indices = @transform_5, window_bounds = array<i64: 1, 128>}, {pipeline_mode = #tpu.pipeline_mode<synchronous>, transform_indices = @transform_6, window_bounds = array<i64: 1, 128>}, {transform_indices = @transform_7, window_bounds = array<i64: 1024, 128>}]} {
    %get3A = arith.constant 0 : index
    %get3A_0 = arith.constant 0 : index
    %get3A_1 = arith.constant 0 : index
    %get3A_2 = vector.load %arg1[%get3A, %get3A_0, %get3A_1] : memref<2x1024x128xf32, #tpu.memory_space<vmem>>, vector<1x1024x128xf32>
    %get3A_3 = vector.shape_cast %get3A_2 : vector<1x1024x128xf32> to vector<1024x128xf32>
    %get3A_4 = arith.constant 1 : index
    %get3A_5 = arith.constant 0 : index
    %get3A_6 = arith.constant 0 : index
    %get3A_7 = vector.load %arg1[%get3A_4, %get3A_5, %get3A_6] : memref<2x1024x128xf32, #tpu.memory_space<vmem>>, vector<1x1024x128xf32>
    %get3A_8 = vector.shape_cast %get3A_7 : vector<1x1024x128xf32> to vector<1024x128xf32>
    %add3A = arith.addf %get3A_3, %get3A_8 : vector<1024x128xf32>
    %get3A_9 = arith.constant 0 : index
    %get3A_10 = arith.constant 0 : index
    %get3A_11 = vector.load %arg3[%get3A_9, %get3A_10] : memref<128x128xf32, #tpu.memory_space<vmem>>, vector<128x128xf32>
    %dot_general3A = arith.constant dense<0.000000e+00> : vector<1024x128xf32>
    %dot_general3A_12 = tpu.matmul %add3A, %get3A_11, %dot_general3A {dimension_numbers = #tpu.dot_dimension_numbers<[1], [0], [0], [1], [0, 0, 1, 1], [], []>, transpose_lhs_hint = false} : vector<1024x128xf32>, vector<128x128xf32>, vector<1024x128xf32> -> vector<1024x128xf32>
    %add3A_13 = arith.constant 1.000000e-16 : f32
    %add3A_14 = vector.broadcast %add3A_13 : f32 to vector<1024x128xf32>
    %add3A_15 = arith.addf %dot_general3A_12, %add3A_14 : vector<1024x128xf32>
    %div3A = arith.divf %add3A, %add3A_15 : vector<1024x128xf32>
    %get3A_16 = arith.constant 0 : index
    %get3A_17 = arith.constant 0 : index
    %get3A_18 = vector.load %arg5[%get3A_16, %get3A_17] : memref<1x128xf32, #tpu.memory_space<vmem>>, vector<1x128xf32>
    %add3A_19 = vector.broadcast %get3A_18 : vector<1x128xf32> to vector<1024x128xf32>
    %add3A_20 = arith.addf %div3A, %add3A_19 : vector<1024x128xf32>
    %get3A_21 = arith.constant 0 : index
    %get3A_22 = arith.constant 0 : index
    %get3A_23 = vector.load %arg4[%get3A_21, %get3A_22] : memref<128x128xf32, #tpu.memory_space<vmem>>, vector<128x128xf32>
    %dot_general3A_24 = arith.constant dense<0.000000e+00> : vector<1024x128xf32>
    %dot_general3A_25 = tpu.matmul %add3A_20, %get3A_23, %dot_general3A_24 {dimension_numbers = #tpu.dot_dimension_numbers<[1], [0], [0], [1], [0, 0, 1, 1], [], []>, transpose_lhs_hint = false} : vector<1024x128xf32>, vector<128x128xf32>, vector<1024x128xf32> -> vector<1024x128xf32>
    %get3A_26 = arith.constant 0 : index
    %get3A_27 = arith.constant 0 : index
    %get3A_28 = vector.load %arg6[%get3A_26, %get3A_27] : memref<1x128xf32, #tpu.memory_space<vmem>>, vector<1x128xf32>
    %add3A_29 = vector.broadcast %get3A_28 : vector<1x128xf32> to vector<1024x128xf32>
    %add3A_30 = arith.addf %dot_general3A_25, %add3A_29 : vector<1024x128xf32>
    %max3A = arith.constant 0.000000e+00 : f32
    %max3A_31 = vector.broadcast %max3A : f32 to vector<1024x128xf32>
    %max3A_32 = arith.maximumf %add3A_30, %max3A_31 : vector<1024x128xf32>
    %get3A_33 = arith.constant 0 : index
    %get3A_34 = arith.constant 0 : index
    %get3A_35 = vector.load %arg7[%get3A_33, %get3A_34] : memref<1x128xf32, #tpu.memory_space<vmem>>, vector<1x128xf32>
    %add3A_36 = vector.broadcast %get3A_35 : vector<1x128xf32> to vector<1024x128xf32>
    %add3A_37 = arith.addf %max3A_32, %add3A_36 : vector<1024x128xf32>
    %get3A_38 = arith.constant 0 : index
    %get3A_39 = arith.constant 0 : index
    %get3A_40 = vector.load %arg2[%get3A_38, %get3A_39] : memref<1024x128xf32, #tpu.memory_space<vmem>>, vector<1024x128xf32>
    %div3A_41 = arith.divf %get3A_40, %add3A_37 : vector<1024x128xf32>
    %swap3A = arith.constant 0 : index
    %swap3A_42 = arith.constant 0 : index
    %swap3A_43 = vector.load %arg8[%swap3A, %swap3A_42] : memref<1024x128xf32, #tpu.memory_space<vmem>>, vector<1024x128xf32>
    tpu.vector_store %arg8[%swap3A, %swap3A_42], %div3A_41 {strides = array<i32>} : memref<1024x128xf32, #tpu.memory_space<vmem>>, vector<1024x128xf32>,
    return
  }
  func.func @transform_0(%arg0: i32) -> (i32, i32, i32) {
    %c0_i32 = arith.constant 0 : i32
    %c0_i32_0 = arith.constant 0 : i32
    %c0_i32_1 = arith.constant 0 : i32
    return %c0_i32, %arg0, %c0_i32_0 : i32, i32, i32
  }
  func.func @transform_1(%arg0: i32) -> (i32, i32) {
    %c0_i32 = arith.constant 0 : i32
    %c0_i32_0 = arith.constant 0 : i32
    return %arg0, %c0_i32 : i32, i32
  }
  func.func @transform_2(%arg0: i32) -> (i32, i32) {
    %c0_i32 = arith.constant 0 : i32
    %c0_i32_0 = arith.constant 0 : i32
    %c0_i32_1 = arith.constant 0 : i32
    return %c0_i32, %c0_i32_0 : i32, i32
  }
  func.func @transform_3(%arg0: i32) -> (i32, i32) {
    %c0_i32 = arith.constant 0 : i32
    %c0_i32_0 = arith.constant 0 : i32
    %c0_i32_1 = arith.constant 0 : i32
    return %c0_i32, %c0_i32_0 : i32, i32
  }
  func.func @transform_4(%arg0: i32) -> (i32, i32) {
    %c0_i32 = arith.constant 0 : i32
    %c0_i32_0 = arith.constant 0 : i32
    %c0_i32_1 = arith.constant 0 : i32
    return %c0_i32, %c0_i32_0 : i32, i32
  }
  func.func @transform_5(%arg0: i32) -> (i32, i32) {
    %c0_i32 = arith.constant 0 : i32
    %c0_i32_0 = arith.constant 0 : i32
    %c0_i32_1 = arith.constant 0 : i32
    return %c0_i32, %c0_i32_0 : i32, i32
  }
  func.func @transform_6(%arg0: i32) -> (i32, i32) {
    %c0_i32 = arith.constant 0 : i32
    %c0_i32_0 = arith.constant 0 : i32
    %c0_i32_1 = arith.constant 0 : i32
    return %c0_i32, %c0_i32_0 : i32, i32
  }
  func.func @transform_7(%arg0: i32) -> (i32, i32) {
    %c0_i32 = arith.constant 0 : i32
    %c0_i32_0 = arith.constant 0 : i32
    return %arg0, %c0_i32 : i32, i32
  }
}

</mosaic_0001>

<sc_bundles>
// kernel: kernel.5.cloned.1.call-start
scs
__scs_entry_jumppad:
0x0: {  	(pc) =	sbr.rel $0x88, $3  }
0x1: {  	(tag) =	ssettag $0x0;
	lr =	simm.s32 $0x1  }
0x2: {  	[smem:$0x3F98] =	sst lr;
	_ =	strace $0xD0000000  }
0x3: {  	_ = 	snop  }
0x4: {  	_ = 	snop  }
0x5: {  	_ = 	snop  }
0x6: {  	_ = 	snop  }
0x7: {  	_ = 	snop  }
__scs_overlays_trampoline_lowered:
0x8: {  	[smem:$0x3FA7] =	sst s0  }
0x9: {  	[smem:$0x3FA8] =	sst s1  }
0xa: {  	[smem:$0x3FA9] =	sst s2  }
0xb: {  	[smem:$0x3FAA] =	sst s3  }
0xc: {  	[smem:$0x3FAB] =	sst s4  }
0xd: {  	[smem:$0x3FAC] =	sst s5  }
0xe: {  	[smem:$0x3FAD] =	sst s6  }
0xf: {  	[smem:$0x3FAE] =	sst s7  }
0x10: {  	[smem:$0x3FAF] =	sst s8  }
0x11: {  	[smem:$0x3FB0] =	sst s9;
	s0 =	simm.s32 @!p0 $0x0  }
0x12: {  	s1 =	sld [smem:$0x3F96];
	s0 =	simm.s32 @p0 $0x1  }
0x13: {  	[smem:$0x3FB1] =	sst s0;
	s0 =	simm.s32 @!p1 $0x0  }
0x14: {  	s2 =	sld [smem:$0x3F95];
	s0 =	simm.s32 @p1 $0x1  }
0x15: {  	[smem:$0x3FB2] =	sst s0;
	s0 =	simm.s32 @!p2 $0x0  }
0x16: {  	s3 =	sld [smem:$0x3FDB];
	s0 =	simm.s32 @p2 $0x1  }
0x17: {  	s4 =	simm.s32 $0x1BF5;
	[smem:$0x3FB4] =	sst s0  }
0x18: {  	s0 =	sld [smem:$0x3F97];
	_ =	swait.ge [sflag:s4], $0x0  }
0x19: {  	s7 =	sld [smem:$0x3F98]  }
0x1a: {  	s8 =	sadd.s32 $0xFFFFE003, lr  }
0x1b: {  	s9 =	sadd.s32 $0xFFFFFEF7, lr;
	s5 =	simm.s32 $0xFFFFFFFF;
	p2 =	slt.u32 s8, $0xFFFFF086  }
0x1c: {  	p1 =	slt.u32 s9, $0xF7A;
	s5 =	simm.s32 @!p2 $0x0  }
0x1d: {  	s5 =	simm.s32 @p1 $0x1;
	p0 =	seq.s32 s7, s2  }
0x1e: {  	s7 =	smul.u32 @!p0 $0xF7A, s2;
	p2 =	seq.s32 @!p0 s5, $0x0  }
0x1f: {  	s9 =	smul.u32 $0xF7A, s1;
	s8 =	simm.s32 @!p0 $0x1BF5;
	p2 =	por !p2, p0  }
0x20: {  	[sflag:s8] =	ssyncset.s32 @!p0 $0xFFFFF086;
	s6 =	sadd.s32 @!p0 s3, s7;
	s7 =	simm.s32 @!p0 $0x108  }
0x21: {  	s3 =	sadd.s32 s3, s9;
	s6 =	sadd.s32 @!p0 $0x88, s6;
	s7 =	simm.s32 @p2 $0x1082  }
0x22: {  	[simem:s7], [sflag:s8] =	dma.local @!p0 [hbm:s6], $0xF7A  }
0x23: {  	s9 =	sor.u32 $0xD0000000, s2;
	s6 =	simm.s32 $0x108;
	_ =	swait.ge @!p0 [sflag:s8], $0x0  }
0x24: {  	s3 =	sadd.s32 $0x88, s3;
	s6 =	simm.s32 @!p1 $0x1082;
	[sflag:s4] =	ssyncset.s32 $0xFFFFF086  }
0x25: {  	[simem:s6], [sflag:s4] =	dma.local [hbm:s3], $0xF7A  }
0x26: {  	[smem:$0x3F98] =	sst s1;
	(tag) =	ssettag s2;
	_ =	strace s9  }
0x27: {  	s1 =	sld [smem:$0x3FA8]  }
0x28: {  	s2 =	sld [smem:$0x3FA9]  }
0x29: {  	s4 =	sld [smem:$0x3FAB]  }
0x2a: {  	p0 =	seq.s32 s5, $0x0;
	s5 =	sld [smem:$0x3FAC]  }
0x2b: {  	s6 =	sld [smem:$0x3FAD]  }
0x2c: {  	s7 =	sld [smem:$0x3FAE]  }
0x2d: {  	s3 =	simm.s32 $0x108;
	s8 =	sld [smem:$0x3FAF]  }
0x2e: {  	s3 =	simm.s32 @!p0 $0x1082;
	s9 =	sld [smem:$0x3FB0]  }
0x2f: {  	lr =	sadd.s32 s0, s3;
	s0 =	sld [smem:$0x3FA7]  }
0x30: {  	s3 =	sld [smem:$0x3FAA]  }
0x31: {  	[smem:$0x3FB3] =	sst s10  }
0x32: {  	s10 =	sld [smem:$0x3FB1];
	_ =	sdelay $0x3  }
0x33: {  	p0 =	seq.s32 s10, $0x1;
	s10 =	sld [smem:$0x3FB3];
	_ =	sdelay $0x3  }
0x34: {  	[smem:$0x3FB3] =	sst s10  }
0x35: {  	s10 =	sld [smem:$0x3FB2];
	_ =	sdelay $0x3  }
0x36: {  	p1 =	seq.s32 s10, $0x1;
	s10 =	sld [smem:$0x3FB3];
	_ =	sdelay $0x3  }
0x37: {  	[smem:$0x3FB3] =	sst s10  }
0x38: {  	s10 =	sld [smem:$0x3FB4]  }
0x39: {  	_ = 	snop;
	(pc) =	sbr.ind lr, $3  }
0x3a: {  	_ = 	snop  }
0x3b: {  	_ = 	snop  }
0x3c: {  	p2 =	seq.s32 s10, $0x1;
	s10 =	sld [smem:$0x3FB3]  }
0x3d: {  	_ =	shalt  }
0x3e: {  	_ =	shalt  }
0x3f: {  	_ =	shalt  }
0x40: {  	_ =	shalt  }
0x41: {  	_ =	shalt  }
0x42: {  	_ =	shalt  }
0x43: {  	_ =	shalt  }
0x44: {  	_ =	shalt  }
0x45: {  	_ =	shalt  }
0x46: {  	_ =	shalt  }
0x47: {  	_ =	shalt  }
0x48: {  	_ =	shalt  }
0x49: {  	_ =	shalt  }
0x4a: {  	_ =	shalt  }
0x4b: {  	_ =	shalt  }
0x4c: {  	_ =	shalt  }
0x4d: {  	_ =	shalt  }
0x4e: {  	_ =	shalt  }
0x4f: {  	_ =	shalt  }
0x50: {  	_ =	shalt  }
0x51: {  	_ =	shalt  }
0x52: {  	_ =	shalt  }
0x53: {  	_ =	shalt  }
0x54: {  	_ =	shalt  }
0x55: {  	_ =	shalt  }
0x56: {  	_ =	shalt  }
0x57: {  	_ =	shalt  }
0x58: {  	_ =	shalt  }
0x59: {  	_ =	shalt  }
0x5a: {  	_ =	shalt  }
0x5b: {  	_ =	shalt  }
0x5c: {  	_ =	shalt  }
0x5d: {  	_ =	shalt  }
0x5e: {  	_ =	shalt  }
0x5f: {  	_ =	shalt  }
0x60: {  	_ =	shalt  }
0x61: {  	_ =	shalt  }
0x62: {  	_ =	shalt  }
0x63: {  	_ =	shalt  }
0x64: {  	_ =	shalt  }
0x65: {  	_ =	shalt  }
0x66: {  	_ =	shalt  }
0x67: {  	_ =	shalt  }
0x68: {  	_ =	shalt  }
0x69: {  	_ =	shalt  }
0x6a: {  	_ =	shalt  }
0x6b: {  	_ =	shalt  }
0x6c: {  	_ =	shalt  }
0x6d: {  	_ =	shalt  }
0x6e: {  	_ =	shalt  }
0x6f: {  	_ =	shalt  }
0x70: {  	_ =	shalt  }
0x71: {  	_ =	shalt  }
0x72: {  	_ =	shalt  }
0x73: {  	_ =	shalt  }
0x74: {  	_ =	shalt  }
0x75: {  	_ =	shalt  }
0x76: {  	_ =	shalt  }
0x77: {  	_ =	shalt  }
0x78: {  	_ =	shalt  }
0x79: {  	_ =	shalt  }
0x7a: {  	_ =	shalt  }
0x7b: {  	_ =	shalt  }
0x7c: {  	_ =	shalt  }
0x7d: {  	_ =	shalt  }
0x7e: {  	_ =	shalt  }
0x7f: {  	_ =	shalt  }
0x80: {  	_ =	shalt  }
0x81: {  	_ =	shalt  }
0x82: {  	_ =	shalt  }
0x83: {  	_ =	shalt  }
0x84: {  	_ =	shalt  }
0x85: {  	_ =	shalt  }
0x86: {  	_ =	shalt  }
0x87: {  	_ =	shalt  }
.Lfunc_end0:
.L_simem_size_0:
called_computation_lowered:
.L_overlay_start_0:
0x88: {  	s2 =	sld [smem:$0x3FD9]  }
0x89: {  	s3 =	sld [smem:$0x3FFE];
	_ =	sdelay $0x1  }
0x8a: {  	s1 =	srdreg.scid  }
0x8b: {  	s0 =	sand.u32 $0x1, s1  }
0x8c: {  	s16 =	sshll.u32 s0, $0xA;
	s2 =	sadd.s32 s3, s2  }
0x8d: {  	s2 =	sadd.s32 s2, s16  }
0x8e: {  	[smem:$0x3FBF] =	sst s2  }
0x8f: {  	_ = 	snop  }
0x90: {  	(tm) =	ssettm $0x1  }
0x91: {  	s17 =	sld [smem:$0x3FFB];
	_ =	sdelay $0x3  }
0x92: {  	_ =	strace s17  }
0x93: {  	s2 =	sld [smem:$0x3FFC];
	_ =	sdelay $0x3  }
0x94: {  	_ =	strace s2  }
0x95: {  	s2 =	sld [smem:$0x3FFD];
	_ =	sdelay $0x3  }
0x96: {  	_ =	strace s2  }
0x97: {  	_ =	strace $0x8FFFFFFF  }
0x98: {  	s18 =	sld [smem:$0x3FDB];
	_ =	sdelay $0x1  }
0x99: {  	s19 =	simm.s32 $_scs_section_size  }
0x9a: {  	s4 =	simm.s32 $_size__tile_overlayer_lowered;
	s5 =	simm.s32 $_tile_overlayer_lowered  }
0x9b: {  	s22 =	simm.s32 $0x1BFF;
	s21 =	sshll.u32 s5, $0x1;
	s2 =	sadd.s32 s19, s18  }
0x9c: {  	s6 =	simm.s32 $0x0;
	s20 =	sshll.u32 s4, $0x1;
	s4 =	sadd.s32 s21, s2  }
0x9d: {  	[timem:s6], [sflag:s22] =	dma.local [hbm:s4], s20  }
0x9e: {  	_ =	swait.ge [sflag:s22], s20  }
0x9f: {  	s3 =	ssub.s32 $0x0, s20;
	[sflag:s22] =	ssyncset.done $0x0  }
0xa0: {  	[sflag:s22] =	ssyncadd.s32 s3;
	_ =	sdelay $0x1  }
0xa1: {  	s23 =	simm.s32 $0x1B8B  }
0xa2: {  	_ =	swait.ge [sflag:s23], $0x1  }
0xa3: {  	[sflag:s23] =	ssyncset.done $0x0  }
0xa4: {  	s25 =	simm.s32 $0x1B8E;
	s24 =	sld [smem:$0x3FFE];
	[sflag:s23] =	ssyncadd.s32 $0xFFFFFFFF  }
0xa5: {  	s26 =	simm.s32 $execute0_lowered;
	[smem:$0x3FD2] =	sst s25  }
0xa6: {  	s4 =	sshll.u32 s26, $0x1;
	_ =	strace $0x80000046;
	[dreg:$0x1] =	wrdreg $0xFFFFFFFF  }
0xa7: {  	s28 =	simm.s32 $_size_execute0_lowered;
	s2 =	sadd.s32 s2, s4;
	[dreg:$0x0] =	wrdreg $0x0  }
0xa8: {  	s4 =	sshll.u32 s28, $0x1;
	[dreg:$0x2] =	wrdreg s2  }
0xa9: {  	[dreg:$0x3] =	wrdreg s4  }
0xaa: {  	[dreg:$0x4] =	wrdreg $0xC0  }
0xab: {  	_ =	task [dreg:s6], $0x5FFFF  }
0xac: {  	[dreg:$0x1] =	wrdreg $0xFFFFFFFF  }
0xad: {  	[dreg:$0x0] =	wrdreg $0x60  }
0xae: {  	[dreg:$0x2] =	wrdreg s24  }
0xaf: {  	[dreg:$0x3] =	wrdreg $0x0  }
0xb0: {  	[dreg:$0x4] =	wrdreg $0x9  }
0xb1: {  	_ =	task.clear_ibuf [dreg:s6], $0x5FFFF;
	_ =	strace $0x90000046  }
0xb2: {  	s29 =	simm.s32 $0x9;
	_ =	strace $0x80000048  }
0xb3: {  	_ =	swait.ge [sflag:s29], $0x1  }
0xb4: {  	[sflag:s29] =	ssyncadd.s32 $0xFFFFFFFF  }
0xb5: {  	_ =	strace $0x90000048  }
0xb6: {  	_ =	sfence  }
0xb7: {  	s30 =	sld [smem:$0x0];
	_ =	sdelay $0x2  }
0xb8: {  	s31 =	sshll.u32 s1, $0xD;
	s1 =	sshrl.u32 s1, $0x2  }
0xb9: {  	s3 =	sand.u32 $0x4000, s31;
	s1 =	sadd.s32 s1, s30  }
0xba: {  	s0 =	sor.u32 s3, s0;
	s1 =	sshll.u32 s1, $0x11  }
0xbb: {  	s0 =	sor.u32 s1, s0  }
0xbc: {  	s0 =	sadd.s32 $0x8F2B, s0  }
0xbd: {  	[sflag:s0] =	ssyncadd.remote.s32 $0x1  }
0xbe: {  	_ =	sfence.sel $0xFFFF  }
0xbf: {  	[dreg:$0x0] =	wrdreg $0xFFFFFFFF;
	(pc) =	sbr.abs _section_cstart, $3  }
0xc0: {  	[dreg:$0x1] =	wrdreg $0xFFFFFFFF  }
0xc1: {  	_ =	task.clear_ibuf [dreg:s6], $0x2FFFF;
	_ =	strace $0x9FFFFFFF  }
0xc2: {  	(tm) =	ssettm $0x7FFFFFFF  }
0xc3: {  	_ =	shalt  }
tec
execute0_lowered:
.L_overlay_start_1:
0x0: {  	(tag) =	ssettag $0x1  }
0x1: {  	s0 =	rddreg [dreg:$0x0]  }
0x2: {  	s2 =	rddreg [dreg:$0x1]  }
0x3: {  	s18 =	simm.s32 $0x0;
	s12 =	stileid.u32;
	s3 =	srdreg.scid  }
0x4: {  	s29 =	simm.s32 $0x100;
	[smem:$0x7FF] =	sst s18;
	s1 =	smul.u32 $0x186A0, s12  }
0x5: {  	s4 =	sadd.s32 $0xC6C00, s0;
	s5 =	sadd.s32 $0xF7A00, s0;
	s3 =	sand.u32 $0x1, s3  }
0x6: {  	s6 =	sadd.s32 $0x3600, s0;
	_ =	strace $0x80000047;
	s7 =	smul.u32 $0x30D40, s3  }
0x7: {  	s10 =	ssub.s32 $0x2, s3;
	s3 =	sshll.u32 s3, $0x4;
	s8 =	sshrl.u32 s1, $0x3  }
0x8: {  	s1 =	sadd.s32 s1, s2;
	s9 =	sadd.s32 s8, s0;
	s0 =	sadd.s32 s7, s0  }
0x9: {  	s7 =	sor.u32 s12, s3;
	[dreg:$0x4] =	wrdreg s1;
	s9 =	sadd.s32 $0x128800, s9  }
0xa: {  	s30 =	simm.s32 $0x30D400;
	s13 =	sor.u32 $0x80, s7;
	[dreg:$0x5] =	wrdreg s9  }
0xb: {  	s31 =	simm.s32 $0x186A0;
	s14 =	sor.u32 $0xA0, s7;
	[dreg:$0xa] =	wrdreg s13  }
0xc: {  	s28 =	simm.s32 $0x18BA0;
	s15 =	sor.u32 $0xC0, s7;
	[dreg:$0xb] =	wrdreg s14  }
0xd: {  	s11 =	sshrl.u32 s10, $0x1;
	s16 =	sor.u32 $0xE0, s7;
	[dreg:$0xc] =	wrdreg s15  }
0xe: {  	s10 =	ssub.s32 s10, s11;
	s17 =	sor.u32 $0x100, s7;
	[dreg:$0xd] =	wrdreg s16  }
0xf: {  	s11 =	sshll.u32 s12, $0x6;
	s20 =	sor.u32 $0x120, s7;
	[dreg:$0xe] =	wrdreg s17  }
0x10: {  	s3 =	sshll.u32 s7, $0x5;
	s21 =	sor.u32 $0x140, s7;
	[dreg:$0xf] =	wrdreg s20  }
0x11: {  	s19 =	sor.u32 $0x1C06, s11;
	s22 =	sor.u32 $0x160, s7;
	[dreg:$0x10] =	wrdreg s21  }
0x12: {  	s23 =	sor.u32 $0x180, s7;
	s0 =	sadd.s32 $0x159600, s0;
	[dreg:$0x11] =	wrdreg s22  }
0x13: {  	s24 =	sor.u32 $0x1A0, s7;
	s25 =	smax.u32 s10, $0x1;
	[dreg:$0x12] =	wrdreg s23  }
0x14: {  	s26 =	sor.u32 $0x1C0, s7;
	s11 =	simm.s32 $0x1;
	[dreg:$0x14] =	wrdreg s24  }
0x15: {  	s10 =	simm.s32 $0x1AEA0;
	s12 =	sadd.s32 s6, s3;
	[dreg:$0x15] =	wrdreg s25  }
0x16: {  	s0 =	sadd.s32 s8, s0;
	[dreg:$0x16] =	wrdreg s26;
	s21 =	simm.s32 $0x6  }
0x17: {  	s8 =	simm.s32 $0x187A0;
	s9 =	simm.s32 $0x1BEA0;
	s13 =	simm.s32 $0x189A0  }
0x18: {  	s23 =	simm.s32 $0x1CEA0;
	s25 =	simm.s32 $0x18DA0;
	s14 =	simm.s32 $0x1EEA0  }
.Ltmp0:
0x19: {  	s15 =	simm.s32 $0x3;
	[dreg:$0x6] =	wrdreg s19;
	(pc) =	sbr.rel .LBB2_1-.Ltmp0, $4  }
0x1a: {  	s16 =	simm.s32 $0x5;
	s17 =	simm.s32 $0x4;
	[dreg:$0x7] =	wrdreg s12  }
0x1b: {  	s3 =	sadd.s32 $0x400, s12;
	s1 =	sadd.s32 $0x800, s12;
	[dreg:$0x13] =	wrdreg s0  }
0x1c: {  	v0 =	vlaneseq.u32;
	s0 =	simm.s32 $0x188A0;
	s12 =	simm.s32 $0x18CA0;
	[dreg:$0x8] =	wrdreg s3  }
0x1d: {  	vm0 =	vmmov $0xff;
	v0 =	vand.u32 $0x7, v0;
	[dreg:$0x9] =	wrdreg s1;
	s3 =	simm.s32 $0x1DEA0;
	s1 =	simm.s32 $0x2  }
.LBB2_39:
0x1e: {  	[bflag:$0x0] =	sbarrier.arrive $0xFFFF  }
0x1f: {  	s19 =	rddreg [dreg:$0x6]  }
0x20: {  	s18 =	rddreg [dreg:$0x13]  }
0x21: {  	s21 =	simm.s32 $0x6;
	s20 =	rddreg [dreg:$0x17]  }
0x22: {  	[hbm:s18], [sflag:s19] =	dma.local [spmem:s20], $0x30D4  }
0x23: {  	_ =	swait.ge [sflag:s21], $0x30D4  }
0x24: {  	s24 =	rddreg [dreg:$0x3]  }
0x25: {  	s26 =	rddreg [dreg:$0x15];
	s18 =	sadd.s32 $0x1, s24  }
0x26: {  	p0 =	sne.s32 s18, s26  }
.Ltmp1:
0x27: {  	_ = 	snop;
	(pc) =	sbr.rel @!p0 .LBB2_40-.Ltmp1, $3  }
0x28: {  	_ =	sdelay $0x1  }
0x29: {  	[sflag:s21] =	ssyncset.done $0x0  }
0x2a: {  	[sflag:s21] =	ssyncadd.s32 $0xFFFFCF2C  }
.LBB2_1:
0x2b: {  	[dreg:$0x3] =	wrdreg s18  }
0x2c: {  	s24 =	rddreg [dreg:$0x4]  }
0x2d: {  	s26 =	rddreg [dreg:$0x5];
	s20 =	sshrl.u32 s24, $0x3  }
0x2e: {  	[dreg:$0x17] =	wrdreg s20  }
0x2f: {  	[spmem:s20], [sflag:s19] =	dma.local [hbm:s26], $0x30D4  }
0x30: {  	_ =	swait.ge [sflag:s21], $0x30D4  }
0x31: {  	[sflag:s21] =	ssyncset.done $0x0  }
0x32: {  	[sflag:s21] =	ssyncadd.s32 $0xFFFFCF2C  }
0x33: {  	[bflag:$0x0] =	sbarrier.arrive $0xFFFF  }
0x34: {  	s19 =	rddreg [dreg:$0x7]  }
0x35: {  	[tilespmem:s31], [sflag:$0x6] =	stream.strided.gather [hbm4b:s19+s29], $0x200, s30, s29, $0x38;
	[tilespmem:$0x1FEA0] =	vst v63  }
0x36: {  	_ =	swait.ge [sflag:s21], $0x200  }
0x37: {  	[sflag:s21] =	ssyncset.done $0x0  }
0x38: {  	s20 =	rddreg [dreg:$0x8];
	[sflag:s21] =	ssyncadd.s32 $0xFFFFFE00  }
0x39: {  	[tilespmem:s0], [sflag:$0x6] =	stream.strided.gather [hbm4b:s20+s29], $0x200, s30, s29, $0x38;
	[tilespmem:$0x1FEA0] =	vst v63  }
0x3a: {  	_ =	swait.ge [sflag:s21], $0x200  }
0x3b: {  	[sflag:s21] =	ssyncset.done $0x0  }
0x3c: {  	[sflag:s21] =	ssyncadd.s32 $0xFFFFFE00;
	s21 =	simm.s32 $0x18EA0  }
0x3d: {  	[tilespmem:s21], [sflag:$0x2] =	stream.indirect.gather [hbm4b:s4+s29], $0x10, s31, s29, $0xb8;
	[tilespmem:$0x1FEA0] =	vst v63  }
0x3e: {  	_ = 	snop  }
0x3f: {  	[tilespmem:s9], [sflag:$0x2] =	stream.indirect.gather [hbm4b:s5+s29], $0x10, s8, s29, $0xb8;
	[tilespmem:$0x1FEA0] =	vst v63  }
0x40: {  	s22 =	simm.s32 $0x19EA0  }
0x41: {  	[tilespmem:s22], [sflag:$0x3] =	stream.indirect.gather [hbm4b:s4+s29], $0x10, s0, s29, $0xb8;
	[tilespmem:$0x1FEA0] =	vst v63  }
.Ltmp2:
0x42: {  	_ = 	snop;
	(pc) =	sbr.rel .LBB2_2-.Ltmp2, $4  }
0x43: {  	_ = 	snop  }
0x44: {  	[tilespmem:s23], [sflag:$0x3] =	stream.indirect.gather [hbm4b:s5+s29], $0x10, s13, s29, $0xb8;
	[tilespmem:$0x1FEA0] =	vst v63  }
0x45: {  	s18 =	simm.s32 $0x0;
	s26 =	simm.s32 $0x18AA0;
	s24 =	rddreg [dreg:$0x9]  }
0x46: {  	[tilespmem:s26], [sflag:$0x1] =	stream.strided.gather [hbm4b:s24+s29], $0x200, s30, s29, $0x38;
	[tilespmem:$0x1FEA0] =	vst v63  }
.LBB2_38:
0x47: {  	s20 =	simm.s32 @!p2 $0x5  }
0x48: {  	s21 =	simm.s32 @!p3 $0x18DA0;
	_ =	swait.ge @!p2 [sflag:s20], $0x1000  }
0x49: {  	s22 =	simm.s32 @!p3 $0x1EEA0;
	[sflag:s20] =	ssyncset.done @!p2 $0x0;
	s26 =	rddreg [dreg:$0x16]  }
0x4a: {  	[sflag:s20] =	ssyncadd.s32 @!p2 $0xFFFFF000;
	s20 =	simm.s32 @!p3 $0x100;
	s19 =	sadd.s32 s26, s19  }
0x4b: {  	[spmem:s2] =	stream.indirect.scatter.add.f32 @!p3 [tilespmem:s22], [sflag:$0x5], $0x10, s21, s20, $0xb8;
	[tilespmem:$0x1FEA0] =	vst v63  }
0x4c: {  	p0 =	sgt.u32 s19, $0x30D3  }
0x4d: {  	s18 =	sadd.s32 $0x1, s18;
	s19 =	sshll.u32 @!p0 s19, $0x5;
	s20 =	simm.s32 @!p0 $0x100  }
0x4e: {  	s21 =	simm.s32 @!p0 $0x30D400;
	s22 =	simm.s32 @!p0 $0x18AA0;
	s19 =	sadd.s32 @!p0 s6, s19  }
0x4f: {  	[tilespmem:s22], [sflag:$0x1] =	stream.strided.gather @!p0 [hbm4b:s19+s20], $0x200, s21, s20, $0x38;
	[tilespmem:$0x1FEA0] =	vst v63  }
0x50: {  	p0 =	sne.s32 s18, $0x21  }
.Ltmp3:
0x51: {  	_ = 	snop;
	(pc) =	sbr.rel @!p0 .LBB2_39-.Ltmp3, $1  }
0x52: {  	_ =	sdelay $0x3  }
.LBB2_2:
0x53: {  	_ =	swait.ge [sflag:s11], $0x200  }
0x54: {  	[sflag:s11] =	ssyncset.done $0x0  }
0x55: {  	s19 =	simm.s32 $0x18AA0;
	[sflag:s11] =	ssyncadd.s32 $0xFFFFFE00  }
0x56: {  	[tilespmem:s10], [sflag:$0x4] =	stream.indirect.gather [hbm4b:s4+s29], $0x10, s19, s29, $0xb8;
	[tilespmem:$0x1FEA0] =	vst v63  }
0x57: {  	_ = 	snop  }
0x58: {  	[tilespmem:s3], [sflag:$0x4] =	stream.indirect.gather [hbm4b:s5+s29], $0x10, s28, s29, $0xb8;
	[tilespmem:$0x1FEA0] =	vst v63  }
0x59: {  	_ =	swait.ge [sflag:s1], $0x1000  }
0x5a: {  	[sflag:s1] =	ssyncset.done $0x0  }
0x5b: {  	[sflag:s1] =	ssyncadd.s32 $0xFFFFF000  }
0x5c: {  	_ =	swait.ge [sflag:s1], $0x1000  }
0x5d: {  	[sflag:s1] =	ssyncset.done $0x0  }
0x5e: {  	s26 =	simm.s32 $0x18EE0;
	[sflag:s1] =	ssyncadd.s32 $0xFFFFF000  }
0x5f: {  	s20 =	simm.s32 $0x1BEE0;
	v4 =	vld [tilespmem:s26+$0xFFFFFFC0]  }
0x60: {  	v2 =	vld [tilespmem:s20+$0xFFFFFFE0]  }
0x61: {  	v5 =	vld [tilespmem:s26+$0x30]  }
0x62: {  	v3 =	vld [tilespmem:s20+$0xFFFFFFF0]  }
0x63: {  	v6 =	vld [tilespmem:s20+$0x30]  }
0x64: {  	v7 =	vld [tilespmem:s20+$0x20]  }
0x65: {  	v8 =	vld [tilespmem:s20+$0xFFFFFFD0]  }
0x66: {  	v9 =	vld [tilespmem:s20+$0x10]  }
0x67: {  	v12 =	vld [tilespmem:s26+$0x20]  }
0x68: {  	v1 =	vld [tilespmem:s26+$0xFFFFFFE0]  }
0x69: {  	v13 =	vld [tilespmem:s26+$0xFFFFFFF0]  }
0x6a: {  	v10 =	vld [tilespmem:s20+$0xFFFFFFC0]  }
0x6b: {  	v14 =	vld [tilespmem:s26+$0xFFFFFFD0]  }
0x6c: {  	v15 =	vld [tilespmem:s26+$0x10]  }
0x6d: {  	v11 =	vld [tilespmem:s20+$0x0]  }
0x6e: {  	v18 =	vld [tilespmem:s26+$0x0]  }
0x6f: {  	v6 =	vadd.f32 v6, v5  }
0x70: {  	v2 =	vadd.f32 v2, v1;
	v17 =	vadd.f32 v3, v13  }
0x71: {  	v7 =	vadd.f32 v7, v12;
	v10 =	vadd.f32 v10, v4  }
0x72: {  	v8 =	vadd.f32 v8, v14;
	v9 =	vadd.f32 v9, v15  }
0x73: {  	v11 =	vadd.f32 v11, v18;
	vm1 =	vge.f32 v6, $0.0e+00;
	v16 =	vmul.f32 $2.000000030e-01, v6  }
0x74: {  	v3 =	vmul.f32 $2.000000030e-01, v2;
	v19 =	vmul.f32 $2.000000030e-01, v17;
	vm2 =	vge.f32 v2, $0.0e+00  }
0x75: {  	vm3 =	vge.f32 v17, $0.0e+00;
	v20 =	vmul.f32 $2.000000030e-01, v8;
	vm4 =	vge.f32 v9, $0.0e+00  }
0x76: {  	v2 =	vsel vm2, v2, v3;
	v16 =	vsel vm1, v6, v16;
	v6 =	vmul.f32 $2.000000030e-01, v10  }
0x77: {  	vm1 =	vge.f32 v10, $0.0e+00;
	v21 =	vperm.xlane v2, v0;
	v2 =	vmul.f32 $2.000000030e-01, v9  }
0x78: {  	s21 =	simm.s32 $0x1BF60;
	v22 =	vmul.f32 $2.000000030e-01, v7;
	vm2 =	vge.f32 v8, $0.0e+00;
	v6 =	vsel vm1, v10, v6  }
0x79: {  	v24 =	vld [tilespmem:s21+$0xFFFFFFF0];
	vm1 =	vge.f32 v7, $0.0e+00;
	v10 =	vmul.f32 $2.000000030e-01, v11;
	v9 =	vsel vm4, v9, v2  }
0x7a: {  	v25 =	vld [tilespmem:s21+$0xFFFFFFD0];
	v6 =	vperm.xlane v6, v0;
	v7 =	vsel vm1, v7, v22;
	vm1 =	vge.f32 v11, $0.0e+00  }
0x7b: {  	s24 =	simm.s32 $0x18F60;
	v28 =	vld [tilespmem:s21+$0x10];
	v23 =	vperm.xlane v9, v0;
	v7 =	vperm.xlane v7, v0;
	v9 =	vsel vm1, v11, v10  }
0x7c: {  	v3 =	vld [tilespmem:s24+$0xFFFFFFC0];
	v10 =	vsel vm3, v17, v19;
	v19 =	vmul.f32 $1.442695020e+00, v6;
	v11 =	vperm.xlane v9, v0  }
0x7d: {  	v8 =	vsel vm2, v8, v20;
	v20 =	vld [tilespmem:s21+$0xFFFFFFE0];
	v26 =	vmul.f32 $1.442695020e+00, v7  }
0x7e: {  	v2 =	vld [tilespmem:s24+$0x30];
	v9 =	vsel vm0, $0x3F800000, v5;
	v5 =	vmul.f32 $1.442695020e+00, v11;
	(erf) = vpow2.f32 v19  }
0x7f: {  	v22 =	vld [tilespmem:s21+$0x30];
	(erf) = vpow2.f32 v26  }
0x80: {  	v10 =	vperm.xlane v10, v0;
	(erf) = vpow2.f32 v5;
	v5 =	vld [tilespmem:s24+$0xFFFFFFE0]  }
0x81: {  	v29 =	vsel vm0, $0x3F800000, v13;
	v8 =	vperm.xlane v8, v0;
	v17 =	vld [tilespmem:s21+$0x20]  }
0x82: {  	v6 =	vld [tilespmem:s24+$0x20];
	v11 =	vsel vm0, $0x3F800000, v18;
	v18 =	vperm.xlane v16, v0;
	v16 =	vmul.f32 $1.442695020e+00, v10  }
0x83: {  	v15 =	vsel vm0, $0x3F800000, v15;
	v7 =	vld [tilespmem:s24+$0xFFFFFFF0];
	v10 =	vsel vm0, $0x3F800000, v14;
	v14 =	vmul.f32 $1.442695020e+00, v23  }
0x84: {  	v23 =	vmul.f32 $1.442695020e+00, v8;
	v8 =	vld [tilespmem:s24+$0x10];
	v19 =	vadd.f32 v22, v2;
	(erf) = vpow2.f32 v16  }
0x85: {  	v30 =	vmul.f32 $1.442695020e+00, v21;
	v22 =	vld [tilespmem:s21+$0xFFFFFFC0];
	(erf) = vpow2.f32 v14;
	v14 =	vadd.f32 v20, v5  }
0x86: {  	v26 =	vsel vm0, $0x3F800000, v4;
	v4 =	vld [tilespmem:s24+$0xFFFFFFD0];
	v13 =	vmul.f32 $1.442695020e+00, v18;
	v27 =	vmul.f32 $2.000000030e-01, v19  }
0x87: {  	v12 =	vsel vm0, $0x3F800000, v12;
	(erf) = vpow2.f32 v23;
	v31 =	vmul.f32 $2.000000030e-01, v14  }
0x88: {  	v17 =	vadd.f32 v17, v6;
	v16 =	vadd.f32 v24, v7;
	v18 =	vpop (erf);
	vm3 =	vge.f32 v14, $0.0e+00  }
0x89: {  	(erf) = vpow2.f32 v13;
	v21 =	vmul.f32 v18, v26;
	v18 =	vpop (erf);
	v13 =	vsel vm3, v14, v31;
	v14 =	vld [tilespmem:s21+$0x0]  }
0x8a: {  	v23 =	vadd.f32 v22, v3;
	v18 =	vmul.f32 v18, v12;
	v12 =	vperm.xlane v13, v0;
	v13 =	vld [tilespmem:s24+$0x0]  }
0x8b: {  	vm4 =	vge.f32 v19, $0.0e+00;
	v22 =	vadd.f32 v25, v4;
	v25 =	vadd.f32 v28, v8  }
0x8c: {  	v19 =	vsel vm4, v19, v27;
	vm1 =	vge.f32 v16, $0.0e+00;
	v20 =	vmul.f32 $2.000000030e-01, v16;
	v24 =	vpop (erf)  }
0x8d: {  	s22 =	simm.s32 $0x8;
	vm2 =	vge.f32 v22, $0.0e+00;
	v28 =	vmul.f32 $2.000000030e-01, v25;
	(erf) = vpow2.f32 v30;
	v30 =	vpop (erf)  }
0x8e: {  	s19 =	smul.u32 $0x180, s18;
	s26 =	simm.s32 $0x18FE0;
	v26 =	vmul.f32 $2.000000030e-01, v22;
	vm3 =	vge.f32 v25, $0.0e+00;
	s24 =	simm.s32 $0x1BFE0;
	v27 =	vmul.f32 v30, v29  }
.LBB2_3:
0x8f: {  	s22 =	sadd.s32 $0x8, s22;
	v29 =	vmul.f32 $2.000000030e-01, v23;
	v30 =	vadd.f32 v14, v13;
	v14 =	vld [tilespmem:s24+$0x0];
	v11 =	vmul.f32 v24, v11;
	v24 =	vpop (erf)  }
0x90: {  	vm4 =	vge.f32 v23, $0.0e+00;
	v22 =	vsel vm2, v22, v26;
	v31 =	vld [tilespmem:s26+$0xFFFFFFC0];
	p0 =	slt.u32 s22, $0xF8;
	v25 =	vsel vm3, v25, v28;
	[tilespmem:s20+$0xFFFFFFF0] =	vst v27;
	v26 =	vpop (erf)  }
0x91: {  	v28 =	vmul.f32 $2.000000030e-01, v17;
	v27 =	vld [tilespmem:s24+$0xFFFFFFE0];
	v23 =	vsel vm4, v23, v29;
	[tilespmem:s20+$0xFFFFFFC0] =	vst v21;
	v29 =	vmul.f32 v24, v15  }
0x92: {  	vm2 =	vge.f32 v17, $0.0e+00;
	v24 =	vperm.xlane v25, v0;
	v21 =	vld [tilespmem:s26+$0x30];
	v23 =	vperm.xlane v23, v0;
	[tilespmem:s20+$0x0] =	vst v11  }
0x93: {  	v11 =	vsel vm1, v16, v20;
	v16 =	vmul.f32 $2.000000030e-01, v30;
	v17 =	vsel vm2, v17, v28;
	v25 =	vld [tilespmem:s24+$0xFFFFFFF0];
	[tilespmem:s20+$0x20] =	vst v18  }
0x94: {  	v32 =	vmul.f32 v26, v10;
	vm1 =	vge.f32 v30, $0.0e+00;
	v17 =	vperm.xlane v17, v0;
	v18 =	vld [tilespmem:s24+$0x30];
	[tilespmem:s20+$0x10] =	vst v29;
	v15 =	vpop (erf)  }
0x95: {  	v23 =	vmul.f32 $1.442695020e+00, v23;
	v16 =	vsel vm1, v30, v16;
	v20 =	vld [tilespmem:s24+$0x20];
	v15 =	vmul.f32 v15, v9  }
0x96: {  	v28 =	vperm.xlane v11, v0;
	v30 =	vsel vm0, $0x3F800000, v1;
	v11 =	vperm.xlane v16, v0;
	v26 =	vld [tilespmem:s24+$0xFFFFFFD0];
	[tilespmem:s20+$0xFFFFFFD0] =	vst v32;
	v10 =	vpop (erf)  }
0x97: {  	v1 =	vmovc v5;
	v16 =	vmul.f32 $1.442695020e+00, v17;
	v9 =	vsel vm0, $0x3F800000, v2;
	v29 =	vld [tilespmem:s24+$0x10];
	v10 =	vmul.f32 v10, v30;
	[tilespmem:s20+$0x30] =	vst v15;
	v2 =	vmovc v21  }
0x98: {  	v5 =	vmul.f32 $1.442695020e+00, v11;
	v11 =	vsel vm0, $0x3F800000, v13;
	v30 =	vld [tilespmem:s26+$0x20];
	(erf) = vpow2.f32 v23  }
0x99: {  	v17 =	vperm.xlane v19, v0;
	v13 =	vld [tilespmem:s26+$0xFFFFFFF0];
	v32 =	vadd.f32 v18, v2;
	(erf) = vpow2.f32 v16;
	[tilespmem:s20+$0xFFFFFFE0] =	vst v10;
	s20 =	smov.u32 s21;
	s21 =	smov.u32 s24  }
0x9a: {  	v19 =	vsel vm0, $0x3F800000, v3;
	v3 =	vmovc v31;
	v15 =	vmul.f32 $1.442695020e+00, v28;
	v18 =	vld [tilespmem:s24+$0xFFFFFFC0];
	(erf) = vpow2.f32 v5  }
0x9b: {  	v16 =	vperm.xlane v22, v0;
	v5 =	vld [tilespmem:s26+$0xFFFFFFE0];
	vm4 =	vge.f32 v32, $0.0e+00;
	v31 =	vmul.f32 $2.000000030e-01, v32  }
0x9c: {  	v21 =	vmul.f32 $1.442695020e+00, v24;
	v10 =	vsel vm0, $0x3F800000, v4;
	v4 =	vld [tilespmem:s26+$0xFFFFFFD0];
	(erf) = vpow2.f32 v15  }
0x9d: {  	v33 =	vsel vm0, $0x3F800000, v7;
	v22 =	vmul.f32 $1.442695020e+00, v16;
	v15 =	vsel vm0, $0x3F800000, v8;
	v8 =	vld [tilespmem:s26+$0x10]  }
0x9e: {  	v28 =	vmul.f32 $1.442695020e+00, v17;
	v16 =	vadd.f32 v25, v13;
	(erf) = vpow2.f32 v21;
	v7 =	vmovc v13  }
0x9f: {  	v34 =	vmul.f32 $1.442695020e+00, v12;
	v17 =	vadd.f32 v20, v30;
	(erf) = vpow2.f32 v22  }
0xa0: {  	v23 =	vadd.f32 v18, v3;
	v12 =	vadd.f32 v27, v5;
	v20 =	vmul.f32 $2.000000030e-01, v16  }
0xa1: {  	v6 =	vsel vm0, $0x3F800000, v6;
	vm1 =	vge.f32 v16, $0.0e+00;
	v22 =	vadd.f32 v26, v4;
	v18 =	vpop (erf)  }
.Ltmp4:
0xa2: {  	vm3 =	vge.f32 v12, $0.0e+00;
	v35 =	vmul.f32 $2.000000030e-01, v12;
	v13 =	vld [tilespmem:s26+$0x0];
	v21 =	vmul.f32 v18, v19;
	v18 =	vpop (erf);
	(pc) =	sbr.rel @p0 .LBB2_3-.Ltmp4, $4  }
0xa3: {  	v25 =	vadd.f32 v29, v8;
	vm2 =	vge.f32 v22, $0.0e+00;
	v24 =	vpop (erf);
	(erf) = vpow2.f32 v28  }
0xa4: {  	v26 =	vmul.f32 $2.000000030e-01, v22;
	v18 =	vmul.f32 v18, v6;
	v6 =	vmovc v30;
	v12 =	vsel vm3, v12, v35  }
0xa5: {  	vm3 =	vge.f32 v25, $0.0e+00;
	v12 =	vperm.xlane v12, v0;
	(erf) = vpow2.f32 v34;
	v27 =	vpop (erf)  }
0xa6: {  	s24 =	sadd.s32 $0x80, s24;
	v19 =	vsel vm4, v32, v31;
	s26 =	sadd.s32 $0x80, s26;
	v28 =	vmul.f32 $2.000000030e-01, v25;
	v27 =	vmul.f32 v27, v33  }
0xa7: {  	v29 =	vmul.f32 $2.000000030e-01, v23;
	v14 =	vadd.f32 v14, v13  }
0xa8: {  	vm4 =	vge.f32 v23, $0.0e+00;
	v30 =	vmul.f32 $2.000000030e-01, v17  }
0xa9: {  	v23 =	vsel vm4, v23, v29;
	vm4 =	vge.f32 v17, $0.0e+00;
	v29 =	vmul.f32 $2.000000030e-01, v14  }
0xaa: {  	v23 =	vperm.xlane v23, v0;
	v17 =	vsel vm4, v17, v30;
	vm4 =	vge.f32 v14, $0.0e+00  }
0xab: {  	v17 =	vperm.xlane v17, v0;
	v14 =	vsel vm4, v14, v29  }
0xac: {  	v16 =	vsel vm1, v16, v20;
	v20 =	vmul.f32 $1.442695020e+00, v23;
	v14 =	vperm.xlane v14, v0  }
0xad: {  	v16 =	vperm.xlane v16, v0;
	v17 =	vmul.f32 $1.442695020e+00, v17  }
0xae: {  	v14 =	vmul.f32 $1.442695020e+00, v14;
	(erf) = vpow2.f32 v20  }
0xaf: {  	v16 =	vmul.f32 $1.442695020e+00, v16;
	(erf) = vpow2.f32 v17;
	v17 =	vsel vm3, v25, v28  }
0xb0: {  	(erf) = vpow2.f32 v14;
	v17 =	vperm.xlane v17, v0  }
0xb1: {  	v14 =	vsel vm2, v22, v26;
	(erf) = vpow2.f32 v16  }
0xb2: {  	v14 =	vperm.xlane v14, v0;
	v17 =	vmul.f32 $1.442695020e+00, v17  }
0xb3: {  	v19 =	vperm.xlane v19, v0;
	v11 =	vmul.f32 v24, v11;
	v16 =	vpop (erf)  }
0xb4: {  	v12 =	vmul.f32 $1.442695020e+00, v12;
	v20 =	vpop (erf);
	v14 =	vmul.f32 $1.442695020e+00, v14  }
0xb5: {  	[tilespmem:s20+$0xFFFFFFC0] =	vst v21;
	v19 =	vmul.f32 $1.442695020e+00, v19;
	v22 =	vpop (erf);
	(erf) = vpow2.f32 v17  }
0xb6: {  	[tilespmem:s20+$0x20] =	vst v18;
	v10 =	vmul.f32 v20, v10;
	v17 =	vpop (erf);
	(erf) = vpow2.f32 v14  }
0xb7: {  	[tilespmem:s20+$0x0] =	vst v11;
	v9 =	vmul.f32 v22, v9;
	v11 =	vpop (erf);
	(erf) = vpow2.f32 v19  }
0xb8: {  	v1 =	vsel vm0, $0x3F800000, v1;
	[tilespmem:s20+$0xFFFFFFF0] =	vst v27;
	v14 =	vmul.f32 v16, v15;
	v15 =	vpop (erf);
	(erf) = vpow2.f32 v12  }
0xb9: {  	[tilespmem:s20+$0xFFFFFFD0] =	vst v10;
	v1 =	vmul.f32 v17, v1  }
0xba: {  	v3 =	vsel vm0, $0x3F800000, v3;
	[tilespmem:s20+$0x30] =	vst v9;
	v12 =	vpop (erf)  }
0xbb: {  	v7 =	vsel vm0, $0x3F800000, v7;
	[tilespmem:s20+$0xFFFFFFE0] =	vst v1;
	v1 =	vmul.f32 v11, v3;
	v3 =	vsel vm0, $0x3F800000, v6;
	v10 =	vpop (erf)  }
0xbc: {  	v9 =	vsel vm0, $0x3F800000, v13;
	[tilespmem:s20+$0x10] =	vst v14;
	v3 =	vmul.f32 v15, v3;
	v7 =	vmul.f32 v10, v7  }
0xbd: {  	v6 =	vmul.f32 v12, v9;
	[tilespmem:s21+$0xFFFFFFC0] =	vst v1  }
0xbe: {  	[tilespmem:s21+$0xFFFFFFF0] =	vst v7;
	v7 =	vsel vm0, $0x3F800000, v8;
	v8 =	vpop (erf)  }
0xbf: {  	v1 =	vsel vm0, $0x3F800000, v4;
	[tilespmem:s21+$0x0] =	vst v6;
	v7 =	vmul.f32 v8, v7;
	v4 =	vpop (erf)  }
0xc0: {  	v2 =	vsel vm0, $0x3F800000, v2;
	[tilespmem:s21+$0x20] =	vst v3;
	v1 =	vmul.f32 v4, v1;
	v3 =	vpop (erf)  }
0xc1: {  	[tilespmem:s21+$0x10] =	vst v7;
	v2 =	vmul.f32 v3, v2;
	v3 =	vsel vm0, $0x3F800000, v5;
	v4 =	vpop (erf)  }
0xc2: {  	[tilespmem:s21+$0xFFFFFFD0] =	vst v1;
	v1 =	vmul.f32 v4, v3  }
0xc3: {  	p0 =	seq.s32 s18, $0x0;
	[tilespmem:s21+$0x30] =	vst v2  }
0xc4: {  	s20 =	simm.s32 @!p0 $0x5;
	[tilespmem:s21+$0xFFFFFFE0] =	vst v1  }
0xc5: {  	_ =	swait.ge @!p0 [sflag:s20], $0x1000  }
0xc6: {  	s22 =	sor.u32 s19, s7;
	[sflag:s20] =	ssyncset.done @!p0 $0x0  }
0xc7: {  	[sflag:s20] =	ssyncadd.s32 @!p0 $0xFFFFF000;
	s20 =	sshll.u32 s22, $0x5  }
0xc8: {  	[spmem:s2] =	stream.indirect.scatter.add.f32 [tilespmem:s9], [sflag:$0x5], $0x10, s8, s29, $0xb8;
	[tilespmem:$0x1FEA0] =	vst v63  }
0xc9: {  	s20 =	sadd.s32 s20, s6  }
0xca: {  	s20 =	sadd.s32 $0xC00, s20  }
0xcb: {  	[tilespmem:s12], [sflag:$0x1] =	stream.strided.gather [hbm4b:s20+s29], $0x200, s30, s29, $0x38;
	[tilespmem:$0x1FEA0] =	vst v63  }
0xcc: {  	_ =	swait.ge [sflag:s11], $0x200  }
0xcd: {  	[sflag:s11] =	ssyncset.done $0x0  }
0xce: {  	s24 =	simm.s32 $0x18EA0;
	[sflag:s11] =	ssyncadd.s32 $0xFFFFFE00  }
0xcf: {  	[tilespmem:s24], [sflag:$0x2] =	stream.indirect.gather [hbm4b:s4+s29], $0x10, s12, s29, $0xb8;
	[tilespmem:$0x1FEA0] =	vst v63  }
0xd0: {  	_ = 	snop  }
0xd1: {  	[tilespmem:s14], [sflag:$0x2] =	stream.indirect.gather [hbm4b:s5+s29], $0x10, s25, s29, $0xb8;
	[tilespmem:$0x1FEA0] =	vst v63  }
0xd2: {  	_ =	swait.ge [sflag:s15], $0x1000  }
0xd3: {  	[sflag:s15] =	ssyncset.done $0x0  }
0xd4: {  	[sflag:s15] =	ssyncadd.s32 $0xFFFFF000  }
0xd5: {  	_ =	swait.ge [sflag:s15], $0x1000  }
0xd6: {  	[sflag:s15] =	ssyncset.done $0x0  }
0xd7: {  	s26 =	simm.s32 $0x19F10;
	[sflag:s15] =	ssyncadd.s32 $0xFFFFF000  }
0xd8: {  	s20 =	simm.s32 $0x1CF10;
	v4 =	vld [tilespmem:s26+$0xFFFFFF90]  }
0xd9: {  	v2 =	vld [tilespmem:s20+$0xFFFFFFB0]  }
0xda: {  	v5 =	vld [tilespmem:s26+$0x0]  }
0xdb: {  	v3 =	vld [tilespmem:s20+$0xFFFFFFC0]  }
0xdc: {  	v6 =	vld [tilespmem:s20+$0x0]  }
0xdd: {  	v7 =	vld [tilespmem:s20+$0xFFFFFFF0]  }
0xde: {  	v8 =	vld [tilespmem:s20+$0xFFFFFFA0]  }
0xdf: {  	v9 =	vld [tilespmem:s20+$0xFFFFFFE0]  }
0xe0: {  	v12 =	vld [tilespmem:s26+$0xFFFFFFF0]  }
0xe1: {  	v1 =	vld [tilespmem:s26+$0xFFFFFFB0]  }
0xe2: {  	v13 =	vld [tilespmem:s26+$0xFFFFFFC0]  }
0xe3: {  	v10 =	vld [tilespmem:s20+$0xFFFFFF90]  }
0xe4: {  	v14 =	vld [tilespmem:s26+$0xFFFFFFA0]  }
0xe5: {  	v15 =	vld [tilespmem:s26+$0xFFFFFFE0]  }
0xe6: {  	v11 =	vld [tilespmem:s20+$0xFFFFFFD0]  }
0xe7: {  	v18 =	vld [tilespmem:s26+$0xFFFFFFD0]  }
0xe8: {  	v6 =	vadd.f32 v6, v5  }
0xe9: {  	v2 =	vadd.f32 v2, v1;
	v17 =	vadd.f32 v3, v13  }
0xea: {  	v7 =	vadd.f32 v7, v12;
	v10 =	vadd.f32 v10, v4  }
0xeb: {  	v8 =	vadd.f32 v8, v14;
	v9 =	vadd.f32 v9, v15  }
0xec: {  	v11 =	vadd.f32 v11, v18;
	vm1 =	vge.f32 v6, $0.0e+00;
	v16 =	vmul.f32 $2.000000030e-01, v6  }
0xed: {  	v3 =	vmul.f32 $2.000000030e-01, v2;
	v19 =	vmul.f32 $2.000000030e-01, v17;
	vm2 =	vge.f32 v2, $0.0e+00  }
0xee: {  	vm3 =	vge.f32 v17, $0.0e+00;
	v20 =	vmul.f32 $2.000000030e-01, v8;
	vm4 =	vge.f32 v9, $0.0e+00  }
0xef: {  	v2 =	vsel vm2, v2, v3;
	v16 =	vsel vm1, v6, v16;
	v6 =	vmul.f32 $2.000000030e-01, v10  }
0xf0: {  	vm1 =	vge.f32 v10, $0.0e+00;
	v21 =	vperm.xlane v2, v0;
	v2 =	vmul.f32 $2.000000030e-01, v9  }
0xf1: {  	s21 =	simm.s32 $0x1CF90;
	v22 =	vmul.f32 $2.000000030e-01, v7;
	vm2 =	vge.f32 v8, $0.0e+00;
	v6 =	vsel vm1, v10, v6  }
0xf2: {  	v24 =	vld [tilespmem:s21+$0xFFFFFFC0];
	vm1 =	vge.f32 v7, $0.0e+00;
	v10 =	vmul.f32 $2.000000030e-01, v11;
	v9 =	vsel vm4, v9, v2  }
0xf3: {  	v25 =	vld [tilespmem:s21+$0xFFFFFFA0];
	v6 =	vperm.xlane v6, v0;
	v7 =	vsel vm1, v7, v22;
	vm1 =	vge.f32 v11, $0.0e+00  }
0xf4: {  	s24 =	simm.s32 $0x19F90;
	v28 =	vld [tilespmem:s21+$0xFFFFFFE0];
	v23 =	vperm.xlane v9, v0;
	v7 =	vperm.xlane v7, v0;
	v9 =	vsel vm1, v11, v10  }
0xf5: {  	v3 =	vld [tilespmem:s24+$0xFFFFFF90];
	v10 =	vsel vm3, v17, v19;
	v19 =	vmul.f32 $1.442695020e+00, v6;
	v11 =	vperm.xlane v9, v0  }
0xf6: {  	v8 =	vsel vm2, v8, v20;
	v20 =	vld [tilespmem:s21+$0xFFFFFFB0];
	v26 =	vmul.f32 $1.442695020e+00, v7  }
0xf7: {  	v2 =	vld [tilespmem:s24+$0x0];
	v9 =	vsel vm0, $0x3F800000, v5;
	v5 =	vmul.f32 $1.442695020e+00, v11;
	(erf) = vpow2.f32 v19  }
0xf8: {  	v22 =	vld [tilespmem:s21+$0x0];
	(erf) = vpow2.f32 v26  }
0xf9: {  	v10 =	vperm.xlane v10, v0;
	(erf) = vpow2.f32 v5;
	v5 =	vld [tilespmem:s24+$0xFFFFFFB0]  }
0xfa: {  	v29 =	vsel vm0, $0x3F800000, v13;
	v8 =	vperm.xlane v8, v0;
	v17 =	vld [tilespmem:s21+$0xFFFFFFF0]  }
0xfb: {  	v15 =	vsel vm0, $0x3F800000, v15;
	v6 =	vld [tilespmem:s24+$0xFFFFFFF0];
	v19 =	vperm.xlane v16, v0;
	v16 =	vmul.f32 $1.442695020e+00, v10  }
0xfc: {  	v7 =	vld [tilespmem:s24+$0xFFFFFFC0];
	v11 =	vsel vm0, $0x3F800000, v18;
	v10 =	vsel vm0, $0x3F800000, v14;
	v14 =	vmul.f32 $1.442695020e+00, v23  }
0xfd: {  	v23 =	vmul.f32 $1.442695020e+00, v8;
	v8 =	vld [tilespmem:s24+$0xFFFFFFE0];
	v18 =	vadd.f32 v22, v2;
	(erf) = vpow2.f32 v16  }
0xfe: {  	v30 =	vmul.f32 $1.442695020e+00, v21;
	v22 =	vld [tilespmem:s21+$0xFFFFFF90];
	(erf) = vpow2.f32 v14;
	v14 =	vadd.f32 v20, v5  }
0xff: {  	v26 =	vsel vm0, $0x3F800000, v4;
	v4 =	vld [tilespmem:s24+$0xFFFFFFA0];
	v13 =	vmul.f32 $1.442695020e+00, v19;
	v27 =	vmul.f32 $2.000000030e-01, v18  }
0x100: {  	v12 =	vsel vm0, $0x3F800000, v12;
	(erf) = vpow2.f32 v23;
	v31 =	vmul.f32 $2.000000030e-01, v14  }
0x101: {  	v17 =	vadd.f32 v17, v6;
	v16 =	vadd.f32 v24, v7;
	v19 =	vpop (erf);
	vm3 =	vge.f32 v14, $0.0e+00  }
0x102: {  	(erf) = vpow2.f32 v13;
	v21 =	vmul.f32 v19, v26;
	v19 =	vpop (erf);
	v13 =	vsel vm3, v14, v31;
	v14 =	vld [tilespmem:s21+$0xFFFFFFD0]  }
0x103: {  	v23 =	vadd.f32 v22, v3;
	v19 =	vmul.f32 v19, v12;
	v12 =	vperm.xlane v13, v0;
	v13 =	vld [tilespmem:s24+$0xFFFFFFD0]  }
0x104: {  	vm4 =	vge.f32 v18, $0.0e+00;
	v22 =	vadd.f32 v25, v4;
	v25 =	vadd.f32 v28, v8  }
0x105: {  	v18 =	vsel vm4, v18, v27;
	vm1 =	vge.f32 v16, $0.0e+00;
	v20 =	vmul.f32 $2.000000030e-01, v16;
	v24 =	vpop (erf)  }
0x106: {  	vm2 =	vge.f32 v22, $0.0e+00;
	v28 =	vmul.f32 $2.000000030e-01, v25;
	(erf) = vpow2.f32 v30;
	v30 =	vpop (erf)  }
0x107: {  	s22 =	simm.s32 $0x8;
	s26 =	simm.s32 $0x1A010;
	v26 =	vmul.f32 $2.000000030e-01, v22;
	vm3 =	vge.f32 v25, $0.0e+00;
	s24 =	simm.s32 $0x1D010;
	v27 =	vmul.f32 v30, v29  }
.LBB2_5:
0x108: {  	s22 =	sadd.s32 $0x8, s22;
	v29 =	vmul.f32 $2.000000030e-01, v23;
	v30 =	vadd.f32 v14, v13;
	v14 =	vld [tilespmem:s24+$0xFFFFFFD0];
	v11 =	vmul.f32 v24, v11;
	v24 =	vpop (erf)  }
0x109: {  	vm4 =	vge.f32 v23, $0.0e+00;
	v22 =	vsel vm2, v22, v26;
	v31 =	vld [tilespmem:s26+$0xFFFFFF90];
	p0 =	slt.u32 s22, $0xF8;
	v25 =	vsel vm3, v25, v28;
	[tilespmem:s20+$0xFFFFFFC0] =	vst v27;
	v26 =	vpop (erf)  }
0x10a: {  	v28 =	vmul.f32 $2.000000030e-01, v17;
	v27 =	vld [tilespmem:s24+$0xFFFFFFB0];
	v23 =	vsel vm4, v23, v29;
	[tilespmem:s20+$0xFFFFFF90] =	vst v21;
	v29 =	vmul.f32 v24, v15  }
0x10b: {  	vm2 =	vge.f32 v17, $0.0e+00;
	v24 =	vperm.xlane v25, v0;
	v21 =	vld [tilespmem:s26+$0x0];
	v23 =	vperm.xlane v23, v0;
	[tilespmem:s20+$0xFFFFFFD0] =	vst v11  }
0x10c: {  	v11 =	vsel vm1, v16, v20;
	v16 =	vmul.f32 $2.000000030e-01, v30;
	v17 =	vsel vm2, v17, v28;
	v25 =	vld [tilespmem:s24+$0xFFFFFFC0];
	[tilespmem:s20+$0xFFFFFFF0] =	vst v19  }
0x10d: {  	v32 =	vmul.f32 v26, v10;
	vm1 =	vge.f32 v30, $0.0e+00;
	v17 =	vperm.xlane v17, v0;
	v19 =	vld [tilespmem:s24+$0x0];
	[tilespmem:s20+$0xFFFFFFE0] =	vst v29;
	v15 =	vpop (erf)  }
0x10e: {  	v23 =	vmul.f32 $1.442695020e+00, v23;
	v16 =	vsel vm1, v30, v16;
	v20 =	vld [tilespmem:s24+$0xFFFFFFF0];
	v15 =	vmul.f32 v15, v9  }
0x10f: {  	v28 =	vperm.xlane v11, v0;
	v30 =	vsel vm0, $0x3F800000, v1;
	v11 =	vperm.xlane v16, v0;
	v26 =	vld [tilespmem:s24+$0xFFFFFFA0];
	[tilespmem:s20+$0xFFFFFFA0] =	vst v32;
	v10 =	vpop (erf)  }
0x110: {  	v1 =	vmovc v5;
	v16 =	vmul.f32 $1.442695020e+00, v17;
	v9 =	vsel vm0, $0x3F800000, v2;
	v29 =	vld [tilespmem:s24+$0xFFFFFFE0];
	v10 =	vmul.f32 v10, v30;
	[tilespmem:s20+$0x0] =	vst v15;
	v2 =	vmovc v21  }
0x111: {  	v5 =	vmul.f32 $1.442695020e+00, v11;
	v11 =	vsel vm0, $0x3F800000, v13;
	v30 =	vld [tilespmem:s26+$0xFFFFFFF0];
	(erf) = vpow2.f32 v23  }
0x112: {  	v17 =	vperm.xlane v18, v0;
	v13 =	vld [tilespmem:s26+$0xFFFFFFC0];
	v32 =	vadd.f32 v19, v2;
	(erf) = vpow2.f32 v16;
	[tilespmem:s20+$0xFFFFFFB0] =	vst v10;
	s20 =	smov.u32 s21;
	s21 =	smov.u32 s24  }
0x113: {  	v15 =	vmul.f32 $1.442695020e+00, v28;
	v19 =	vsel vm0, $0x3F800000, v3;
	v3 =	vmovc v31;
	v18 =	vld [tilespmem:s24+$0xFFFFFF90];
	(erf) = vpow2.f32 v5  }
0x114: {  	v16 =	vperm.xlane v22, v0;
	v5 =	vld [tilespmem:s26+$0xFFFFFFB0];
	vm4 =	vge.f32 v32, $0.0e+00;
	v31 =	vmul.f32 $2.000000030e-01, v32  }
0x115: {  	v21 =	vmul.f32 $1.442695020e+00, v24;
	v10 =	vsel vm0, $0x3F800000, v4;
	v4 =	vld [tilespmem:s26+$0xFFFFFFA0];
	(erf) = vpow2.f32 v15  }
0x116: {  	v33 =	vsel vm0, $0x3F800000, v7;
	v22 =	vmul.f32 $1.442695020e+00, v16;
	v15 =	vsel vm0, $0x3F800000, v8;
	v8 =	vld [tilespmem:s26+$0xFFFFFFE0]  }
0x117: {  	v28 =	vmul.f32 $1.442695020e+00, v17;
	v16 =	vadd.f32 v25, v13;
	(erf) = vpow2.f32 v21;
	v7 =	vmovc v13  }
0x118: {  	v34 =	vmul.f32 $1.442695020e+00, v12;
	v17 =	vadd.f32 v20, v30;
	(erf) = vpow2.f32 v22  }
0x119: {  	v23 =	vadd.f32 v18, v3;
	v12 =	vadd.f32 v27, v5;
	v20 =	vmul.f32 $2.000000030e-01, v16  }
0x11a: {  	v6 =	vsel vm0, $0x3F800000, v6;
	vm1 =	vge.f32 v16, $0.0e+00;
	v22 =	vadd.f32 v26, v4;
	v18 =	vpop (erf)  }
.Ltmp5:
0x11b: {  	vm3 =	vge.f32 v12, $0.0e+00;
	v35 =	vmul.f32 $2.000000030e-01, v12;
	v13 =	vld [tilespmem:s26+$0xFFFFFFD0];
	v21 =	vmul.f32 v18, v19;
	v18 =	vpop (erf);
	(pc) =	sbr.rel @p0 .LBB2_5-.Ltmp5, $4  }
0x11c: {  	v25 =	vadd.f32 v29, v8;
	vm2 =	vge.f32 v22, $0.0e+00;
	v24 =	vpop (erf);
	(erf) = vpow2.f32 v28  }
0x11d: {  	v26 =	vmul.f32 $2.000000030e-01, v22;
	v19 =	vmul.f32 v18, v6;
	v6 =	vmovc v30;
	v12 =	vsel vm3, v12, v35  }
0x11e: {  	vm3 =	vge.f32 v25, $0.0e+00;
	v12 =	vperm.xlane v12, v0;
	(erf) = vpow2.f32 v34;
	v27 =	vpop (erf)  }
0x11f: {  	s24 =	sadd.s32 $0x80, s24;
	s26 =	sadd.s32 $0x80, s26;
	v18 =	vsel vm4, v32, v31;
	v28 =	vmul.f32 $2.000000030e-01, v25;
	v27 =	vmul.f32 v27, v33  }
0x120: {  	v29 =	vmul.f32 $2.000000030e-01, v23;
	v14 =	vadd.f32 v14, v13  }
0x121: {  	vm4 =	vge.f32 v23, $0.0e+00;
	v30 =	vmul.f32 $2.000000030e-01, v17  }
0x122: {  	v23 =	vsel vm4, v23, v29;
	vm4 =	vge.f32 v17, $0.0e+00;
	v29 =	vmul.f32 $2.000000030e-01, v14  }
0x123: {  	v23 =	vperm.xlane v23, v0;
	v17 =	vsel vm4, v17, v30;
	vm4 =	vge.f32 v14, $0.0e+00  }
0x124: {  	v17 =	vperm.xlane v17, v0;
	v14 =	vsel vm4, v14, v29  }
0x125: {  	v16 =	vsel vm1, v16, v20;
	v20 =	vmul.f32 $1.442695020e+00, v23;
	v14 =	vperm.xlane v14, v0  }
0x126: {  	v16 =	vperm.xlane v16, v0;
	v17 =	vmul.f32 $1.442695020e+00, v17  }
0x127: {  	v14 =	vmul.f32 $1.442695020e+00, v14;
	(erf) = vpow2.f32 v20  }
0x128: {  	v16 =	vmul.f32 $1.442695020e+00, v16;
	(erf) = vpow2.f32 v17;
	v17 =	vsel vm3, v25, v28  }
0x129: {  	(erf) = vpow2.f32 v14;
	v17 =	vperm.xlane v17, v0  }
0x12a: {  	v14 =	vsel vm2, v22, v26;
	(erf) = vpow2.f32 v16  }
0x12b: {  	v14 =	vperm.xlane v14, v0;
	v17 =	vmul.f32 $1.442695020e+00, v17  }
0x12c: {  	v18 =	vperm.xlane v18, v0;
	v11 =	vmul.f32 v24, v11;
	v16 =	vpop (erf)  }
0x12d: {  	v12 =	vmul.f32 $1.442695020e+00, v12;
	v20 =	vpop (erf);
	v14 =	vmul.f32 $1.442695020e+00, v14  }
0x12e: {  	[tilespmem:s20+$0xFFFFFF90] =	vst v21;
	v18 =	vmul.f32 $1.442695020e+00, v18;
	v22 =	vpop (erf);
	(erf) = vpow2.f32 v17  }
0x12f: {  	[tilespmem:s20+$0xFFFFFFF0] =	vst v19;
	v10 =	vmul.f32 v20, v10;
	v17 =	vpop (erf);
	(erf) = vpow2.f32 v14  }
0x130: {  	[tilespmem:s20+$0xFFFFFFD0] =	vst v11;
	v9 =	vmul.f32 v22, v9;
	v11 =	vpop (erf);
	(erf) = vpow2.f32 v18  }
0x131: {  	v1 =	vsel vm0, $0x3F800000, v1;
	[tilespmem:s20+$0xFFFFFFC0] =	vst v27;
	v14 =	vmul.f32 v16, v15;
	v15 =	vpop (erf);
	(erf) = vpow2.f32 v12  }
0x132: {  	[tilespmem:s20+$0xFFFFFFA0] =	vst v10;
	v1 =	vmul.f32 v17, v1  }
0x133: {  	v3 =	vsel vm0, $0x3F800000, v3;
	[tilespmem:s20+$0x0] =	vst v9;
	v12 =	vpop (erf)  }
0x134: {  	v7 =	vsel vm0, $0x3F800000, v7;
	[tilespmem:s20+$0xFFFFFFB0] =	vst v1;
	v1 =	vmul.f32 v11, v3;
	v3 =	vsel vm0, $0x3F800000, v6;
	v10 =	vpop (erf)  }
0x135: {  	v9 =	vsel vm0, $0x3F800000, v13;
	[tilespmem:s20+$0xFFFFFFE0] =	vst v14;
	v3 =	vmul.f32 v15, v3;
	v7 =	vmul.f32 v10, v7  }
0x136: {  	v6 =	vmul.f32 v12, v9;
	[tilespmem:s21+$0xFFFFFF90] =	vst v1  }
0x137: {  	[tilespmem:s21+$0xFFFFFFC0] =	vst v7;
	v7 =	vsel vm0, $0x3F800000, v8;
	v8 =	vpop (erf)  }
0x138: {  	v1 =	vsel vm0, $0x3F800000, v4;
	[tilespmem:s21+$0xFFFFFFD0] =	vst v6;
	v7 =	vmul.f32 v8, v7;
	v4 =	vpop (erf)  }
0x139: {  	v2 =	vsel vm0, $0x3F800000, v2;
	[tilespmem:s21+$0xFFFFFFF0] =	vst v3;
	v1 =	vmul.f32 v4, v1;
	v3 =	vpop (erf)  }
0x13a: {  	[tilespmem:s21+$0xFFFFFFE0] =	vst v7;
	v2 =	vmul.f32 v3, v2;
	v3 =	vsel vm0, $0x3F800000, v5;
	v4 =	vpop (erf)  }
0x13b: {  	[tilespmem:s21+$0xFFFFFFA0] =	vst v1;
	v1 =	vmul.f32 v4, v3  }
0x13c: {  	[tilespmem:s21+$0x0] =	vst v2  }
0x13d: {  	[tilespmem:s21+$0xFFFFFFB0] =	vst v1  }
0x13e: {  	_ =	swait.ge [sflag:s16], $0x1000  }
0x13f: {  	[sflag:s16] =	ssyncset.done $0x0;
	s22 =	rddreg [dreg:$0xa]  }
0x140: {  	[sflag:s16] =	ssyncadd.s32 $0xFFFFF000;
	s20 =	sadd.s32 s22, s19  }
0x141: {  	[spmem:s2] =	stream.indirect.scatter.add.f32 [tilespmem:s23], [sflag:$0x5], $0x10, s13, s29, $0xb8;
	[tilespmem:$0x1FEA0] =	vst v63  }
0x142: {  	s20 =	sshll.u32 s20, $0x5  }
0x143: {  	s20 =	sadd.s32 s6, s20  }
0x144: {  	[tilespmem:s31], [sflag:$0x1] =	stream.strided.gather [hbm4b:s20+s29], $0x200, s30, s29, $0x38;
	[tilespmem:$0x1FEA0] =	vst v63  }
0x145: {  	_ =	swait.ge [sflag:s11], $0x200  }
0x146: {  	[sflag:s11] =	ssyncset.done $0x0  }
0x147: {  	s24 =	simm.s32 $0x19EA0;
	[sflag:s11] =	ssyncadd.s32 $0xFFFFFE00  }
0x148: {  	[tilespmem:s24], [sflag:$0x3] =	stream.indirect.gather [hbm4b:s4+s29], $0x10, s31, s29, $0xb8;
	[tilespmem:$0x1FEA0] =	vst v63  }
0x149: {  	_ = 	snop  }
0x14a: {  	[tilespmem:s9], [sflag:$0x3] =	stream.indirect.gather [hbm4b:s5+s29], $0x10, s8, s29, $0xb8;
	[tilespmem:$0x1FEA0] =	vst v63  }
0x14b: {  	_ =	swait.ge [sflag:s17], $0x1000  }
0x14c: {  	[sflag:s17] =	ssyncset.done $0x0  }
0x14d: {  	[sflag:s17] =	ssyncadd.s32 $0xFFFFF000  }
0x14e: {  	_ =	swait.ge [sflag:s17], $0x1000  }
0x14f: {  	[sflag:s17] =	ssyncset.done $0x0  }
0x150: {  	s26 =	simm.s32 $0x1AF10;
	[sflag:s17] =	ssyncadd.s32 $0xFFFFF000  }
0x151: {  	s20 =	simm.s32 $0x1DF10;
	v4 =	vld [tilespmem:s26+$0xFFFFFF90]  }
0x152: {  	v2 =	vld [tilespmem:s20+$0xFFFFFFB0]  }
0x153: {  	v5 =	vld [tilespmem:s26+$0x0]  }
0x154: {  	v3 =	vld [tilespmem:s20+$0xFFFFFFC0]  }
0x155: {  	v6 =	vld [tilespmem:s20+$0x0]  }
0x156: {  	v7 =	vld [tilespmem:s20+$0xFFFFFFF0]  }
0x157: {  	v8 =	vld [tilespmem:s20+$0xFFFFFFA0]  }
0x158: {  	v9 =	vld [tilespmem:s20+$0xFFFFFFE0]  }
0x159: {  	v12 =	vld [tilespmem:s26+$0xFFFFFFF0]  }
0x15a: {  	v1 =	vld [tilespmem:s26+$0xFFFFFFB0]  }
0x15b: {  	v13 =	vld [tilespmem:s26+$0xFFFFFFC0]  }
0x15c: {  	v10 =	vld [tilespmem:s20+$0xFFFFFF90]  }
0x15d: {  	v14 =	vld [tilespmem:s26+$0xFFFFFFA0]  }
0x15e: {  	v15 =	vld [tilespmem:s26+$0xFFFFFFE0]  }
0x15f: {  	v11 =	vld [tilespmem:s20+$0xFFFFFFD0]  }
0x160: {  	v18 =	vld [tilespmem:s26+$0xFFFFFFD0]  }
0x161: {  	v6 =	vadd.f32 v6, v5  }
0x162: {  	v2 =	vadd.f32 v2, v1;
	v17 =	vadd.f32 v3, v13  }
0x163: {  	v7 =	vadd.f32 v7, v12;
	v10 =	vadd.f32 v10, v4  }
0x164: {  	v8 =	vadd.f32 v8, v14;
	v9 =	vadd.f32 v9, v15  }
0x165: {  	v11 =	vadd.f32 v11, v18;
	vm1 =	vge.f32 v6, $0.0e+00;
	v16 =	vmul.f32 $2.000000030e-01, v6  }
0x166: {  	v3 =	vmul.f32 $2.000000030e-01, v2;
	v19 =	vmul.f32 $2.000000030e-01, v17;
	vm2 =	vge.f32 v2, $0.0e+00  }
0x167: {  	vm3 =	vge.f32 v17, $0.0e+00;
	v20 =	vmul.f32 $2.000000030e-01, v8;
	vm4 =	vge.f32 v9, $0.0e+00  }
0x168: {  	v2 =	vsel vm2, v2, v3;
	v16 =	vsel vm1, v6, v16;
	v6 =	vmul.f32 $2.000000030e-01, v10  }
0x169: {  	vm1 =	vge.f32 v10, $0.0e+00;
	v21 =	vperm.xlane v2, v0;
	v2 =	vmul.f32 $2.000000030e-01, v9  }
0x16a: {  	s21 =	simm.s32 $0x1DF90;
	v22 =	vmul.f32 $2.000000030e-01, v7;
	vm2 =	vge.f32 v8, $0.0e+00;
	v6 =	vsel vm1, v10, v6  }
0x16b: {  	v24 =	vld [tilespmem:s21+$0xFFFFFFC0];
	vm1 =	vge.f32 v7, $0.0e+00;
	v10 =	vmul.f32 $2.000000030e-01, v11;
	v9 =	vsel vm4, v9, v2  }
0x16c: {  	v25 =	vld [tilespmem:s21+$0xFFFFFFA0];
	v6 =	vperm.xlane v6, v0;
	v7 =	vsel vm1, v7, v22;
	vm1 =	vge.f32 v11, $0.0e+00  }
0x16d: {  	s24 =	simm.s32 $0x1AF90;
	v28 =	vld [tilespmem:s21+$0xFFFFFFE0];
	v23 =	vperm.xlane v9, v0;
	v7 =	vperm.xlane v7, v0;
	v9 =	vsel vm1, v11, v10  }
0x16e: {  	v3 =	vld [tilespmem:s24+$0xFFFFFF90];
	v10 =	vsel vm3, v17, v19;
	v19 =	vmul.f32 $1.442695020e+00, v6;
	v11 =	vperm.xlane v9, v0  }
0x16f: {  	v8 =	vsel vm2, v8, v20;
	v20 =	vld [tilespmem:s21+$0xFFFFFFB0];
	v26 =	vmul.f32 $1.442695020e+00, v7  }
0x170: {  	v2 =	vld [tilespmem:s24+$0x0];
	v9 =	vsel vm0, $0x3F800000, v5;
	v5 =	vmul.f32 $1.442695020e+00, v11;
	(erf) = vpow2.f32 v19  }
0x171: {  	v22 =	vld [tilespmem:s21+$0x0];
	(erf) = vpow2.f32 v26  }
0x172: {  	v10 =	vperm.xlane v10, v0;
	(erf) = vpow2.f32 v5;
	v5 =	vld [tilespmem:s24+$0xFFFFFFB0]  }
0x173: {  	v29 =	vsel vm0, $0x3F800000, v13;
	v8 =	vperm.xlane v8, v0;
	v17 =	vld [tilespmem:s21+$0xFFFFFFF0]  }
0x174: {  	v15 =	vsel vm0, $0x3F800000, v15;
	v6 =	vld [tilespmem:s24+$0xFFFFFFF0];
	v19 =	vperm.xlane v16, v0;
	v16 =	vmul.f32 $1.442695020e+00, v10  }
0x175: {  	v7 =	vld [tilespmem:s24+$0xFFFFFFC0];
	v11 =	vsel vm0, $0x3F800000, v18;
	v10 =	vsel vm0, $0x3F800000, v14;
	v14 =	vmul.f32 $1.442695020e+00, v23  }
0x176: {  	v23 =	vmul.f32 $1.442695020e+00, v8;
	v8 =	vld [tilespmem:s24+$0xFFFFFFE0];
	v18 =	vadd.f32 v22, v2;
	(erf) = vpow2.f32 v16  }
0x177: {  	v30 =	vmul.f32 $1.442695020e+00, v21;
	v22 =	vld [tilespmem:s21+$0xFFFFFF90];
	(erf) = vpow2.f32 v14;
	v14 =	vadd.f32 v20, v5  }
0x178: {  	v26 =	vsel vm0, $0x3F800000, v4;
	v4 =	vld [tilespmem:s24+$0xFFFFFFA0];
	v13 =	vmul.f32 $1.442695020e+00, v19;
	v27 =	vmul.f32 $2.000000030e-01, v18  }
0x179: {  	v12 =	vsel vm0, $0x3F800000, v12;
	(erf) = vpow2.f32 v23;
	v31 =	vmul.f32 $2.000000030e-01, v14  }
0x17a: {  	v17 =	vadd.f32 v17, v6;
	v16 =	vadd.f32 v24, v7;
	v19 =	vpop (erf);
	vm3 =	vge.f32 v14, $0.0e+00  }
0x17b: {  	(erf) = vpow2.f32 v13;
	v21 =	vmul.f32 v19, v26;
	v19 =	vpop (erf);
	v13 =	vsel vm3, v14, v31;
	v14 =	vld [tilespmem:s21+$0xFFFFFFD0]  }
0x17c: {  	v23 =	vadd.f32 v22, v3;
	v19 =	vmul.f32 v19, v12;
	v12 =	vperm.xlane v13, v0;
	v13 =	vld [tilespmem:s24+$0xFFFFFFD0]  }
0x17d: {  	vm4 =	vge.f32 v18, $0.0e+00;
	v22 =	vadd.f32 v25, v4;
	v25 =	vadd.f32 v28, v8  }
0x17e: {  	v18 =	vsel vm4, v18, v27;
	vm1 =	vge.f32 v16, $0.0e+00;
	v20 =	vmul.f32 $2.000000030e-01, v16;
	v24 =	vpop (erf)  }
0x17f: {  	vm2 =	vge.f32 v22, $0.0e+00;
	v28 =	vmul.f32 $2.000000030e-01, v25;
	(erf) = vpow2.f32 v30;
	v30 =	vpop (erf)  }
0x180: {  	s22 =	simm.s32 $0x8;
	s26 =	simm.s32 $0x1B010;
	v26 =	vmul.f32 $2.000000030e-01, v22;
	vm3 =	vge.f32 v25, $0.0e+00;
	s24 =	simm.s32 $0x1E010;
	v27 =	vmul.f32 v30, v29  }
.LBB2_7:
0x181: {  	s22 =	sadd.s32 $0x8, s22;
	v29 =	vmul.f32 $2.000000030e-01, v23;
	v30 =	vadd.f32 v14, v13;
	v14 =	vld [tilespmem:s24+$0xFFFFFFD0];
	v11 =	vmul.f32 v24, v11;
	v24 =	vpop (erf)  }
0x182: {  	vm4 =	vge.f32 v23, $0.0e+00;
	v22 =	vsel vm2, v22, v26;
	v31 =	vld [tilespmem:s26+$0xFFFFFF90];
	p0 =	slt.u32 s22, $0xF8;
	v25 =	vsel vm3, v25, v28;
	[tilespmem:s20+$0xFFFFFFC0] =	vst v27;
	v26 =	vpop (erf)  }
0x183: {  	v28 =	vmul.f32 $2.000000030e-01, v17;
	v27 =	vld [tilespmem:s24+$0xFFFFFFB0];
	v23 =	vsel vm4, v23, v29;
	[tilespmem:s20+$0xFFFFFF90] =	vst v21;
	v29 =	vmul.f32 v24, v15  }
0x184: {  	vm2 =	vge.f32 v17, $0.0e+00;
	v24 =	vperm.xlane v25, v0;
	v21 =	vld [tilespmem:s26+$0x0];
	v23 =	vperm.xlane v23, v0;
	[tilespmem:s20+$0xFFFFFFD0] =	vst v11  }
0x185: {  	v11 =	vsel vm1, v16, v20;
	v16 =	vmul.f32 $2.000000030e-01, v30;
	v17 =	vsel vm2, v17, v28;
	v25 =	vld [tilespmem:s24+$0xFFFFFFC0];
	[tilespmem:s20+$0xFFFFFFF0] =	vst v19  }
0x186: {  	v32 =	vmul.f32 v26, v10;
	vm1 =	vge.f32 v30, $0.0e+00;
	v17 =	vperm.xlane v17, v0;
	v19 =	vld [tilespmem:s24+$0x0];
	[tilespmem:s20+$0xFFFFFFE0] =	vst v29;
	v15 =	vpop (erf)  }
0x187: {  	v23 =	vmul.f32 $1.442695020e+00, v23;
	v16 =	vsel vm1, v30, v16;
	v20 =	vld [tilespmem:s24+$0xFFFFFFF0];
	v15 =	vmul.f32 v15, v9  }
0x188: {  	v28 =	vperm.xlane v11, v0;
	v30 =	vsel vm0, $0x3F800000, v1;
	v11 =	vperm.xlane v16, v0;
	v26 =	vld [tilespmem:s24+$0xFFFFFFA0];
	[tilespmem:s20+$0xFFFFFFA0] =	vst v32;
	v10 =	vpop (erf)  }
0x189: {  	v1 =	vmovc v5;
	v16 =	vmul.f32 $1.442695020e+00, v17;
	v9 =	vsel vm0, $0x3F800000, v2;
	v29 =	vld [tilespmem:s24+$0xFFFFFFE0];
	v10 =	vmul.f32 v10, v30;
	[tilespmem:s20+$0x0] =	vst v15;
	v2 =	vmovc v21  }
0x18a: {  	v5 =	vmul.f32 $1.442695020e+00, v11;
	v11 =	vsel vm0, $0x3F800000, v13;
	v30 =	vld [tilespmem:s26+$0xFFFFFFF0];
	(erf) = vpow2.f32 v23  }
0x18b: {  	v17 =	vperm.xlane v18, v0;
	v13 =	vld [tilespmem:s26+$0xFFFFFFC0];
	v32 =	vadd.f32 v19, v2;
	(erf) = vpow2.f32 v16;
	[tilespmem:s20+$0xFFFFFFB0] =	vst v10;
	s20 =	smov.u32 s21;
	s21 =	smov.u32 s24  }
0x18c: {  	v15 =	vmul.f32 $1.442695020e+00, v28;
	v19 =	vsel vm0, $0x3F800000, v3;
	v3 =	vmovc v31;
	v18 =	vld [tilespmem:s24+$0xFFFFFF90];
	(erf) = vpow2.f32 v5  }
0x18d: {  	v16 =	vperm.xlane v22, v0;
	v5 =	vld [tilespmem:s26+$0xFFFFFFB0];
	vm4 =	vge.f32 v32, $0.0e+00;
	v31 =	vmul.f32 $2.000000030e-01, v32  }
0x18e: {  	v21 =	vmul.f32 $1.442695020e+00, v24;
	v10 =	vsel vm0, $0x3F800000, v4;
	v4 =	vld [tilespmem:s26+$0xFFFFFFA0];
	(erf) = vpow2.f32 v15  }
0x18f: {  	v33 =	vsel vm0, $0x3F800000, v7;
	v22 =	vmul.f32 $1.442695020e+00, v16;
	v15 =	vsel vm0, $0x3F800000, v8;
	v8 =	vld [tilespmem:s26+$0xFFFFFFE0]  }
0x190: {  	v28 =	vmul.f32 $1.442695020e+00, v17;
	v16 =	vadd.f32 v25, v13;
	(erf) = vpow2.f32 v21;
	v7 =	vmovc v13  }
0x191: {  	v34 =	vmul.f32 $1.442695020e+00, v12;
	v17 =	vadd.f32 v20, v30;
	(erf) = vpow2.f32 v22  }
0x192: {  	v23 =	vadd.f32 v18, v3;
	v12 =	vadd.f32 v27, v5;
	v20 =	vmul.f32 $2.000000030e-01, v16  }
0x193: {  	v6 =	vsel vm0, $0x3F800000, v6;
	vm1 =	vge.f32 v16, $0.0e+00;
	v22 =	vadd.f32 v26, v4;
	v18 =	vpop (erf)  }
.Ltmp6:
0x194: {  	vm3 =	vge.f32 v12, $0.0e+00;
	v35 =	vmul.f32 $2.000000030e-01, v12;
	v13 =	vld [tilespmem:s26+$0xFFFFFFD0];
	v21 =	vmul.f32 v18, v19;
	v18 =	vpop (erf);
	(pc) =	sbr.rel @p0 .LBB2_7-.Ltmp6, $4  }
0x195: {  	v25 =	vadd.f32 v29, v8;
	vm2 =	vge.f32 v22, $0.0e+00;
	v24 =	vpop (erf);
	(erf) = vpow2.f32 v28  }
0x196: {  	v26 =	vmul.f32 $2.000000030e-01, v22;
	v19 =	vmul.f32 v18, v6;
	v6 =	vmovc v30;
	v12 =	vsel vm3, v12, v35  }
0x197: {  	vm3 =	vge.f32 v25, $0.0e+00;
	v12 =	vperm.xlane v12, v0;
	(erf) = vpow2.f32 v34;
	v27 =	vpop (erf)  }
0x198: {  	s24 =	sadd.s32 $0x80, s24;
	s26 =	sadd.s32 $0x80, s26;
	v18 =	vsel vm4, v32, v31;
	v28 =	vmul.f32 $2.000000030e-01, v25;
	v27 =	vmul.f32 v27, v33  }
0x199: {  	v29 =	vmul.f32 $2.000000030e-01, v23;
	v14 =	vadd.f32 v14, v13  }
0x19a: {  	vm4 =	vge.f32 v23, $0.0e+00;
	v30 =	vmul.f32 $2.000000030e-01, v17  }
0x19b: {  	v23 =	vsel vm4, v23, v29;
	vm4 =	vge.f32 v17, $0.0e+00;
	v29 =	vmul.f32 $2.000000030e-01, v14  }
0x19c: {  	v23 =	vperm.xlane v23, v0;
	v17 =	vsel vm4, v17, v30;
	vm4 =	vge.f32 v14, $0.0e+00  }
0x19d: {  	v17 =	vperm.xlane v17, v0;
	v14 =	vsel vm4, v14, v29  }
0x19e: {  	v16 =	vsel vm1, v16, v20;
	v20 =	vmul.f32 $1.442695020e+00, v23;
	v14 =	vperm.xlane v14, v0  }
0x19f: {  	v16 =	vperm.xlane v16, v0;
	v17 =	vmul.f32 $1.442695020e+00, v17  }
0x1a0: {  	v14 =	vmul.f32 $1.442695020e+00, v14;
	(erf) = vpow2.f32 v20  }
0x1a1: {  	v16 =	vmul.f32 $1.442695020e+00, v16;
	(erf) = vpow2.f32 v17;
	v17 =	vsel vm3, v25, v28  }
0x1a2: {  	(erf) = vpow2.f32 v14;
	v17 =	vperm.xlane v17, v0  }
0x1a3: {  	v14 =	vsel vm2, v22, v26;
	(erf) = vpow2.f32 v16  }
0x1a4: {  	v14 =	vperm.xlane v14, v0;
	v17 =	vmul.f32 $1.442695020e+00, v17  }
0x1a5: {  	v18 =	vperm.xlane v18, v0;
	v11 =	vmul.f32 v24, v11;
	v16 =	vpop (erf)  }
0x1a6: {  	v12 =	vmul.f32 $1.442695020e+00, v12;
	v20 =	vpop (erf);
	v14 =	vmul.f32 $1.442695020e+00, v14  }
0x1a7: {  	[tilespmem:s20+$0xFFFFFF90] =	vst v21;
	v18 =	vmul.f32 $1.442695020e+00, v18;
	v22 =	vpop (erf);
	(erf) = vpow2.f32 v17  }
0x1a8: {  	[tilespmem:s20+$0xFFFFFFF0] =	vst v19;
	v10 =	vmul.f32 v20, v10;
	v17 =	vpop (erf);
	(erf) = vpow2.f32 v14  }
0x1a9: {  	[tilespmem:s20+$0xFFFFFFD0] =	vst v11;
	v9 =	vmul.f32 v22, v9;
	v11 =	vpop (erf);
	(erf) = vpow2.f32 v18  }
0x1aa: {  	v1 =	vsel vm0, $0x3F800000, v1;
	[tilespmem:s20+$0xFFFFFFC0] =	vst v27;
	v14 =	vmul.f32 v16, v15;
	v15 =	vpop (erf);
	(erf) = vpow2.f32 v12  }
0x1ab: {  	[tilespmem:s20+$0xFFFFFFA0] =	vst v10;
	v1 =	vmul.f32 v17, v1  }
0x1ac: {  	v3 =	vsel vm0, $0x3F800000, v3;
	[tilespmem:s20+$0x0] =	vst v9;
	v12 =	vpop (erf)  }
0x1ad: {  	v7 =	vsel vm0, $0x3F800000, v7;
	[tilespmem:s20+$0xFFFFFFB0] =	vst v1;
	v1 =	vmul.f32 v11, v3;
	v3 =	vsel vm0, $0x3F800000, v6;
	v10 =	vpop (erf)  }
0x1ae: {  	v9 =	vsel vm0, $0x3F800000, v13;
	[tilespmem:s20+$0xFFFFFFE0] =	vst v14;
	v3 =	vmul.f32 v15, v3;
	v7 =	vmul.f32 v10, v7  }
0x1af: {  	v6 =	vmul.f32 v12, v9;
	[tilespmem:s21+$0xFFFFFF90] =	vst v1  }
0x1b0: {  	[tilespmem:s21+$0xFFFFFFC0] =	vst v7;
	v7 =	vsel vm0, $0x3F800000, v8;
	v8 =	vpop (erf)  }
0x1b1: {  	v1 =	vsel vm0, $0x3F800000, v4;
	[tilespmem:s21+$0xFFFFFFD0] =	vst v6;
	v7 =	vmul.f32 v8, v7;
	v4 =	vpop (erf)  }
0x1b2: {  	v2 =	vsel vm0, $0x3F800000, v2;
	[tilespmem:s21+$0xFFFFFFF0] =	vst v3;
	v1 =	vmul.f32 v4, v1;
	v3 =	vpop (erf)  }
0x1b3: {  	[tilespmem:s21+$0xFFFFFFE0] =	vst v7;
	v2 =	vmul.f32 v3, v2;
	v3 =	vsel vm0, $0x3F800000, v5;
	v4 =	vpop (erf)  }
0x1b4: {  	[tilespmem:s21+$0xFFFFFFA0] =	vst v1;
	v1 =	vmul.f32 v4, v3  }
0x1b5: {  	[tilespmem:s21+$0x0] =	vst v2  }
0x1b6: {  	[tilespmem:s21+$0xFFFFFFB0] =	vst v1  }
0x1b7: {  	_ =	swait.ge [sflag:s16], $0x1000  }
0x1b8: {  	[sflag:s16] =	ssyncset.done $0x0;
	s24 =	rddreg [dreg:$0xb]  }
0x1b9: {  	[sflag:s16] =	ssyncadd.s32 $0xFFFFF000;
	s20 =	sadd.s32 s24, s19  }
0x1ba: {  	[spmem:s2] =	stream.indirect.scatter.add.f32 [tilespmem:s3], [sflag:$0x5], $0x10, s28, s29, $0xb8;
	[tilespmem:$0x1FEA0] =	vst v63  }
0x1bb: {  	s20 =	sshll.u32 s20, $0x5  }
0x1bc: {  	s20 =	sadd.s32 s6, s20  }
0x1bd: {  	[tilespmem:s0], [sflag:$0x1] =	stream.strided.gather [hbm4b:s20+s29], $0x200, s30, s29, $0x38;
	[tilespmem:$0x1FEA0] =	vst v63  }
0x1be: {  	_ =	swait.ge [sflag:s11], $0x200  }
0x1bf: {  	[sflag:s11] =	ssyncset.done $0x0  }
0x1c0: {  	[sflag:s11] =	ssyncadd.s32 $0xFFFFFE00  }
0x1c1: {  	[tilespmem:s10], [sflag:$0x4] =	stream.indirect.gather [hbm4b:s4+s29], $0x10, s0, s29, $0xb8;
	[tilespmem:$0x1FEA0] =	vst v63  }
0x1c2: {  	_ = 	snop  }
0x1c3: {  	[tilespmem:s23], [sflag:$0x4] =	stream.indirect.gather [hbm4b:s5+s29], $0x10, s13, s29, $0xb8;
	[tilespmem:$0x1FEA0] =	vst v63  }
0x1c4: {  	_ =	swait.ge [sflag:s1], $0x1000  }
0x1c5: {  	[sflag:s1] =	ssyncset.done $0x0  }
0x1c6: {  	[sflag:s1] =	ssyncadd.s32 $0xFFFFF000  }
0x1c7: {  	_ =	swait.ge [sflag:s1], $0x1000  }
0x1c8: {  	[sflag:s1] =	ssyncset.done $0x0  }
0x1c9: {  	s26 =	simm.s32 $0x18EE0;
	[sflag:s1] =	ssyncadd.s32 $0xFFFFF000  }
0x1ca: {  	s20 =	simm.s32 $0x1EF10;
	v4 =	vld [tilespmem:s26+$0xFFFFFFC0]  }
0x1cb: {  	v2 =	vld [tilespmem:s20+$0xFFFFFFB0]  }
0x1cc: {  	v5 =	vld [tilespmem:s26+$0x30]  }
0x1cd: {  	v3 =	vld [tilespmem:s20+$0xFFFFFFC0]  }
0x1ce: {  	v6 =	vld [tilespmem:s20+$0x0]  }
0x1cf: {  	v7 =	vld [tilespmem:s20+$0xFFFFFFF0]  }
0x1d0: {  	v8 =	vld [tilespmem:s20+$0xFFFFFFA0]  }
0x1d1: {  	v9 =	vld [tilespmem:s20+$0xFFFFFFE0]  }
0x1d2: {  	v12 =	vld [tilespmem:s26+$0x20]  }
0x1d3: {  	v1 =	vld [tilespmem:s26+$0xFFFFFFE0]  }
0x1d4: {  	v13 =	vld [tilespmem:s26+$0xFFFFFFF0]  }
0x1d5: {  	v10 =	vld [tilespmem:s20+$0xFFFFFF90]  }
0x1d6: {  	v14 =	vld [tilespmem:s26+$0xFFFFFFD0]  }
0x1d7: {  	v15 =	vld [tilespmem:s26+$0x10]  }
0x1d8: {  	v11 =	vld [tilespmem:s20+$0xFFFFFFD0]  }
0x1d9: {  	v18 =	vld [tilespmem:s26+$0x0]  }
0x1da: {  	v6 =	vadd.f32 v6, v5  }
0x1db: {  	v2 =	vadd.f32 v2, v1;
	v17 =	vadd.f32 v3, v13  }
0x1dc: {  	v7 =	vadd.f32 v7, v12;
	v10 =	vadd.f32 v10, v4  }
0x1dd: {  	v8 =	vadd.f32 v8, v14;
	v9 =	vadd.f32 v9, v15  }
0x1de: {  	v11 =	vadd.f32 v11, v18;
	vm1 =	vge.f32 v6, $0.0e+00;
	v16 =	vmul.f32 $2.000000030e-01, v6  }
0x1df: {  	v3 =	vmul.f32 $2.000000030e-01, v2;
	v19 =	vmul.f32 $2.000000030e-01, v17;
	vm2 =	vge.f32 v2, $0.0e+00  }
0x1e0: {  	vm3 =	vge.f32 v17, $0.0e+00;
	v20 =	vmul.f32 $2.000000030e-01, v8;
	vm4 =	vge.f32 v9, $0.0e+00  }
0x1e1: {  	v2 =	vsel vm2, v2, v3;
	v16 =	vsel vm1, v6, v16;
	v6 =	vmul.f32 $2.000000030e-01, v10  }
0x1e2: {  	vm1 =	vge.f32 v10, $0.0e+00;
	v21 =	vperm.xlane v2, v0;
	v2 =	vmul.f32 $2.000000030e-01, v9  }
0x1e3: {  	s21 =	simm.s32 $0x1EF90;
	v22 =	vmul.f32 $2.000000030e-01, v7;
	vm2 =	vge.f32 v8, $0.0e+00;
	v6 =	vsel vm1, v10, v6  }
0x1e4: {  	v24 =	vld [tilespmem:s21+$0xFFFFFFC0];
	vm1 =	vge.f32 v7, $0.0e+00;
	v10 =	vmul.f32 $2.000000030e-01, v11;
	v9 =	vsel vm4, v9, v2  }
0x1e5: {  	v25 =	vld [tilespmem:s21+$0xFFFFFFA0];
	v6 =	vperm.xlane v6, v0;
	v7 =	vsel vm1, v7, v22;
	vm1 =	vge.f32 v11, $0.0e+00  }
0x1e6: {  	s24 =	simm.s32 $0x18F60;
	v28 =	vld [tilespmem:s21+$0xFFFFFFE0];
	v23 =	vperm.xlane v9, v0;
	v7 =	vperm.xlane v7, v0;
	v9 =	vsel vm1, v11, v10  }
0x1e7: {  	v3 =	vld [tilespmem:s24+$0xFFFFFFC0];
	v10 =	vsel vm3, v17, v19;
	v19 =	vmul.f32 $1.442695020e+00, v6;
	v11 =	vperm.xlane v9, v0  }
0x1e8: {  	v8 =	vsel vm2, v8, v20;
	v20 =	vld [tilespmem:s21+$0xFFFFFFB0];
	v26 =	vmul.f32 $1.442695020e+00, v7  }
0x1e9: {  	v2 =	vld [tilespmem:s24+$0x30];
	v9 =	vsel vm0, $0x3F800000, v5;
	v5 =	vmul.f32 $1.442695020e+00, v11;
	(erf) = vpow2.f32 v19  }
0x1ea: {  	v22 =	vld [tilespmem:s21+$0x0];
	(erf) = vpow2.f32 v26  }
0x1eb: {  	v10 =	vperm.xlane v10, v0;
	(erf) = vpow2.f32 v5;
	v5 =	vld [tilespmem:s24+$0xFFFFFFE0]  }
0x1ec: {  	v29 =	vsel vm0, $0x3F800000, v13;
	v8 =	vperm.xlane v8, v0;
	v17 =	vld [tilespmem:s21+$0xFFFFFFF0]  }
0x1ed: {  	v15 =	vsel vm0, $0x3F800000, v15;
	v6 =	vld [tilespmem:s24+$0x20];
	v19 =	vperm.xlane v16, v0;
	v16 =	vmul.f32 $1.442695020e+00, v10  }
0x1ee: {  	v7 =	vld [tilespmem:s24+$0xFFFFFFF0];
	v11 =	vsel vm0, $0x3F800000, v18;
	v10 =	vsel vm0, $0x3F800000, v14;
	v14 =	vmul.f32 $1.442695020e+00, v23  }
0x1ef: {  	v23 =	vmul.f32 $1.442695020e+00, v8;
	v8 =	vld [tilespmem:s24+$0x10];
	v18 =	vadd.f32 v22, v2;
	(erf) = vpow2.f32 v16  }
0x1f0: {  	v30 =	vmul.f32 $1.442695020e+00, v21;
	v22 =	vld [tilespmem:s21+$0xFFFFFF90];
	(erf) = vpow2.f32 v14;
	v14 =	vadd.f32 v20, v5  }
0x1f1: {  	v26 =	vsel vm0, $0x3F800000, v4;
	v4 =	vld [tilespmem:s24+$0xFFFFFFD0];
	v13 =	vmul.f32 $1.442695020e+00, v19;
	v27 =	vmul.f32 $2.000000030e-01, v18  }
0x1f2: {  	v12 =	vsel vm0, $0x3F800000, v12;
	(erf) = vpow2.f32 v23;
	v31 =	vmul.f32 $2.000000030e-01, v14  }
0x1f3: {  	v17 =	vadd.f32 v17, v6;
	v16 =	vadd.f32 v24, v7;
	v19 =	vpop (erf);
	vm3 =	vge.f32 v14, $0.0e+00  }
0x1f4: {  	(erf) = vpow2.f32 v13;
	v21 =	vmul.f32 v19, v26;
	v19 =	vpop (erf);
	v13 =	vsel vm3, v14, v31;
	v14 =	vld [tilespmem:s21+$0xFFFFFFD0]  }
0x1f5: {  	v23 =	vadd.f32 v22, v3;
	v19 =	vmul.f32 v19, v12;
	v12 =	vperm.xlane v13, v0;
	v13 =	vld [tilespmem:s24+$0x0]  }
0x1f6: {  	vm4 =	vge.f32 v18, $0.0e+00;
	v22 =	vadd.f32 v25, v4;
	v25 =	vadd.f32 v28, v8  }
0x1f7: {  	v18 =	vsel vm4, v18, v27;
	vm1 =	vge.f32 v16, $0.0e+00;
	v20 =	vmul.f32 $2.000000030e-01, v16;
	v24 =	vpop (erf)  }
0x1f8: {  	vm2 =	vge.f32 v22, $0.0e+00;
	v28 =	vmul.f32 $2.000000030e-01, v25;
	(erf) = vpow2.f32 v30;
	v30 =	vpop (erf)  }
0x1f9: {  	s22 =	simm.s32 $0x8;
	s26 =	simm.s32 $0x1F010;
	v26 =	vmul.f32 $2.000000030e-01, v22;
	vm3 =	vge.f32 v25, $0.0e+00;
	s24 =	simm.s32 $0x18FE0;
	v27 =	vmul.f32 v30, v29  }
.LBB2_9:
0x1fa: {  	s22 =	sadd.s32 $0x8, s22;
	v29 =	vmul.f32 $2.000000030e-01, v23;
	v30 =	vadd.f32 v14, v13;
	v14 =	vld [tilespmem:s26+$0xFFFFFFD0];
	v11 =	vmul.f32 v24, v11;
	v24 =	vpop (erf)  }
0x1fb: {  	vm4 =	vge.f32 v23, $0.0e+00;
	v22 =	vsel vm2, v22, v26;
	v31 =	vld [tilespmem:s24+$0xFFFFFFC0];
	p0 =	slt.u32 s22, $0xF8;
	v25 =	vsel vm3, v25, v28;
	[tilespmem:s20+$0xFFFFFFC0] =	vst v27;
	v26 =	vpop (erf)  }
0x1fc: {  	v28 =	vmul.f32 $2.000000030e-01, v17;
	v27 =	vld [tilespmem:s26+$0xFFFFFFB0];
	v23 =	vsel vm4, v23, v29;
	[tilespmem:s20+$0xFFFFFF90] =	vst v21;
	v29 =	vmul.f32 v24, v15  }
0x1fd: {  	vm2 =	vge.f32 v17, $0.0e+00;
	v24 =	vperm.xlane v25, v0;
	v21 =	vld [tilespmem:s24+$0x30];
	v23 =	vperm.xlane v23, v0;
	[tilespmem:s20+$0xFFFFFFD0] =	vst v11  }
0x1fe: {  	v11 =	vsel vm1, v16, v20;
	v16 =	vmul.f32 $2.000000030e-01, v30;
	v17 =	vsel vm2, v17, v28;
	v25 =	vld [tilespmem:s26+$0xFFFFFFC0];
	[tilespmem:s20+$0xFFFFFFF0] =	vst v19  }
0x1ff: {  	v32 =	vmul.f32 v26, v10;
	vm1 =	vge.f32 v30, $0.0e+00;
	v17 =	vperm.xlane v17, v0;
	v19 =	vld [tilespmem:s26+$0x0];
	[tilespmem:s20+$0xFFFFFFE0] =	vst v29;
	v15 =	vpop (erf)  }
0x200: {  	v23 =	vmul.f32 $1.442695020e+00, v23;
	v16 =	vsel vm1, v30, v16;
	v20 =	vld [tilespmem:s26+$0xFFFFFFF0];
	v15 =	vmul.f32 v15, v9  }
0x201: {  	v28 =	vperm.xlane v11, v0;
	v30 =	vsel vm0, $0x3F800000, v1;
	v11 =	vperm.xlane v16, v0;
	v26 =	vld [tilespmem:s26+$0xFFFFFFA0];
	[tilespmem:s20+$0xFFFFFFA0] =	vst v32;
	v10 =	vpop (erf)  }
0x202: {  	v1 =	vmovc v5;
	v16 =	vmul.f32 $1.442695020e+00, v17;
	v9 =	vsel vm0, $0x3F800000, v2;
	v29 =	vld [tilespmem:s26+$0xFFFFFFE0];
	v10 =	vmul.f32 v10, v30;
	[tilespmem:s20+$0x0] =	vst v15;
	v2 =	vmovc v21  }
0x203: {  	v5 =	vmul.f32 $1.442695020e+00, v11;
	v11 =	vsel vm0, $0x3F800000, v13;
	v30 =	vld [tilespmem:s24+$0x20];
	(erf) = vpow2.f32 v23  }
0x204: {  	v17 =	vperm.xlane v18, v0;
	v13 =	vld [tilespmem:s24+$0xFFFFFFF0];
	v32 =	vadd.f32 v19, v2;
	(erf) = vpow2.f32 v16;
	[tilespmem:s20+$0xFFFFFFB0] =	vst v10;
	s20 =	smov.u32 s21;
	s21 =	smov.u32 s26  }
0x205: {  	v15 =	vmul.f32 $1.442695020e+00, v28;
	v19 =	vsel vm0, $0x3F800000, v3;
	v3 =	vmovc v31;
	v18 =	vld [tilespmem:s26+$0xFFFFFF90];
	(erf) = vpow2.f32 v5  }
0x206: {  	v16 =	vperm.xlane v22, v0;
	v5 =	vld [tilespmem:s24+$0xFFFFFFE0];
	vm4 =	vge.f32 v32, $0.0e+00;
	v31 =	vmul.f32 $2.000000030e-01, v32  }
0x207: {  	v21 =	vmul.f32 $1.442695020e+00, v24;
	v10 =	vsel vm0, $0x3F800000, v4;
	v4 =	vld [tilespmem:s24+$0xFFFFFFD0];
	(erf) = vpow2.f32 v15  }
0x208: {  	v33 =	vsel vm0, $0x3F800000, v7;
	v22 =	vmul.f32 $1.442695020e+00, v16;
	v15 =	vsel vm0, $0x3F800000, v8;
	v8 =	vld [tilespmem:s24+$0x10]  }
0x209: {  	v28 =	vmul.f32 $1.442695020e+00, v17;
	v16 =	vadd.f32 v25, v13;
	(erf) = vpow2.f32 v21;
	v7 =	vmovc v13  }
0x20a: {  	v34 =	vmul.f32 $1.442695020e+00, v12;
	v17 =	vadd.f32 v20, v30;
	(erf) = vpow2.f32 v22  }
0x20b: {  	v23 =	vadd.f32 v18, v3;
	v12 =	vadd.f32 v27, v5;
	v20 =	vmul.f32 $2.000000030e-01, v16  }
0x20c: {  	v6 =	vsel vm0, $0x3F800000, v6;
	vm1 =	vge.f32 v16, $0.0e+00;
	v22 =	vadd.f32 v26, v4;
	v18 =	vpop (erf)  }
.Ltmp7:
0x20d: {  	vm3 =	vge.f32 v12, $0.0e+00;
	v35 =	vmul.f32 $2.000000030e-01, v12;
	v13 =	vld [tilespmem:s24+$0x0];
	v21 =	vmul.f32 v18, v19;
	v18 =	vpop (erf);
	(pc) =	sbr.rel @p0 .LBB2_9-.Ltmp7, $4  }
0x20e: {  	v25 =	vadd.f32 v29, v8;
	vm2 =	vge.f32 v22, $0.0e+00;
	v24 =	vpop (erf);
	(erf) = vpow2.f32 v28  }
0x20f: {  	v26 =	vmul.f32 $2.000000030e-01, v22;
	v19 =	vmul.f32 v18, v6;
	v6 =	vmovc v30;
	v12 =	vsel vm3, v12, v35  }
0x210: {  	vm3 =	vge.f32 v25, $0.0e+00;
	v12 =	vperm.xlane v12, v0;
	(erf) = vpow2.f32 v34;
	v27 =	vpop (erf)  }
0x211: {  	s26 =	sadd.s32 $0x80, s26;
	s24 =	sadd.s32 $0x80, s24;
	v18 =	vsel vm4, v32, v31;
	v28 =	vmul.f32 $2.000000030e-01, v25;
	v27 =	vmul.f32 v27, v33  }
0x212: {  	v29 =	vmul.f32 $2.000000030e-01, v23;
	v14 =	vadd.f32 v14, v13  }
0x213: {  	vm4 =	vge.f32 v23, $0.0e+00;
	v30 =	vmul.f32 $2.000000030e-01, v17  }
0x214: {  	v23 =	vsel vm4, v23, v29;
	vm4 =	vge.f32 v17, $0.0e+00;
	v29 =	vmul.f32 $2.000000030e-01, v14  }
0x215: {  	v23 =	vperm.xlane v23, v0;
	v17 =	vsel vm4, v17, v30;
	vm4 =	vge.f32 v14, $0.0e+00  }
0x216: {  	v17 =	vperm.xlane v17, v0;
	v14 =	vsel vm4, v14, v29  }
0x217: {  	v16 =	vsel vm1, v16, v20;
	v20 =	vmul.f32 $1.442695020e+00, v23;
	v14 =	vperm.xlane v14, v0  }
0x218: {  	v16 =	vperm.xlane v16, v0;
	v17 =	vmul.f32 $1.442695020e+00, v17  }
0x219: {  	v14 =	vmul.f32 $1.442695020e+00, v14;
	(erf) = vpow2.f32 v20  }
0x21a: {  	v16 =	vmul.f32 $1.442695020e+00, v16;
	(erf) = vpow2.f32 v17;
	v17 =	vsel vm3, v25, v28  }
0x21b: {  	(erf) = vpow2.f32 v14;
	v17 =	vperm.xlane v17, v0  }
0x21c: {  	v14 =	vsel vm2, v22, v26;
	(erf) = vpow2.f32 v16  }
0x21d: {  	v14 =	vperm.xlane v14, v0;
	v17 =	vmul.f32 $1.442695020e+00, v17  }
0x21e: {  	v18 =	vperm.xlane v18, v0;
	v11 =	vmul.f32 v24, v11;
	v16 =	vpop (erf)  }
0x21f: {  	v12 =	vmul.f32 $1.442695020e+00, v12;
	v20 =	vpop (erf);
	v14 =	vmul.f32 $1.442695020e+00, v14  }
0x220: {  	[tilespmem:s20+$0xFFFFFF90] =	vst v21;
	v18 =	vmul.f32 $1.442695020e+00, v18;
	v22 =	vpop (erf);
	(erf) = vpow2.f32 v17  }
0x221: {  	[tilespmem:s20+$0xFFFFFFF0] =	vst v19;
	v10 =	vmul.f32 v20, v10;
	v17 =	vpop (erf);
	(erf) = vpow2.f32 v14  }
0x222: {  	[tilespmem:s20+$0xFFFFFFD0] =	vst v11;
	v9 =	vmul.f32 v22, v9;
	v11 =	vpop (erf);
	(erf) = vpow2.f32 v18  }
0x223: {  	v1 =	vsel vm0, $0x3F800000, v1;
	[tilespmem:s20+$0xFFFFFFC0] =	vst v27;
	v14 =	vmul.f32 v16, v15;
	v15 =	vpop (erf);
	(erf) = vpow2.f32 v12  }
0x224: {  	[tilespmem:s20+$0xFFFFFFA0] =	vst v10;
	v1 =	vmul.f32 v17, v1  }
0x225: {  	v3 =	vsel vm0, $0x3F800000, v3;
	[tilespmem:s20+$0x0] =	vst v9;
	v12 =	vpop (erf)  }
0x226: {  	v7 =	vsel vm0, $0x3F800000, v7;
	[tilespmem:s20+$0xFFFFFFB0] =	vst v1;
	v1 =	vmul.f32 v11, v3;
	v3 =	vsel vm0, $0x3F800000, v6;
	v10 =	vpop (erf)  }
0x227: {  	v9 =	vsel vm0, $0x3F800000, v13;
	[tilespmem:s20+$0xFFFFFFE0] =	vst v14;
	v3 =	vmul.f32 v15, v3;
	v7 =	vmul.f32 v10, v7  }
0x228: {  	v6 =	vmul.f32 v12, v9;
	[tilespmem:s21+$0xFFFFFF90] =	vst v1  }
0x229: {  	[tilespmem:s21+$0xFFFFFFC0] =	vst v7;
	v7 =	vsel vm0, $0x3F800000, v8;
	v8 =	vpop (erf)  }
0x22a: {  	v1 =	vsel vm0, $0x3F800000, v4;
	[tilespmem:s21+$0xFFFFFFD0] =	vst v6;
	v7 =	vmul.f32 v8, v7;
	v4 =	vpop (erf)  }
0x22b: {  	v2 =	vsel vm0, $0x3F800000, v2;
	[tilespmem:s21+$0xFFFFFFF0] =	vst v3;
	v1 =	vmul.f32 v4, v1;
	v3 =	vpop (erf)  }
0x22c: {  	[tilespmem:s21+$0xFFFFFFE0] =	vst v7;
	v2 =	vmul.f32 v3, v2;
	v3 =	vsel vm0, $0x3F800000, v5;
	v4 =	vpop (erf)  }
0x22d: {  	[tilespmem:s21+$0xFFFFFFA0] =	vst v1;
	v1 =	vmul.f32 v4, v3  }
0x22e: {  	[tilespmem:s21+$0x0] =	vst v2  }
0x22f: {  	[tilespmem:s21+$0xFFFFFFB0] =	vst v1  }
0x230: {  	_ =	swait.ge [sflag:s16], $0x1000  }
0x231: {  	[sflag:s16] =	ssyncset.done $0x0;
	s22 =	rddreg [dreg:$0xc]  }
0x232: {  	[sflag:s16] =	ssyncadd.s32 $0xFFFFF000;
	s20 =	sadd.s32 s22, s19  }
0x233: {  	[spmem:s2] =	stream.indirect.scatter.add.f32 [tilespmem:s14], [sflag:$0x5], $0x10, s25, s29, $0xb8;
	[tilespmem:$0x1FEA0] =	vst v63  }
0x234: {  	p2 =	sgt.u32 s20, $0x30D3  }
0x235: {  	s20 =	sshll.u32 @!p2 s20, $0x5;
	s21 =	simm.s32 @!p2 $0x100  }
0x236: {  	s22 =	simm.s32 @!p2 $0x30D400;
	s24 =	simm.s32 @!p2 $0x18AA0;
	s20 =	sadd.s32 @!p2 s6, s20  }
0x237: {  	[tilespmem:s24], [sflag:$0x1] =	stream.strided.gather @!p2 [hbm4b:s20+s21], $0x200, s22, s21, $0x38;
	[tilespmem:$0x1FEA0] =	vst v63  }
0x238: {  	s20 =	simm.s32 @!p2 $0x1  }
0x239: {  	_ =	swait.ge @!p2 [sflag:s20], $0x200  }
0x23a: {  	[sflag:s20] =	ssyncset.done @!p2 $0x0  }
0x23b: {  	[sflag:s20] =	ssyncadd.s32 @!p2 $0xFFFFFE00;
	s20 =	simm.s32 @!p2 $0x18EA0  }
0x23c: {  	[tilespmem:s20], [sflag:$0x2] =	stream.indirect.gather @!p2 [hbm4b:s4+s21], $0x10, s24, s21, $0xb8;
	[tilespmem:$0x1FEA0] =	vst v63  }
0x23d: {  	s22 =	simm.s32 @!p2 $0x1DEA0;
	s20 =	simm.s32 @!p2 $0x18BA0  }
0x23e: {  	[tilespmem:s22], [sflag:$0x2] =	stream.indirect.gather @!p2 [hbm4b:s5+s21], $0x10, s20, s21, $0xb8;
	[tilespmem:$0x1FEA0] =	vst v63  }
0x23f: {  	_ =	swait.ge [sflag:s15], $0x1000  }
0x240: {  	[sflag:s15] =	ssyncset.done $0x0  }
0x241: {  	[sflag:s15] =	ssyncadd.s32 $0xFFFFF000  }
0x242: {  	_ =	swait.ge [sflag:s15], $0x1000  }
0x243: {  	[sflag:s15] =	ssyncset.done $0x0  }
0x244: {  	s24 =	simm.s32 $0x19F10;
	[sflag:s15] =	ssyncadd.s32 $0xFFFFF000  }
0x245: {  	s20 =	simm.s32 $0x1BEE0;
	v4 =	vld [tilespmem:s24+$0xFFFFFF90]  }
0x246: {  	v2 =	vld [tilespmem:s20+$0xFFFFFFE0]  }
0x247: {  	v5 =	vld [tilespmem:s24+$0x0]  }
0x248: {  	v3 =	vld [tilespmem:s20+$0xFFFFFFF0]  }
0x249: {  	v6 =	vld [tilespmem:s20+$0x30]  }
0x24a: {  	v7 =	vld [tilespmem:s20+$0x20]  }
0x24b: {  	v8 =	vld [tilespmem:s20+$0xFFFFFFD0]  }
0x24c: {  	v9 =	vld [tilespmem:s20+$0x10]  }
0x24d: {  	v12 =	vld [tilespmem:s24+$0xFFFFFFF0]  }
0x24e: {  	v1 =	vld [tilespmem:s24+$0xFFFFFFB0]  }
0x24f: {  	v13 =	vld [tilespmem:s24+$0xFFFFFFC0]  }
0x250: {  	v10 =	vld [tilespmem:s20+$0xFFFFFFC0]  }
0x251: {  	v14 =	vld [tilespmem:s24+$0xFFFFFFA0]  }
0x252: {  	v15 =	vld [tilespmem:s24+$0xFFFFFFE0]  }
0x253: {  	v11 =	vld [tilespmem:s20+$0x0]  }
0x254: {  	v18 =	vld [tilespmem:s24+$0xFFFFFFD0]  }
0x255: {  	v6 =	vadd.f32 v6, v5  }
0x256: {  	v2 =	vadd.f32 v2, v1;
	v17 =	vadd.f32 v3, v13  }
0x257: {  	v7 =	vadd.f32 v7, v12;
	v10 =	vadd.f32 v10, v4  }
0x258: {  	v8 =	vadd.f32 v8, v14;
	v9 =	vadd.f32 v9, v15  }
0x259: {  	v11 =	vadd.f32 v11, v18;
	vm1 =	vge.f32 v6, $0.0e+00;
	v16 =	vmul.f32 $2.000000030e-01, v6  }
0x25a: {  	v3 =	vmul.f32 $2.000000030e-01, v2;
	v19 =	vmul.f32 $2.000000030e-01, v17;
	vm2 =	vge.f32 v2, $0.0e+00  }
0x25b: {  	vm3 =	vge.f32 v17, $0.0e+00;
	v20 =	vmul.f32 $2.000000030e-01, v8;
	vm4 =	vge.f32 v9, $0.0e+00  }
0x25c: {  	v2 =	vsel vm2, v2, v3;
	v16 =	vsel vm1, v6, v16;
	v6 =	vmul.f32 $2.000000030e-01, v10  }
0x25d: {  	vm1 =	vge.f32 v10, $0.0e+00;
	v21 =	vperm.xlane v2, v0;
	v2 =	vmul.f32 $2.000000030e-01, v9  }
0x25e: {  	s21 =	simm.s32 $0x1BF60;
	v22 =	vmul.f32 $2.000000030e-01, v7;
	vm2 =	vge.f32 v8, $0.0e+00;
	v6 =	vsel vm1, v10, v6  }
0x25f: {  	v24 =	vld [tilespmem:s21+$0xFFFFFFF0];
	vm1 =	vge.f32 v7, $0.0e+00;
	v10 =	vmul.f32 $2.000000030e-01, v11;
	v9 =	vsel vm4, v9, v2  }
0x260: {  	v25 =	vld [tilespmem:s21+$0xFFFFFFD0];
	v6 =	vperm.xlane v6, v0;
	v7 =	vsel vm1, v7, v22;
	vm1 =	vge.f32 v11, $0.0e+00  }
0x261: {  	s26 =	simm.s32 $0x19F90;
	v28 =	vld [tilespmem:s21+$0x10];
	v23 =	vperm.xlane v9, v0;
	v7 =	vperm.xlane v7, v0;
	v9 =	vsel vm1, v11, v10  }
0x262: {  	v3 =	vld [tilespmem:s26+$0xFFFFFF90];
	v10 =	vsel vm3, v17, v19;
	v19 =	vmul.f32 $1.442695020e+00, v6;
	v11 =	vperm.xlane v9, v0  }
0x263: {  	v8 =	vsel vm2, v8, v20;
	v20 =	vld [tilespmem:s21+$0xFFFFFFE0];
	v26 =	vmul.f32 $1.442695020e+00, v7  }
0x264: {  	v2 =	vld [tilespmem:s26+$0x0];
	v9 =	vsel vm0, $0x3F800000, v5;
	v5 =	vmul.f32 $1.442695020e+00, v11;
	(erf) = vpow2.f32 v19  }
0x265: {  	v22 =	vld [tilespmem:s21+$0x30];
	(erf) = vpow2.f32 v26  }
0x266: {  	v10 =	vperm.xlane v10, v0;
	(erf) = vpow2.f32 v5;
	v5 =	vld [tilespmem:s26+$0xFFFFFFB0]  }
0x267: {  	v29 =	vsel vm0, $0x3F800000, v13;
	v8 =	vperm.xlane v8, v0;
	v17 =	vld [tilespmem:s21+$0x20]  }
0x268: {  	v15 =	vsel vm0, $0x3F800000, v15;
	v6 =	vld [tilespmem:s26+$0xFFFFFFF0];
	v19 =	vperm.xlane v16, v0;
	v16 =	vmul.f32 $1.442695020e+00, v10  }
0x269: {  	v7 =	vld [tilespmem:s26+$0xFFFFFFC0];
	v11 =	vsel vm0, $0x3F800000, v18;
	v10 =	vsel vm0, $0x3F800000, v14;
	v14 =	vmul.f32 $1.442695020e+00, v23  }
0x26a: {  	v23 =	vmul.f32 $1.442695020e+00, v8;
	v8 =	vld [tilespmem:s26+$0xFFFFFFE0];
	v18 =	vadd.f32 v22, v2;
	(erf) = vpow2.f32 v16  }
0x26b: {  	v30 =	vmul.f32 $1.442695020e+00, v21;
	v22 =	vld [tilespmem:s21+$0xFFFFFFC0];
	(erf) = vpow2.f32 v14;
	v14 =	vadd.f32 v20, v5  }
0x26c: {  	v26 =	vsel vm0, $0x3F800000, v4;
	v4 =	vld [tilespmem:s26+$0xFFFFFFA0];
	v13 =	vmul.f32 $1.442695020e+00, v19;
	v27 =	vmul.f32 $2.000000030e-01, v18  }
0x26d: {  	v12 =	vsel vm0, $0x3F800000, v12;
	(erf) = vpow2.f32 v23;
	v31 =	vmul.f32 $2.000000030e-01, v14  }
0x26e: {  	v17 =	vadd.f32 v17, v6;
	v16 =	vadd.f32 v24, v7;
	v19 =	vpop (erf);
	vm3 =	vge.f32 v14, $0.0e+00  }
0x26f: {  	(erf) = vpow2.f32 v13;
	v21 =	vmul.f32 v19, v26;
	v19 =	vpop (erf);
	v13 =	vsel vm3, v14, v31;
	v14 =	vld [tilespmem:s21+$0x0]  }
0x270: {  	v23 =	vadd.f32 v22, v3;
	v19 =	vmul.f32 v19, v12;
	v12 =	vperm.xlane v13, v0;
	v13 =	vld [tilespmem:s26+$0xFFFFFFD0]  }
0x271: {  	vm4 =	vge.f32 v18, $0.0e+00;
	v22 =	vadd.f32 v25, v4;
	v25 =	vadd.f32 v28, v8  }
0x272: {  	v18 =	vsel vm4, v18, v27;
	vm1 =	vge.f32 v16, $0.0e+00;
	v20 =	vmul.f32 $2.000000030e-01, v16;
	v24 =	vpop (erf)  }
0x273: {  	vm2 =	vge.f32 v22, $0.0e+00;
	v28 =	vmul.f32 $2.000000030e-01, v25;
	(erf) = vpow2.f32 v30;
	v30 =	vpop (erf)  }
0x274: {  	s22 =	simm.s32 $0x8;
	s24 =	simm.s32 $0x1BFE0;
	v26 =	vmul.f32 $2.000000030e-01, v22;
	vm3 =	vge.f32 v25, $0.0e+00;
	s26 =	simm.s32 $0x1A010;
	v27 =	vmul.f32 v30, v29  }
.LBB2_11:
0x275: {  	s22 =	sadd.s32 $0x8, s22;
	v29 =	vmul.f32 $2.000000030e-01, v23;
	v30 =	vadd.f32 v14, v13;
	v14 =	vld [tilespmem:s24+$0x0];
	v11 =	vmul.f32 v24, v11;
	v24 =	vpop (erf)  }
0x276: {  	vm4 =	vge.f32 v23, $0.0e+00;
	v22 =	vsel vm2, v22, v26;
	v31 =	vld [tilespmem:s26+$0xFFFFFF90];
	p0 =	slt.u32 s22, $0xF8;
	v25 =	vsel vm3, v25, v28;
	[tilespmem:s20+$0xFFFFFFF0] =	vst v27;
	v26 =	vpop (erf)  }
0x277: {  	v28 =	vmul.f32 $2.000000030e-01, v17;
	v27 =	vld [tilespmem:s24+$0xFFFFFFE0];
	v23 =	vsel vm4, v23, v29;
	[tilespmem:s20+$0xFFFFFFC0] =	vst v21;
	v29 =	vmul.f32 v24, v15  }
0x278: {  	vm2 =	vge.f32 v17, $0.0e+00;
	v24 =	vperm.xlane v25, v0;
	v21 =	vld [tilespmem:s26+$0x0];
	v23 =	vperm.xlane v23, v0;
	[tilespmem:s20+$0x0] =	vst v11  }
0x279: {  	v11 =	vsel vm1, v16, v20;
	v16 =	vmul.f32 $2.000000030e-01, v30;
	v17 =	vsel vm2, v17, v28;
	v25 =	vld [tilespmem:s24+$0xFFFFFFF0];
	[tilespmem:s20+$0x20] =	vst v19  }
0x27a: {  	v32 =	vmul.f32 v26, v10;
	vm1 =	vge.f32 v30, $0.0e+00;
	v17 =	vperm.xlane v17, v0;
	v19 =	vld [tilespmem:s24+$0x30];
	[tilespmem:s20+$0x10] =	vst v29;
	v15 =	vpop (erf)  }
0x27b: {  	v23 =	vmul.f32 $1.442695020e+00, v23;
	v16 =	vsel vm1, v30, v16;
	v20 =	vld [tilespmem:s24+$0x20];
	v15 =	vmul.f32 v15, v9  }
0x27c: {  	v28 =	vperm.xlane v11, v0;
	v30 =	vsel vm0, $0x3F800000, v1;
	v11 =	vperm.xlane v16, v0;
	v26 =	vld [tilespmem:s24+$0xFFFFFFD0];
	[tilespmem:s20+$0xFFFFFFD0] =	vst v32;
	v10 =	vpop (erf)  }
0x27d: {  	v1 =	vmovc v5;
	v16 =	vmul.f32 $1.442695020e+00, v17;
	v9 =	vsel vm0, $0x3F800000, v2;
	v29 =	vld [tilespmem:s24+$0x10];
	v10 =	vmul.f32 v10, v30;
	[tilespmem:s20+$0x30] =	vst v15;
	v2 =	vmovc v21  }
0x27e: {  	v5 =	vmul.f32 $1.442695020e+00, v11;
	v11 =	vsel vm0, $0x3F800000, v13;
	v30 =	vld [tilespmem:s26+$0xFFFFFFF0];
	(erf) = vpow2.f32 v23  }
0x27f: {  	v17 =	vperm.xlane v18, v0;
	v13 =	vld [tilespmem:s26+$0xFFFFFFC0];
	v32 =	vadd.f32 v19, v2;
	(erf) = vpow2.f32 v16;
	[tilespmem:s20+$0xFFFFFFE0] =	vst v10;
	s20 =	smov.u32 s21;
	s21 =	smov.u32 s24  }
0x280: {  	v15 =	vmul.f32 $1.442695020e+00, v28;
	v19 =	vsel vm0, $0x3F800000, v3;
	v3 =	vmovc v31;
	v18 =	vld [tilespmem:s24+$0xFFFFFFC0];
	(erf) = vpow2.f32 v5  }
0x281: {  	v16 =	vperm.xlane v22, v0;
	v5 =	vld [tilespmem:s26+$0xFFFFFFB0];
	vm4 =	vge.f32 v32, $0.0e+00;
	v31 =	vmul.f32 $2.000000030e-01, v32  }
0x282: {  	v21 =	vmul.f32 $1.442695020e+00, v24;
	v10 =	vsel vm0, $0x3F800000, v4;
	v4 =	vld [tilespmem:s26+$0xFFFFFFA0];
	(erf) = vpow2.f32 v15  }
0x283: {  	v33 =	vsel vm0, $0x3F800000, v7;
	v22 =	vmul.f32 $1.442695020e+00, v16;
	v15 =	vsel vm0, $0x3F800000, v8;
	v8 =	vld [tilespmem:s26+$0xFFFFFFE0]  }
0x284: {  	v28 =	vmul.f32 $1.442695020e+00, v17;
	v16 =	vadd.f32 v25, v13;
	(erf) = vpow2.f32 v21;
	v7 =	vmovc v13  }
0x285: {  	v34 =	vmul.f32 $1.442695020e+00, v12;
	v17 =	vadd.f32 v20, v30;
	(erf) = vpow2.f32 v22  }
0x286: {  	v23 =	vadd.f32 v18, v3;
	v12 =	vadd.f32 v27, v5;
	v20 =	vmul.f32 $2.000000030e-01, v16  }
0x287: {  	v6 =	vsel vm0, $0x3F800000, v6;
	vm1 =	vge.f32 v16, $0.0e+00;
	v22 =	vadd.f32 v26, v4;
	v18 =	vpop (erf)  }
.Ltmp8:
0x288: {  	vm3 =	vge.f32 v12, $0.0e+00;
	v35 =	vmul.f32 $2.000000030e-01, v12;
	v13 =	vld [tilespmem:s26+$0xFFFFFFD0];
	v21 =	vmul.f32 v18, v19;
	v18 =	vpop (erf);
	(pc) =	sbr.rel @p0 .LBB2_11-.Ltmp8, $4  }
0x289: {  	v25 =	vadd.f32 v29, v8;
	vm2 =	vge.f32 v22, $0.0e+00;
	v24 =	vpop (erf);
	(erf) = vpow2.f32 v28  }
0x28a: {  	v26 =	vmul.f32 $2.000000030e-01, v22;
	v19 =	vmul.f32 v18, v6;
	v6 =	vmovc v30;
	v12 =	vsel vm3, v12, v35  }
0x28b: {  	vm3 =	vge.f32 v25, $0.0e+00;
	v12 =	vperm.xlane v12, v0;
	(erf) = vpow2.f32 v34;
	v27 =	vpop (erf)  }
0x28c: {  	s24 =	sadd.s32 $0x80, s24;
	s26 =	sadd.s32 $0x80, s26;
	v18 =	vsel vm4, v32, v31;
	v28 =	vmul.f32 $2.000000030e-01, v25;
	v27 =	vmul.f32 v27, v33  }
0x28d: {  	v29 =	vmul.f32 $2.000000030e-01, v23;
	v14 =	vadd.f32 v14, v13  }
0x28e: {  	vm4 =	vge.f32 v23, $0.0e+00;
	v30 =	vmul.f32 $2.000000030e-01, v17  }
0x28f: {  	v23 =	vsel vm4, v23, v29;
	vm4 =	vge.f32 v17, $0.0e+00;
	v29 =	vmul.f32 $2.000000030e-01, v14  }
0x290: {  	v23 =	vperm.xlane v23, v0;
	v17 =	vsel vm4, v17, v30;
	vm4 =	vge.f32 v14, $0.0e+00  }
0x291: {  	v17 =	vperm.xlane v17, v0;
	v14 =	vsel vm4, v14, v29  }
0x292: {  	v16 =	vsel vm1, v16, v20;
	v20 =	vmul.f32 $1.442695020e+00, v23;
	v14 =	vperm.xlane v14, v0  }
0x293: {  	v16 =	vperm.xlane v16, v0;
	v17 =	vmul.f32 $1.442695020e+00, v17  }
0x294: {  	v14 =	vmul.f32 $1.442695020e+00, v14;
	(erf) = vpow2.f32 v20  }
0x295: {  	v16 =	vmul.f32 $1.442695020e+00, v16;
	(erf) = vpow2.f32 v17;
	v17 =	vsel vm3, v25, v28  }
0x296: {  	(erf) = vpow2.f32 v14;
	v17 =	vperm.xlane v17, v0  }
0x297: {  	v14 =	vsel vm2, v22, v26;
	(erf) = vpow2.f32 v16  }
0x298: {  	v14 =	vperm.xlane v14, v0;
	v17 =	vmul.f32 $1.442695020e+00, v17  }
0x299: {  	v18 =	vperm.xlane v18, v0;
	v11 =	vmul.f32 v24, v11;
	v16 =	vpop (erf)  }
0x29a: {  	v12 =	vmul.f32 $1.442695020e+00, v12;
	v20 =	vpop (erf);
	v14 =	vmul.f32 $1.442695020e+00, v14  }
0x29b: {  	[tilespmem:s20+$0xFFFFFFC0] =	vst v21;
	v18 =	vmul.f32 $1.442695020e+00, v18;
	v22 =	vpop (erf);
	(erf) = vpow2.f32 v17  }
0x29c: {  	[tilespmem:s20+$0x20] =	vst v19;
	v10 =	vmul.f32 v20, v10;
	v17 =	vpop (erf);
	(erf) = vpow2.f32 v14  }
0x29d: {  	[tilespmem:s20+$0x0] =	vst v11;
	v9 =	vmul.f32 v22, v9;
	v11 =	vpop (erf);
	(erf) = vpow2.f32 v18  }
0x29e: {  	v1 =	vsel vm0, $0x3F800000, v1;
	[tilespmem:s20+$0xFFFFFFF0] =	vst v27;
	v14 =	vmul.f32 v16, v15;
	v15 =	vpop (erf);
	(erf) = vpow2.f32 v12  }
0x29f: {  	[tilespmem:s20+$0xFFFFFFD0] =	vst v10;
	v1 =	vmul.f32 v17, v1  }
0x2a0: {  	v3 =	vsel vm0, $0x3F800000, v3;
	[tilespmem:s20+$0x30] =	vst v9;
	v12 =	vpop (erf)  }
0x2a1: {  	v7 =	vsel vm0, $0x3F800000, v7;
	[tilespmem:s20+$0xFFFFFFE0] =	vst v1;
	v1 =	vmul.f32 v11, v3;
	v3 =	vsel vm0, $0x3F800000, v6;
	v10 =	vpop (erf)  }
0x2a2: {  	v9 =	vsel vm0, $0x3F800000, v13;
	[tilespmem:s20+$0x10] =	vst v14;
	v3 =	vmul.f32 v15, v3;
	v7 =	vmul.f32 v10, v7  }
0x2a3: {  	v6 =	vmul.f32 v12, v9;
	[tilespmem:s21+$0xFFFFFFC0] =	vst v1  }
0x2a4: {  	[tilespmem:s21+$0xFFFFFFF0] =	vst v7;
	v7 =	vsel vm0, $0x3F800000, v8;
	v8 =	vpop (erf)  }
0x2a5: {  	v1 =	vsel vm0, $0x3F800000, v4;
	[tilespmem:s21+$0x0] =	vst v6;
	v7 =	vmul.f32 v8, v7;
	v4 =	vpop (erf)  }
0x2a6: {  	v2 =	vsel vm0, $0x3F800000, v2;
	[tilespmem:s21+$0x20] =	vst v3;
	v1 =	vmul.f32 v4, v1;
	v3 =	vpop (erf)  }
0x2a7: {  	[tilespmem:s21+$0x10] =	vst v7;
	v2 =	vmul.f32 v3, v2;
	v3 =	vsel vm0, $0x3F800000, v5;
	v4 =	vpop (erf)  }
0x2a8: {  	[tilespmem:s21+$0xFFFFFFD0] =	vst v1;
	v1 =	vmul.f32 v4, v3  }
0x2a9: {  	[tilespmem:s21+$0x30] =	vst v2  }
0x2aa: {  	[tilespmem:s21+$0xFFFFFFE0] =	vst v1  }
0x2ab: {  	_ =	swait.ge [sflag:s16], $0x1000  }
0x2ac: {  	[sflag:s16] =	ssyncset.done $0x0;
	s22 =	rddreg [dreg:$0xd]  }
0x2ad: {  	[sflag:s16] =	ssyncadd.s32 $0xFFFFF000;
	s20 =	sadd.s32 s22, s19  }
0x2ae: {  	[spmem:s2] =	stream.indirect.scatter.add.f32 [tilespmem:s9], [sflag:$0x5], $0x10, s8, s29, $0xb8;
	[tilespmem:$0x1FEA0] =	vst v63  }
0x2af: {  	p3 =	sgt.u32 s20, $0x30D3  }
0x2b0: {  	s20 =	sshll.u32 @!p3 s20, $0x5;
	s21 =	simm.s32 @!p3 $0x100  }
0x2b1: {  	s22 =	simm.s32 @!p3 $0x30D400;
	s24 =	simm.s32 @!p3 $0x18CA0;
	s20 =	sadd.s32 @!p3 s6, s20  }
0x2b2: {  	[tilespmem:s24], [sflag:$0x1] =	stream.strided.gather @!p3 [hbm4b:s20+s21], $0x200, s22, s21, $0x38;
	[tilespmem:$0x1FEA0] =	vst v63  }
0x2b3: {  	s20 =	simm.s32 @!p3 $0x1  }
0x2b4: {  	_ =	swait.ge @!p3 [sflag:s20], $0x200  }
0x2b5: {  	[sflag:s20] =	ssyncset.done @!p3 $0x0  }
0x2b6: {  	[sflag:s20] =	ssyncadd.s32 @!p3 $0xFFFFFE00;
	s20 =	simm.s32 @!p3 $0x19EA0  }
0x2b7: {  	[tilespmem:s20], [sflag:$0x3] =	stream.indirect.gather @!p3 [hbm4b:s4+s21], $0x10, s24, s21, $0xb8;
	[tilespmem:$0x1FEA0] =	vst v63  }
0x2b8: {  	s22 =	simm.s32 @!p3 $0x1EEA0;
	s20 =	simm.s32 @!p3 $0x18DA0  }
0x2b9: {  	[tilespmem:s22], [sflag:$0x3] =	stream.indirect.gather @!p3 [hbm4b:s5+s21], $0x10, s20, s21, $0xb8;
	[tilespmem:$0x1FEA0] =	vst v63  }
0x2ba: {  	_ =	swait.ge [sflag:s17], $0x1000  }
0x2bb: {  	[sflag:s17] =	ssyncset.done $0x0  }
0x2bc: {  	[sflag:s17] =	ssyncadd.s32 $0xFFFFF000  }
0x2bd: {  	_ =	swait.ge [sflag:s17], $0x1000  }
0x2be: {  	[sflag:s17] =	ssyncset.done $0x0  }
0x2bf: {  	s24 =	simm.s32 $0x1AF10;
	[sflag:s17] =	ssyncadd.s32 $0xFFFFF000  }
0x2c0: {  	s20 =	simm.s32 $0x1CF10;
	v4 =	vld [tilespmem:s24+$0xFFFFFF90]  }
0x2c1: {  	v2 =	vld [tilespmem:s20+$0xFFFFFFB0]  }
0x2c2: {  	v5 =	vld [tilespmem:s24+$0x0]  }
0x2c3: {  	v3 =	vld [tilespmem:s20+$0xFFFFFFC0]  }
0x2c4: {  	v6 =	vld [tilespmem:s20+$0x0]  }
0x2c5: {  	v7 =	vld [tilespmem:s20+$0xFFFFFFF0]  }
0x2c6: {  	v8 =	vld [tilespmem:s20+$0xFFFFFFA0]  }
0x2c7: {  	v9 =	vld [tilespmem:s20+$0xFFFFFFE0]  }
0x2c8: {  	v12 =	vld [tilespmem:s24+$0xFFFFFFF0]  }
0x2c9: {  	v1 =	vld [tilespmem:s24+$0xFFFFFFB0]  }
0x2ca: {  	v13 =	vld [tilespmem:s24+$0xFFFFFFC0]  }
0x2cb: {  	v10 =	vld [tilespmem:s20+$0xFFFFFF90]  }
0x2cc: {  	v14 =	vld [tilespmem:s24+$0xFFFFFFA0]  }
0x2cd: {  	v15 =	vld [tilespmem:s24+$0xFFFFFFE0]  }
0x2ce: {  	v11 =	vld [tilespmem:s20+$0xFFFFFFD0]  }
0x2cf: {  	v18 =	vld [tilespmem:s24+$0xFFFFFFD0]  }
0x2d0: {  	v6 =	vadd.f32 v6, v5  }
0x2d1: {  	v2 =	vadd.f32 v2, v1;
	v17 =	vadd.f32 v3, v13  }
0x2d2: {  	v7 =	vadd.f32 v7, v12;
	v10 =	vadd.f32 v10, v4  }
0x2d3: {  	v8 =	vadd.f32 v8, v14;
	v9 =	vadd.f32 v9, v15  }
0x2d4: {  	v11 =	vadd.f32 v11, v18;
	vm1 =	vge.f32 v6, $0.0e+00;
	v16 =	vmul.f32 $2.000000030e-01, v6  }
0x2d5: {  	v3 =	vmul.f32 $2.000000030e-01, v2;
	v19 =	vmul.f32 $2.000000030e-01, v17;
	vm2 =	vge.f32 v2, $0.0e+00  }
0x2d6: {  	vm3 =	vge.f32 v17, $0.0e+00;
	v20 =	vmul.f32 $2.000000030e-01, v8;
	vm4 =	vge.f32 v9, $0.0e+00  }
0x2d7: {  	v2 =	vsel vm2, v2, v3;
	v16 =	vsel vm1, v6, v16;
	v6 =	vmul.f32 $2.000000030e-01, v10  }
0x2d8: {  	vm1 =	vge.f32 v10, $0.0e+00;
	v21 =	vperm.xlane v2, v0;
	v2 =	vmul.f32 $2.000000030e-01, v9  }
0x2d9: {  	s21 =	simm.s32 $0x1CF90;
	v22 =	vmul.f32 $2.000000030e-01, v7;
	vm2 =	vge.f32 v8, $0.0e+00;
	v6 =	vsel vm1, v10, v6  }
0x2da: {  	v24 =	vld [tilespmem:s21+$0xFFFFFFC0];
	vm1 =	vge.f32 v7, $0.0e+00;
	v10 =	vmul.f32 $2.000000030e-01, v11;
	v9 =	vsel vm4, v9, v2  }
0x2db: {  	v25 =	vld [tilespmem:s21+$0xFFFFFFA0];
	v6 =	vperm.xlane v6, v0;
	v7 =	vsel vm1, v7, v22;
	vm1 =	vge.f32 v11, $0.0e+00  }
0x2dc: {  	s26 =	simm.s32 $0x1AF90;
	v28 =	vld [tilespmem:s21+$0xFFFFFFE0];
	v23 =	vperm.xlane v9, v0;
	v7 =	vperm.xlane v7, v0;
	v9 =	vsel vm1, v11, v10  }
0x2dd: {  	v3 =	vld [tilespmem:s26+$0xFFFFFF90];
	v10 =	vsel vm3, v17, v19;
	v19 =	vmul.f32 $1.442695020e+00, v6;
	v11 =	vperm.xlane v9, v0  }
0x2de: {  	v8 =	vsel vm2, v8, v20;
	v20 =	vld [tilespmem:s21+$0xFFFFFFB0];
	v26 =	vmul.f32 $1.442695020e+00, v7  }
0x2df: {  	v2 =	vld [tilespmem:s26+$0x0];
	v9 =	vsel vm0, $0x3F800000, v5;
	v5 =	vmul.f32 $1.442695020e+00, v11;
	(erf) = vpow2.f32 v19  }
0x2e0: {  	v22 =	vld [tilespmem:s21+$0x0];
	(erf) = vpow2.f32 v26  }
0x2e1: {  	v10 =	vperm.xlane v10, v0;
	(erf) = vpow2.f32 v5;
	v5 =	vld [tilespmem:s26+$0xFFFFFFB0]  }
0x2e2: {  	v29 =	vsel vm0, $0x3F800000, v13;
	v8 =	vperm.xlane v8, v0;
	v17 =	vld [tilespmem:s21+$0xFFFFFFF0]  }
0x2e3: {  	v15 =	vsel vm0, $0x3F800000, v15;
	v6 =	vld [tilespmem:s26+$0xFFFFFFF0];
	v19 =	vperm.xlane v16, v0;
	v16 =	vmul.f32 $1.442695020e+00, v10  }
0x2e4: {  	v7 =	vld [tilespmem:s26+$0xFFFFFFC0];
	v11 =	vsel vm0, $0x3F800000, v18;
	v10 =	vsel vm0, $0x3F800000, v14;
	v14 =	vmul.f32 $1.442695020e+00, v23  }
0x2e5: {  	v23 =	vmul.f32 $1.442695020e+00, v8;
	v8 =	vld [tilespmem:s26+$0xFFFFFFE0];
	v18 =	vadd.f32 v22, v2;
	(erf) = vpow2.f32 v16  }
0x2e6: {  	v30 =	vmul.f32 $1.442695020e+00, v21;
	v22 =	vld [tilespmem:s21+$0xFFFFFF90];
	(erf) = vpow2.f32 v14;
	v14 =	vadd.f32 v20, v5  }
0x2e7: {  	v26 =	vsel vm0, $0x3F800000, v4;
	v4 =	vld [tilespmem:s26+$0xFFFFFFA0];
	v13 =	vmul.f32 $1.442695020e+00, v19;
	v27 =	vmul.f32 $2.000000030e-01, v18  }
0x2e8: {  	v12 =	vsel vm0, $0x3F800000, v12;
	(erf) = vpow2.f32 v23;
	v31 =	vmul.f32 $2.000000030e-01, v14  }
0x2e9: {  	v17 =	vadd.f32 v17, v6;
	v16 =	vadd.f32 v24, v7;
	v19 =	vpop (erf);
	vm3 =	vge.f32 v14, $0.0e+00  }
0x2ea: {  	(erf) = vpow2.f32 v13;
	v21 =	vmul.f32 v19, v26;
	v19 =	vpop (erf);
	v13 =	vsel vm3, v14, v31;
	v14 =	vld [tilespmem:s21+$0xFFFFFFD0]  }
0x2eb: {  	v23 =	vadd.f32 v22, v3;
	v19 =	vmul.f32 v19, v12;
	v12 =	vperm.xlane v13, v0;
	v13 =	vld [tilespmem:s26+$0xFFFFFFD0]  }
0x2ec: {  	vm4 =	vge.f32 v18, $0.0e+00;
	v22 =	vadd.f32 v25, v4;
	v25 =	vadd.f32 v28, v8  }
0x2ed: {  	v18 =	vsel vm4, v18, v27;
	vm1 =	vge.f32 v16, $0.0e+00;
	v20 =	vmul.f32 $2.000000030e-01, v16;
	v24 =	vpop (erf)  }
0x2ee: {  	vm2 =	vge.f32 v22, $0.0e+00;
	v28 =	vmul.f32 $2.000000030e-01, v25;
	(erf) = vpow2.f32 v30;
	v30 =	vpop (erf)  }
0x2ef: {  	s22 =	simm.s32 $0x8;
	s24 =	simm.s32 $0x1B010;
	v26 =	vmul.f32 $2.000000030e-01, v22;
	vm3 =	vge.f32 v25, $0.0e+00;
	s26 =	simm.s32 $0x1D010;
	v27 =	vmul.f32 v30, v29  }
.LBB2_13:
0x2f0: {  	s22 =	sadd.s32 $0x8, s22;
	v29 =	vmul.f32 $2.000000030e-01, v23;
	v30 =	vadd.f32 v14, v13;
	v14 =	vld [tilespmem:s26+$0xFFFFFFD0];
	v11 =	vmul.f32 v24, v11;
	v24 =	vpop (erf)  }
0x2f1: {  	vm4 =	vge.f32 v23, $0.0e+00;
	v22 =	vsel vm2, v22, v26;
	v31 =	vld [tilespmem:s24+$0xFFFFFF90];
	p0 =	slt.u32 s22, $0xF8;
	v25 =	vsel vm3, v25, v28;
	[tilespmem:s20+$0xFFFFFFC0] =	vst v27;
	v26 =	vpop (erf)  }
0x2f2: {  	v28 =	vmul.f32 $2.000000030e-01, v17;
	v27 =	vld [tilespmem:s26+$0xFFFFFFB0];
	v23 =	vsel vm4, v23, v29;
	[tilespmem:s20+$0xFFFFFF90] =	vst v21;
	v29 =	vmul.f32 v24, v15  }
0x2f3: {  	vm2 =	vge.f32 v17, $0.0e+00;
	v24 =	vperm.xlane v25, v0;
	v21 =	vld [tilespmem:s24+$0x0];
	v23 =	vperm.xlane v23, v0;
	[tilespmem:s20+$0xFFFFFFD0] =	vst v11  }
0x2f4: {  	v11 =	vsel vm1, v16, v20;
	v16 =	vmul.f32 $2.000000030e-01, v30;
	v17 =	vsel vm2, v17, v28;
	v25 =	vld [tilespmem:s26+$0xFFFFFFC0];
	[tilespmem:s20+$0xFFFFFFF0] =	vst v19  }
0x2f5: {  	v32 =	vmul.f32 v26, v10;
	vm1 =	vge.f32 v30, $0.0e+00;
	v17 =	vperm.xlane v17, v0;
	v19 =	vld [tilespmem:s26+$0x0];
	[tilespmem:s20+$0xFFFFFFE0] =	vst v29;
	v15 =	vpop (erf)  }
0x2f6: {  	v23 =	vmul.f32 $1.442695020e+00, v23;
	v16 =	vsel vm1, v30, v16;
	v20 =	vld [tilespmem:s26+$0xFFFFFFF0];
	v15 =	vmul.f32 v15, v9  }
0x2f7: {  	v28 =	vperm.xlane v11, v0;
	v30 =	vsel vm0, $0x3F800000, v1;
	v11 =	vperm.xlane v16, v0;
	v26 =	vld [tilespmem:s26+$0xFFFFFFA0];
	[tilespmem:s20+$0xFFFFFFA0] =	vst v32;
	v10 =	vpop (erf)  }
0x2f8: {  	v1 =	vmovc v5;
	v16 =	vmul.f32 $1.442695020e+00, v17;
	v9 =	vsel vm0, $0x3F800000, v2;
	v29 =	vld [tilespmem:s26+$0xFFFFFFE0];
	v10 =	vmul.f32 v10, v30;
	[tilespmem:s20+$0x0] =	vst v15;
	v2 =	vmovc v21  }
0x2f9: {  	v5 =	vmul.f32 $1.442695020e+00, v11;
	v11 =	vsel vm0, $0x3F800000, v13;
	v30 =	vld [tilespmem:s24+$0xFFFFFFF0];
	(erf) = vpow2.f32 v23  }
0x2fa: {  	v17 =	vperm.xlane v18, v0;
	v13 =	vld [tilespmem:s24+$0xFFFFFFC0];
	v32 =	vadd.f32 v19, v2;
	(erf) = vpow2.f32 v16;
	[tilespmem:s20+$0xFFFFFFB0] =	vst v10;
	s20 =	smov.u32 s21;
	s21 =	smov.u32 s26  }
0x2fb: {  	v15 =	vmul.f32 $1.442695020e+00, v28;
	v19 =	vsel vm0, $0x3F800000, v3;
	v3 =	vmovc v31;
	v18 =	vld [tilespmem:s26+$0xFFFFFF90];
	(erf) = vpow2.f32 v5  }
0x2fc: {  	v16 =	vperm.xlane v22, v0;
	v5 =	vld [tilespmem:s24+$0xFFFFFFB0];
	vm4 =	vge.f32 v32, $0.0e+00;
	v31 =	vmul.f32 $2.000000030e-01, v32  }
0x2fd: {  	v21 =	vmul.f32 $1.442695020e+00, v24;
	v10 =	vsel vm0, $0x3F800000, v4;
	v4 =	vld [tilespmem:s24+$0xFFFFFFA0];
	(erf) = vpow2.f32 v15  }
0x2fe: {  	v33 =	vsel vm0, $0x3F800000, v7;
	v22 =	vmul.f32 $1.442695020e+00, v16;
	v15 =	vsel vm0, $0x3F800000, v8;
	v8 =	vld [tilespmem:s24+$0xFFFFFFE0]  }
0x2ff: {  	v28 =	vmul.f32 $1.442695020e+00, v17;
	v16 =	vadd.f32 v25, v13;
	(erf) = vpow2.f32 v21;
	v7 =	vmovc v13  }
0x300: {  	v34 =	vmul.f32 $1.442695020e+00, v12;
	v17 =	vadd.f32 v20, v30;
	(erf) = vpow2.f32 v22  }
0x301: {  	v23 =	vadd.f32 v18, v3;
	v12 =	vadd.f32 v27, v5;
	v20 =	vmul.f32 $2.000000030e-01, v16  }
0x302: {  	v6 =	vsel vm0, $0x3F800000, v6;
	vm1 =	vge.f32 v16, $0.0e+00;
	v22 =	vadd.f32 v26, v4;
	v18 =	vpop (erf)  }
.Ltmp9:
0x303: {  	vm3 =	vge.f32 v12, $0.0e+00;
	v35 =	vmul.f32 $2.000000030e-01, v12;
	v13 =	vld [tilespmem:s24+$0xFFFFFFD0];
	v21 =	vmul.f32 v18, v19;
	v18 =	vpop (erf);
	(pc) =	sbr.rel @p0 .LBB2_13-.Ltmp9, $4  }
0x304: {  	v25 =	vadd.f32 v29, v8;
	vm2 =	vge.f32 v22, $0.0e+00;
	v24 =	vpop (erf);
	(erf) = vpow2.f32 v28  }
0x305: {  	v26 =	vmul.f32 $2.000000030e-01, v22;
	v19 =	vmul.f32 v18, v6;
	v6 =	vmovc v30;
	v12 =	vsel vm3, v12, v35  }
0x306: {  	vm3 =	vge.f32 v25, $0.0e+00;
	v12 =	vperm.xlane v12, v0;
	(erf) = vpow2.f32 v34;
	v27 =	vpop (erf)  }
0x307: {  	s26 =	sadd.s32 $0x80, s26;
	s24 =	sadd.s32 $0x80, s24;
	v18 =	vsel vm4, v32, v31;
	v28 =	vmul.f32 $2.000000030e-01, v25;
	v27 =	vmul.f32 v27, v33  }
0x308: {  	v29 =	vmul.f32 $2.000000030e-01, v23;
	v14 =	vadd.f32 v14, v13;
	vm4 =	vge.f32 v23, $0.0e+00  }
0x309: {  	v30 =	vmul.f32 $2.000000030e-01, v17;
	vm14 =	vge.f32 v17, $0.0e+00;
	v16 =	vsel vm1, v16, v20  }
0x30a: {  	v18 =	vperm.xlane v18, v0;
	v23 =	vsel vm4, v23, v29;
	v45 =	vmul.f32 $2.000000030e-01, v14  }
0x30b: {  	v17 =	vsel vm14, v17, v30;
	vm15 =	vge.f32 v14, $0.0e+00;
	v23 =	vperm.xlane v23, v0  }
0x30c: {  	v16 =	vperm.xlane v16, v0;
	v17 =	vperm.xlane v17, v0;
	v14 =	vsel vm15, v14, v45  }
0x30d: {  	v46 =	vmul.f32 $1.442695020e+00, v23;
	v14 =	vperm.xlane v14, v0  }
0x30e: {  	v16 =	vmul.f32 $1.442695020e+00, v16;
	v17 =	vmul.f32 $1.442695020e+00, v17  }
0x30f: {  	v47 =	vsel vm3, v25, v28;
	v14 =	vmul.f32 $1.442695020e+00, v14;
	(erf) = vpow2.f32 v46  }
0x310: {  	v48 =	vsel vm2, v22, v26;
	(erf) = vpow2.f32 v17;
	v17 =	vperm.xlane v47, v0  }
0x311: {  	(erf) = vpow2.f32 v14;
	v14 =	vperm.xlane v48, v0  }
0x312: {  	(erf) = vpow2.f32 v16;
	v17 =	vmul.f32 $1.442695020e+00, v17  }
0x313: {  	v49 =	vpop (erf);
	v11 =	vmul.f32 v24, v11;
	v14 =	vmul.f32 $1.442695020e+00, v14  }
0x314: {  	[tilespmem:s20+$0xFFFFFF90] =	vst v21;
	v50 =	vpop (erf);
	v18 =	vmul.f32 $1.442695020e+00, v18;
	(erf) = vpow2.f32 v17  }
0x315: {  	v12 =	vmul.f32 $1.442695020e+00, v12;
	[tilespmem:s20+$0xFFFFFFF0] =	vst v19;
	(erf) = vpow2.f32 v14  }
0x316: {  	[tilespmem:s20+$0xFFFFFFC0] =	vst v27;
	v53 =	vmul.f32 v49, v15;
	v51 =	vpop (erf);
	(erf) = vpow2.f32 v18  }
0x317: {  	v1 =	vsel vm0, $0x3F800000, v1;
	[tilespmem:s20+$0xFFFFFFD0] =	vst v11;
	v10 =	vmul.f32 v50, v10;
	v52 =	vpop (erf);
	(erf) = vpow2.f32 v12  }
0x318: {  	[tilespmem:s20+$0xFFFFFFE0] =	vst v53;
	v1 =	vmul.f32 v52, v1;
	v54 =	vpop (erf)  }
0x319: {  	v3 =	vsel vm0, $0x3F800000, v3;
	[tilespmem:s20+$0xFFFFFFA0] =	vst v10;
	v9 =	vmul.f32 v51, v9;
	v55 =	vpop (erf)  }
0x31a: {  	[tilespmem:s20+$0xFFFFFFB0] =	vst v1;
	v1 =	vmul.f32 v54, v3;
	v3 =	vsel vm0, $0x3F800000, v6;
	v56 =	vpop (erf)  }
0x31b: {  	v7 =	vsel vm0, $0x3F800000, v7;
	[tilespmem:s20+$0x0] =	vst v9;
	v3 =	vmul.f32 v55, v3;
	v57 =	vpop (erf)  }
0x31c: {  	v58 =	vsel vm0, $0x3F800000, v13;
	[tilespmem:s21+$0xFFFFFF90] =	vst v1;
	v7 =	vmul.f32 v57, v7  }
0x31d: {  	v60 =	vsel vm0, $0x3F800000, v8;
	v59 =	vmul.f32 v56, v58;
	[tilespmem:s21+$0xFFFFFFF0] =	vst v3;
	v61 =	vpop (erf)  }
0x31e: {  	v1 =	vsel vm0, $0x3F800000, v4;
	[tilespmem:s21+$0xFFFFFFC0] =	vst v7;
	v62 =	vpop (erf);
	v7 =	vmul.f32 v61, v60  }
0x31f: {  	v2 =	vsel vm0, $0x3F800000, v2;
	[tilespmem:s21+$0xFFFFFFD0] =	vst v59;
	v1 =	vmul.f32 v62, v1;
	v3 =	vpop (erf)  }
0x320: {  	[tilespmem:s21+$0xFFFFFFE0] =	vst v7;
	v2 =	vmul.f32 v3, v2;
	v3 =	vsel vm0, $0x3F800000, v5;
	v63 =	vpop (erf)  }
0x321: {  	[tilespmem:s21+$0xFFFFFFA0] =	vst v1;
	v1 =	vmul.f32 v63, v3  }
0x322: {  	[tilespmem:s21+$0x0] =	vst v2  }
0x323: {  	[tilespmem:s21+$0xFFFFFFB0] =	vst v1  }
0x324: {  	_ =	swait.ge [sflag:s16], $0x1000  }
0x325: {  	[sflag:s16] =	ssyncset.done $0x0;
	s26 =	rddreg [dreg:$0xe]  }
0x326: {  	[sflag:s16] =	ssyncadd.s32 $0xFFFFF000;
	s20 =	sadd.s32 s26, s19  }
0x327: {  	[spmem:s2] =	stream.indirect.scatter.add.f32 [tilespmem:s23], [sflag:$0x5], $0x10, s13, s29, $0xb8;
	[tilespmem:$0x1FEA0] =	vst v63  }
0x328: {  	p0 =	sgt.u32 s20, $0x30D3  }
0x329: {  	s20 =	sshll.u32 @!p0 s20, $0x5;
	s21 =	simm.s32 @!p0 $0x100  }
0x32a: {  	s22 =	simm.s32 @!p0 $0x30D400;
	s24 =	simm.s32 @!p0 $0x186A0;
	s20 =	sadd.s32 @!p0 s6, s20  }
0x32b: {  	[tilespmem:s24], [sflag:$0x1] =	stream.strided.gather @!p0 [hbm4b:s20+s21], $0x200, s22, s21, $0x38;
	[tilespmem:$0x1FEA0] =	vst v63  }
0x32c: {  	s20 =	simm.s32 @!p0 $0x1  }
0x32d: {  	_ =	swait.ge @!p0 [sflag:s20], $0x200  }
.Ltmp10:
0x32e: {  	[sflag:s20] =	ssyncset.done @!p0 $0x0;
	(pc) =	sbr.rel @p2 .LBB2_41-.Ltmp10, $4  }
0x32f: {  	[sflag:s20] =	ssyncadd.s32 @!p0 $0xFFFFFE00;
	s20 =	simm.s32 @!p0 $0x1AEA0  }
0x330: {  	[tilespmem:s20], [sflag:$0x4] =	stream.indirect.gather @!p0 [hbm4b:s4+s21], $0x10, s24, s21, $0xb8;
	[tilespmem:$0x1FEA0] =	vst v63  }
0x331: {  	s22 =	simm.s32 @!p0 $0x1BEA0;
	s20 =	simm.s32 @!p0 $0x187A0  }
0x332: {  	[tilespmem:s22], [sflag:$0x4] =	stream.indirect.gather @!p0 [hbm4b:s5+s21], $0x10, s20, s21, $0xb8;
	[tilespmem:$0x1FEA0] =	vst v63  }
0x333: {  	_ =	swait.ge [sflag:s1], $0x1000  }
0x334: {  	[sflag:s1] =	ssyncset.done $0x0  }
0x335: {  	[sflag:s1] =	ssyncadd.s32 $0xFFFFF000  }
0x336: {  	_ =	swait.ge [sflag:s1], $0x1000  }
0x337: {  	[sflag:s1] =	ssyncset.done $0x0  }
0x338: {  	s21 =	simm.s32 $0x18EE0;
	[sflag:s1] =	ssyncadd.s32 $0xFFFFF000  }
0x339: {  	s20 =	simm.s32 $0x1DF10;
	v4 =	vld [tilespmem:s21+$0xFFFFFFC0]  }
0x33a: {  	v2 =	vld [tilespmem:s20+$0xFFFFFFB0]  }
0x33b: {  	v5 =	vld [tilespmem:s21+$0x30]  }
0x33c: {  	v3 =	vld [tilespmem:s20+$0xFFFFFFC0]  }
0x33d: {  	v6 =	vld [tilespmem:s20+$0x0]  }
0x33e: {  	v7 =	vld [tilespmem:s20+$0xFFFFFFF0]  }
0x33f: {  	v8 =	vld [tilespmem:s20+$0xFFFFFFA0]  }
0x340: {  	v9 =	vld [tilespmem:s20+$0xFFFFFFE0]  }
0x341: {  	v12 =	vld [tilespmem:s21+$0x20]  }
0x342: {  	v1 =	vld [tilespmem:s21+$0xFFFFFFE0]  }
0x343: {  	v13 =	vld [tilespmem:s21+$0xFFFFFFF0]  }
0x344: {  	v10 =	vld [tilespmem:s20+$0xFFFFFF90]  }
0x345: {  	v14 =	vld [tilespmem:s21+$0xFFFFFFD0]  }
0x346: {  	v15 =	vld [tilespmem:s21+$0x10]  }
0x347: {  	v11 =	vld [tilespmem:s20+$0xFFFFFFD0]  }
0x348: {  	v18 =	vld [tilespmem:s21+$0x0]  }
0x349: {  	v6 =	vadd.f32 v6, v5  }
0x34a: {  	v2 =	vadd.f32 v2, v1;
	v17 =	vadd.f32 v3, v13  }
0x34b: {  	v7 =	vadd.f32 v7, v12;
	v10 =	vadd.f32 v10, v4  }
0x34c: {  	v8 =	vadd.f32 v8, v14;
	v9 =	vadd.f32 v9, v15  }
0x34d: {  	v11 =	vadd.f32 v11, v18;
	vm1 =	vge.f32 v6, $0.0e+00;
	v16 =	vmul.f32 $2.000000030e-01, v6  }
0x34e: {  	v3 =	vmul.f32 $2.000000030e-01, v2;
	v19 =	vmul.f32 $2.000000030e-01, v17;
	vm2 =	vge.f32 v2, $0.0e+00  }
0x34f: {  	vm3 =	vge.f32 v17, $0.0e+00;
	v20 =	vmul.f32 $2.000000030e-01, v8;
	vm4 =	vge.f32 v9, $0.0e+00  }
0x350: {  	v2 =	vsel vm2, v2, v3;
	v16 =	vsel vm1, v6, v16;
	v6 =	vmul.f32 $2.000000030e-01, v10  }
0x351: {  	vm1 =	vge.f32 v10, $0.0e+00;
	v21 =	vperm.xlane v2, v0;
	v2 =	vmul.f32 $2.000000030e-01, v9  }
0x352: {  	s21 =	simm.s32 $0x1DF90;
	v22 =	vmul.f32 $2.000000030e-01, v7;
	vm2 =	vge.f32 v8, $0.0e+00;
	v6 =	vsel vm1, v10, v6  }
0x353: {  	v24 =	vld [tilespmem:s21+$0xFFFFFFC0];
	vm1 =	vge.f32 v7, $0.0e+00;
	v10 =	vmul.f32 $2.000000030e-01, v11;
	v9 =	vsel vm4, v9, v2  }
0x354: {  	v25 =	vld [tilespmem:s21+$0xFFFFFFA0];
	v6 =	vperm.xlane v6, v0;
	v7 =	vsel vm1, v7, v22;
	vm1 =	vge.f32 v11, $0.0e+00  }
0x355: {  	s24 =	simm.s32 $0x18F60;
	v28 =	vld [tilespmem:s21+$0xFFFFFFE0];
	v23 =	vperm.xlane v9, v0;
	v7 =	vperm.xlane v7, v0;
	v9 =	vsel vm1, v11, v10  }
0x356: {  	v3 =	vld [tilespmem:s24+$0xFFFFFFC0];
	v10 =	vsel vm3, v17, v19;
	v19 =	vmul.f32 $1.442695020e+00, v6;
	v11 =	vperm.xlane v9, v0  }
0x357: {  	v8 =	vsel vm2, v8, v20;
	v20 =	vld [tilespmem:s21+$0xFFFFFFB0];
	v26 =	vmul.f32 $1.442695020e+00, v7  }
0x358: {  	v2 =	vld [tilespmem:s24+$0x30];
	v9 =	vsel vm0, $0x3F800000, v5;
	v5 =	vmul.f32 $1.442695020e+00, v11;
	(erf) = vpow2.f32 v19  }
0x359: {  	v22 =	vld [tilespmem:s21+$0x0];
	(erf) = vpow2.f32 v26  }
0x35a: {  	v10 =	vperm.xlane v10, v0;
	(erf) = vpow2.f32 v5;
	v5 =	vld [tilespmem:s24+$0xFFFFFFE0]  }
0x35b: {  	v29 =	vsel vm0, $0x3F800000, v13;
	v8 =	vperm.xlane v8, v0;
	v17 =	vld [tilespmem:s21+$0xFFFFFFF0]  }
0x35c: {  	v15 =	vsel vm0, $0x3F800000, v15;
	v6 =	vld [tilespmem:s24+$0x20];
	v19 =	vperm.xlane v16, v0;
	v16 =	vmul.f32 $1.442695020e+00, v10  }
0x35d: {  	v7 =	vld [tilespmem:s24+$0xFFFFFFF0];
	v11 =	vsel vm0, $0x3F800000, v18;
	v10 =	vsel vm0, $0x3F800000, v14;
	v14 =	vmul.f32 $1.442695020e+00, v23  }
0x35e: {  	v23 =	vmul.f32 $1.442695020e+00, v8;
	v8 =	vld [tilespmem:s24+$0x10];
	v18 =	vadd.f32 v22, v2;
	(erf) = vpow2.f32 v16  }
0x35f: {  	v30 =	vmul.f32 $1.442695020e+00, v21;
	v22 =	vld [tilespmem:s21+$0xFFFFFF90];
	(erf) = vpow2.f32 v14;
	v14 =	vadd.f32 v20, v5  }
0x360: {  	v26 =	vsel vm0, $0x3F800000, v4;
	v4 =	vld [tilespmem:s24+$0xFFFFFFD0];
	v13 =	vmul.f32 $1.442695020e+00, v19;
	v27 =	vmul.f32 $2.000000030e-01, v18  }
0x361: {  	v12 =	vsel vm0, $0x3F800000, v12;
	(erf) = vpow2.f32 v23;
	v31 =	vmul.f32 $2.000000030e-01, v14  }
0x362: {  	v17 =	vadd.f32 v17, v6;
	v16 =	vadd.f32 v24, v7;
	v19 =	vpop (erf);
	vm3 =	vge.f32 v14, $0.0e+00  }
0x363: {  	(erf) = vpow2.f32 v13;
	v21 =	vmul.f32 v19, v26;
	v19 =	vpop (erf);
	v13 =	vsel vm3, v14, v31;
	v14 =	vld [tilespmem:s21+$0xFFFFFFD0]  }
0x364: {  	v23 =	vadd.f32 v22, v3;
	v19 =	vmul.f32 v19, v12;
	v12 =	vperm.xlane v13, v0;
	v13 =	vld [tilespmem:s24+$0x0]  }
0x365: {  	vm4 =	vge.f32 v18, $0.0e+00;
	v22 =	vadd.f32 v25, v4;
	v25 =	vadd.f32 v28, v8  }
0x366: {  	v18 =	vsel vm4, v18, v27;
	vm1 =	vge.f32 v16, $0.0e+00;
	v20 =	vmul.f32 $2.000000030e-01, v16;
	v24 =	vpop (erf)  }
0x367: {  	vm2 =	vge.f32 v22, $0.0e+00;
	v28 =	vmul.f32 $2.000000030e-01, v25;
	(erf) = vpow2.f32 v30;
	v30 =	vpop (erf)  }
0x368: {  	s22 =	simm.s32 $0x8;
	s26 =	simm.s32 $0x1E010;
	v26 =	vmul.f32 $2.000000030e-01, v22;
	vm3 =	vge.f32 v25, $0.0e+00;
	s24 =	simm.s32 $0x18FE0;
	v27 =	vmul.f32 v30, v29  }
.LBB2_16:
0x369: {  	s22 =	sadd.s32 $0x8, s22;
	v29 =	vmul.f32 $2.000000030e-01, v23;
	v30 =	vadd.f32 v14, v13;
	v14 =	vld [tilespmem:s26+$0xFFFFFFD0];
	v11 =	vmul.f32 v24, v11;
	v24 =	vpop (erf)  }
0x36a: {  	vm4 =	vge.f32 v23, $0.0e+00;
	v22 =	vsel vm2, v22, v26;
	v31 =	vld [tilespmem:s24+$0xFFFFFFC0];
	p1 =	slt.u32 s22, $0xF8;
	v25 =	vsel vm3, v25, v28;
	[tilespmem:s20+$0xFFFFFFC0] =	vst v27;
	v26 =	vpop (erf)  }
0x36b: {  	v28 =	vmul.f32 $2.000000030e-01, v17;
	v27 =	vld [tilespmem:s26+$0xFFFFFFB0];
	v23 =	vsel vm4, v23, v29;
	[tilespmem:s20+$0xFFFFFF90] =	vst v21;
	v29 =	vmul.f32 v24, v15  }
0x36c: {  	vm2 =	vge.f32 v17, $0.0e+00;
	v24 =	vperm.xlane v25, v0;
	v21 =	vld [tilespmem:s24+$0x30];
	v23 =	vperm.xlane v23, v0;
	[tilespmem:s20+$0xFFFFFFD0] =	vst v11  }
0x36d: {  	v11 =	vsel vm1, v16, v20;
	v16 =	vmul.f32 $2.000000030e-01, v30;
	v17 =	vsel vm2, v17, v28;
	v25 =	vld [tilespmem:s26+$0xFFFFFFC0];
	[tilespmem:s20+$0xFFFFFFF0] =	vst v19  }
0x36e: {  	v32 =	vmul.f32 v26, v10;
	vm1 =	vge.f32 v30, $0.0e+00;
	v17 =	vperm.xlane v17, v0;
	v19 =	vld [tilespmem:s26+$0x0];
	[tilespmem:s20+$0xFFFFFFE0] =	vst v29;
	v15 =	vpop (erf)  }
0x36f: {  	v23 =	vmul.f32 $1.442695020e+00, v23;
	v16 =	vsel vm1, v30, v16;
	v20 =	vld [tilespmem:s26+$0xFFFFFFF0];
	v15 =	vmul.f32 v15, v9  }
0x370: {  	v28 =	vperm.xlane v11, v0;
	v30 =	vsel vm0, $0x3F800000, v1;
	v11 =	vperm.xlane v16, v0;
	v26 =	vld [tilespmem:s26+$0xFFFFFFA0];
	[tilespmem:s20+$0xFFFFFFA0] =	vst v32;
	v10 =	vpop (erf)  }
0x371: {  	v1 =	vmovc v5;
	v16 =	vmul.f32 $1.442695020e+00, v17;
	v9 =	vsel vm0, $0x3F800000, v2;
	v29 =	vld [tilespmem:s26+$0xFFFFFFE0];
	v10 =	vmul.f32 v10, v30;
	[tilespmem:s20+$0x0] =	vst v15;
	v2 =	vmovc v21  }
0x372: {  	v5 =	vmul.f32 $1.442695020e+00, v11;
	v11 =	vsel vm0, $0x3F800000, v13;
	v30 =	vld [tilespmem:s24+$0x20];
	(erf) = vpow2.f32 v23  }
0x373: {  	v17 =	vperm.xlane v18, v0;
	v13 =	vld [tilespmem:s24+$0xFFFFFFF0];
	v32 =	vadd.f32 v19, v2;
	(erf) = vpow2.f32 v16;
	[tilespmem:s20+$0xFFFFFFB0] =	vst v10;
	s20 =	smov.u32 s21;
	s21 =	smov.u32 s26  }
0x374: {  	v15 =	vmul.f32 $1.442695020e+00, v28;
	v19 =	vsel vm0, $0x3F800000, v3;
	v3 =	vmovc v31;
	v18 =	vld [tilespmem:s26+$0xFFFFFF90];
	(erf) = vpow2.f32 v5  }
0x375: {  	v16 =	vperm.xlane v22, v0;
	v5 =	vld [tilespmem:s24+$0xFFFFFFE0];
	vm4 =	vge.f32 v32, $0.0e+00;
	v31 =	vmul.f32 $2.000000030e-01, v32  }
0x376: {  	v21 =	vmul.f32 $1.442695020e+00, v24;
	v10 =	vsel vm0, $0x3F800000, v4;
	v4 =	vld [tilespmem:s24+$0xFFFFFFD0];
	(erf) = vpow2.f32 v15  }
0x377: {  	v33 =	vsel vm0, $0x3F800000, v7;
	v22 =	vmul.f32 $1.442695020e+00, v16;
	v15 =	vsel vm0, $0x3F800000, v8;
	v8 =	vld [tilespmem:s24+$0x10]  }
0x378: {  	v28 =	vmul.f32 $1.442695020e+00, v17;
	v16 =	vadd.f32 v25, v13;
	(erf) = vpow2.f32 v21;
	v7 =	vmovc v13  }
0x379: {  	v34 =	vmul.f32 $1.442695020e+00, v12;
	v17 =	vadd.f32 v20, v30;
	(erf) = vpow2.f32 v22  }
0x37a: {  	v23 =	vadd.f32 v18, v3;
	v12 =	vadd.f32 v27, v5;
	v20 =	vmul.f32 $2.000000030e-01, v16  }
0x37b: {  	v6 =	vsel vm0, $0x3F800000, v6;
	vm1 =	vge.f32 v16, $0.0e+00;
	v22 =	vadd.f32 v26, v4;
	v18 =	vpop (erf)  }
.Ltmp11:
0x37c: {  	vm3 =	vge.f32 v12, $0.0e+00;
	v35 =	vmul.f32 $2.000000030e-01, v12;
	v13 =	vld [tilespmem:s24+$0x0];
	v21 =	vmul.f32 v18, v19;
	v18 =	vpop (erf);
	(pc) =	sbr.rel @p1 .LBB2_16-.Ltmp11, $4  }
0x37d: {  	v25 =	vadd.f32 v29, v8;
	vm2 =	vge.f32 v22, $0.0e+00;
	v24 =	vpop (erf);
	(erf) = vpow2.f32 v28  }
0x37e: {  	v26 =	vmul.f32 $2.000000030e-01, v22;
	v19 =	vmul.f32 v18, v6;
	v6 =	vmovc v30;
	v12 =	vsel vm3, v12, v35  }
0x37f: {  	vm3 =	vge.f32 v25, $0.0e+00;
	v12 =	vperm.xlane v12, v0;
	(erf) = vpow2.f32 v34;
	v27 =	vpop (erf)  }
0x380: {  	s26 =	sadd.s32 $0x80, s26;
	s24 =	sadd.s32 $0x80, s24;
	v18 =	vsel vm4, v32, v31;
	v28 =	vmul.f32 $2.000000030e-01, v25;
	v27 =	vmul.f32 v27, v33  }
0x381: {  	v29 =	vmul.f32 $2.000000030e-01, v23;
	v14 =	vadd.f32 v14, v13;
	vm4 =	vge.f32 v23, $0.0e+00  }
0x382: {  	v30 =	vmul.f32 $2.000000030e-01, v17;
	vm14 =	vge.f32 v17, $0.0e+00;
	v16 =	vsel vm1, v16, v20  }
0x383: {  	v18 =	vperm.xlane v18, v0;
	v23 =	vsel vm4, v23, v29;
	v45 =	vmul.f32 $2.000000030e-01, v14  }
0x384: {  	v17 =	vsel vm14, v17, v30;
	vm15 =	vge.f32 v14, $0.0e+00;
	v23 =	vperm.xlane v23, v0  }
0x385: {  	v16 =	vperm.xlane v16, v0;
	v17 =	vperm.xlane v17, v0;
	v14 =	vsel vm15, v14, v45  }
0x386: {  	v46 =	vmul.f32 $1.442695020e+00, v23;
	v14 =	vperm.xlane v14, v0  }
0x387: {  	v16 =	vmul.f32 $1.442695020e+00, v16;
	v17 =	vmul.f32 $1.442695020e+00, v17  }
0x388: {  	v47 =	vsel vm3, v25, v28;
	v14 =	vmul.f32 $1.442695020e+00, v14;
	(erf) = vpow2.f32 v46  }
0x389: {  	v48 =	vsel vm2, v22, v26;
	(erf) = vpow2.f32 v17;
	v17 =	vperm.xlane v47, v0  }
0x38a: {  	(erf) = vpow2.f32 v14;
	v14 =	vperm.xlane v48, v0  }
0x38b: {  	(erf) = vpow2.f32 v16;
	v17 =	vmul.f32 $1.442695020e+00, v17  }
0x38c: {  	v49 =	vpop (erf);
	v11 =	vmul.f32 v24, v11;
	v14 =	vmul.f32 $1.442695020e+00, v14  }
0x38d: {  	[tilespmem:s20+$0xFFFFFF90] =	vst v21;
	v50 =	vpop (erf);
	v18 =	vmul.f32 $1.442695020e+00, v18;
	(erf) = vpow2.f32 v17  }
0x38e: {  	v12 =	vmul.f32 $1.442695020e+00, v12;
	[tilespmem:s20+$0xFFFFFFF0] =	vst v19;
	(erf) = vpow2.f32 v14  }
0x38f: {  	[tilespmem:s20+$0xFFFFFFC0] =	vst v27;
	v53 =	vmul.f32 v49, v15;
	v51 =	vpop (erf);
	(erf) = vpow2.f32 v18  }
0x390: {  	v1 =	vsel vm0, $0x3F800000, v1;
	[tilespmem:s20+$0xFFFFFFD0] =	vst v11;
	v10 =	vmul.f32 v50, v10;
	v52 =	vpop (erf);
	(erf) = vpow2.f32 v12  }
0x391: {  	[tilespmem:s20+$0xFFFFFFE0] =	vst v53;
	v1 =	vmul.f32 v52, v1;
	v54 =	vpop (erf)  }
0x392: {  	v3 =	vsel vm0, $0x3F800000, v3;
	[tilespmem:s20+$0xFFFFFFA0] =	vst v10;
	v9 =	vmul.f32 v51, v9;
	v55 =	vpop (erf)  }
0x393: {  	[tilespmem:s20+$0xFFFFFFB0] =	vst v1;
	v1 =	vmul.f32 v54, v3;
	v3 =	vsel vm0, $0x3F800000, v6;
	v56 =	vpop (erf)  }
0x394: {  	v7 =	vsel vm0, $0x3F800000, v7;
	[tilespmem:s20+$0x0] =	vst v9;
	v3 =	vmul.f32 v55, v3;
	v57 =	vpop (erf)  }
0x395: {  	v58 =	vsel vm0, $0x3F800000, v13;
	[tilespmem:s21+$0xFFFFFF90] =	vst v1;
	v7 =	vmul.f32 v57, v7  }
0x396: {  	v60 =	vsel vm0, $0x3F800000, v8;
	v59 =	vmul.f32 v56, v58;
	[tilespmem:s21+$0xFFFFFFF0] =	vst v3;
	v61 =	vpop (erf)  }
0x397: {  	v1 =	vsel vm0, $0x3F800000, v4;
	[tilespmem:s21+$0xFFFFFFC0] =	vst v7;
	v62 =	vpop (erf);
	v7 =	vmul.f32 v61, v60  }
0x398: {  	v2 =	vsel vm0, $0x3F800000, v2;
	[tilespmem:s21+$0xFFFFFFD0] =	vst v59;
	v1 =	vmul.f32 v62, v1;
	v3 =	vpop (erf)  }
0x399: {  	[tilespmem:s21+$0xFFFFFFE0] =	vst v7;
	v2 =	vmul.f32 v3, v2;
	v3 =	vsel vm0, $0x3F800000, v5;
	v63 =	vpop (erf)  }
0x39a: {  	[tilespmem:s21+$0xFFFFFFA0] =	vst v1;
	v1 =	vmul.f32 v63, v3  }
0x39b: {  	[tilespmem:s21+$0x0] =	vst v2  }
.Ltmp12:
0x39c: {  	[tilespmem:s21+$0xFFFFFFB0] =	vst v1;
	(pc) =	sbr.rel .LBB2_18-.Ltmp12, $4  }
0x39d: {  	_ =	swait.ge [sflag:s16], $0x1000  }
0x39e: {  	[sflag:s16] =	ssyncset.done $0x0  }
0x39f: {  	[sflag:s16] =	ssyncadd.s32 $0xFFFFF000  }
0x3a0: {  	[spmem:s2] =	stream.indirect.scatter.add.f32 [tilespmem:s3], [sflag:$0x5], $0x10, s28, s29, $0xb8;
	[tilespmem:$0x1FEA0] =	vst v63  }
.LBB2_41:
0x3a1: {  	_ =	swait.ge [sflag:s16], $0x1000  }
0x3a2: {  	[sflag:s16] =	ssyncset.done $0x0  }
0x3a3: {  	[sflag:s16] =	ssyncadd.s32 $0xFFFFF000  }
.LBB2_18:
0x3a4: {  	s20 =	rddreg [dreg:$0xf]  }
0x3a5: {  	s20 =	sadd.s32 s20, s19  }
0x3a6: {  	p1 =	sgt.u32 s20, $0x30D3  }
0x3a7: {  	s20 =	sshll.u32 @!p1 s20, $0x5;
	s21 =	simm.s32 @!p1 $0x100  }
0x3a8: {  	s22 =	simm.s32 @!p1 $0x30D400;
	s24 =	simm.s32 @!p1 $0x188A0;
	s20 =	sadd.s32 @!p1 s6, s20  }
0x3a9: {  	[tilespmem:s24], [sflag:$0x1] =	stream.strided.gather @!p1 [hbm4b:s20+s21], $0x200, s22, s21, $0x38;
	[tilespmem:$0x1FEA0] =	vst v63  }
0x3aa: {  	s20 =	simm.s32 @!p1 $0x1  }
0x3ab: {  	_ =	swait.ge @!p1 [sflag:s20], $0x200  }
.Ltmp13:
0x3ac: {  	[sflag:s20] =	ssyncset.done @!p1 $0x0;
	(pc) =	sbr.rel @p3 .LBB2_22-.Ltmp13, $4  }
0x3ad: {  	[sflag:s20] =	ssyncadd.s32 @!p1 $0xFFFFFE00;
	s20 =	simm.s32 @!p1 $0x18EA0  }
0x3ae: {  	[tilespmem:s20], [sflag:$0x2] =	stream.indirect.gather @!p1 [hbm4b:s4+s21], $0x10, s24, s21, $0xb8;
	[tilespmem:$0x1FEA0] =	vst v63  }
0x3af: {  	s22 =	simm.s32 @!p1 $0x1CEA0;
	s20 =	simm.s32 @!p1 $0x189A0  }
0x3b0: {  	[tilespmem:s22], [sflag:$0x2] =	stream.indirect.gather @!p1 [hbm4b:s5+s21], $0x10, s20, s21, $0xb8;
	[tilespmem:$0x1FEA0] =	vst v63  }
0x3b1: {  	_ =	swait.ge [sflag:s15], $0x1000  }
0x3b2: {  	[sflag:s15] =	ssyncset.done $0x0  }
0x3b3: {  	[sflag:s15] =	ssyncadd.s32 $0xFFFFF000  }
0x3b4: {  	_ =	swait.ge [sflag:s15], $0x1000  }
0x3b5: {  	[sflag:s15] =	ssyncset.done $0x0  }
0x3b6: {  	s21 =	simm.s32 $0x19F10;
	[sflag:s15] =	ssyncadd.s32 $0xFFFFF000  }
0x3b7: {  	s20 =	simm.s32 $0x1EF10;
	v4 =	vld [tilespmem:s21+$0xFFFFFF90]  }
0x3b8: {  	v2 =	vld [tilespmem:s20+$0xFFFFFFB0]  }
0x3b9: {  	v5 =	vld [tilespmem:s21+$0x0]  }
0x3ba: {  	v3 =	vld [tilespmem:s20+$0xFFFFFFC0]  }
0x3bb: {  	v6 =	vld [tilespmem:s20+$0x0]  }
0x3bc: {  	v7 =	vld [tilespmem:s20+$0xFFFFFFF0]  }
0x3bd: {  	v8 =	vld [tilespmem:s20+$0xFFFFFFA0]  }
0x3be: {  	v9 =	vld [tilespmem:s20+$0xFFFFFFE0]  }
0x3bf: {  	v12 =	vld [tilespmem:s21+$0xFFFFFFF0]  }
0x3c0: {  	v1 =	vld [tilespmem:s21+$0xFFFFFFB0]  }
0x3c1: {  	v13 =	vld [tilespmem:s21+$0xFFFFFFC0]  }
0x3c2: {  	v10 =	vld [tilespmem:s20+$0xFFFFFF90]  }
0x3c3: {  	v14 =	vld [tilespmem:s21+$0xFFFFFFA0]  }
0x3c4: {  	v15 =	vld [tilespmem:s21+$0xFFFFFFE0]  }
0x3c5: {  	v11 =	vld [tilespmem:s20+$0xFFFFFFD0]  }
0x3c6: {  	v18 =	vld [tilespmem:s21+$0xFFFFFFD0]  }
0x3c7: {  	v6 =	vadd.f32 v6, v5  }
0x3c8: {  	v2 =	vadd.f32 v2, v1;
	v17 =	vadd.f32 v3, v13  }
0x3c9: {  	v7 =	vadd.f32 v7, v12;
	v10 =	vadd.f32 v10, v4  }
0x3ca: {  	v8 =	vadd.f32 v8, v14;
	v9 =	vadd.f32 v9, v15  }
0x3cb: {  	v11 =	vadd.f32 v11, v18;
	vm1 =	vge.f32 v6, $0.0e+00;
	v16 =	vmul.f32 $2.000000030e-01, v6  }
0x3cc: {  	v3 =	vmul.f32 $2.000000030e-01, v2;
	v19 =	vmul.f32 $2.000000030e-01, v17;
	vm2 =	vge.f32 v2, $0.0e+00  }
0x3cd: {  	vm3 =	vge.f32 v17, $0.0e+00;
	v20 =	vmul.f32 $2.000000030e-01, v8;
	vm4 =	vge.f32 v9, $0.0e+00  }
0x3ce: {  	v2 =	vsel vm2, v2, v3;
	v16 =	vsel vm1, v6, v16;
	v6 =	vmul.f32 $2.000000030e-01, v10  }
0x3cf: {  	vm1 =	vge.f32 v10, $0.0e+00;
	v21 =	vperm.xlane v2, v0;
	v2 =	vmul.f32 $2.000000030e-01, v9  }
0x3d0: {  	s21 =	simm.s32 $0x1EF90;
	v22 =	vmul.f32 $2.000000030e-01, v7;
	vm2 =	vge.f32 v8, $0.0e+00;
	v6 =	vsel vm1, v10, v6  }
0x3d1: {  	v24 =	vld [tilespmem:s21+$0xFFFFFFC0];
	vm1 =	vge.f32 v7, $0.0e+00;
	v10 =	vmul.f32 $2.000000030e-01, v11;
	v9 =	vsel vm4, v9, v2  }
0x3d2: {  	v25 =	vld [tilespmem:s21+$0xFFFFFFA0];
	v6 =	vperm.xlane v6, v0;
	v7 =	vsel vm1, v7, v22;
	vm1 =	vge.f32 v11, $0.0e+00  }
0x3d3: {  	s24 =	simm.s32 $0x19F90;
	v28 =	vld [tilespmem:s21+$0xFFFFFFE0];
	v23 =	vperm.xlane v9, v0;
	v7 =	vperm.xlane v7, v0;
	v9 =	vsel vm1, v11, v10  }
0x3d4: {  	v3 =	vld [tilespmem:s24+$0xFFFFFF90];
	v10 =	vsel vm3, v17, v19;
	v19 =	vmul.f32 $1.442695020e+00, v6;
	v11 =	vperm.xlane v9, v0  }
0x3d5: {  	v8 =	vsel vm2, v8, v20;
	v20 =	vld [tilespmem:s21+$0xFFFFFFB0];
	v26 =	vmul.f32 $1.442695020e+00, v7  }
0x3d6: {  	v2 =	vld [tilespmem:s24+$0x0];
	v9 =	vsel vm0, $0x3F800000, v5;
	v5 =	vmul.f32 $1.442695020e+00, v11;
	(erf) = vpow2.f32 v19  }
0x3d7: {  	v22 =	vld [tilespmem:s21+$0x0];
	(erf) = vpow2.f32 v26  }
0x3d8: {  	v10 =	vperm.xlane v10, v0;
	(erf) = vpow2.f32 v5;
	v5 =	vld [tilespmem:s24+$0xFFFFFFB0]  }
0x3d9: {  	v29 =	vsel vm0, $0x3F800000, v13;
	v8 =	vperm.xlane v8, v0;
	v17 =	vld [tilespmem:s21+$0xFFFFFFF0]  }
0x3da: {  	v15 =	vsel vm0, $0x3F800000, v15;
	v6 =	vld [tilespmem:s24+$0xFFFFFFF0];
	v19 =	vperm.xlane v16, v0;
	v16 =	vmul.f32 $1.442695020e+00, v10  }
0x3db: {  	v7 =	vld [tilespmem:s24+$0xFFFFFFC0];
	v11 =	vsel vm0, $0x3F800000, v18;
	v10 =	vsel vm0, $0x3F800000, v14;
	v14 =	vmul.f32 $1.442695020e+00, v23  }
0x3dc: {  	v23 =	vmul.f32 $1.442695020e+00, v8;
	v8 =	vld [tilespmem:s24+$0xFFFFFFE0];
	v18 =	vadd.f32 v22, v2;
	(erf) = vpow2.f32 v16  }
0x3dd: {  	v30 =	vmul.f32 $1.442695020e+00, v21;
	v22 =	vld [tilespmem:s21+$0xFFFFFF90];
	(erf) = vpow2.f32 v14;
	v14 =	vadd.f32 v20, v5  }
0x3de: {  	v26 =	vsel vm0, $0x3F800000, v4;
	v4 =	vld [tilespmem:s24+$0xFFFFFFA0];
	v13 =	vmul.f32 $1.442695020e+00, v19;
	v27 =	vmul.f32 $2.000000030e-01, v18  }
0x3df: {  	v12 =	vsel vm0, $0x3F800000, v12;
	(erf) = vpow2.f32 v23;
	v31 =	vmul.f32 $2.000000030e-01, v14  }
0x3e0: {  	v17 =	vadd.f32 v17, v6;
	v16 =	vadd.f32 v24, v7;
	v19 =	vpop (erf);
	vm3 =	vge.f32 v14, $0.0e+00  }
0x3e1: {  	(erf) = vpow2.f32 v13;
	v21 =	vmul.f32 v19, v26;
	v19 =	vpop (erf);
	v13 =	vsel vm3, v14, v31;
	v14 =	vld [tilespmem:s21+$0xFFFFFFD0]  }
0x3e2: {  	v23 =	vadd.f32 v22, v3;
	v19 =	vmul.f32 v19, v12;
	v12 =	vperm.xlane v13, v0;
	v13 =	vld [tilespmem:s24+$0xFFFFFFD0]  }
0x3e3: {  	vm4 =	vge.f32 v18, $0.0e+00;
	v22 =	vadd.f32 v25, v4;
	v25 =	vadd.f32 v28, v8  }
0x3e4: {  	v18 =	vsel vm4, v18, v27;
	vm1 =	vge.f32 v16, $0.0e+00;
	v20 =	vmul.f32 $2.000000030e-01, v16;
	v24 =	vpop (erf)  }
0x3e5: {  	vm2 =	vge.f32 v22, $0.0e+00;
	v28 =	vmul.f32 $2.000000030e-01, v25;
	(erf) = vpow2.f32 v30;
	v30 =	vpop (erf)  }
0x3e6: {  	s22 =	simm.s32 $0x8;
	s26 =	simm.s32 $0x1F010;
	v26 =	vmul.f32 $2.000000030e-01, v22;
	vm3 =	vge.f32 v25, $0.0e+00;
	s24 =	simm.s32 $0x1A010;
	v27 =	vmul.f32 v30, v29  }
.LBB2_20:
0x3e7: {  	s22 =	sadd.s32 $0x8, s22;
	v29 =	vmul.f32 $2.000000030e-01, v23;
	v30 =	vadd.f32 v14, v13;
	v14 =	vld [tilespmem:s26+$0xFFFFFFD0];
	v11 =	vmul.f32 v24, v11;
	v24 =	vpop (erf)  }
0x3e8: {  	vm4 =	vge.f32 v23, $0.0e+00;
	v22 =	vsel vm2, v22, v26;
	v31 =	vld [tilespmem:s24+$0xFFFFFF90];
	p4 =	slt.u32 s22, $0xF8;
	v25 =	vsel vm3, v25, v28;
	[tilespmem:s20+$0xFFFFFFC0] =	vst v27;
	v26 =	vpop (erf)  }
0x3e9: {  	v28 =	vmul.f32 $2.000000030e-01, v17;
	v27 =	vld [tilespmem:s26+$0xFFFFFFB0];
	v23 =	vsel vm4, v23, v29;
	[tilespmem:s20+$0xFFFFFF90] =	vst v21;
	v29 =	vmul.f32 v24, v15  }
0x3ea: {  	vm2 =	vge.f32 v17, $0.0e+00;
	v24 =	vperm.xlane v25, v0;
	v21 =	vld [tilespmem:s24+$0x0];
	v23 =	vperm.xlane v23, v0;
	[tilespmem:s20+$0xFFFFFFD0] =	vst v11  }
0x3eb: {  	v11 =	vsel vm1, v16, v20;
	v16 =	vmul.f32 $2.000000030e-01, v30;
	v17 =	vsel vm2, v17, v28;
	v25 =	vld [tilespmem:s26+$0xFFFFFFC0];
	[tilespmem:s20+$0xFFFFFFF0] =	vst v19  }
0x3ec: {  	v32 =	vmul.f32 v26, v10;
	vm1 =	vge.f32 v30, $0.0e+00;
	v17 =	vperm.xlane v17, v0;
	v19 =	vld [tilespmem:s26+$0x0];
	[tilespmem:s20+$0xFFFFFFE0] =	vst v29;
	v15 =	vpop (erf)  }
0x3ed: {  	v23 =	vmul.f32 $1.442695020e+00, v23;
	v16 =	vsel vm1, v30, v16;
	v20 =	vld [tilespmem:s26+$0xFFFFFFF0];
	v15 =	vmul.f32 v15, v9  }
0x3ee: {  	v28 =	vperm.xlane v11, v0;
	v30 =	vsel vm0, $0x3F800000, v1;
	v11 =	vperm.xlane v16, v0;
	v26 =	vld [tilespmem:s26+$0xFFFFFFA0];
	[tilespmem:s20+$0xFFFFFFA0] =	vst v32;
	v10 =	vpop (erf)  }
0x3ef: {  	v1 =	vmovc v5;
	v16 =	vmul.f32 $1.442695020e+00, v17;
	v9 =	vsel vm0, $0x3F800000, v2;
	v29 =	vld [tilespmem:s26+$0xFFFFFFE0];
	v10 =	vmul.f32 v10, v30;
	[tilespmem:s20+$0x0] =	vst v15;
	v2 =	vmovc v21  }
0x3f0: {  	v5 =	vmul.f32 $1.442695020e+00, v11;
	v11 =	vsel vm0, $0x3F800000, v13;
	v30 =	vld [tilespmem:s24+$0xFFFFFFF0];
	(erf) = vpow2.f32 v23  }
0x3f1: {  	v17 =	vperm.xlane v18, v0;
	v13 =	vld [tilespmem:s24+$0xFFFFFFC0];
	v32 =	vadd.f32 v19, v2;
	(erf) = vpow2.f32 v16;
	[tilespmem:s20+$0xFFFFFFB0] =	vst v10;
	s20 =	smov.u32 s21;
	s21 =	smov.u32 s26  }
0x3f2: {  	v15 =	vmul.f32 $1.442695020e+00, v28;
	v19 =	vsel vm0, $0x3F800000, v3;
	v3 =	vmovc v31;
	v18 =	vld [tilespmem:s26+$0xFFFFFF90];
	(erf) = vpow2.f32 v5  }
0x3f3: {  	v16 =	vperm.xlane v22, v0;
	v5 =	vld [tilespmem:s24+$0xFFFFFFB0];
	vm4 =	vge.f32 v32, $0.0e+00;
	v31 =	vmul.f32 $2.000000030e-01, v32  }
0x3f4: {  	v21 =	vmul.f32 $1.442695020e+00, v24;
	v10 =	vsel vm0, $0x3F800000, v4;
	v4 =	vld [tilespmem:s24+$0xFFFFFFA0];
	(erf) = vpow2.f32 v15  }
0x3f5: {  	v33 =	vsel vm0, $0x3F800000, v7;
	v22 =	vmul.f32 $1.442695020e+00, v16;
	v15 =	vsel vm0, $0x3F800000, v8;
	v8 =	vld [tilespmem:s24+$0xFFFFFFE0]  }
0x3f6: {  	v28 =	vmul.f32 $1.442695020e+00, v17;
	v16 =	vadd.f32 v25, v13;
	(erf) = vpow2.f32 v21;
	v7 =	vmovc v13  }
0x3f7: {  	v34 =	vmul.f32 $1.442695020e+00, v12;
	v17 =	vadd.f32 v20, v30;
	(erf) = vpow2.f32 v22  }
0x3f8: {  	v23 =	vadd.f32 v18, v3;
	v12 =	vadd.f32 v27, v5;
	v20 =	vmul.f32 $2.000000030e-01, v16  }
0x3f9: {  	v6 =	vsel vm0, $0x3F800000, v6;
	vm1 =	vge.f32 v16, $0.0e+00;
	v22 =	vadd.f32 v26, v4;
	v18 =	vpop (erf)  }
.Ltmp14:
0x3fa: {  	vm3 =	vge.f32 v12, $0.0e+00;
	v35 =	vmul.f32 $2.000000030e-01, v12;
	v13 =	vld [tilespmem:s24+$0xFFFFFFD0];
	v21 =	vmul.f32 v18, v19;
	v18 =	vpop (erf);
	(pc) =	sbr.rel @p4 .LBB2_20-.Ltmp14, $4  }
0x3fb: {  	v25 =	vadd.f32 v29, v8;
	vm2 =	vge.f32 v22, $0.0e+00;
	v24 =	vpop (erf);
	(erf) = vpow2.f32 v28  }
0x3fc: {  	v26 =	vmul.f32 $2.000000030e-01, v22;
	v19 =	vmul.f32 v18, v6;
	v6 =	vmovc v30;
	v12 =	vsel vm3, v12, v35  }
0x3fd: {  	vm3 =	vge.f32 v25, $0.0e+00;
	v12 =	vperm.xlane v12, v0;
	(erf) = vpow2.f32 v34;
	v27 =	vpop (erf)  }
0x3fe: {  	s26 =	sadd.s32 $0x80, s26;
	s24 =	sadd.s32 $0x80, s24;
	v18 =	vsel vm4, v32, v31;
	v28 =	vmul.f32 $2.000000030e-01, v25;
	v27 =	vmul.f32 v27, v33  }
0x3ff: {  	v29 =	vmul.f32 $2.000000030e-01, v23;
	v14 =	vadd.f32 v14, v13;
	vm4 =	vge.f32 v23, $0.0e+00  }
0x400: {  	v30 =	vmul.f32 $2.000000030e-01, v17;
	vm14 =	vge.f32 v17, $0.0e+00;
	v16 =	vsel vm1, v16, v20  }
0x401: {  	v18 =	vperm.xlane v18, v0;
	v23 =	vsel vm4, v23, v29;
	v45 =	vmul.f32 $2.000000030e-01, v14  }
0x402: {  	v17 =	vsel vm14, v17, v30;
	vm15 =	vge.f32 v14, $0.0e+00;
	v23 =	vperm.xlane v23, v0  }
0x403: {  	v16 =	vperm.xlane v16, v0;
	v17 =	vperm.xlane v17, v0;
	v14 =	vsel vm15, v14, v45  }
0x404: {  	v46 =	vmul.f32 $1.442695020e+00, v23;
	v14 =	vperm.xlane v14, v0  }
0x405: {  	v16 =	vmul.f32 $1.442695020e+00, v16;
	v17 =	vmul.f32 $1.442695020e+00, v17  }
0x406: {  	v47 =	vsel vm3, v25, v28;
	v14 =	vmul.f32 $1.442695020e+00, v14;
	(erf) = vpow2.f32 v46  }
0x407: {  	v48 =	vsel vm2, v22, v26;
	(erf) = vpow2.f32 v17;
	v17 =	vperm.xlane v47, v0  }
0x408: {  	(erf) = vpow2.f32 v14;
	v14 =	vperm.xlane v48, v0  }
0x409: {  	(erf) = vpow2.f32 v16;
	v17 =	vmul.f32 $1.442695020e+00, v17  }
0x40a: {  	v49 =	vpop (erf);
	v11 =	vmul.f32 v24, v11;
	v14 =	vmul.f32 $1.442695020e+00, v14  }
0x40b: {  	[tilespmem:s20+$0xFFFFFF90] =	vst v21;
	v50 =	vpop (erf);
	v18 =	vmul.f32 $1.442695020e+00, v18;
	(erf) = vpow2.f32 v17  }
0x40c: {  	v12 =	vmul.f32 $1.442695020e+00, v12;
	[tilespmem:s20+$0xFFFFFFF0] =	vst v19;
	(erf) = vpow2.f32 v14  }
0x40d: {  	[tilespmem:s20+$0xFFFFFFC0] =	vst v27;
	v53 =	vmul.f32 v49, v15;
	v51 =	vpop (erf);
	(erf) = vpow2.f32 v18  }
0x40e: {  	v1 =	vsel vm0, $0x3F800000, v1;
	[tilespmem:s20+$0xFFFFFFD0] =	vst v11;
	v10 =	vmul.f32 v50, v10;
	v52 =	vpop (erf);
	(erf) = vpow2.f32 v12  }
0x40f: {  	[tilespmem:s20+$0xFFFFFFE0] =	vst v53;
	v1 =	vmul.f32 v52, v1;
	v54 =	vpop (erf)  }
0x410: {  	v3 =	vsel vm0, $0x3F800000, v3;
	[tilespmem:s20+$0xFFFFFFA0] =	vst v10;
	v9 =	vmul.f32 v51, v9;
	v55 =	vpop (erf)  }
0x411: {  	[tilespmem:s20+$0xFFFFFFB0] =	vst v1;
	v1 =	vmul.f32 v54, v3;
	v3 =	vsel vm0, $0x3F800000, v6;
	v56 =	vpop (erf)  }
0x412: {  	v7 =	vsel vm0, $0x3F800000, v7;
	[tilespmem:s20+$0x0] =	vst v9;
	v3 =	vmul.f32 v55, v3;
	v57 =	vpop (erf)  }
0x413: {  	v58 =	vsel vm0, $0x3F800000, v13;
	[tilespmem:s21+$0xFFFFFF90] =	vst v1;
	v7 =	vmul.f32 v57, v7  }
0x414: {  	v60 =	vsel vm0, $0x3F800000, v8;
	v59 =	vmul.f32 v56, v58;
	[tilespmem:s21+$0xFFFFFFF0] =	vst v3;
	v61 =	vpop (erf)  }
0x415: {  	v1 =	vsel vm0, $0x3F800000, v4;
	[tilespmem:s21+$0xFFFFFFC0] =	vst v7;
	v62 =	vpop (erf);
	v7 =	vmul.f32 v61, v60  }
0x416: {  	v2 =	vsel vm0, $0x3F800000, v2;
	[tilespmem:s21+$0xFFFFFFD0] =	vst v59;
	v1 =	vmul.f32 v62, v1;
	v3 =	vpop (erf)  }
0x417: {  	[tilespmem:s21+$0xFFFFFFE0] =	vst v7;
	v2 =	vmul.f32 v3, v2;
	v3 =	vsel vm0, $0x3F800000, v5;
	v63 =	vpop (erf)  }
0x418: {  	[tilespmem:s21+$0xFFFFFFA0] =	vst v1;
	v1 =	vmul.f32 v63, v3  }
0x419: {  	[tilespmem:s21+$0x0] =	vst v2  }
0x41a: {  	[tilespmem:s21+$0xFFFFFFB0] =	vst v1  }
.LBB2_22:
0x41b: {  	s20 =	simm.s32 @!p2 $0x5  }
0x41c: {  	_ =	swait.ge @!p2 [sflag:s20], $0x1000  }
0x41d: {  	s21 =	simm.s32 @!p3 $0x18DA0;
	s22 =	simm.s32 @!p3 $0x1EEA0;
	[sflag:s20] =	ssyncset.done @!p2 $0x0  }
0x41e: {  	s26 =	rddreg [dreg:$0x10];
	[sflag:s20] =	ssyncadd.s32 @!p2 $0xFFFFF000;
	s20 =	simm.s32 @!p3 $0x100  }
0x41f: {  	[spmem:s2] =	stream.indirect.scatter.add.f32 @!p3 [tilespmem:s22], [sflag:$0x5], $0x10, s21, s20, $0xb8;
	[tilespmem:$0x1FEA0] =	vst v63  }
0x420: {  	s20 =	sadd.s32 s26, s19  }
0x421: {  	p2 =	sgt.u32 s20, $0x30D3  }
0x422: {  	s20 =	sshll.u32 @!p2 s20, $0x5;
	s21 =	simm.s32 @!p2 $0x100  }
0x423: {  	s22 =	simm.s32 @!p2 $0x30D400;
	s24 =	simm.s32 @!p2 $0x18AA0;
	s20 =	sadd.s32 @!p2 s6, s20  }
0x424: {  	[tilespmem:s24], [sflag:$0x1] =	stream.strided.gather @!p2 [hbm4b:s20+s21], $0x200, s22, s21, $0x38;
	[tilespmem:$0x1FEA0] =	vst v63  }
0x425: {  	s20 =	simm.s32 @!p2 $0x1  }
0x426: {  	_ =	swait.ge @!p2 [sflag:s20], $0x200  }
.Ltmp15:
0x427: {  	[sflag:s20] =	ssyncset.done @!p2 $0x0;
	(pc) =	sbr.rel @p0 .LBB2_26-.Ltmp15, $4  }
0x428: {  	[sflag:s20] =	ssyncadd.s32 @!p2 $0xFFFFFE00;
	s20 =	simm.s32 @!p2 $0x19EA0  }
0x429: {  	[tilespmem:s20], [sflag:$0x3] =	stream.indirect.gather @!p2 [hbm4b:s4+s21], $0x10, s24, s21, $0xb8;
	[tilespmem:$0x1FEA0] =	vst v63  }
0x42a: {  	s22 =	simm.s32 @!p2 $0x1DEA0;
	s20 =	simm.s32 @!p2 $0x18BA0  }
0x42b: {  	[tilespmem:s22], [sflag:$0x3] =	stream.indirect.gather @!p2 [hbm4b:s5+s21], $0x10, s20, s21, $0xb8;
	[tilespmem:$0x1FEA0] =	vst v63  }
0x42c: {  	_ =	swait.ge [sflag:s17], $0x1000  }
0x42d: {  	[sflag:s17] =	ssyncset.done $0x0  }
0x42e: {  	[sflag:s17] =	ssyncadd.s32 $0xFFFFF000  }
0x42f: {  	_ =	swait.ge [sflag:s17], $0x1000  }
0x430: {  	[sflag:s17] =	ssyncset.done $0x0  }
0x431: {  	s21 =	simm.s32 $0x1AF10;
	[sflag:s17] =	ssyncadd.s32 $0xFFFFF000  }
0x432: {  	s20 =	simm.s32 $0x1BEE0;
	v4 =	vld [tilespmem:s21+$0xFFFFFF90]  }
0x433: {  	v2 =	vld [tilespmem:s20+$0xFFFFFFE0]  }
0x434: {  	v5 =	vld [tilespmem:s21+$0x0]  }
0x435: {  	v3 =	vld [tilespmem:s20+$0xFFFFFFF0]  }
0x436: {  	v6 =	vld [tilespmem:s20+$0x30]  }
0x437: {  	v7 =	vld [tilespmem:s20+$0x20]  }
0x438: {  	v8 =	vld [tilespmem:s20+$0xFFFFFFD0]  }
0x439: {  	v9 =	vld [tilespmem:s20+$0x10]  }
0x43a: {  	v12 =	vld [tilespmem:s21+$0xFFFFFFF0]  }
0x43b: {  	v1 =	vld [tilespmem:s21+$0xFFFFFFB0]  }
0x43c: {  	v13 =	vld [tilespmem:s21+$0xFFFFFFC0]  }
0x43d: {  	v10 =	vld [tilespmem:s20+$0xFFFFFFC0]  }
0x43e: {  	v14 =	vld [tilespmem:s21+$0xFFFFFFA0]  }
0x43f: {  	v15 =	vld [tilespmem:s21+$0xFFFFFFE0]  }
0x440: {  	v11 =	vld [tilespmem:s20+$0x0]  }
0x441: {  	v18 =	vld [tilespmem:s21+$0xFFFFFFD0]  }
0x442: {  	v6 =	vadd.f32 v6, v5  }
0x443: {  	v2 =	vadd.f32 v2, v1;
	v17 =	vadd.f32 v3, v13  }
0x444: {  	v7 =	vadd.f32 v7, v12;
	v10 =	vadd.f32 v10, v4  }
0x445: {  	v8 =	vadd.f32 v8, v14;
	v9 =	vadd.f32 v9, v15  }
0x446: {  	v11 =	vadd.f32 v11, v18;
	vm1 =	vge.f32 v6, $0.0e+00;
	v16 =	vmul.f32 $2.000000030e-01, v6  }
0x447: {  	v3 =	vmul.f32 $2.000000030e-01, v2;
	v19 =	vmul.f32 $2.000000030e-01, v17;
	vm2 =	vge.f32 v2, $0.0e+00  }
0x448: {  	vm3 =	vge.f32 v17, $0.0e+00;
	v20 =	vmul.f32 $2.000000030e-01, v8;
	vm4 =	vge.f32 v9, $0.0e+00  }
0x449: {  	v2 =	vsel vm2, v2, v3;
	v16 =	vsel vm1, v6, v16;
	v6 =	vmul.f32 $2.000000030e-01, v10  }
0x44a: {  	vm1 =	vge.f32 v10, $0.0e+00;
	v21 =	vperm.xlane v2, v0;
	v2 =	vmul.f32 $2.000000030e-01, v9  }
0x44b: {  	s21 =	simm.s32 $0x1BF60;
	v22 =	vmul.f32 $2.000000030e-01, v7;
	vm2 =	vge.f32 v8, $0.0e+00;
	v6 =	vsel vm1, v10, v6  }
0x44c: {  	v24 =	vld [tilespmem:s21+$0xFFFFFFF0];
	vm1 =	vge.f32 v7, $0.0e+00;
	v10 =	vmul.f32 $2.000000030e-01, v11;
	v9 =	vsel vm4, v9, v2  }
0x44d: {  	v25 =	vld [tilespmem:s21+$0xFFFFFFD0];
	v6 =	vperm.xlane v6, v0;
	v7 =	vsel vm1, v7, v22;
	vm1 =	vge.f32 v11, $0.0e+00  }
0x44e: {  	s24 =	simm.s32 $0x1AF90;
	v28 =	vld [tilespmem:s21+$0x10];
	v23 =	vperm.xlane v9, v0;
	v7 =	vperm.xlane v7, v0;
	v9 =	vsel vm1, v11, v10  }
0x44f: {  	v3 =	vld [tilespmem:s24+$0xFFFFFF90];
	v10 =	vsel vm3, v17, v19;
	v19 =	vmul.f32 $1.442695020e+00, v6;
	v11 =	vperm.xlane v9, v0  }
0x450: {  	v8 =	vsel vm2, v8, v20;
	v20 =	vld [tilespmem:s21+$0xFFFFFFE0];
	v26 =	vmul.f32 $1.442695020e+00, v7  }
0x451: {  	v2 =	vld [tilespmem:s24+$0x0];
	v9 =	vsel vm0, $0x3F800000, v5;
	v5 =	vmul.f32 $1.442695020e+00, v11;
	(erf) = vpow2.f32 v19  }
0x452: {  	v22 =	vld [tilespmem:s21+$0x30];
	(erf) = vpow2.f32 v26  }
0x453: {  	v10 =	vperm.xlane v10, v0;
	(erf) = vpow2.f32 v5;
	v5 =	vld [tilespmem:s24+$0xFFFFFFB0]  }
0x454: {  	v29 =	vsel vm0, $0x3F800000, v13;
	v8 =	vperm.xlane v8, v0;
	v17 =	vld [tilespmem:s21+$0x20]  }
0x455: {  	v15 =	vsel vm0, $0x3F800000, v15;
	v6 =	vld [tilespmem:s24+$0xFFFFFFF0];
	v19 =	vperm.xlane v16, v0;
	v16 =	vmul.f32 $1.442695020e+00, v10  }
0x456: {  	v7 =	vld [tilespmem:s24+$0xFFFFFFC0];
	v11 =	vsel vm0, $0x3F800000, v18;
	v10 =	vsel vm0, $0x3F800000, v14;
	v14 =	vmul.f32 $1.442695020e+00, v23  }
0x457: {  	v23 =	vmul.f32 $1.442695020e+00, v8;
	v8 =	vld [tilespmem:s24+$0xFFFFFFE0];
	v18 =	vadd.f32 v22, v2;
	(erf) = vpow2.f32 v16  }
0x458: {  	v30 =	vmul.f32 $1.442695020e+00, v21;
	v22 =	vld [tilespmem:s21+$0xFFFFFFC0];
	(erf) = vpow2.f32 v14;
	v14 =	vadd.f32 v20, v5  }
0x459: {  	v26 =	vsel vm0, $0x3F800000, v4;
	v4 =	vld [tilespmem:s24+$0xFFFFFFA0];
	v13 =	vmul.f32 $1.442695020e+00, v19;
	v27 =	vmul.f32 $2.000000030e-01, v18  }
0x45a: {  	v12 =	vsel vm0, $0x3F800000, v12;
	(erf) = vpow2.f32 v23;
	v31 =	vmul.f32 $2.000000030e-01, v14  }
0x45b: {  	v17 =	vadd.f32 v17, v6;
	v16 =	vadd.f32 v24, v7;
	v19 =	vpop (erf);
	vm3 =	vge.f32 v14, $0.0e+00  }
0x45c: {  	(erf) = vpow2.f32 v13;
	v21 =	vmul.f32 v19, v26;
	v19 =	vpop (erf);
	v13 =	vsel vm3, v14, v31;
	v14 =	vld [tilespmem:s21+$0x0]  }
0x45d: {  	v23 =	vadd.f32 v22, v3;
	v19 =	vmul.f32 v19, v12;
	v12 =	vperm.xlane v13, v0;
	v13 =	vld [tilespmem:s24+$0xFFFFFFD0]  }
0x45e: {  	vm4 =	vge.f32 v18, $0.0e+00;
	v22 =	vadd.f32 v25, v4;
	v25 =	vadd.f32 v28, v8  }
0x45f: {  	v18 =	vsel vm4, v18, v27;
	vm1 =	vge.f32 v16, $0.0e+00;
	v20 =	vmul.f32 $2.000000030e-01, v16;
	v24 =	vpop (erf)  }
0x460: {  	vm2 =	vge.f32 v22, $0.0e+00;
	v28 =	vmul.f32 $2.000000030e-01, v25;
	(erf) = vpow2.f32 v30;
	v30 =	vpop (erf)  }
0x461: {  	s22 =	simm.s32 $0x8;
	s26 =	simm.s32 $0x1B010;
	v26 =	vmul.f32 $2.000000030e-01, v22;
	vm3 =	vge.f32 v25, $0.0e+00;
	s24 =	simm.s32 $0x1BFE0;
	v27 =	vmul.f32 v30, v29  }
.LBB2_24:
0x462: {  	s22 =	sadd.s32 $0x8, s22;
	v29 =	vmul.f32 $2.000000030e-01, v23;
	v30 =	vadd.f32 v14, v13;
	v14 =	vld [tilespmem:s24+$0x0];
	v11 =	vmul.f32 v24, v11;
	v24 =	vpop (erf)  }
0x463: {  	vm4 =	vge.f32 v23, $0.0e+00;
	v22 =	vsel vm2, v22, v26;
	v31 =	vld [tilespmem:s26+$0xFFFFFF90];
	p4 =	slt.u32 s22, $0xF8;
	v25 =	vsel vm3, v25, v28;
	[tilespmem:s20+$0xFFFFFFF0] =	vst v27;
	v26 =	vpop (erf)  }
0x464: {  	v28 =	vmul.f32 $2.000000030e-01, v17;
	v27 =	vld [tilespmem:s24+$0xFFFFFFE0];
	v23 =	vsel vm4, v23, v29;
	[tilespmem:s20+$0xFFFFFFC0] =	vst v21;
	v29 =	vmul.f32 v24, v15  }
0x465: {  	vm2 =	vge.f32 v17, $0.0e+00;
	v24 =	vperm.xlane v25, v0;
	v21 =	vld [tilespmem:s26+$0x0];
	v23 =	vperm.xlane v23, v0;
	[tilespmem:s20+$0x0] =	vst v11  }
0x466: {  	v11 =	vsel vm1, v16, v20;
	v16 =	vmul.f32 $2.000000030e-01, v30;
	v17 =	vsel vm2, v17, v28;
	v25 =	vld [tilespmem:s24+$0xFFFFFFF0];
	[tilespmem:s20+$0x20] =	vst v19  }
0x467: {  	v32 =	vmul.f32 v26, v10;
	vm1 =	vge.f32 v30, $0.0e+00;
	v17 =	vperm.xlane v17, v0;
	v19 =	vld [tilespmem:s24+$0x30];
	[tilespmem:s20+$0x10] =	vst v29;
	v15 =	vpop (erf)  }
0x468: {  	v23 =	vmul.f32 $1.442695020e+00, v23;
	v16 =	vsel vm1, v30, v16;
	v20 =	vld [tilespmem:s24+$0x20];
	v15 =	vmul.f32 v15, v9  }
0x469: {  	v28 =	vperm.xlane v11, v0;
	v30 =	vsel vm0, $0x3F800000, v1;
	v11 =	vperm.xlane v16, v0;
	v26 =	vld [tilespmem:s24+$0xFFFFFFD0];
	[tilespmem:s20+$0xFFFFFFD0] =	vst v32;
	v10 =	vpop (erf)  }
0x46a: {  	v1 =	vmovc v5;
	v16 =	vmul.f32 $1.442695020e+00, v17;
	v9 =	vsel vm0, $0x3F800000, v2;
	v29 =	vld [tilespmem:s24+$0x10];
	v10 =	vmul.f32 v10, v30;
	[tilespmem:s20+$0x30] =	vst v15;
	v2 =	vmovc v21  }
0x46b: {  	v5 =	vmul.f32 $1.442695020e+00, v11;
	v11 =	vsel vm0, $0x3F800000, v13;
	v30 =	vld [tilespmem:s26+$0xFFFFFFF0];
	(erf) = vpow2.f32 v23  }
0x46c: {  	v17 =	vperm.xlane v18, v0;
	v13 =	vld [tilespmem:s26+$0xFFFFFFC0];
	v32 =	vadd.f32 v19, v2;
	(erf) = vpow2.f32 v16;
	[tilespmem:s20+$0xFFFFFFE0] =	vst v10;
	s20 =	smov.u32 s21;
	s21 =	smov.u32 s24  }
0x46d: {  	v15 =	vmul.f32 $1.442695020e+00, v28;
	v19 =	vsel vm0, $0x3F800000, v3;
	v3 =	vmovc v31;
	v18 =	vld [tilespmem:s24+$0xFFFFFFC0];
	(erf) = vpow2.f32 v5  }
0x46e: {  	v16 =	vperm.xlane v22, v0;
	v5 =	vld [tilespmem:s26+$0xFFFFFFB0];
	vm4 =	vge.f32 v32, $0.0e+00;
	v31 =	vmul.f32 $2.000000030e-01, v32  }
0x46f: {  	v21 =	vmul.f32 $1.442695020e+00, v24;
	v10 =	vsel vm0, $0x3F800000, v4;
	v4 =	vld [tilespmem:s26+$0xFFFFFFA0];
	(erf) = vpow2.f32 v15  }
0x470: {  	v33 =	vsel vm0, $0x3F800000, v7;
	v22 =	vmul.f32 $1.442695020e+00, v16;
	v15 =	vsel vm0, $0x3F800000, v8;
	v8 =	vld [tilespmem:s26+$0xFFFFFFE0]  }
0x471: {  	v28 =	vmul.f32 $1.442695020e+00, v17;
	v16 =	vadd.f32 v25, v13;
	(erf) = vpow2.f32 v21;
	v7 =	vmovc v13  }
0x472: {  	v34 =	vmul.f32 $1.442695020e+00, v12;
	v17 =	vadd.f32 v20, v30;
	(erf) = vpow2.f32 v22  }
0x473: {  	v23 =	vadd.f32 v18, v3;
	v12 =	vadd.f32 v27, v5;
	v20 =	vmul.f32 $2.000000030e-01, v16  }
0x474: {  	v6 =	vsel vm0, $0x3F800000, v6;
	vm1 =	vge.f32 v16, $0.0e+00;
	v22 =	vadd.f32 v26, v4;
	v18 =	vpop (erf)  }
.Ltmp16:
0x475: {  	vm3 =	vge.f32 v12, $0.0e+00;
	v35 =	vmul.f32 $2.000000030e-01, v12;
	v13 =	vld [tilespmem:s26+$0xFFFFFFD0];
	v21 =	vmul.f32 v18, v19;
	v18 =	vpop (erf);
	(pc) =	sbr.rel @p4 .LBB2_24-.Ltmp16, $4  }
0x476: {  	v25 =	vadd.f32 v29, v8;
	vm2 =	vge.f32 v22, $0.0e+00;
	v24 =	vpop (erf);
	(erf) = vpow2.f32 v28  }
0x477: {  	v26 =	vmul.f32 $2.000000030e-01, v22;
	v19 =	vmul.f32 v18, v6;
	v6 =	vmovc v30;
	v12 =	vsel vm3, v12, v35  }
0x478: {  	vm3 =	vge.f32 v25, $0.0e+00;
	v12 =	vperm.xlane v12, v0;
	(erf) = vpow2.f32 v34;
	v27 =	vpop (erf)  }
0x479: {  	s24 =	sadd.s32 $0x80, s24;
	s26 =	sadd.s32 $0x80, s26;
	v18 =	vsel vm4, v32, v31;
	v28 =	vmul.f32 $2.000000030e-01, v25;
	v27 =	vmul.f32 v27, v33  }
0x47a: {  	v29 =	vmul.f32 $2.000000030e-01, v23;
	v14 =	vadd.f32 v14, v13;
	vm4 =	vge.f32 v23, $0.0e+00  }
0x47b: {  	v30 =	vmul.f32 $2.000000030e-01, v17;
	vm14 =	vge.f32 v17, $0.0e+00;
	v16 =	vsel vm1, v16, v20  }
0x47c: {  	v18 =	vperm.xlane v18, v0;
	v23 =	vsel vm4, v23, v29;
	v45 =	vmul.f32 $2.000000030e-01, v14  }
0x47d: {  	v17 =	vsel vm14, v17, v30;
	vm15 =	vge.f32 v14, $0.0e+00;
	v23 =	vperm.xlane v23, v0  }
0x47e: {  	v16 =	vperm.xlane v16, v0;
	v17 =	vperm.xlane v17, v0;
	v14 =	vsel vm15, v14, v45  }
0x47f: {  	v46 =	vmul.f32 $1.442695020e+00, v23;
	v14 =	vperm.xlane v14, v0  }
0x480: {  	v16 =	vmul.f32 $1.442695020e+00, v16;
	v17 =	vmul.f32 $1.442695020e+00, v17  }
0x481: {  	v47 =	vsel vm3, v25, v28;
	v14 =	vmul.f32 $1.442695020e+00, v14;
	(erf) = vpow2.f32 v46  }
0x482: {  	v48 =	vsel vm2, v22, v26;
	(erf) = vpow2.f32 v17;
	v17 =	vperm.xlane v47, v0  }
0x483: {  	(erf) = vpow2.f32 v14;
	v14 =	vperm.xlane v48, v0  }
0x484: {  	(erf) = vpow2.f32 v16;
	v17 =	vmul.f32 $1.442695020e+00, v17  }
0x485: {  	v49 =	vpop (erf);
	v11 =	vmul.f32 v24, v11;
	v14 =	vmul.f32 $1.442695020e+00, v14  }
0x486: {  	[tilespmem:s20+$0xFFFFFFC0] =	vst v21;
	v50 =	vpop (erf);
	v18 =	vmul.f32 $1.442695020e+00, v18;
	(erf) = vpow2.f32 v17  }
0x487: {  	v12 =	vmul.f32 $1.442695020e+00, v12;
	[tilespmem:s20+$0x20] =	vst v19;
	(erf) = vpow2.f32 v14  }
0x488: {  	[tilespmem:s20+$0xFFFFFFF0] =	vst v27;
	v53 =	vmul.f32 v49, v15;
	v51 =	vpop (erf);
	(erf) = vpow2.f32 v18  }
0x489: {  	v1 =	vsel vm0, $0x3F800000, v1;
	[tilespmem:s20+$0x0] =	vst v11;
	v10 =	vmul.f32 v50, v10;
	v52 =	vpop (erf);
	(erf) = vpow2.f32 v12  }
0x48a: {  	[tilespmem:s20+$0x10] =	vst v53;
	v1 =	vmul.f32 v52, v1;
	v54 =	vpop (erf)  }
0x48b: {  	v3 =	vsel vm0, $0x3F800000, v3;
	[tilespmem:s20+$0xFFFFFFD0] =	vst v10;
	v9 =	vmul.f32 v51, v9;
	v55 =	vpop (erf)  }
0x48c: {  	[tilespmem:s20+$0xFFFFFFE0] =	vst v1;
	v1 =	vmul.f32 v54, v3;
	v3 =	vsel vm0, $0x3F800000, v6;
	v56 =	vpop (erf)  }
0x48d: {  	v7 =	vsel vm0, $0x3F800000, v7;
	[tilespmem:s20+$0x30] =	vst v9;
	v3 =	vmul.f32 v55, v3;
	v57 =	vpop (erf)  }
0x48e: {  	v58 =	vsel vm0, $0x3F800000, v13;
	[tilespmem:s21+$0xFFFFFFC0] =	vst v1;
	v7 =	vmul.f32 v57, v7  }
0x48f: {  	v60 =	vsel vm0, $0x3F800000, v8;
	v59 =	vmul.f32 v56, v58;
	[tilespmem:s21+$0x20] =	vst v3;
	v61 =	vpop (erf)  }
0x490: {  	v1 =	vsel vm0, $0x3F800000, v4;
	[tilespmem:s21+$0xFFFFFFF0] =	vst v7;
	v62 =	vpop (erf);
	v7 =	vmul.f32 v61, v60  }
0x491: {  	v2 =	vsel vm0, $0x3F800000, v2;
	[tilespmem:s21+$0x0] =	vst v59;
	v1 =	vmul.f32 v62, v1;
	v3 =	vpop (erf)  }
0x492: {  	[tilespmem:s21+$0x10] =	vst v7;
	v2 =	vmul.f32 v3, v2;
	v3 =	vsel vm0, $0x3F800000, v5;
	v63 =	vpop (erf)  }
0x493: {  	[tilespmem:s21+$0xFFFFFFD0] =	vst v1;
	v1 =	vmul.f32 v63, v3  }
0x494: {  	[tilespmem:s21+$0x30] =	vst v2  }
0x495: {  	[tilespmem:s21+$0xFFFFFFE0] =	vst v1  }
.LBB2_26:
0x496: {  	s20 =	simm.s32 @!p3 $0x5  }
0x497: {  	_ =	swait.ge @!p3 [sflag:s20], $0x1000  }
0x498: {  	s21 =	simm.s32 @!p0 $0x187A0;
	s22 =	simm.s32 @!p0 $0x1BEA0;
	[sflag:s20] =	ssyncset.done @!p3 $0x0  }
0x499: {  	s26 =	rddreg [dreg:$0x11];
	[sflag:s20] =	ssyncadd.s32 @!p3 $0xFFFFF000;
	s20 =	simm.s32 @!p0 $0x100  }
0x49a: {  	[spmem:s2] =	stream.indirect.scatter.add.f32 @!p0 [tilespmem:s22], [sflag:$0x5], $0x10, s21, s20, $0xb8;
	[tilespmem:$0x1FEA0] =	vst v63  }
0x49b: {  	s20 =	sadd.s32 s26, s19  }
0x49c: {  	p3 =	sgt.u32 s20, $0x30D3  }
0x49d: {  	s20 =	sshll.u32 @!p3 s20, $0x5;
	s21 =	simm.s32 @!p3 $0x100  }
0x49e: {  	s22 =	simm.s32 @!p3 $0x30D400;
	s24 =	simm.s32 @!p3 $0x18CA0;
	s20 =	sadd.s32 @!p3 s6, s20  }
0x49f: {  	[tilespmem:s24], [sflag:$0x1] =	stream.strided.gather @!p3 [hbm4b:s20+s21], $0x200, s22, s21, $0x38;
	[tilespmem:$0x1FEA0] =	vst v63  }
0x4a0: {  	s20 =	simm.s32 @!p3 $0x1  }
0x4a1: {  	_ =	swait.ge @!p3 [sflag:s20], $0x200  }
.Ltmp17:
0x4a2: {  	[sflag:s20] =	ssyncset.done @!p3 $0x0;
	(pc) =	sbr.rel @p1 .LBB2_30-.Ltmp17, $4  }
0x4a3: {  	[sflag:s20] =	ssyncadd.s32 @!p3 $0xFFFFFE00;
	s20 =	simm.s32 @!p3 $0x1AEA0  }
0x4a4: {  	[tilespmem:s20], [sflag:$0x4] =	stream.indirect.gather @!p3 [hbm4b:s4+s21], $0x10, s24, s21, $0xb8;
	[tilespmem:$0x1FEA0] =	vst v63  }
0x4a5: {  	s22 =	simm.s32 @!p3 $0x1EEA0;
	s20 =	simm.s32 @!p3 $0x18DA0  }
0x4a6: {  	[tilespmem:s22], [sflag:$0x4] =	stream.indirect.gather @!p3 [hbm4b:s5+s21], $0x10, s20, s21, $0xb8;
	[tilespmem:$0x1FEA0] =	vst v63  }
0x4a7: {  	_ =	swait.ge [sflag:s1], $0x1000  }
0x4a8: {  	[sflag:s1] =	ssyncset.done $0x0  }
0x4a9: {  	[sflag:s1] =	ssyncadd.s32 $0xFFFFF000  }
0x4aa: {  	_ =	swait.ge [sflag:s1], $0x1000  }
0x4ab: {  	[sflag:s1] =	ssyncset.done $0x0  }
0x4ac: {  	s21 =	simm.s32 $0x18EE0;
	[sflag:s1] =	ssyncadd.s32 $0xFFFFF000  }
0x4ad: {  	s20 =	simm.s32 $0x1CF10;
	v4 =	vld [tilespmem:s21+$0xFFFFFFC0]  }
0x4ae: {  	v2 =	vld [tilespmem:s20+$0xFFFFFFB0]  }
0x4af: {  	v5 =	vld [tilespmem:s21+$0x30]  }
0x4b0: {  	v3 =	vld [tilespmem:s20+$0xFFFFFFC0]  }
0x4b1: {  	v6 =	vld [tilespmem:s20+$0x0]  }
0x4b2: {  	v7 =	vld [tilespmem:s20+$0xFFFFFFF0]  }
0x4b3: {  	v8 =	vld [tilespmem:s20+$0xFFFFFFA0]  }
0x4b4: {  	v9 =	vld [tilespmem:s20+$0xFFFFFFE0]  }
0x4b5: {  	v12 =	vld [tilespmem:s21+$0x20]  }
0x4b6: {  	v1 =	vld [tilespmem:s21+$0xFFFFFFE0]  }
0x4b7: {  	v13 =	vld [tilespmem:s21+$0xFFFFFFF0]  }
0x4b8: {  	v10 =	vld [tilespmem:s20+$0xFFFFFF90]  }
0x4b9: {  	v14 =	vld [tilespmem:s21+$0xFFFFFFD0]  }
0x4ba: {  	v15 =	vld [tilespmem:s21+$0x10]  }
0x4bb: {  	v11 =	vld [tilespmem:s20+$0xFFFFFFD0]  }
0x4bc: {  	v18 =	vld [tilespmem:s21+$0x0]  }
0x4bd: {  	v6 =	vadd.f32 v6, v5  }
0x4be: {  	v2 =	vadd.f32 v2, v1;
	v17 =	vadd.f32 v3, v13  }
0x4bf: {  	v7 =	vadd.f32 v7, v12;
	v10 =	vadd.f32 v10, v4  }
0x4c0: {  	v8 =	vadd.f32 v8, v14;
	v9 =	vadd.f32 v9, v15  }
0x4c1: {  	v11 =	vadd.f32 v11, v18;
	vm1 =	vge.f32 v6, $0.0e+00;
	v16 =	vmul.f32 $2.000000030e-01, v6  }
0x4c2: {  	v3 =	vmul.f32 $2.000000030e-01, v2;
	v19 =	vmul.f32 $2.000000030e-01, v17;
	vm2 =	vge.f32 v2, $0.0e+00  }
0x4c3: {  	vm3 =	vge.f32 v17, $0.0e+00;
	v20 =	vmul.f32 $2.000000030e-01, v8;
	vm4 =	vge.f32 v9, $0.0e+00  }
0x4c4: {  	v2 =	vsel vm2, v2, v3;
	v16 =	vsel vm1, v6, v16;
	v6 =	vmul.f32 $2.000000030e-01, v10  }
0x4c5: {  	vm1 =	vge.f32 v10, $0.0e+00;
	v21 =	vperm.xlane v2, v0;
	v2 =	vmul.f32 $2.000000030e-01, v9  }
0x4c6: {  	s21 =	simm.s32 $0x1CF90;
	v22 =	vmul.f32 $2.000000030e-01, v7;
	vm2 =	vge.f32 v8, $0.0e+00;
	v6 =	vsel vm1, v10, v6  }
0x4c7: {  	v24 =	vld [tilespmem:s21+$0xFFFFFFC0];
	vm1 =	vge.f32 v7, $0.0e+00;
	v10 =	vmul.f32 $2.000000030e-01, v11;
	v9 =	vsel vm4, v9, v2  }
0x4c8: {  	v25 =	vld [tilespmem:s21+$0xFFFFFFA0];
	v6 =	vperm.xlane v6, v0;
	v7 =	vsel vm1, v7, v22;
	vm1 =	vge.f32 v11, $0.0e+00  }
0x4c9: {  	s24 =	simm.s32 $0x18F60;
	v28 =	vld [tilespmem:s21+$0xFFFFFFE0];
	v23 =	vperm.xlane v9, v0;
	v7 =	vperm.xlane v7, v0;
	v9 =	vsel vm1, v11, v10  }
0x4ca: {  	v3 =	vld [tilespmem:s24+$0xFFFFFFC0];
	v10 =	vsel vm3, v17, v19;
	v19 =	vmul.f32 $1.442695020e+00, v6;
	v11 =	vperm.xlane v9, v0  }
0x4cb: {  	v8 =	vsel vm2, v8, v20;
	v20 =	vld [tilespmem:s21+$0xFFFFFFB0];
	v26 =	vmul.f32 $1.442695020e+00, v7  }
0x4cc: {  	v2 =	vld [tilespmem:s24+$0x30];
	v9 =	vsel vm0, $0x3F800000, v5;
	v5 =	vmul.f32 $1.442695020e+00, v11;
	(erf) = vpow2.f32 v19  }
0x4cd: {  	v22 =	vld [tilespmem:s21+$0x0];
	(erf) = vpow2.f32 v26  }
0x4ce: {  	v10 =	vperm.xlane v10, v0;
	(erf) = vpow2.f32 v5;
	v5 =	vld [tilespmem:s24+$0xFFFFFFE0]  }
0x4cf: {  	v29 =	vsel vm0, $0x3F800000, v13;
	v8 =	vperm.xlane v8, v0;
	v17 =	vld [tilespmem:s21+$0xFFFFFFF0]  }
0x4d0: {  	v15 =	vsel vm0, $0x3F800000, v15;
	v6 =	vld [tilespmem:s24+$0x20];
	v19 =	vperm.xlane v16, v0;
	v16 =	vmul.f32 $1.442695020e+00, v10  }
0x4d1: {  	v7 =	vld [tilespmem:s24+$0xFFFFFFF0];
	v11 =	vsel vm0, $0x3F800000, v18;
	v10 =	vsel vm0, $0x3F800000, v14;
	v14 =	vmul.f32 $1.442695020e+00, v23  }
0x4d2: {  	v23 =	vmul.f32 $1.442695020e+00, v8;
	v8 =	vld [tilespmem:s24+$0x10];
	v18 =	vadd.f32 v22, v2;
	(erf) = vpow2.f32 v16  }
0x4d3: {  	v30 =	vmul.f32 $1.442695020e+00, v21;
	v22 =	vld [tilespmem:s21+$0xFFFFFF90];
	(erf) = vpow2.f32 v14;
	v14 =	vadd.f32 v20, v5  }
0x4d4: {  	v26 =	vsel vm0, $0x3F800000, v4;
	v4 =	vld [tilespmem:s24+$0xFFFFFFD0];
	v13 =	vmul.f32 $1.442695020e+00, v19;
	v27 =	vmul.f32 $2.000000030e-01, v18  }
0x4d5: {  	v12 =	vsel vm0, $0x3F800000, v12;
	(erf) = vpow2.f32 v23;
	v31 =	vmul.f32 $2.000000030e-01, v14  }
0x4d6: {  	v17 =	vadd.f32 v17, v6;
	v16 =	vadd.f32 v24, v7;
	v19 =	vpop (erf);
	vm3 =	vge.f32 v14, $0.0e+00  }
0x4d7: {  	(erf) = vpow2.f32 v13;
	v21 =	vmul.f32 v19, v26;
	v19 =	vpop (erf);
	v13 =	vsel vm3, v14, v31;
	v14 =	vld [tilespmem:s21+$0xFFFFFFD0]  }
0x4d8: {  	v23 =	vadd.f32 v22, v3;
	v19 =	vmul.f32 v19, v12;
	v12 =	vperm.xlane v13, v0;
	v13 =	vld [tilespmem:s24+$0x0]  }
0x4d9: {  	vm4 =	vge.f32 v18, $0.0e+00;
	v22 =	vadd.f32 v25, v4;
	v25 =	vadd.f32 v28, v8  }
0x4da: {  	v18 =	vsel vm4, v18, v27;
	vm1 =	vge.f32 v16, $0.0e+00;
	v20 =	vmul.f32 $2.000000030e-01, v16;
	v24 =	vpop (erf)  }
0x4db: {  	vm2 =	vge.f32 v22, $0.0e+00;
	v28 =	vmul.f32 $2.000000030e-01, v25;
	(erf) = vpow2.f32 v30;
	v30 =	vpop (erf)  }
0x4dc: {  	s22 =	simm.s32 $0x8;
	s26 =	simm.s32 $0x1D010;
	v26 =	vmul.f32 $2.000000030e-01, v22;
	vm3 =	vge.f32 v25, $0.0e+00;
	s24 =	simm.s32 $0x18FE0;
	v27 =	vmul.f32 v30, v29  }
.LBB2_28:
0x4dd: {  	s22 =	sadd.s32 $0x8, s22;
	v29 =	vmul.f32 $2.000000030e-01, v23;
	v30 =	vadd.f32 v14, v13;
	v14 =	vld [tilespmem:s26+$0xFFFFFFD0];
	v11 =	vmul.f32 v24, v11;
	v24 =	vpop (erf)  }
0x4de: {  	vm4 =	vge.f32 v23, $0.0e+00;
	v22 =	vsel vm2, v22, v26;
	v31 =	vld [tilespmem:s24+$0xFFFFFFC0];
	p4 =	slt.u32 s22, $0xF8;
	v25 =	vsel vm3, v25, v28;
	[tilespmem:s20+$0xFFFFFFC0] =	vst v27;
	v26 =	vpop (erf)  }
0x4df: {  	v28 =	vmul.f32 $2.000000030e-01, v17;
	v27 =	vld [tilespmem:s26+$0xFFFFFFB0];
	v23 =	vsel vm4, v23, v29;
	[tilespmem:s20+$0xFFFFFF90] =	vst v21;
	v29 =	vmul.f32 v24, v15  }
0x4e0: {  	vm2 =	vge.f32 v17, $0.0e+00;
	v24 =	vperm.xlane v25, v0;
	v21 =	vld [tilespmem:s24+$0x30];
	v23 =	vperm.xlane v23, v0;
	[tilespmem:s20+$0xFFFFFFD0] =	vst v11  }
0x4e1: {  	v11 =	vsel vm1, v16, v20;
	v16 =	vmul.f32 $2.000000030e-01, v30;
	v17 =	vsel vm2, v17, v28;
	v25 =	vld [tilespmem:s26+$0xFFFFFFC0];
	[tilespmem:s20+$0xFFFFFFF0] =	vst v19  }
0x4e2: {  	v32 =	vmul.f32 v26, v10;
	vm1 =	vge.f32 v30, $0.0e+00;
	v17 =	vperm.xlane v17, v0;
	v19 =	vld [tilespmem:s26+$0x0];
	[tilespmem:s20+$0xFFFFFFE0] =	vst v29;
	v15 =	vpop (erf)  }
0x4e3: {  	v23 =	vmul.f32 $1.442695020e+00, v23;
	v16 =	vsel vm1, v30, v16;
	v20 =	vld [tilespmem:s26+$0xFFFFFFF0];
	v15 =	vmul.f32 v15, v9  }
0x4e4: {  	v28 =	vperm.xlane v11, v0;
	v30 =	vsel vm0, $0x3F800000, v1;
	v11 =	vperm.xlane v16, v0;
	v26 =	vld [tilespmem:s26+$0xFFFFFFA0];
	[tilespmem:s20+$0xFFFFFFA0] =	vst v32;
	v10 =	vpop (erf)  }
0x4e5: {  	v1 =	vmovc v5;
	v16 =	vmul.f32 $1.442695020e+00, v17;
	v9 =	vsel vm0, $0x3F800000, v2;
	v29 =	vld [tilespmem:s26+$0xFFFFFFE0];
	v10 =	vmul.f32 v10, v30;
	[tilespmem:s20+$0x0] =	vst v15;
	v2 =	vmovc v21  }
0x4e6: {  	v5 =	vmul.f32 $1.442695020e+00, v11;
	v11 =	vsel vm0, $0x3F800000, v13;
	v30 =	vld [tilespmem:s24+$0x20];
	(erf) = vpow2.f32 v23  }
0x4e7: {  	v17 =	vperm.xlane v18, v0;
	v13 =	vld [tilespmem:s24+$0xFFFFFFF0];
	v32 =	vadd.f32 v19, v2;
	(erf) = vpow2.f32 v16;
	[tilespmem:s20+$0xFFFFFFB0] =	vst v10;
	s20 =	smov.u32 s21;
	s21 =	smov.u32 s26  }
0x4e8: {  	v15 =	vmul.f32 $1.442695020e+00, v28;
	v19 =	vsel vm0, $0x3F800000, v3;
	v3 =	vmovc v31;
	v18 =	vld [tilespmem:s26+$0xFFFFFF90];
	(erf) = vpow2.f32 v5  }
0x4e9: {  	v16 =	vperm.xlane v22, v0;
	v5 =	vld [tilespmem:s24+$0xFFFFFFE0];
	vm4 =	vge.f32 v32, $0.0e+00;
	v31 =	vmul.f32 $2.000000030e-01, v32  }
0x4ea: {  	v21 =	vmul.f32 $1.442695020e+00, v24;
	v10 =	vsel vm0, $0x3F800000, v4;
	v4 =	vld [tilespmem:s24+$0xFFFFFFD0];
	(erf) = vpow2.f32 v15  }
0x4eb: {  	v33 =	vsel vm0, $0x3F800000, v7;
	v22 =	vmul.f32 $1.442695020e+00, v16;
	v15 =	vsel vm0, $0x3F800000, v8;
	v8 =	vld [tilespmem:s24+$0x10]  }
0x4ec: {  	v28 =	vmul.f32 $1.442695020e+00, v17;
	v16 =	vadd.f32 v25, v13;
	(erf) = vpow2.f32 v21;
	v7 =	vmovc v13  }
0x4ed: {  	v34 =	vmul.f32 $1.442695020e+00, v12;
	v17 =	vadd.f32 v20, v30;
	(erf) = vpow2.f32 v22  }
0x4ee: {  	v23 =	vadd.f32 v18, v3;
	v12 =	vadd.f32 v27, v5;
	v20 =	vmul.f32 $2.000000030e-01, v16  }
0x4ef: {  	v6 =	vsel vm0, $0x3F800000, v6;
	vm1 =	vge.f32 v16, $0.0e+00;
	v22 =	vadd.f32 v26, v4;
	v18 =	vpop (erf)  }
.Ltmp18:
0x4f0: {  	vm3 =	vge.f32 v12, $0.0e+00;
	v35 =	vmul.f32 $2.000000030e-01, v12;
	v13 =	vld [tilespmem:s24+$0x0];
	v21 =	vmul.f32 v18, v19;
	v18 =	vpop (erf);
	(pc) =	sbr.rel @p4 .LBB2_28-.Ltmp18, $4  }
0x4f1: {  	v25 =	vadd.f32 v29, v8;
	vm2 =	vge.f32 v22, $0.0e+00;
	v24 =	vpop (erf);
	(erf) = vpow2.f32 v28  }
0x4f2: {  	v26 =	vmul.f32 $2.000000030e-01, v22;
	v19 =	vmul.f32 v18, v6;
	v6 =	vmovc v30;
	v12 =	vsel vm3, v12, v35  }
0x4f3: {  	vm3 =	vge.f32 v25, $0.0e+00;
	v12 =	vperm.xlane v12, v0;
	(erf) = vpow2.f32 v34;
	v27 =	vpop (erf)  }
0x4f4: {  	s26 =	sadd.s32 $0x80, s26;
	s24 =	sadd.s32 $0x80, s24;
	v18 =	vsel vm4, v32, v31;
	v28 =	vmul.f32 $2.000000030e-01, v25;
	v27 =	vmul.f32 v27, v33  }
0x4f5: {  	v29 =	vmul.f32 $2.000000030e-01, v23;
	v14 =	vadd.f32 v14, v13;
	vm4 =	vge.f32 v23, $0.0e+00  }
0x4f6: {  	v30 =	vmul.f32 $2.000000030e-01, v17;
	vm14 =	vge.f32 v17, $0.0e+00;
	v16 =	vsel vm1, v16, v20  }
0x4f7: {  	v18 =	vperm.xlane v18, v0;
	v23 =	vsel vm4, v23, v29;
	v45 =	vmul.f32 $2.000000030e-01, v14  }
0x4f8: {  	v17 =	vsel vm14, v17, v30;
	vm15 =	vge.f32 v14, $0.0e+00;
	v23 =	vperm.xlane v23, v0  }
0x4f9: {  	v16 =	vperm.xlane v16, v0;
	v17 =	vperm.xlane v17, v0;
	v14 =	vsel vm15, v14, v45  }
0x4fa: {  	v46 =	vmul.f32 $1.442695020e+00, v23;
	v14 =	vperm.xlane v14, v0  }
0x4fb: {  	v16 =	vmul.f32 $1.442695020e+00, v16;
	v17 =	vmul.f32 $1.442695020e+00, v17  }
0x4fc: {  	v47 =	vsel vm3, v25, v28;
	v14 =	vmul.f32 $1.442695020e+00, v14;
	(erf) = vpow2.f32 v46  }
0x4fd: {  	v48 =	vsel vm2, v22, v26;
	(erf) = vpow2.f32 v17;
	v17 =	vperm.xlane v47, v0  }
0x4fe: {  	(erf) = vpow2.f32 v14;
	v14 =	vperm.xlane v48, v0  }
0x4ff: {  	(erf) = vpow2.f32 v16;
	v17 =	vmul.f32 $1.442695020e+00, v17  }
0x500: {  	v49 =	vpop (erf);
	v11 =	vmul.f32 v24, v11;
	v14 =	vmul.f32 $1.442695020e+00, v14  }
0x501: {  	[tilespmem:s20+$0xFFFFFF90] =	vst v21;
	v50 =	vpop (erf);
	v18 =	vmul.f32 $1.442695020e+00, v18;
	(erf) = vpow2.f32 v17  }
0x502: {  	v12 =	vmul.f32 $1.442695020e+00, v12;
	[tilespmem:s20+$0xFFFFFFF0] =	vst v19;
	(erf) = vpow2.f32 v14  }
0x503: {  	[tilespmem:s20+$0xFFFFFFC0] =	vst v27;
	v53 =	vmul.f32 v49, v15;
	v51 =	vpop (erf);
	(erf) = vpow2.f32 v18  }
0x504: {  	v1 =	vsel vm0, $0x3F800000, v1;
	[tilespmem:s20+$0xFFFFFFD0] =	vst v11;
	v10 =	vmul.f32 v50, v10;
	v52 =	vpop (erf);
	(erf) = vpow2.f32 v12  }
0x505: {  	[tilespmem:s20+$0xFFFFFFE0] =	vst v53;
	v1 =	vmul.f32 v52, v1;
	v54 =	vpop (erf)  }
0x506: {  	v3 =	vsel vm0, $0x3F800000, v3;
	[tilespmem:s20+$0xFFFFFFA0] =	vst v10;
	v9 =	vmul.f32 v51, v9;
	v55 =	vpop (erf)  }
0x507: {  	[tilespmem:s20+$0xFFFFFFB0] =	vst v1;
	v1 =	vmul.f32 v54, v3;
	v3 =	vsel vm0, $0x3F800000, v6;
	v56 =	vpop (erf)  }
0x508: {  	v7 =	vsel vm0, $0x3F800000, v7;
	[tilespmem:s20+$0x0] =	vst v9;
	v3 =	vmul.f32 v55, v3;
	v57 =	vpop (erf)  }
0x509: {  	v58 =	vsel vm0, $0x3F800000, v13;
	[tilespmem:s21+$0xFFFFFF90] =	vst v1;
	v7 =	vmul.f32 v57, v7  }
0x50a: {  	v60 =	vsel vm0, $0x3F800000, v8;
	v59 =	vmul.f32 v56, v58;
	[tilespmem:s21+$0xFFFFFFF0] =	vst v3;
	v61 =	vpop (erf)  }
0x50b: {  	v1 =	vsel vm0, $0x3F800000, v4;
	[tilespmem:s21+$0xFFFFFFC0] =	vst v7;
	v62 =	vpop (erf);
	v7 =	vmul.f32 v61, v60  }
0x50c: {  	v2 =	vsel vm0, $0x3F800000, v2;
	[tilespmem:s21+$0xFFFFFFD0] =	vst v59;
	v1 =	vmul.f32 v62, v1;
	v3 =	vpop (erf)  }
0x50d: {  	[tilespmem:s21+$0xFFFFFFE0] =	vst v7;
	v2 =	vmul.f32 v3, v2;
	v3 =	vsel vm0, $0x3F800000, v5;
	v63 =	vpop (erf)  }
0x50e: {  	[tilespmem:s21+$0xFFFFFFA0] =	vst v1;
	v1 =	vmul.f32 v63, v3  }
0x50f: {  	[tilespmem:s21+$0x0] =	vst v2  }
0x510: {  	[tilespmem:s21+$0xFFFFFFB0] =	vst v1  }
.LBB2_30:
0x511: {  	s20 =	simm.s32 @!p0 $0x5  }
0x512: {  	_ =	swait.ge @!p0 [sflag:s20], $0x1000  }
0x513: {  	s21 =	simm.s32 @!p1 $0x189A0;
	s22 =	simm.s32 @!p1 $0x1CEA0;
	[sflag:s20] =	ssyncset.done @!p0 $0x0  }
0x514: {  	s26 =	rddreg [dreg:$0x12];
	[sflag:s20] =	ssyncadd.s32 @!p0 $0xFFFFF000;
	s20 =	simm.s32 @!p1 $0x100  }
0x515: {  	[spmem:s2] =	stream.indirect.scatter.add.f32 @!p1 [tilespmem:s22], [sflag:$0x5], $0x10, s21, s20, $0xb8;
	[tilespmem:$0x1FEA0] =	vst v63  }
0x516: {  	s20 =	sadd.s32 s26, s19  }
0x517: {  	p0 =	sgt.u32 s20, $0x30D3  }
0x518: {  	s20 =	sshll.u32 @!p0 s20, $0x5;
	s21 =	simm.s32 @!p0 $0x100  }
0x519: {  	s22 =	simm.s32 @!p0 $0x30D400;
	s24 =	simm.s32 @!p0 $0x186A0;
	s20 =	sadd.s32 @!p0 s6, s20  }
0x51a: {  	[tilespmem:s24], [sflag:$0x1] =	stream.strided.gather @!p0 [hbm4b:s20+s21], $0x200, s22, s21, $0x38;
	[tilespmem:$0x1FEA0] =	vst v63  }
0x51b: {  	s20 =	simm.s32 @!p0 $0x1  }
0x51c: {  	_ =	swait.ge @!p0 [sflag:s20], $0x200  }
.Ltmp19:
0x51d: {  	[sflag:s20] =	ssyncset.done @!p0 $0x0;
	(pc) =	sbr.rel @p2 .LBB2_34-.Ltmp19, $4  }
0x51e: {  	[sflag:s20] =	ssyncadd.s32 @!p0 $0xFFFFFE00;
	s20 =	simm.s32 @!p0 $0x18EA0  }
0x51f: {  	[tilespmem:s20], [sflag:$0x2] =	stream.indirect.gather @!p0 [hbm4b:s4+s21], $0x10, s24, s21, $0xb8;
	[tilespmem:$0x1FEA0] =	vst v63  }
0x520: {  	s22 =	simm.s32 @!p0 $0x1BEA0;
	s20 =	simm.s32 @!p0 $0x187A0  }
0x521: {  	[tilespmem:s22], [sflag:$0x2] =	stream.indirect.gather @!p0 [hbm4b:s5+s21], $0x10, s20, s21, $0xb8;
	[tilespmem:$0x1FEA0] =	vst v63  }
0x522: {  	_ =	swait.ge [sflag:s15], $0x1000  }
0x523: {  	[sflag:s15] =	ssyncset.done $0x0  }
0x524: {  	[sflag:s15] =	ssyncadd.s32 $0xFFFFF000  }
0x525: {  	_ =	swait.ge [sflag:s15], $0x1000  }
0x526: {  	[sflag:s15] =	ssyncset.done $0x0  }
0x527: {  	s21 =	simm.s32 $0x19F10;
	[sflag:s15] =	ssyncadd.s32 $0xFFFFF000  }
0x528: {  	s20 =	simm.s32 $0x1DF10;
	v4 =	vld [tilespmem:s21+$0xFFFFFF90]  }
0x529: {  	v2 =	vld [tilespmem:s20+$0xFFFFFFB0]  }
0x52a: {  	v5 =	vld [tilespmem:s21+$0x0]  }
0x52b: {  	v3 =	vld [tilespmem:s20+$0xFFFFFFC0]  }
0x52c: {  	v6 =	vld [tilespmem:s20+$0x0]  }
0x52d: {  	v7 =	vld [tilespmem:s20+$0xFFFFFFF0]  }
0x52e: {  	v8 =	vld [tilespmem:s20+$0xFFFFFFA0]  }
0x52f: {  	v9 =	vld [tilespmem:s20+$0xFFFFFFE0]  }
0x530: {  	v12 =	vld [tilespmem:s21+$0xFFFFFFF0]  }
0x531: {  	v1 =	vld [tilespmem:s21+$0xFFFFFFB0]  }
0x532: {  	v13 =	vld [tilespmem:s21+$0xFFFFFFC0]  }
0x533: {  	v10 =	vld [tilespmem:s20+$0xFFFFFF90]  }
0x534: {  	v14 =	vld [tilespmem:s21+$0xFFFFFFA0]  }
0x535: {  	v15 =	vld [tilespmem:s21+$0xFFFFFFE0]  }
0x536: {  	v11 =	vld [tilespmem:s20+$0xFFFFFFD0]  }
0x537: {  	v18 =	vld [tilespmem:s21+$0xFFFFFFD0]  }
0x538: {  	v6 =	vadd.f32 v6, v5  }
0x539: {  	v2 =	vadd.f32 v2, v1;
	v17 =	vadd.f32 v3, v13  }
0x53a: {  	v7 =	vadd.f32 v7, v12;
	v10 =	vadd.f32 v10, v4  }
0x53b: {  	v8 =	vadd.f32 v8, v14;
	v9 =	vadd.f32 v9, v15  }
0x53c: {  	v11 =	vadd.f32 v11, v18;
	vm1 =	vge.f32 v6, $0.0e+00;
	v16 =	vmul.f32 $2.000000030e-01, v6  }
0x53d: {  	v3 =	vmul.f32 $2.000000030e-01, v2;
	v19 =	vmul.f32 $2.000000030e-01, v17;
	vm2 =	vge.f32 v2, $0.0e+00  }
0x53e: {  	vm3 =	vge.f32 v17, $0.0e+00;
	v20 =	vmul.f32 $2.000000030e-01, v8;
	vm4 =	vge.f32 v9, $0.0e+00  }
0x53f: {  	v2 =	vsel vm2, v2, v3;
	v16 =	vsel vm1, v6, v16;
	v6 =	vmul.f32 $2.000000030e-01, v10  }
0x540: {  	vm1 =	vge.f32 v10, $0.0e+00;
	v21 =	vperm.xlane v2, v0;
	v2 =	vmul.f32 $2.000000030e-01, v9  }
0x541: {  	s21 =	simm.s32 $0x1DF90;
	v22 =	vmul.f32 $2.000000030e-01, v7;
	vm2 =	vge.f32 v8, $0.0e+00;
	v6 =	vsel vm1, v10, v6  }
0x542: {  	v24 =	vld [tilespmem:s21+$0xFFFFFFC0];
	vm1 =	vge.f32 v7, $0.0e+00;
	v10 =	vmul.f32 $2.000000030e-01, v11;
	v9 =	vsel vm4, v9, v2  }
0x543: {  	v25 =	vld [tilespmem:s21+$0xFFFFFFA0];
	v6 =	vperm.xlane v6, v0;
	v7 =	vsel vm1, v7, v22;
	vm1 =	vge.f32 v11, $0.0e+00  }
0x544: {  	s24 =	simm.s32 $0x19F90;
	v28 =	vld [tilespmem:s21+$0xFFFFFFE0];
	v23 =	vperm.xlane v9, v0;
	v7 =	vperm.xlane v7, v0;
	v9 =	vsel vm1, v11, v10  }
0x545: {  	v3 =	vld [tilespmem:s24+$0xFFFFFF90];
	v10 =	vsel vm3, v17, v19;
	v19 =	vmul.f32 $1.442695020e+00, v6;
	v11 =	vperm.xlane v9, v0  }
0x546: {  	v8 =	vsel vm2, v8, v20;
	v20 =	vld [tilespmem:s21+$0xFFFFFFB0];
	v26 =	vmul.f32 $1.442695020e+00, v7  }
0x547: {  	v2 =	vld [tilespmem:s24+$0x0];
	v9 =	vsel vm0, $0x3F800000, v5;
	v5 =	vmul.f32 $1.442695020e+00, v11;
	(erf) = vpow2.f32 v19  }
0x548: {  	v22 =	vld [tilespmem:s21+$0x0];
	(erf) = vpow2.f32 v26  }
0x549: {  	v10 =	vperm.xlane v10, v0;
	(erf) = vpow2.f32 v5;
	v5 =	vld [tilespmem:s24+$0xFFFFFFB0]  }
0x54a: {  	v29 =	vsel vm0, $0x3F800000, v13;
	v8 =	vperm.xlane v8, v0;
	v17 =	vld [tilespmem:s21+$0xFFFFFFF0]  }
0x54b: {  	v15 =	vsel vm0, $0x3F800000, v15;
	v6 =	vld [tilespmem:s24+$0xFFFFFFF0];
	v19 =	vperm.xlane v16, v0;
	v16 =	vmul.f32 $1.442695020e+00, v10  }
0x54c: {  	v7 =	vld [tilespmem:s24+$0xFFFFFFC0];
	v11 =	vsel vm0, $0x3F800000, v18;
	v10 =	vsel vm0, $0x3F800000, v14;
	v14 =	vmul.f32 $1.442695020e+00, v23  }
0x54d: {  	v23 =	vmul.f32 $1.442695020e+00, v8;
	v8 =	vld [tilespmem:s24+$0xFFFFFFE0];
	v18 =	vadd.f32 v22, v2;
	(erf) = vpow2.f32 v16  }
0x54e: {  	v30 =	vmul.f32 $1.442695020e+00, v21;
	v22 =	vld [tilespmem:s21+$0xFFFFFF90];
	(erf) = vpow2.f32 v14;
	v14 =	vadd.f32 v20, v5  }
0x54f: {  	v26 =	vsel vm0, $0x3F800000, v4;
	v4 =	vld [tilespmem:s24+$0xFFFFFFA0];
	v13 =	vmul.f32 $1.442695020e+00, v19;
	v27 =	vmul.f32 $2.000000030e-01, v18  }
0x550: {  	v12 =	vsel vm0, $0x3F800000, v12;
	(erf) = vpow2.f32 v23;
	v31 =	vmul.f32 $2.000000030e-01, v14  }
0x551: {  	v17 =	vadd.f32 v17, v6;
	v16 =	vadd.f32 v24, v7;
	v19 =	vpop (erf);
	vm3 =	vge.f32 v14, $0.0e+00  }
0x552: {  	(erf) = vpow2.f32 v13;
	v21 =	vmul.f32 v19, v26;
	v19 =	vpop (erf);
	v13 =	vsel vm3, v14, v31;
	v14 =	vld [tilespmem:s21+$0xFFFFFFD0]  }
0x553: {  	v23 =	vadd.f32 v22, v3;
	v19 =	vmul.f32 v19, v12;
	v12 =	vperm.xlane v13, v0;
	v13 =	vld [tilespmem:s24+$0xFFFFFFD0]  }
0x554: {  	vm4 =	vge.f32 v18, $0.0e+00;
	v22 =	vadd.f32 v25, v4;
	v25 =	vadd.f32 v28, v8  }
0x555: {  	v18 =	vsel vm4, v18, v27;
	vm1 =	vge.f32 v16, $0.0e+00;
	v20 =	vmul.f32 $2.000000030e-01, v16;
	v24 =	vpop (erf)  }
0x556: {  	vm2 =	vge.f32 v22, $0.0e+00;
	v28 =	vmul.f32 $2.000000030e-01, v25;
	(erf) = vpow2.f32 v30;
	v30 =	vpop (erf)  }
0x557: {  	s22 =	simm.s32 $0x8;
	s26 =	simm.s32 $0x1E010;
	v26 =	vmul.f32 $2.000000030e-01, v22;
	vm3 =	vge.f32 v25, $0.0e+00;
	s24 =	simm.s32 $0x1A010;
	v27 =	vmul.f32 v30, v29  }
.LBB2_32:
0x558: {  	s22 =	sadd.s32 $0x8, s22;
	v29 =	vmul.f32 $2.000000030e-01, v23;
	v30 =	vadd.f32 v14, v13;
	v14 =	vld [tilespmem:s26+$0xFFFFFFD0];
	v11 =	vmul.f32 v24, v11;
	v24 =	vpop (erf)  }
0x559: {  	vm4 =	vge.f32 v23, $0.0e+00;
	v22 =	vsel vm2, v22, v26;
	v31 =	vld [tilespmem:s24+$0xFFFFFF90];
	p0 =	slt.u32 s22, $0xF8;
	v25 =	vsel vm3, v25, v28;
	[tilespmem:s20+$0xFFFFFFC0] =	vst v27;
	v26 =	vpop (erf)  }
0x55a: {  	v28 =	vmul.f32 $2.000000030e-01, v17;
	v27 =	vld [tilespmem:s26+$0xFFFFFFB0];
	v23 =	vsel vm4, v23, v29;
	[tilespmem:s20+$0xFFFFFF90] =	vst v21;
	v29 =	vmul.f32 v24, v15  }
0x55b: {  	vm2 =	vge.f32 v17, $0.0e+00;
	v24 =	vperm.xlane v25, v0;
	v21 =	vld [tilespmem:s24+$0x0];
	v23 =	vperm.xlane v23, v0;
	[tilespmem:s20+$0xFFFFFFD0] =	vst v11  }
0x55c: {  	v11 =	vsel vm1, v16, v20;
	v16 =	vmul.f32 $2.000000030e-01, v30;
	v17 =	vsel vm2, v17, v28;
	v25 =	vld [tilespmem:s26+$0xFFFFFFC0];
	[tilespmem:s20+$0xFFFFFFF0] =	vst v19  }
0x55d: {  	v32 =	vmul.f32 v26, v10;
	vm1 =	vge.f32 v30, $0.0e+00;
	v17 =	vperm.xlane v17, v0;
	v19 =	vld [tilespmem:s26+$0x0];
	[tilespmem:s20+$0xFFFFFFE0] =	vst v29;
	v15 =	vpop (erf)  }
0x55e: {  	v23 =	vmul.f32 $1.442695020e+00, v23;
	v16 =	vsel vm1, v30, v16;
	v20 =	vld [tilespmem:s26+$0xFFFFFFF0];
	v15 =	vmul.f32 v15, v9  }
0x55f: {  	v28 =	vperm.xlane v11, v0;
	v30 =	vsel vm0, $0x3F800000, v1;
	v11 =	vperm.xlane v16, v0;
	v26 =	vld [tilespmem:s26+$0xFFFFFFA0];
	[tilespmem:s20+$0xFFFFFFA0] =	vst v32;
	v10 =	vpop (erf)  }
0x560: {  	v1 =	vmovc v5;
	v16 =	vmul.f32 $1.442695020e+00, v17;
	v9 =	vsel vm0, $0x3F800000, v2;
	v29 =	vld [tilespmem:s26+$0xFFFFFFE0];
	v10 =	vmul.f32 v10, v30;
	[tilespmem:s20+$0x0] =	vst v15;
	v2 =	vmovc v21  }
0x561: {  	v5 =	vmul.f32 $1.442695020e+00, v11;
	v11 =	vsel vm0, $0x3F800000, v13;
	v30 =	vld [tilespmem:s24+$0xFFFFFFF0];
	(erf) = vpow2.f32 v23  }
0x562: {  	v17 =	vperm.xlane v18, v0;
	v13 =	vld [tilespmem:s24+$0xFFFFFFC0];
	v32 =	vadd.f32 v19, v2;
	(erf) = vpow2.f32 v16;
	[tilespmem:s20+$0xFFFFFFB0] =	vst v10;
	s20 =	smov.u32 s21;
	s21 =	smov.u32 s26  }
0x563: {  	v15 =	vmul.f32 $1.442695020e+00, v28;
	v19 =	vsel vm0, $0x3F800000, v3;
	v3 =	vmovc v31;
	v18 =	vld [tilespmem:s26+$0xFFFFFF90];
	(erf) = vpow2.f32 v5  }
0x564: {  	v16 =	vperm.xlane v22, v0;
	v5 =	vld [tilespmem:s24+$0xFFFFFFB0];
	vm4 =	vge.f32 v32, $0.0e+00;
	v31 =	vmul.f32 $2.000000030e-01, v32  }
0x565: {  	v21 =	vmul.f32 $1.442695020e+00, v24;
	v10 =	vsel vm0, $0x3F800000, v4;
	v4 =	vld [tilespmem:s24+$0xFFFFFFA0];
	(erf) = vpow2.f32 v15  }
0x566: {  	v33 =	vsel vm0, $0x3F800000, v7;
	v22 =	vmul.f32 $1.442695020e+00, v16;
	v15 =	vsel vm0, $0x3F800000, v8;
	v8 =	vld [tilespmem:s24+$0xFFFFFFE0]  }
0x567: {  	v28 =	vmul.f32 $1.442695020e+00, v17;
	v16 =	vadd.f32 v25, v13;
	(erf) = vpow2.f32 v21;
	v7 =	vmovc v13  }
0x568: {  	v34 =	vmul.f32 $1.442695020e+00, v12;
	v17 =	vadd.f32 v20, v30;
	(erf) = vpow2.f32 v22  }
0x569: {  	v23 =	vadd.f32 v18, v3;
	v12 =	vadd.f32 v27, v5;
	v20 =	vmul.f32 $2.000000030e-01, v16  }
0x56a: {  	v6 =	vsel vm0, $0x3F800000, v6;
	vm1 =	vge.f32 v16, $0.0e+00;
	v22 =	vadd.f32 v26, v4;
	v18 =	vpop (erf)  }
.Ltmp20:
0x56b: {  	vm3 =	vge.f32 v12, $0.0e+00;
	v35 =	vmul.f32 $2.000000030e-01, v12;
	v13 =	vld [tilespmem:s24+$0xFFFFFFD0];
	v21 =	vmul.f32 v18, v19;
	v18 =	vpop (erf);
	(pc) =	sbr.rel @p0 .LBB2_32-.Ltmp20, $4  }
0x56c: {  	v25 =	vadd.f32 v29, v8;
	vm2 =	vge.f32 v22, $0.0e+00;
	v24 =	vpop (erf);
	(erf) = vpow2.f32 v28  }
0x56d: {  	v26 =	vmul.f32 $2.000000030e-01, v22;
	v19 =	vmul.f32 v18, v6;
	v6 =	vmovc v30;
	v12 =	vsel vm3, v12, v35  }
0x56e: {  	vm3 =	vge.f32 v25, $0.0e+00;
	v12 =	vperm.xlane v12, v0;
	(erf) = vpow2.f32 v34;
	v27 =	vpop (erf)  }
0x56f: {  	s26 =	sadd.s32 $0x80, s26;
	s24 =	sadd.s32 $0x80, s24;
	v18 =	vsel vm4, v32, v31;
	v28 =	vmul.f32 $2.000000030e-01, v25;
	v27 =	vmul.f32 v27, v33  }
0x570: {  	v29 =	vmul.f32 $2.000000030e-01, v23;
	v14 =	vadd.f32 v14, v13;
	vm4 =	vge.f32 v23, $0.0e+00  }
0x571: {  	v30 =	vmul.f32 $2.000000030e-01, v17;
	vm14 =	vge.f32 v17, $0.0e+00;
	v16 =	vsel vm1, v16, v20  }
0x572: {  	v18 =	vperm.xlane v18, v0;
	v23 =	vsel vm4, v23, v29;
	v45 =	vmul.f32 $2.000000030e-01, v14  }
0x573: {  	v17 =	vsel vm14, v17, v30;
	vm15 =	vge.f32 v14, $0.0e+00;
	v23 =	vperm.xlane v23, v0  }
0x574: {  	v16 =	vperm.xlane v16, v0;
	v17 =	vperm.xlane v17, v0;
	v14 =	vsel vm15, v14, v45  }
0x575: {  	v46 =	vmul.f32 $1.442695020e+00, v23;
	v14 =	vperm.xlane v14, v0  }
0x576: {  	v16 =	vmul.f32 $1.442695020e+00, v16;
	v17 =	vmul.f32 $1.442695020e+00, v17  }
0x577: {  	v47 =	vsel vm3, v25, v28;
	v14 =	vmul.f32 $1.442695020e+00, v14;
	(erf) = vpow2.f32 v46  }
0x578: {  	v48 =	vsel vm2, v22, v26;
	(erf) = vpow2.f32 v17;
	v17 =	vperm.xlane v47, v0  }
0x579: {  	(erf) = vpow2.f32 v14;
	v14 =	vperm.xlane v48, v0  }
0x57a: {  	(erf) = vpow2.f32 v16;
	v17 =	vmul.f32 $1.442695020e+00, v17  }
0x57b: {  	v49 =	vpop (erf);
	v11 =	vmul.f32 v24, v11;
	v14 =	vmul.f32 $1.442695020e+00, v14  }
0x57c: {  	[tilespmem:s20+$0xFFFFFF90] =	vst v21;
	v50 =	vpop (erf);
	v18 =	vmul.f32 $1.442695020e+00, v18;
	(erf) = vpow2.f32 v17  }
0x57d: {  	v12 =	vmul.f32 $1.442695020e+00, v12;
	[tilespmem:s20+$0xFFFFFFF0] =	vst v19;
	(erf) = vpow2.f32 v14  }
0x57e: {  	[tilespmem:s20+$0xFFFFFFC0] =	vst v27;
	v53 =	vmul.f32 v49, v15;
	v51 =	vpop (erf);
	(erf) = vpow2.f32 v18  }
0x57f: {  	v1 =	vsel vm0, $0x3F800000, v1;
	[tilespmem:s20+$0xFFFFFFD0] =	vst v11;
	v10 =	vmul.f32 v50, v10;
	v52 =	vpop (erf);
	(erf) = vpow2.f32 v12  }
0x580: {  	[tilespmem:s20+$0xFFFFFFE0] =	vst v53;
	v1 =	vmul.f32 v52, v1;
	v54 =	vpop (erf)  }
0x581: {  	v3 =	vsel vm0, $0x3F800000, v3;
	[tilespmem:s20+$0xFFFFFFA0] =	vst v10;
	v9 =	vmul.f32 v51, v9;
	v55 =	vpop (erf)  }
0x582: {  	[tilespmem:s20+$0xFFFFFFB0] =	vst v1;
	v1 =	vmul.f32 v54, v3;
	v3 =	vsel vm0, $0x3F800000, v6;
	v56 =	vpop (erf)  }
0x583: {  	v7 =	vsel vm0, $0x3F800000, v7;
	[tilespmem:s20+$0x0] =	vst v9;
	v3 =	vmul.f32 v55, v3;
	v57 =	vpop (erf)  }
0x584: {  	v58 =	vsel vm0, $0x3F800000, v13;
	[tilespmem:s21+$0xFFFFFF90] =	vst v1;
	v7 =	vmul.f32 v57, v7  }
0x585: {  	v60 =	vsel vm0, $0x3F800000, v8;
	v59 =	vmul.f32 v56, v58;
	[tilespmem:s21+$0xFFFFFFF0] =	vst v3;
	v61 =	vpop (erf)  }
0x586: {  	v1 =	vsel vm0, $0x3F800000, v4;
	[tilespmem:s21+$0xFFFFFFC0] =	vst v7;
	v62 =	vpop (erf);
	v7 =	vmul.f32 v61, v60  }
0x587: {  	v2 =	vsel vm0, $0x3F800000, v2;
	[tilespmem:s21+$0xFFFFFFD0] =	vst v59;
	v1 =	vmul.f32 v62, v1;
	v3 =	vpop (erf)  }
0x588: {  	[tilespmem:s21+$0xFFFFFFE0] =	vst v7;
	v2 =	vmul.f32 v3, v2;
	v3 =	vsel vm0, $0x3F800000, v5;
	v63 =	vpop (erf)  }
0x589: {  	[tilespmem:s21+$0xFFFFFFA0] =	vst v1;
	v1 =	vmul.f32 v63, v3  }
0x58a: {  	[tilespmem:s21+$0x0] =	vst v2  }
0x58b: {  	[tilespmem:s21+$0xFFFFFFB0] =	vst v1  }
.LBB2_34:
0x58c: {  	s20 =	simm.s32 @!p1 $0x5  }
0x58d: {  	_ =	swait.ge @!p1 [sflag:s20], $0x1000  }
0x58e: {  	s21 =	simm.s32 @!p2 $0x18BA0;
	s22 =	simm.s32 @!p2 $0x1DEA0;
	[sflag:s20] =	ssyncset.done @!p1 $0x0  }
0x58f: {  	s26 =	rddreg [dreg:$0x14];
	[sflag:s20] =	ssyncadd.s32 @!p1 $0xFFFFF000;
	s20 =	simm.s32 @!p2 $0x100  }
0x590: {  	[spmem:s2] =	stream.indirect.scatter.add.f32 @!p2 [tilespmem:s22], [sflag:$0x5], $0x10, s21, s20, $0xb8;
	[tilespmem:$0x1FEA0] =	vst v63  }
0x591: {  	s20 =	sadd.s32 s26, s19  }
0x592: {  	p0 =	sgt.u32 s20, $0x30D3  }
0x593: {  	s20 =	sshll.u32 @!p0 s20, $0x5;
	s21 =	simm.s32 @!p0 $0x100  }
0x594: {  	s22 =	simm.s32 @!p0 $0x30D400;
	s24 =	simm.s32 @!p0 $0x188A0;
	s20 =	sadd.s32 @!p0 s6, s20  }
0x595: {  	[tilespmem:s24], [sflag:$0x1] =	stream.strided.gather @!p0 [hbm4b:s20+s21], $0x200, s22, s21, $0x38;
	[tilespmem:$0x1FEA0] =	vst v63  }
0x596: {  	s20 =	simm.s32 @!p0 $0x1  }
0x597: {  	_ =	swait.ge @!p0 [sflag:s20], $0x200  }
.Ltmp21:
0x598: {  	[sflag:s20] =	ssyncset.done @!p0 $0x0;
	(pc) =	sbr.rel @p3 .LBB2_38-.Ltmp21, $4  }
0x599: {  	[sflag:s20] =	ssyncadd.s32 @!p0 $0xFFFFFE00;
	s20 =	simm.s32 @!p0 $0x19EA0  }
0x59a: {  	[tilespmem:s20], [sflag:$0x3] =	stream.indirect.gather @!p0 [hbm4b:s4+s21], $0x10, s24, s21, $0xb8;
	[tilespmem:$0x1FEA0] =	vst v63  }
0x59b: {  	s22 =	simm.s32 @!p0 $0x1CEA0;
	s20 =	simm.s32 @!p0 $0x189A0  }
0x59c: {  	[tilespmem:s22], [sflag:$0x3] =	stream.indirect.gather @!p0 [hbm4b:s5+s21], $0x10, s20, s21, $0xb8;
	[tilespmem:$0x1FEA0] =	vst v63  }
0x59d: {  	_ =	swait.ge [sflag:s17], $0x1000  }
0x59e: {  	[sflag:s17] =	ssyncset.done $0x0  }
0x59f: {  	[sflag:s17] =	ssyncadd.s32 $0xFFFFF000  }
0x5a0: {  	_ =	swait.ge [sflag:s17], $0x1000  }
0x5a1: {  	[sflag:s17] =	ssyncset.done $0x0  }
0x5a2: {  	s21 =	simm.s32 $0x1AF10;
	[sflag:s17] =	ssyncadd.s32 $0xFFFFF000  }
0x5a3: {  	s20 =	simm.s32 $0x1EF10;
	v4 =	vld [tilespmem:s21+$0xFFFFFF90]  }
0x5a4: {  	v2 =	vld [tilespmem:s20+$0xFFFFFFB0]  }
0x5a5: {  	v5 =	vld [tilespmem:s21+$0x0]  }
0x5a6: {  	v3 =	vld [tilespmem:s20+$0xFFFFFFC0]  }
0x5a7: {  	v6 =	vld [tilespmem:s20+$0x0]  }
0x5a8: {  	v7 =	vld [tilespmem:s20+$0xFFFFFFF0]  }
0x5a9: {  	v8 =	vld [tilespmem:s20+$0xFFFFFFA0]  }
0x5aa: {  	v9 =	vld [tilespmem:s20+$0xFFFFFFE0]  }
0x5ab: {  	v12 =	vld [tilespmem:s21+$0xFFFFFFF0]  }
0x5ac: {  	v1 =	vld [tilespmem:s21+$0xFFFFFFB0]  }
0x5ad: {  	v13 =	vld [tilespmem:s21+$0xFFFFFFC0]  }
0x5ae: {  	v10 =	vld [tilespmem:s20+$0xFFFFFF90]  }
0x5af: {  	v14 =	vld [tilespmem:s21+$0xFFFFFFA0]  }
0x5b0: {  	v15 =	vld [tilespmem:s21+$0xFFFFFFE0]  }
0x5b1: {  	v11 =	vld [tilespmem:s20+$0xFFFFFFD0]  }
0x5b2: {  	v18 =	vld [tilespmem:s21+$0xFFFFFFD0]  }
0x5b3: {  	v6 =	vadd.f32 v6, v5  }
0x5b4: {  	v2 =	vadd.f32 v2, v1;
	v17 =	vadd.f32 v3, v13  }
0x5b5: {  	v7 =	vadd.f32 v7, v12;
	v10 =	vadd.f32 v10, v4  }
0x5b6: {  	v8 =	vadd.f32 v8, v14;
	v9 =	vadd.f32 v9, v15  }
0x5b7: {  	v11 =	vadd.f32 v11, v18;
	vm1 =	vge.f32 v6, $0.0e+00;
	v16 =	vmul.f32 $2.000000030e-01, v6  }
0x5b8: {  	v3 =	vmul.f32 $2.000000030e-01, v2;
	v19 =	vmul.f32 $2.000000030e-01, v17;
	vm2 =	vge.f32 v2, $0.0e+00  }
0x5b9: {  	vm3 =	vge.f32 v17, $0.0e+00;
	v20 =	vmul.f32 $2.000000030e-01, v8;
	vm4 =	vge.f32 v9, $0.0e+00  }
0x5ba: {  	v2 =	vsel vm2, v2, v3;
	v16 =	vsel vm1, v6, v16;
	v6 =	vmul.f32 $2.000000030e-01, v10  }
0x5bb: {  	vm1 =	vge.f32 v10, $0.0e+00;
	v21 =	vperm.xlane v2, v0;
	v2 =	vmul.f32 $2.000000030e-01, v9  }
0x5bc: {  	s21 =	simm.s32 $0x1EF90;
	v22 =	vmul.f32 $2.000000030e-01, v7;
	vm2 =	vge.f32 v8, $0.0e+00;
	v6 =	vsel vm1, v10, v6  }
0x5bd: {  	v24 =	vld [tilespmem:s21+$0xFFFFFFC0];
	vm1 =	vge.f32 v7, $0.0e+00;
	v10 =	vmul.f32 $2.000000030e-01, v11;
	v9 =	vsel vm4, v9, v2  }
0x5be: {  	v25 =	vld [tilespmem:s21+$0xFFFFFFA0];
	v6 =	vperm.xlane v6, v0;
	v7 =	vsel vm1, v7, v22;
	vm1 =	vge.f32 v11, $0.0e+00  }
0x5bf: {  	s24 =	simm.s32 $0x1AF90;
	v28 =	vld [tilespmem:s21+$0xFFFFFFE0];
	v23 =	vperm.xlane v9, v0;
	v7 =	vperm.xlane v7, v0;
	v9 =	vsel vm1, v11, v10  }
0x5c0: {  	v3 =	vld [tilespmem:s24+$0xFFFFFF90];
	v10 =	vsel vm3, v17, v19;
	v19 =	vmul.f32 $1.442695020e+00, v6;
	v11 =	vperm.xlane v9, v0  }
0x5c1: {  	v8 =	vsel vm2, v8, v20;
	v20 =	vld [tilespmem:s21+$0xFFFFFFB0];
	v26 =	vmul.f32 $1.442695020e+00, v7  }
0x5c2: {  	v2 =	vld [tilespmem:s24+$0x0];
	v9 =	vsel vm0, $0x3F800000, v5;
	v5 =	vmul.f32 $1.442695020e+00, v11;
	(erf) = vpow2.f32 v19  }
0x5c3: {  	v22 =	vld [tilespmem:s21+$0x0];
	(erf) = vpow2.f32 v26  }
0x5c4: {  	v10 =	vperm.xlane v10, v0;
	(erf) = vpow2.f32 v5;
	v5 =	vld [tilespmem:s24+$0xFFFFFFB0]  }
0x5c5: {  	v29 =	vsel vm0, $0x3F800000, v13;
	v8 =	vperm.xlane v8, v0;
	v17 =	vld [tilespmem:s21+$0xFFFFFFF0]  }
0x5c6: {  	v15 =	vsel vm0, $0x3F800000, v15;
	v6 =	vld [tilespmem:s24+$0xFFFFFFF0];
	v19 =	vperm.xlane v16, v0;
	v16 =	vmul.f32 $1.442695020e+00, v10  }
0x5c7: {  	v7 =	vld [tilespmem:s24+$0xFFFFFFC0];
	v11 =	vsel vm0, $0x3F800000, v18;
	v10 =	vsel vm0, $0x3F800000, v14;
	v14 =	vmul.f32 $1.442695020e+00, v23  }
0x5c8: {  	v23 =	vmul.f32 $1.442695020e+00, v8;
	v8 =	vld [tilespmem:s24+$0xFFFFFFE0];
	v18 =	vadd.f32 v22, v2;
	(erf) = vpow2.f32 v16  }
0x5c9: {  	v30 =	vmul.f32 $1.442695020e+00, v21;
	v22 =	vld [tilespmem:s21+$0xFFFFFF90];
	(erf) = vpow2.f32 v14;
	v14 =	vadd.f32 v20, v5  }
0x5ca: {  	v26 =	vsel vm0, $0x3F800000, v4;
	v4 =	vld [tilespmem:s24+$0xFFFFFFA0];
	v13 =	vmul.f32 $1.442695020e+00, v19;
	v27 =	vmul.f32 $2.000000030e-01, v18  }
0x5cb: {  	v12 =	vsel vm0, $0x3F800000, v12;
	(erf) = vpow2.f32 v23;
	v31 =	vmul.f32 $2.000000030e-01, v14  }
0x5cc: {  	v17 =	vadd.f32 v17, v6;
	v16 =	vadd.f32 v24, v7;
	v19 =	vpop (erf);
	vm3 =	vge.f32 v14, $0.0e+00  }
0x5cd: {  	(erf) = vpow2.f32 v13;
	v21 =	vmul.f32 v19, v26;
	v19 =	vpop (erf);
	v13 =	vsel vm3, v14, v31;
	v14 =	vld [tilespmem:s21+$0xFFFFFFD0]  }
0x5ce: {  	v23 =	vadd.f32 v22, v3;
	v19 =	vmul.f32 v19, v12;
	v12 =	vperm.xlane v13, v0;
	v13 =	vld [tilespmem:s24+$0xFFFFFFD0]  }
0x5cf: {  	vm4 =	vge.f32 v18, $0.0e+00;
	v22 =	vadd.f32 v25, v4;
	v25 =	vadd.f32 v28, v8  }
0x5d0: {  	v18 =	vsel vm4, v18, v27;
	vm1 =	vge.f32 v16, $0.0e+00;
	v20 =	vmul.f32 $2.000000030e-01, v16;
	v24 =	vpop (erf)  }
0x5d1: {  	vm2 =	vge.f32 v22, $0.0e+00;
	v28 =	vmul.f32 $2.000000030e-01, v25;
	(erf) = vpow2.f32 v30;
	v30 =	vpop (erf)  }
0x5d2: {  	s22 =	simm.s32 $0x8;
	s26 =	simm.s32 $0x1F010;
	v26 =	vmul.f32 $2.000000030e-01, v22;
	vm3 =	vge.f32 v25, $0.0e+00;
	s24 =	simm.s32 $0x1B010;
	v27 =	vmul.f32 v30, v29  }
.LBB2_36:
0x5d3: {  	s22 =	sadd.s32 $0x8, s22;
	v29 =	vmul.f32 $2.000000030e-01, v23;
	v30 =	vadd.f32 v14, v13;
	v14 =	vld [tilespmem:s26+$0xFFFFFFD0];
	v11 =	vmul.f32 v24, v11;
	v24 =	vpop (erf)  }
0x5d4: {  	vm4 =	vge.f32 v23, $0.0e+00;
	v22 =	vsel vm2, v22, v26;
	v31 =	vld [tilespmem:s24+$0xFFFFFF90];
	p0 =	slt.u32 s22, $0xF8;
	v25 =	vsel vm3, v25, v28;
	[tilespmem:s20+$0xFFFFFFC0] =	vst v27;
	v26 =	vpop (erf)  }
0x5d5: {  	v28 =	vmul.f32 $2.000000030e-01, v17;
	v27 =	vld [tilespmem:s26+$0xFFFFFFB0];
	v23 =	vsel vm4, v23, v29;
	[tilespmem:s20+$0xFFFFFF90] =	vst v21;
	v29 =	vmul.f32 v24, v15  }
0x5d6: {  	vm2 =	vge.f32 v17, $0.0e+00;
	v24 =	vperm.xlane v25, v0;
	v21 =	vld [tilespmem:s24+$0x0];
	v23 =	vperm.xlane v23, v0;
	[tilespmem:s20+$0xFFFFFFD0] =	vst v11  }
0x5d7: {  	v11 =	vsel vm1, v16, v20;
	v16 =	vmul.f32 $2.000000030e-01, v30;
	v17 =	vsel vm2, v17, v28;
	v25 =	vld [tilespmem:s26+$0xFFFFFFC0];
	[tilespmem:s20+$0xFFFFFFF0] =	vst v19  }
0x5d8: {  	v32 =	vmul.f32 v26, v10;
	vm1 =	vge.f32 v30, $0.0e+00;
	v17 =	vperm.xlane v17, v0;
	v19 =	vld [tilespmem:s26+$0x0];
	[tilespmem:s20+$0xFFFFFFE0] =	vst v29;
	v15 =	vpop (erf)  }
0x5d9: {  	v23 =	vmul.f32 $1.442695020e+00, v23;
	v16 =	vsel vm1, v30, v16;
	v20 =	vld [tilespmem:s26+$0xFFFFFFF0];
	v15 =	vmul.f32 v15, v9  }
0x5da: {  	v28 =	vperm.xlane v11, v0;
	v30 =	vsel vm0, $0x3F800000, v1;
	v11 =	vperm.xlane v16, v0;
	v26 =	vld [tilespmem:s26+$0xFFFFFFA0];
	[tilespmem:s20+$0xFFFFFFA0] =	vst v32;
	v10 =	vpop (erf)  }
0x5db: {  	v1 =	vmovc v5;
	v16 =	vmul.f32 $1.442695020e+00, v17;
	v9 =	vsel vm0, $0x3F800000, v2;
	v29 =	vld [tilespmem:s26+$0xFFFFFFE0];
	v10 =	vmul.f32 v10, v30;
	[tilespmem:s20+$0x0] =	vst v15;
	v2 =	vmovc v21  }
0x5dc: {  	v5 =	vmul.f32 $1.442695020e+00, v11;
	v11 =	vsel vm0, $0x3F800000, v13;
	v30 =	vld [tilespmem:s24+$0xFFFFFFF0];
	(erf) = vpow2.f32 v23  }
0x5dd: {  	v17 =	vperm.xlane v18, v0;
	v13 =	vld [tilespmem:s24+$0xFFFFFFC0];
	v32 =	vadd.f32 v19, v2;
	(erf) = vpow2.f32 v16;
	[tilespmem:s20+$0xFFFFFFB0] =	vst v10;
	s20 =	smov.u32 s21;
	s21 =	smov.u32 s26  }
0x5de: {  	v15 =	vmul.f32 $1.442695020e+00, v28;
	v19 =	vsel vm0, $0x3F800000, v3;
	v3 =	vmovc v31;
	v18 =	vld [tilespmem:s26+$0xFFFFFF90];
	(erf) = vpow2.f32 v5  }
0x5df: {  	v16 =	vperm.xlane v22, v0;
	v5 =	vld [tilespmem:s24+$0xFFFFFFB0];
	vm4 =	vge.f32 v32, $0.0e+00;
	v31 =	vmul.f32 $2.000000030e-01, v32  }
0x5e0: {  	v21 =	vmul.f32 $1.442695020e+00, v24;
	v10 =	vsel vm0, $0x3F800000, v4;
	v4 =	vld [tilespmem:s24+$0xFFFFFFA0];
	(erf) = vpow2.f32 v15  }
0x5e1: {  	v33 =	vsel vm0, $0x3F800000, v7;
	v22 =	vmul.f32 $1.442695020e+00, v16;
	v15 =	vsel vm0, $0x3F800000, v8;
	v8 =	vld [tilespmem:s24+$0xFFFFFFE0]  }
0x5e2: {  	v28 =	vmul.f32 $1.442695020e+00, v17;
	v16 =	vadd.f32 v25, v13;
	(erf) = vpow2.f32 v21;
	v7 =	vmovc v13  }
0x5e3: {  	v34 =	vmul.f32 $1.442695020e+00, v12;
	v17 =	vadd.f32 v20, v30;
	(erf) = vpow2.f32 v22  }
0x5e4: {  	v23 =	vadd.f32 v18, v3;
	v12 =	vadd.f32 v27, v5;
	v20 =	vmul.f32 $2.000000030e-01, v16  }
0x5e5: {  	v6 =	vsel vm0, $0x3F800000, v6;
	vm1 =	vge.f32 v16, $0.0e+00;
	v22 =	vadd.f32 v26, v4;
	v18 =	vpop (erf)  }
.Ltmp22:
0x5e6: {  	vm3 =	vge.f32 v12, $0.0e+00;
	v35 =	vmul.f32 $2.000000030e-01, v12;
	v13 =	vld [tilespmem:s24+$0xFFFFFFD0];
	v21 =	vmul.f32 v18, v19;
	v18 =	vpop (erf);
	(pc) =	sbr.rel @p0 .LBB2_36-.Ltmp22, $4  }
0x5e7: {  	v25 =	vadd.f32 v29, v8;
	vm2 =	vge.f32 v22, $0.0e+00;
	v24 =	vpop (erf);
	(erf) = vpow2.f32 v28  }
0x5e8: {  	v26 =	vmul.f32 $2.000000030e-01, v22;
	v19 =	vmul.f32 v18, v6;
	v6 =	vmovc v30;
	v12 =	vsel vm3, v12, v35  }
0x5e9: {  	vm3 =	vge.f32 v25, $0.0e+00;
	v12 =	vperm.xlane v12, v0;
	(erf) = vpow2.f32 v34;
	v27 =	vpop (erf)  }
0x5ea: {  	s26 =	sadd.s32 $0x80, s26;
	s24 =	sadd.s32 $0x80, s24;
	v18 =	vsel vm4, v32, v31;
	v28 =	vmul.f32 $2.000000030e-01, v25;
	v27 =	vmul.f32 v27, v33  }
0x5eb: {  	v29 =	vmul.f32 $2.000000030e-01, v23;
	v14 =	vadd.f32 v14, v13;
	vm4 =	vge.f32 v23, $0.0e+00  }
0x5ec: {  	v30 =	vmul.f32 $2.000000030e-01, v17;
	vm14 =	vge.f32 v17, $0.0e+00;
	v16 =	vsel vm1, v16, v20  }
0x5ed: {  	v18 =	vperm.xlane v18, v0;
	v23 =	vsel vm4, v23, v29;
	v45 =	vmul.f32 $2.000000030e-01, v14  }
0x5ee: {  	v17 =	vsel vm14, v17, v30;
	vm15 =	vge.f32 v14, $0.0e+00;
	v23 =	vperm.xlane v23, v0  }
0x5ef: {  	v16 =	vperm.xlane v16, v0;
	v17 =	vperm.xlane v17, v0;
	v14 =	vsel vm15, v14, v45  }
0x5f0: {  	v46 =	vmul.f32 $1.442695020e+00, v23;
	v14 =	vperm.xlane v14, v0  }
0x5f1: {  	v16 =	vmul.f32 $1.442695020e+00, v16;
	v17 =	vmul.f32 $1.442695020e+00, v17  }
0x5f2: {  	v47 =	vsel vm3, v25, v28;
	v14 =	vmul.f32 $1.442695020e+00, v14;
	(erf) = vpow2.f32 v46  }
0x5f3: {  	v48 =	vsel vm2, v22, v26;
	(erf) = vpow2.f32 v17;
	v17 =	vperm.xlane v47, v0  }
0x5f4: {  	(erf) = vpow2.f32 v14;
	v14 =	vperm.xlane v48, v0  }
0x5f5: {  	(erf) = vpow2.f32 v16;
	v17 =	vmul.f32 $1.442695020e+00, v17  }
0x5f6: {  	v49 =	vpop (erf);
	v11 =	vmul.f32 v24, v11;
	v14 =	vmul.f32 $1.442695020e+00, v14  }
0x5f7: {  	[tilespmem:s20+$0xFFFFFF90] =	vst v21;
	v50 =	vpop (erf);
	v18 =	vmul.f32 $1.442695020e+00, v18;
	(erf) = vpow2.f32 v17  }
0x5f8: {  	v12 =	vmul.f32 $1.442695020e+00, v12;
	[tilespmem:s20+$0xFFFFFFF0] =	vst v19;
	(erf) = vpow2.f32 v14  }
0x5f9: {  	[tilespmem:s20+$0xFFFFFFC0] =	vst v27;
	v53 =	vmul.f32 v49, v15;
	v51 =	vpop (erf);
	(erf) = vpow2.f32 v18  }
0x5fa: {  	v1 =	vsel vm0, $0x3F800000, v1;
	[tilespmem:s20+$0xFFFFFFD0] =	vst v11;
	v10 =	vmul.f32 v50, v10;
	v52 =	vpop (erf);
	(erf) = vpow2.f32 v12  }
0x5fb: {  	[tilespmem:s20+$0xFFFFFFE0] =	vst v53;
	v1 =	vmul.f32 v52, v1;
	v54 =	vpop (erf)  }
0x5fc: {  	v3 =	vsel vm0, $0x3F800000, v3;
	[tilespmem:s20+$0xFFFFFFA0] =	vst v10;
	v9 =	vmul.f32 v51, v9;
	v55 =	vpop (erf)  }
0x5fd: {  	[tilespmem:s20+$0xFFFFFFB0] =	vst v1;
	v1 =	vmul.f32 v54, v3;
	v3 =	vsel vm0, $0x3F800000, v6;
	v56 =	vpop (erf)  }
0x5fe: {  	v7 =	vsel vm0, $0x3F800000, v7;
	[tilespmem:s20+$0x0] =	vst v9;
	v3 =	vmul.f32 v55, v3;
	v57 =	vpop (erf)  }
0x5ff: {  	v58 =	vsel vm0, $0x3F800000, v13;
	[tilespmem:s21+$0xFFFFFF90] =	vst v1;
	v7 =	vmul.f32 v57, v7  }
0x600: {  	v60 =	vsel vm0, $0x3F800000, v8;
	v59 =	vmul.f32 v56, v58;
	[tilespmem:s21+$0xFFFFFFF0] =	vst v3;
	v61 =	vpop (erf)  }
0x601: {  	v1 =	vsel vm0, $0x3F800000, v4;
	[tilespmem:s21+$0xFFFFFFC0] =	vst v7;
	v62 =	vpop (erf);
	v7 =	vmul.f32 v61, v60  }
.Ltmp23:
0x602: {  	v2 =	vsel vm0, $0x3F800000, v2;
	[tilespmem:s21+$0xFFFFFFD0] =	vst v59;
	v1 =	vmul.f32 v62, v1;
	v3 =	vpop (erf);
	(pc) =	sbr.rel .LBB2_38-.Ltmp23, $4  }
0x603: {  	[tilespmem:s21+$0xFFFFFFE0] =	vst v7;
	v2 =	vmul.f32 v3, v2;
	v3 =	vsel vm0, $0x3F800000, v5;
	v63 =	vpop (erf)  }
0x604: {  	[tilespmem:s21+$0xFFFFFFA0] =	vst v1;
	v1 =	vmul.f32 v63, v3  }
0x605: {  	[tilespmem:s21+$0x0] =	vst v2  }
0x606: {  	[tilespmem:s21+$0xFFFFFFB0] =	vst v1  }
.LBB2_40:
0x607: {  	_ =	sfence.sel $0x180000  }
0x608: {  	[bflag:$0x0] =	sbarrier.arrive $0xFFFF  }
0x609: {  	_ =	strace $0x90000047  }
0x60a: {  	s0 =	stileid.u32;
	[bflag:$0x2] =	sbarrier.arrive $0xFFFF  }
0x60b: {  	p0 =	sne.s32 s0, $0x0;
	s0 =	rddreg [dreg:$0x2]  }
0x60c: {  	s0 =	sadd.s32 @!p0 $0x100000, s0  }
0x60d: {  	[sflag:s0] =	ssyncadd.tile.s32 @!p0 $0x1;
	_ =	shalt  }
.Lfunc_end2:
_tile_overlayer_lowered:
.L_overlay_start_2:
0x60e: {  	(tag) =	ssettag $0x2  }
0x60f: {  	s0 =	rddreg [dreg:$0x0];
	s2 =	stileid.u32  }
0x610: {  	s1 =	rddreg [dreg:$0x1];
	p0 =	sne.s32 s2, $0x0  }
0x611: {  	s3 =	rddreg [dreg:$0x2];
	[bflag:$0x3] =	sbarrier.arrive $0xFFFF;
	s2 =	simm.s32 @!p0 $0x1C06  }
0x612: {  	[timem:s3], [sflag:s2] =	dma.local @!p0 [hbm:s0], s1  }
0x613: {  	s0 =	simm.s32 @!p0 $0x6  }
0x614: {  	_ =	swait.ge @!p0 [sflag:s0], s1  }
0x615: {  	s1 =	ssub.s32 @!p0 $0x0, s1;
	[sflag:s0] =	ssyncset.done @!p0 $0x0  }
0x616: {  	[sflag:s0] =	ssyncadd.s32 @!p0 s1  }
0x617: {  	[bflag:$0x3] =	sbarrier.arrive $0xFFFF  }
0x618: {  	_ =	shalt  }

</sc_bundles>
